<compile_context>
chip_gen: v7x
topology: tpu7x:2x2x1
jax: 0.10.2.dev20260603
libtpu: 0.0.44.dev20260713+nightly
codegen_flags: <defaults>
</compile_context>

<pallas_src>
import functools

import jax
import jax.numpy as jnp
from jax import lax
from jax.experimental import pallas as pl
from jax.experimental.pallas import tpu as pltpu
from jax.experimental.pallas import tpu_sc as plsc

N_NODES = 10000
D_FEAT = 128
N_EDGES = 320000
R_DEC = 2.0
T_DEC = 1.0

L = 16
NC, NS = 2, 16
NW = NC * NS
EPW = N_EDGES // NW
EPC = 80
NCH = EPW // EPC
GRP = 16
NBUF = 8


def _lp_body(hp_hbm, hn_hbm, idxi_hbm, idxo_hbm, out_hbm,
             idxi_v, idxo_v, rows_v, sq_v, scr_v, sems):
    wid = lax.axis_index("s") * NC + lax.axis_index("c")
    ebase = wid * EPW

    pltpu.sync_copy(idxi_hbm.at[wid], idxi_v)
    pltpu.sync_copy(idxo_hbm.at[wid], idxo_v)

    lanes = lax.iota(jnp.int32, L)

    def start_a(c, b):
        pltpu.async_copy(hp_hbm.at[idxi_v.at[c]], rows_v.at[b], sems.at[b])

    def start_b(c, b):
        pltpu.async_copy(hn_hbm.at[idxo_v.at[c]], rows_v.at[b], sems.at[b],
                         add=True)

    def drain(b):
        pltpu.make_async_copy(
            hp_hbm.at[idxi_v.at[0]], rows_v.at[b], sems.at[b]).wait()

    def compute(c, rows):
        cbase = jnp.full((L,), c * EPC, jnp.int32) + lanes
        for g in range(EPC // GRP):
            for l in range(GRP):
                m = g * GRP + l
                t = rows[m, pl.ds(0, 2 * L)]
                acc = t * t
                for d in range(1, D_FEAT // (2 * L)):
                    t = rows[m, pl.ds(2 * d * L, 2 * L)]
                    acc = acc + t * t
                a0, a1 = plsc.unpack(acc, format=plsc.PackFormat.INTERLEAVED)
                scr_v[l] = a0 + a1
            cols = [plsc.load_gather(
                        scr_v, [lanes, jnp.full((L,), k, jnp.int32)])
                    for k in range(L)]
            while len(cols) > 1:
                cols = [a + b for a, b in zip(cols[::2], cols[1::2])]
            plsc.store_scatter(sq_v, [cbase + (g * GRP)], cols[0])

    half = NBUF // 2

    def ring_body(c, carry):
        b = lax.bitwise_and(c, NBUF - 1)
        compute(c, rows_v.at[b])

        return carry

    lax.fori_loop(0, NCH, ring_body, 0)

    inv_t = 1.0 / T_DEC

    def sig_body(t, carry):
        v = sq_v[pl.ds(t * L, L)]
        sq_v[pl.ds(t * L, L)] = 1.0 / (jnp.exp((v - R_DEC) * inv_t) + 1.0)
        return carry

    lax.fori_loop(0, EPW // L, sig_body, 0)
    pltpu.sync_copy(sq_v, out_hbm.at[pl.ds(ebase, EPW)])


@jax.jit
def _lp_call(hp, hn, idxi, idxo):
    mesh = plsc.VectorSubcoreMesh(core_axis_name="c", subcore_axis_name="s")
    fn = functools.partial(
        pl.kernel,
        out_type=jax.ShapeDtypeStruct((N_EDGES,), jnp.float32),
        mesh=mesh,
        compiler_params=pltpu.CompilerParams(needs_layout_passes=False,
                                             use_tc_tiling_on_sc=False),
        scratch_types=[
            pltpu.VMEM((NCH, EPC), jnp.int32),
            pltpu.VMEM((NCH, EPC), jnp.int32),
            pltpu.VMEM((NBUF, EPC, D_FEAT), jnp.bfloat16),
            pltpu.VMEM((EPW,), jnp.float32),
            pltpu.VMEM((L, L), jnp.float32),
            pltpu.SemaphoreType.DMA((NBUF,)),
        ],
    )(_lp_body)
    return fn(hp, hn, idxi, idxo)


def kernel(h, idx):
    hb = h.astype(jnp.bfloat16)
    idxi = idx[:, 0].astype(jnp.int32).reshape(NW, NCH, EPC)
    idxo = idx[:, 1].astype(jnp.int32).reshape(NW, NCH, EPC)
    return _lp_call(hb, -hb, idxi, idxo)

# --- scband reference (transcript-rebuilt; emitter-appended) ---
"""Pipeline reference for scband-lpmodel-57853209477628 (READ-ONLY COPY).

The authoritative reference and input builder live on the scoring server;
editing this copy changes nothing except your own understanding.
"""

import jax, jax.numpy as jnp
import numpy as np

N_NODES = 10000
D_FEAT = 128
N_EDGES = 320000
R = 2.0
T = 1.0
C = 1.0


def setup_inputs(seed: int = 0) -> dict:
    key = jax.random.key(seed)
    k1, k2 = jax.random.split(key)
    h = jax.random.normal(k1, (N_NODES, D_FEAT), dtype=jnp.float32)
    idx = jax.random.randint(k2, (N_EDGES, 2), 0, N_NODES, dtype=jnp.int64 if jax.config.jax_enable_x64 else jnp.int32)
    return {"h": h, "idx": idx}


def reference(h, idx):
    # LPModel.decode with Euclidean manifold:
    # Euclidean.normalize is identity in the HGCN codebase.
    emb_in = jnp.take(h, idx[:, 0], axis=0)
    emb_out = jnp.take(h, idx[:, 1], axis=0)
    # Euclidean.sqdist(p1, p2, c) = ||p1 - p2||^2
    diff = emb_in - emb_out
    sqdist = jnp.sum(diff * diff, axis=-1)
    # FermiDiracDecoder: probs = 1 / (exp((dist - r) / t) + 1)
    probs = 1.0 / (jnp.exp((sqdist - R) / T) + 1.0)
    return probs

if __name__ == "__main__":
    import jax
    _d = setup_inputs()
    print(jax.jit(kernel)(*tuple(_d.values())))

</pallas_src>

<mosaic_0001>
#map = affine_map<(d0, d1) -> (0, 0)>
#map1 = affine_map<(d0, d1) -> (0, 0, 0)>
#map2 = affine_map<(d0, d1) -> (0)>
module attributes {stable_mosaic.version = 14 : i64} {
  func.func @_lp_body(%arg0: i32, %arg1: i32, %arg2: memref<10000x128xbf16, #tpu.memory_space<hbm>>, %arg3: memref<10000x128xbf16, #tpu.memory_space<hbm>>, %arg4: memref<32x125x80xi32, #tpu.memory_space<hbm>>, %arg5: memref<32x125x80xi32, #tpu.memory_space<hbm>>, %arg6: memref<320000xf32, #tpu.memory_space<hbm>>, %arg7: memref<125x80xi32, #tpu.memory_space<vmem>>, %arg8: memref<125x80xi32, #tpu.memory_space<vmem>>, %arg9: memref<8x80x128xbf16, #tpu.memory_space<vmem>>, %arg10: memref<10000xf32, #tpu.memory_space<vmem>>, %arg11: memref<16x16xf32, #tpu.memory_space<vmem>>, %arg12: memref<8x!tpu.dma_semaphore, #tpu.memory_space<semaphore_mem>>) attributes {dimension_semantics = [#tpu.dimension_semantics<core_parallel>, #tpu.dimension_semantics<subcore_parallel>], iteration_bounds = array<i64: 2, 16>, scalar_prefetch = 0 : i64, scratch_operands = 6 : i64, tpu.core_type = #tpu.core_type<sc_vector_subcore>, window_params = [{transform_indices = #map}, {transform_indices = #map}, {transform_indices = #map1}, {transform_indices = #map1}, {transform_indices = #map2}]} {
    %mul3A = arith.constant 2 : i32
    %mul3A_0 = arith.muli %arg1, %mul3A : i32
    %add3A = arith.addi %mul3A_0, %arg0 : i32
    %mul3A_1 = arith.constant 10000 : i32
    %mul3A_2 = arith.muli %add3A, %mul3A_1 : i32
    "tpu.region"() ({
      %run_scoped3A = tpu.sem_alloc : memref<!tpu.dma_semaphore, #tpu.memory_space<semaphore_mem>>
      %dma_start3A = arith.constant 0 : i32
      %dma_start3A_14 = arith.constant 0 : i32
      %dma_start3A_15 = tpu.memref_slice %arg4[%add3A, %dma_start3A, %dma_start3A_14] : memref<32x125x80xi32, #tpu.memory_space<hbm>> -> memref<1x125x80xi32, #tpu.memory_space<hbm>>
      %dma_start3A_16 = tpu.memref_squeeze %dma_start3A_15 : memref<1x125x80xi32, #tpu.memory_space<hbm>> -> memref<125x80xi32, #tpu.memory_space<hbm>>
      %dma_start3A_17 = arith.constant 0 : i32
      %dma_start3A_18 = arith.constant 0 : i32
      %dma_start3A_19 = tpu.memref_slice %arg4[%add3A, %dma_start3A_17, %dma_start3A_18] : memref<32x125x80xi32, #tpu.memory_space<hbm>> -> memref<1x125x80xi32, #tpu.memory_space<hbm>>
      %dma_start3A_20 = tpu.memref_squeeze %dma_start3A_19 : memref<1x125x80xi32, #tpu.memory_space<hbm>> -> memref<125x80xi32, #tpu.memory_space<hbm>>
      tpu.enqueue_dma source(%dma_start3A_20 : memref<125x80xi32, #tpu.memory_space<hbm>>) target(%arg7 : memref<125x80xi32, #tpu.memory_space<vmem>>) target_semaphore(%run_scoped3A : memref<!tpu.dma_semaphore, #tpu.memory_space<semaphore_mem>>)
      %dma_wait3A = arith.constant 0 : i32
      %dma_wait3A_21 = arith.constant 0 : i32
      %dma_wait3A_22 = tpu.memref_slice %arg4[%add3A, %dma_wait3A, %dma_wait3A_21] : memref<32x125x80xi32, #tpu.memory_space<hbm>> -> memref<1x125x80xi32, #tpu.memory_space<hbm>>
      %dma_wait3A_23 = tpu.memref_squeeze %dma_wait3A_22 : memref<1x125x80xi32, #tpu.memory_space<hbm>> -> memref<125x80xi32, #tpu.memory_space<hbm>>
      %dma_wait3A_24 = arith.constant 0 : i32
      %dma_wait3A_25 = arith.constant 0 : i32
      %dma_wait3A_26 = tpu.memref_slice %arg4[%add3A, %dma_wait3A_24, %dma_wait3A_25] : memref<32x125x80xi32, #tpu.memory_space<hbm>> -> memref<1x125x80xi32, #tpu.memory_space<hbm>>
      %dma_wait3A_27 = tpu.memref_squeeze %dma_wait3A_26 : memref<1x125x80xi32, #tpu.memory_space<hbm>> -> memref<125x80xi32, #tpu.memory_space<hbm>>
      tpu.wait_dma2 semaphore(%run_scoped3A : memref<!tpu.dma_semaphore, #tpu.memory_space<semaphore_mem>>) src(%dma_wait3A_27 : memref<125x80xi32, #tpu.memory_space<hbm>>) dst(%arg7 : memref<125x80xi32, #tpu.memory_space<vmem>>)
      tpu.yield
    }) : () -> ()
    "tpu.region"() ({
      %run_scoped3A = tpu.sem_alloc : memref<!tpu.dma_semaphore, #tpu.memory_space<semaphore_mem>>
      %dma_start3A = arith.constant 0 : i32
      %dma_start3A_14 = arith.constant 0 : i32
      %dma_start3A_15 = tpu.memref_slice %arg5[%add3A, %dma_start3A, %dma_start3A_14] : memref<32x125x80xi32, #tpu.memory_space<hbm>> -> memref<1x125x80xi32, #tpu.memory_space<hbm>>
      %dma_start3A_16 = tpu.memref_squeeze %dma_start3A_15 : memref<1x125x80xi32, #tpu.memory_space<hbm>> -> memref<125x80xi32, #tpu.memory_space<hbm>>
      %dma_start3A_17 = arith.constant 0 : i32
      %dma_start3A_18 = arith.constant 0 : i32
      %dma_start3A_19 = tpu.memref_slice %arg5[%add3A, %dma_start3A_17, %dma_start3A_18] : memref<32x125x80xi32, #tpu.memory_space<hbm>> -> memref<1x125x80xi32, #tpu.memory_space<hbm>>
      %dma_start3A_20 = tpu.memref_squeeze %dma_start3A_19 : memref<1x125x80xi32, #tpu.memory_space<hbm>> -> memref<125x80xi32, #tpu.memory_space<hbm>>
      tpu.enqueue_dma source(%dma_start3A_20 : memref<125x80xi32, #tpu.memory_space<hbm>>) target(%arg8 : memref<125x80xi32, #tpu.memory_space<vmem>>) target_semaphore(%run_scoped3A : memref<!tpu.dma_semaphore, #tpu.memory_space<semaphore_mem>>)
      %dma_wait3A = arith.constant 0 : i32
      %dma_wait3A_21 = arith.constant 0 : i32
      %dma_wait3A_22 = tpu.memref_slice %arg5[%add3A, %dma_wait3A, %dma_wait3A_21] : memref<32x125x80xi32, #tpu.memory_space<hbm>> -> memref<1x125x80xi32, #tpu.memory_space<hbm>>
      %dma_wait3A_23 = tpu.memref_squeeze %dma_wait3A_22 : memref<1x125x80xi32, #tpu.memory_space<hbm>> -> memref<125x80xi32, #tpu.memory_space<hbm>>
      %dma_wait3A_24 = arith.constant 0 : i32
      %dma_wait3A_25 = arith.constant 0 : i32
      %dma_wait3A_26 = tpu.memref_slice %arg5[%add3A, %dma_wait3A_24, %dma_wait3A_25] : memref<32x125x80xi32, #tpu.memory_space<hbm>> -> memref<1x125x80xi32, #tpu.memory_space<hbm>>
      %dma_wait3A_27 = tpu.memref_squeeze %dma_wait3A_26 : memref<1x125x80xi32, #tpu.memory_space<hbm>> -> memref<125x80xi32, #tpu.memory_space<hbm>>
      tpu.wait_dma2 semaphore(%run_scoped3A : memref<!tpu.dma_semaphore, #tpu.memory_space<semaphore_mem>>) src(%dma_wait3A_27 : memref<125x80xi32, #tpu.memory_space<hbm>>) dst(%arg8 : memref<125x80xi32, #tpu.memory_space<vmem>>)
      tpu.yield
    }) : () -> ()
    %iota3A = tpu.iota {dimensions = array<i32: 0>} : vector<16xi32>
    %scan3A = arith.constant 0 : i32
    %scan3A_3 = arith.constant 0 : i32
    %scan3A_4 = arith.constant 125 : i32
    %scan3A_5 = arith.addi %scan3A_3, %scan3A_4 : i32
    %scan3A_6 = arith.constant 1 : i32
    scf.for %scan3A_14 = %scan3A_3 to %scan3A_5 step %scan3A_6  : i32 {
      %and3A = arith.constant 7 : i32
      %and3A_15 = arith.andi %scan3A_14, %and3A : i32
      %mul3A_16 = arith.constant 80 : i32
      %mul3A_17 = arith.muli %scan3A_14, %mul3A_16 : i32
      %broadcast_in_dim3A = vector.broadcast %mul3A_17 : i32 to vector<16xi32>
      %add3A_18 = arith.addi %broadcast_in_dim3A, %iota3A : vector<16xi32>
      %get3A = arith.constant 0 : i32
      %get3A_19 = arith.constant 0 : i32
      %get3A_20 = arith.constant 0 : i32
      %get3A_21 = tpu.memref_slice %arg9[%and3A_15, %get3A_19, %get3A_20] : memref<8x80x128xbf16, #tpu.memory_space<vmem>> -> memref<1x80x128xbf16, #tpu.memory_space<vmem>>
      %get3A_22 = tpu.memref_squeeze %get3A_21 : memref<1x80x128xbf16, #tpu.memory_space<vmem>> -> memref<80x128xbf16, #tpu.memory_space<vmem>>
      %get3A_23 = arith.index_cast %get3A : i32 to index
      %get3A_24 = arith.constant 0 : index
      %get3A_25 = tpu.vector_load %get3A_22[%get3A_23, %get3A_24] {strides = array<i32>} : memref<80x128xbf16, #tpu.memory_space<vmem>>, vector<32xbf16>,
      %mul3A_26 = arith.mulf %get3A_25, %get3A_25 : vector<32xbf16>
      %get3A_27 = arith.constant 0 : i32
      %get3A_28 = arith.constant 0 : i32
      %get3A_29 = arith.constant 0 : i32
      %get3A_30 = tpu.memref_slice %arg9[%and3A_15, %get3A_28, %get3A_29] : memref<8x80x128xbf16, #tpu.memory_space<vmem>> -> memref<1x80x128xbf16, #tpu.memory_space<vmem>>
      %get3A_31 = tpu.memref_squeeze %get3A_30 : memref<1x80x128xbf16, #tpu.memory_space<vmem>> -> memref<80x128xbf16, #tpu.memory_space<vmem>>
      %get3A_32 = arith.index_cast %get3A_27 : i32 to index
      %get3A_33 = arith.constant 32 : index
      %get3A_34 = tpu.vector_load %get3A_31[%get3A_32, %get3A_33] {strides = array<i32>} : memref<80x128xbf16, #tpu.memory_space<vmem>>, vector<32xbf16>,
      %mul3A_35 = arith.mulf %get3A_34, %get3A_34 : vector<32xbf16>
      %add3A_36 = arith.addf %mul3A_26, %mul3A_35 : vector<32xbf16>
      %get3A_37 = arith.constant 0 : i32
      %get3A_38 = arith.constant 0 : i32
      %get3A_39 = arith.constant 0 : i32
      %get3A_40 = tpu.memref_slice %arg9[%and3A_15, %get3A_38, %get3A_39] : memref<8x80x128xbf16, #tpu.memory_space<vmem>> -> memref<1x80x128xbf16, #tpu.memory_space<vmem>>
      %get3A_41 = tpu.memref_squeeze %get3A_40 : memref<1x80x128xbf16, #tpu.memory_space<vmem>> -> memref<80x128xbf16, #tpu.memory_space<vmem>>
      %get3A_42 = arith.index_cast %get3A_37 : i32 to index
      %get3A_43 = arith.constant 64 : index
      %get3A_44 = tpu.vector_load %get3A_41[%get3A_42, %get3A_43] {strides = array<i32>} : memref<80x128xbf16, #tpu.memory_space<vmem>>, vector<32xbf16>,
      %mul3A_45 = arith.mulf %get3A_44, %get3A_44 : vector<32xbf16>
      %add3A_46 = arith.addf %add3A_36, %mul3A_45 : vector<32xbf16>
      %get3A_47 = arith.constant 0 : i32
      %get3A_48 = arith.constant 0 : i32
      %get3A_49 = arith.constant 0 : i32
      %get3A_50 = tpu.memref_slice %arg9[%and3A_15, %get3A_48, %get3A_49] : memref<8x80x128xbf16, #tpu.memory_space<vmem>> -> memref<1x80x128xbf16, #tpu.memory_space<vmem>>
      %get3A_51 = tpu.memref_squeeze %get3A_50 : memref<1x80x128xbf16, #tpu.memory_space<vmem>> -> memref<80x128xbf16, #tpu.memory_space<vmem>>
      %get3A_52 = arith.index_cast %get3A_47 : i32 to index
      %get3A_53 = arith.constant 96 : index
      %get3A_54 = tpu.vector_load %get3A_51[%get3A_52, %get3A_53] {strides = array<i32>} : memref<80x128xbf16, #tpu.memory_space<vmem>>, vector<32xbf16>,
      %mul3A_55 = arith.mulf %get3A_54, %get3A_54 : vector<32xbf16>
      %add3A_56 = arith.addf %add3A_46, %mul3A_55 : vector<32xbf16>
      %unpack3A = tpu.unpack_subelements %add3A_56, 0 {pack_format = #tpu.pack_format<interleaved>} : vector<32xbf16> -> vector<16xf32>
      %unpack3A_57 = tpu.unpack_subelements %add3A_56, 1 {pack_format = #tpu.pack_format<interleaved>} : vector<32xbf16> -> vector<16xf32>
      %add3A_58 = arith.addf %unpack3A, %unpack3A_57 : vector<16xf32>
      %swap3A = arith.constant 0 : i32
      %swap3A_59 = arith.index_cast %swap3A : i32 to index
      %swap3A_60 = arith.constant 0 : index
      %swap3A_61 = tpu.vector_load %arg11[%swap3A_59, %swap3A_60] {strides = array<i32>} : memref<16x16xf32, #tpu.memory_space<vmem>>, vector<16xf32>,
      tpu.vector_store %arg11[%swap3A_59, %swap3A_60], %add3A_58 {strides = array<i32>} : memref<16x16xf32, #tpu.memory_space<vmem>>, vector<16xf32>,
      %get3A_62 = arith.constant 1 : i32
      %get3A_63 = arith.constant 0 : i32
      %get3A_64 = arith.constant 0 : i32
      %get3A_65 = tpu.memref_slice %arg9[%and3A_15, %get3A_63, %get3A_64] : memref<8x80x128xbf16, #tpu.memory_space<vmem>> -> memref<1x80x128xbf16, #tpu.memory_space<vmem>>
      %get3A_66 = tpu.memref_squeeze %get3A_65 : memref<1x80x128xbf16, #tpu.memory_space<vmem>> -> memref<80x128xbf16, #tpu.memory_space<vmem>>
      %get3A_67 = arith.index_cast %get3A_62 : i32 to index
      %get3A_68 = arith.constant 0 : index
      %get3A_69 = tpu.vector_load %get3A_66[%get3A_67, %get3A_68] {strides = array<i32>} : memref<80x128xbf16, #tpu.memory_space<vmem>>, vector<32xbf16>,
      %mul3A_70 = arith.mulf %get3A_69, %get3A_69 : vector<32xbf16>
      %get3A_71 = arith.constant 1 : i32
      %get3A_72 = arith.constant 0 : i32
      %get3A_73 = arith.constant 0 : i32
      %get3A_74 = tpu.memref_slice %arg9[%and3A_15, %get3A_72, %get3A_73] : memref<8x80x128xbf16, #tpu.memory_space<vmem>> -> memref<1x80x128xbf16, #tpu.memory_space<vmem>>
      %get3A_75 = tpu.memref_squeeze %get3A_74 : memref<1x80x128xbf16, #tpu.memory_space<vmem>> -> memref<80x128xbf16, #tpu.memory_space<vmem>>
      %get3A_76 = arith.index_cast %get3A_71 : i32 to index
      %get3A_77 = arith.constant 32 : index
      %get3A_78 = tpu.vector_load %get3A_75[%get3A_76, %get3A_77] {strides = array<i32>} : memref<80x128xbf16, #tpu.memory_space<vmem>>, vector<32xbf16>,
      %mul3A_79 = arith.mulf %get3A_78, %get3A_78 : vector<32xbf16>
      %add3A_80 = arith.addf %mul3A_70, %mul3A_79 : vector<32xbf16>
      %get3A_81 = arith.constant 1 : i32
      %get3A_82 = arith.constant 0 : i32
      %get3A_83 = arith.constant 0 : i32
      %get3A_84 = tpu.memref_slice %arg9[%and3A_15, %get3A_82, %get3A_83] : memref<8x80x128xbf16, #tpu.memory_space<vmem>> -> memref<1x80x128xbf16, #tpu.memory_space<vmem>>
      %get3A_85 = tpu.memref_squeeze %get3A_84 : memref<1x80x128xbf16, #tpu.memory_space<vmem>> -> memref<80x128xbf16, #tpu.memory_space<vmem>>
      %get3A_86 = arith.index_cast %get3A_81 : i32 to index
      %get3A_87 = arith.constant 64 : index
      %get3A_88 = tpu.vector_load %get3A_85[%get3A_86, %get3A_87] {strides = array<i32>} : memref<80x128xbf16, #tpu.memory_space<vmem>>, vector<32xbf16>,
      %mul3A_89 = arith.mulf %get3A_88, %get3A_88 : vector<32xbf16>
      %add3A_90 = arith.addf %add3A_80, %mul3A_89 : vector<32xbf16>
      %get3A_91 = arith.constant 1 : i32
      %get3A_92 = arith.constant 0 : i32
      %get3A_93 = arith.constant 0 : i32
      %get3A_94 = tpu.memref_slice %arg9[%and3A_15, %get3A_92, %get3A_93] : memref<8x80x128xbf16, #tpu.memory_space<vmem>> -> memref<1x80x128xbf16, #tpu.memory_space<vmem>>
      %get3A_95 = tpu.memref_squeeze %get3A_94 : memref<1x80x128xbf16, #tpu.memory_space<vmem>> -> memref<80x128xbf16, #tpu.memory_space<vmem>>
      %get3A_96 = arith.index_cast %get3A_91 : i32 to index
      %get3A_97 = arith.constant 96 : index
      %get3A_98 = tpu.vector_load %get3A_95[%get3A_96, %get3A_97] {strides = array<i32>} : memref<80x128xbf16, #tpu.memory_space<vmem>>, vector<32xbf16>,
      %mul3A_99 = arith.mulf %get3A_98, %get3A_98 : vector<32xbf16>
      %add3A_100 = arith.addf %add3A_90, %mul3A_99 : vector<32xbf16>
      %unpack3A_101 = tpu.unpack_subelements %add3A_100, 0 {pack_format = #tpu.pack_format<interleaved>} : vector<32xbf16> -> vector<16xf32>
      %unpack3A_102 = tpu.unpack_subelements %add3A_100, 1 {pack_format = #tpu.pack_format<interleaved>} : vector<32xbf16> -> vector<16xf32>
      %add3A_103 = arith.addf %unpack3A_101, %unpack3A_102 : vector<16xf32>
      %swap3A_104 = arith.constant 1 : i32
      %swap3A_105 = arith.index_cast %swap3A_104 : i32 to index
      %swap3A_106 = arith.constant 0 : index
      %swap3A_107 = tpu.vector_load %arg11[%swap3A_105, %swap3A_106] {strides = array<i32>} : memref<16x16xf32, #tpu.memory_space<vmem>>, vector<16xf32>,
      tpu.vector_store %arg11[%swap3A_105, %swap3A_106], %add3A_103 {strides = array<i32>} : memref<16x16xf32, #tpu.memory_space<vmem>>, vector<16xf32>,
      %get3A_108 = arith.constant 2 : i32
      %get3A_109 = arith.constant 0 : i32
      %get3A_110 = arith.constant 0 : i32
      %get3A_111 = tpu.memref_slice %arg9[%and3A_15, %get3A_109, %get3A_110] : memref<8x80x128xbf16, #tpu.memory_space<vmem>> -> memref<1x80x128xbf16, #tpu.memory_space<vmem>>
      %get3A_112 = tpu.memref_squeeze %get3A_111 : memref<1x80x128xbf16, #tpu.memory_space<vmem>> -> memref<80x128xbf16, #tpu.memory_space<vmem>>
      %get3A_113 = arith.index_cast %get3A_108 : i32 to index
      %get3A_114 = arith.constant 0 : index
      %get3A_115 = tpu.vector_load %get3A_112[%get3A_113, %get3A_114] {strides = array<i32>} : memref<80x128xbf16, #tpu.memory_space<vmem>>, vector<32xbf16>,
      %mul3A_116 = arith.mulf %get3A_115, %get3A_115 : vector<32xbf16>
      %get3A_117 = arith.constant 2 : i32
      %get3A_118 = arith.constant 0 : i32
      %get3A_119 = arith.constant 0 : i32
      %get3A_120 = tpu.memref_slice %arg9[%and3A_15, %get3A_118, %get3A_119] : memref<8x80x128xbf16, #tpu.memory_space<vmem>> -> memref<1x80x128xbf16, #tpu.memory_space<vmem>>
      %get3A_121 = tpu.memref_squeeze %get3A_120 : memref<1x80x128xbf16, #tpu.memory_space<vmem>> -> memref<80x128xbf16, #tpu.memory_space<vmem>>
      %get3A_122 = arith.index_cast %get3A_117 : i32 to index
      %get3A_123 = arith.constant 32 : index
      %get3A_124 = tpu.vector_load %get3A_121[%get3A_122, %get3A_123] {strides = array<i32>} : memref<80x128xbf16, #tpu.memory_space<vmem>>, vector<32xbf16>,
      %mul3A_125 = arith.mulf %get3A_124, %get3A_124 : vector<32xbf16>
      %add3A_126 = arith.addf %mul3A_116, %mul3A_125 : vector<32xbf16>
      %get3A_127 = arith.constant 2 : i32
      %get3A_128 = arith.constant 0 : i32
      %get3A_129 = arith.constant 0 : i32
      %get3A_130 = tpu.memref_slice %arg9[%and3A_15, %get3A_128, %get3A_129] : memref<8x80x128xbf16, #tpu.memory_space<vmem>> -> memref<1x80x128xbf16, #tpu.memory_space<vmem>>
      %get3A_131 = tpu.memref_squeeze %get3A_130 : memref<1x80x128xbf16, #tpu.memory_space<vmem>> -> memref<80x128xbf16, #tpu.memory_space<vmem>>
      %get3A_132 = arith.index_cast %get3A_127 : i32 to index
      %get3A_133 = arith.constant 64 : index
      %get3A_134 = tpu.vector_load %get3A_131[%get3A_132, %get3A_133] {strides = array<i32>} : memref<80x128xbf16, #tpu.memory_space<vmem>>, vector<32xbf16>,
      %mul3A_135 = arith.mulf %get3A_134, %get3A_134 : vector<32xbf16>
      %add3A_136 = arith.addf %add3A_126, %mul3A_135 : vector<32xbf16>
      %get3A_137 = arith.constant 2 : i32
      %get3A_138 = arith.constant 0 : i32
      %get3A_139 = arith.constant 0 : i32
      %get3A_140 = tpu.memref_slice %arg9[%and3A_15, %get3A_138, %get3A_139] : memref<8x80x128xbf16, #tpu.memory_space<vmem>> -> memref<1x80x128xbf16, #tpu.memory_space<vmem>>
      %get3A_141 = tpu.memref_squeeze %get3A_140 : memref<1x80x128xbf16, #tpu.memory_space<vmem>> -> memref<80x128xbf16, #tpu.memory_space<vmem>>
      %get3A_142 = arith.index_cast %get3A_137 : i32 to index
      %get3A_143 = arith.constant 96 : index
      %get3A_144 = tpu.vector_load %get3A_141[%get3A_142, %get3A_143] {strides = array<i32>} : memref<80x128xbf16, #tpu.memory_space<vmem>>, vector<32xbf16>,
      %mul3A_145 = arith.mulf %get3A_144, %get3A_144 : vector<32xbf16>
      %add3A_146 = arith.addf %add3A_136, %mul3A_145 : vector<32xbf16>
      %unpack3A_147 = tpu.unpack_subelements %add3A_146, 0 {pack_format = #tpu.pack_format<interleaved>} : vector<32xbf16> -> vector<16xf32>
      %unpack3A_148 = tpu.unpack_subelements %add3A_146, 1 {pack_format = #tpu.pack_format<interleaved>} : vector<32xbf16> -> vector<16xf32>
      %add3A_149 = arith.addf %unpack3A_147, %unpack3A_148 : vector<16xf32>
      %swap3A_150 = arith.constant 2 : i32
      %swap3A_151 = arith.index_cast %swap3A_150 : i32 to index
      %swap3A_152 = arith.constant 0 : index
      %swap3A_153 = tpu.vector_load %arg11[%swap3A_151, %swap3A_152] {strides = array<i32>} : memref<16x16xf32, #tpu.memory_space<vmem>>, vector<16xf32>,
      tpu.vector_store %arg11[%swap3A_151, %swap3A_152], %add3A_149 {strides = array<i32>} : memref<16x16xf32, #tpu.memory_space<vmem>>, vector<16xf32>,
      %get3A_154 = arith.constant 3 : i32
      %get3A_155 = arith.constant 0 : i32
      %get3A_156 = arith.constant 0 : i32
      %get3A_157 = tpu.memref_slice %arg9[%and3A_15, %get3A_155, %get3A_156] : memref<8x80x128xbf16, #tpu.memory_space<vmem>> -> memref<1x80x128xbf16, #tpu.memory_space<vmem>>
      %get3A_158 = tpu.memref_squeeze %get3A_157 : memref<1x80x128xbf16, #tpu.memory_space<vmem>> -> memref<80x128xbf16, #tpu.memory_space<vmem>>
      %get3A_159 = arith.index_cast %get3A_154 : i32 to index
      %get3A_160 = arith.constant 0 : index
      %get3A_161 = tpu.vector_load %get3A_158[%get3A_159, %get3A_160] {strides = array<i32>} : memref<80x128xbf16, #tpu.memory_space<vmem>>, vector<32xbf16>,
      %mul3A_162 = arith.mulf %get3A_161, %get3A_161 : vector<32xbf16>
      %get3A_163 = arith.constant 3 : i32
      %get3A_164 = arith.constant 0 : i32
      %get3A_165 = arith.constant 0 : i32
      %get3A_166 = tpu.memref_slice %arg9[%and3A_15, %get3A_164, %get3A_165] : memref<8x80x128xbf16, #tpu.memory_space<vmem>> -> memref<1x80x128xbf16, #tpu.memory_space<vmem>>
      %get3A_167 = tpu.memref_squeeze %get3A_166 : memref<1x80x128xbf16, #tpu.memory_space<vmem>> -> memref<80x128xbf16, #tpu.memory_space<vmem>>
      %get3A_168 = arith.index_cast %get3A_163 : i32 to index
      %get3A_169 = arith.constant 32 : index
      %get3A_170 = tpu.vector_load %get3A_167[%get3A_168, %get3A_169] {strides = array<i32>} : memref<80x128xbf16, #tpu.memory_space<vmem>>, vector<32xbf16>,
      %mul3A_171 = arith.mulf %get3A_170, %get3A_170 : vector<32xbf16>
      %add3A_172 = arith.addf %mul3A_162, %mul3A_171 : vector<32xbf16>
      %get3A_173 = arith.constant 3 : i32
      %get3A_174 = arith.constant 0 : i32
      %get3A_175 = arith.constant 0 : i32
      %get3A_176 = tpu.memref_slice %arg9[%and3A_15, %get3A_174, %get3A_175] : memref<8x80x128xbf16, #tpu.memory_space<vmem>> -> memref<1x80x128xbf16, #tpu.memory_space<vmem>>
      %get3A_177 = tpu.memref_squeeze %get3A_176 : memref<1x80x128xbf16, #tpu.memory_space<vmem>> -> memref<80x128xbf16, #tpu.memory_space<vmem>>
      %get3A_178 = arith.index_cast %get3A_173 : i32 to index
      %get3A_179 = arith.constant 64 : index
      %get3A_180 = tpu.vector_load %get3A_177[%get3A_178, %get3A_179] {strides = array<i32>} : memref<80x128xbf16, #tpu.memory_space<vmem>>, vector<32xbf16>,
      %mul3A_181 = arith.mulf %get3A_180, %get3A_180 : vector<32xbf16>
      %add3A_182 = arith.addf %add3A_172, %mul3A_181 : vector<32xbf16>
      %get3A_183 = arith.constant 3 : i32
      %get3A_184 = arith.constant 0 : i32
      %get3A_185 = arith.constant 0 : i32
      %get3A_186 = tpu.memref_slice %arg9[%and3A_15, %get3A_184, %get3A_185] : memref<8x80x128xbf16, #tpu.memory_space<vmem>> -> memref<1x80x128xbf16, #tpu.memory_space<vmem>>
      %get3A_187 = tpu.memref_squeeze %get3A_186 : memref<1x80x128xbf16, #tpu.memory_space<vmem>> -> memref<80x128xbf16, #tpu.memory_space<vmem>>
      %get3A_188 = arith.index_cast %get3A_183 : i32 to index
      %get3A_189 = arith.constant 96 : index
      %get3A_190 = tpu.vector_load %get3A_187[%get3A_188, %get3A_189] {strides = array<i32>} : memref<80x128xbf16, #tpu.memory_space<vmem>>, vector<32xbf16>,
      %mul3A_191 = arith.mulf %get3A_190, %get3A_190 : vector<32xbf16>
      %add3A_192 = arith.addf %add3A_182, %mul3A_191 : vector<32xbf16>
      %unpack3A_193 = tpu.unpack_subelements %add3A_192, 0 {pack_format = #tpu.pack_format<interleaved>} : vector<32xbf16> -> vector<16xf32>
      %unpack3A_194 = tpu.unpack_subelements %add3A_192, 1 {pack_format = #tpu.pack_format<interleaved>} : vector<32xbf16> -> vector<16xf32>
      %add3A_195 = arith.addf %unpack3A_193, %unpack3A_194 : vector<16xf32>
      %swap3A_196 = arith.constant 3 : i32
      %swap3A_197 = arith.index_cast %swap3A_196 : i32 to index
      %swap3A_198 = arith.constant 0 : index
      %swap3A_199 = tpu.vector_load %arg11[%swap3A_197, %swap3A_198] {strides = array<i32>} : memref<16x16xf32, #tpu.memory_space<vmem>>, vector<16xf32>,
      tpu.vector_store %arg11[%swap3A_197, %swap3A_198], %add3A_195 {strides = array<i32>} : memref<16x16xf32, #tpu.memory_space<vmem>>, vector<16xf32>,
      %get3A_200 = arith.constant 4 : i32
      %get3A_201 = arith.constant 0 : i32
      %get3A_202 = arith.constant 0 : i32
      %get3A_203 = tpu.memref_slice %arg9[%and3A_15, %get3A_201, %get3A_202] : memref<8x80x128xbf16, #tpu.memory_space<vmem>> -> memref<1x80x128xbf16, #tpu.memory_space<vmem>>
      %get3A_204 = tpu.memref_squeeze %get3A_203 : memref<1x80x128xbf16, #tpu.memory_space<vmem>> -> memref<80x128xbf16, #tpu.memory_space<vmem>>
      %get3A_205 = arith.index_cast %get3A_200 : i32 to index
      %get3A_206 = arith.constant 0 : index
      %get3A_207 = tpu.vector_load %get3A_204[%get3A_205, %get3A_206] {strides = array<i32>} : memref<80x128xbf16, #tpu.memory_space<vmem>>, vector<32xbf16>,
      %mul3A_208 = arith.mulf %get3A_207, %get3A_207 : vector<32xbf16>
      %get3A_209 = arith.constant 4 : i32
      %get3A_210 = arith.constant 0 : i32
      %get3A_211 = arith.constant 0 : i32
      %get3A_212 = tpu.memref_slice %arg9[%and3A_15, %get3A_210, %get3A_211] : memref<8x80x128xbf16, #tpu.memory_space<vmem>> -> memref<1x80x128xbf16, #tpu.memory_space<vmem>>
      %get3A_213 = tpu.memref_squeeze %get3A_212 : memref<1x80x128xbf16, #tpu.memory_space<vmem>> -> memref<80x128xbf16, #tpu.memory_space<vmem>>
      %get3A_214 = arith.index_cast %get3A_209 : i32 to index
      %get3A_215 = arith.constant 32 : index
      %get3A_216 = tpu.vector_load %get3A_213[%get3A_214, %get3A_215] {strides = array<i32>} : memref<80x128xbf16, #tpu.memory_space<vmem>>, vector<32xbf16>,
      %mul3A_217 = arith.mulf %get3A_216, %get3A_216 : vector<32xbf16>
      %add3A_218 = arith.addf %mul3A_208, %mul3A_217 : vector<32xbf16>
      %get3A_219 = arith.constant 4 : i32
      %get3A_220 = arith.constant 0 : i32
      %get3A_221 = arith.constant 0 : i32
      %get3A_222 = tpu.memref_slice %arg9[%and3A_15, %get3A_220, %get3A_221] : memref<8x80x128xbf16, #tpu.memory_space<vmem>> -> memref<1x80x128xbf16, #tpu.memory_space<vmem>>
      %get3A_223 = tpu.memref_squeeze %get3A_222 : memref<1x80x128xbf16, #tpu.memory_space<vmem>> -> memref<80x128xbf16, #tpu.memory_space<vmem>>
      %get3A_224 = arith.index_cast %get3A_219 : i32 to index
      %get3A_225 = arith.constant 64 : index
      %get3A_226 = tpu.vector_load %get3A_223[%get3A_224, %get3A_225] {strides = array<i32>} : memref<80x128xbf16, #tpu.memory_space<vmem>>, vector<32xbf16>,
      %mul3A_227 = arith.mulf %get3A_226, %get3A_226 : vector<32xbf16>
      %add3A_228 = arith.addf %add3A_218, %mul3A_227 : vector<32xbf16>
      %get3A_229 = arith.constant 4 : i32
      %get3A_230 = arith.constant 0 : i32
      %get3A_231 = arith.constant 0 : i32
      %get3A_232 = tpu.memref_slice %arg9[%and3A_15, %get3A_230, %get3A_231] : memref<8x80x128xbf16, #tpu.memory_space<vmem>> -> memref<1x80x128xbf16, #tpu.memory_space<vmem>>
      %get3A_233 = tpu.memref_squeeze %get3A_232 : memref<1x80x128xbf16, #tpu.memory_space<vmem>> -> memref<80x128xbf16, #tpu.memory_space<vmem>>
      %get3A_234 = arith.index_cast %get3A_229 : i32 to index
      %get3A_235 = arith.constant 96 : index
      %get3A_236 = tpu.vector_load %get3A_233[%get3A_234, %get3A_235] {strides = array<i32>} : memref<80x128xbf16, #tpu.memory_space<vmem>>, vector<32xbf16>,
      %mul3A_237 = arith.mulf %get3A_236, %get3A_236 : vector<32xbf16>
      %add3A_238 = arith.addf %add3A_228, %mul3A_237 : vector<32xbf16>
      %unpack3A_239 = tpu.unpack_subelements %add3A_238, 0 {pack_format = #tpu.pack_format<interleaved>} : vector<32xbf16> -> vector<16xf32>
      %unpack3A_240 = tpu.unpack_subelements %add3A_238, 1 {pack_format = #tpu.pack_format<interleaved>} : vector<32xbf16> -> vector<16xf32>
      %add3A_241 = arith.addf %unpack3A_239, %unpack3A_240 : vector<16xf32>
      %swap3A_242 = arith.constant 4 : i32
      %swap3A_243 = arith.index_cast %swap3A_242 : i32 to index
      %swap3A_244 = arith.constant 0 : index
      %swap3A_245 = tpu.vector_load %arg11[%swap3A_243, %swap3A_244] {strides = array<i32>} : memref<16x16xf32, #tpu.memory_space<vmem>>, vector<16xf32>,
      tpu.vector_store %arg11[%swap3A_243, %swap3A_244], %add3A_241 {strides = array<i32>} : memref<16x16xf32, #tpu.memory_space<vmem>>, vector<16xf32>,
      %get3A_246 = arith.constant 5 : i32
      %get3A_247 = arith.constant 0 : i32
      %get3A_248 = arith.constant 0 : i32
      %get3A_249 = tpu.memref_slice %arg9[%and3A_15, %get3A_247, %get3A_248] : memref<8x80x128xbf16, #tpu.memory_space<vmem>> -> memref<1x80x128xbf16, #tpu.memory_space<vmem>>
      %get3A_250 = tpu.memref_squeeze %get3A_249 : memref<1x80x128xbf16, #tpu.memory_space<vmem>> -> memref<80x128xbf16, #tpu.memory_space<vmem>>
      %get3A_251 = arith.index_cast %get3A_246 : i32 to index
      %get3A_252 = arith.constant 0 : index
      %get3A_253 = tpu.vector_load %get3A_250[%get3A_251, %get3A_252] {strides = array<i32>} : memref<80x128xbf16, #tpu.memory_space<vmem>>, vector<32xbf16>,
      %mul3A_254 = arith.mulf %get3A_253, %get3A_253 : vector<32xbf16>
      %get3A_255 = arith.constant 5 : i32
      %get3A_256 = arith.constant 0 : i32
      %get3A_257 = arith.constant 0 : i32
      %get3A_258 = tpu.memref_slice %arg9[%and3A_15, %get3A_256, %get3A_257] : memref<8x80x128xbf16, #tpu.memory_space<vmem>> -> memref<1x80x128xbf16, #tpu.memory_space<vmem>>
      %get3A_259 = tpu.memref_squeeze %get3A_258 : memref<1x80x128xbf16, #tpu.memory_space<vmem>> -> memref<80x128xbf16, #tpu.memory_space<vmem>>
      %get3A_260 = arith.index_cast %get3A_255 : i32 to index
      %get3A_261 = arith.constant 32 : index
      %get3A_262 = tpu.vector_load %get3A_259[%get3A_260, %get3A_261] {strides = array<i32>} : memref<80x128xbf16, #tpu.memory_space<vmem>>, vector<32xbf16>,
      %mul3A_263 = arith.mulf %get3A_262, %get3A_262 : vector<32xbf16>
      %add3A_264 = arith.addf %mul3A_254, %mul3A_263 : vector<32xbf16>
      %get3A_265 = arith.constant 5 : i32
      %get3A_266 = arith.constant 0 : i32
      %get3A_267 = arith.constant 0 : i32
      %get3A_268 = tpu.memref_slice %arg9[%and3A_15, %get3A_266, %get3A_267] : memref<8x80x128xbf16, #tpu.memory_space<vmem>> -> memref<1x80x128xbf16, #tpu.memory_space<vmem>>
      %get3A_269 = tpu.memref_squeeze %get3A_268 : memref<1x80x128xbf16, #tpu.memory_space<vmem>> -> memref<80x128xbf16, #tpu.memory_space<vmem>>
      %get3A_270 = arith.index_cast %get3A_265 : i32 to index
      %get3A_271 = arith.constant 64 : index
      %get3A_272 = tpu.vector_load %get3A_269[%get3A_270, %get3A_271] {strides = array<i32>} : memref<80x128xbf16, #tpu.memory_space<vmem>>, vector<32xbf16>,
      %mul3A_273 = arith.mulf %get3A_272, %get3A_272 : vector<32xbf16>
      %add3A_274 = arith.addf %add3A_264, %mul3A_273 : vector<32xbf16>
      %get3A_275 = arith.constant 5 : i32
      %get3A_276 = arith.constant 0 : i32
      %get3A_277 = arith.constant 0 : i32
      %get3A_278 = tpu.memref_slice %arg9[%and3A_15, %get3A_276, %get3A_277] : memref<8x80x128xbf16, #tpu.memory_space<vmem>> -> memref<1x80x128xbf16, #tpu.memory_space<vmem>>
      %get3A_279 = tpu.memref_squeeze %get3A_278 : memref<1x80x128xbf16, #tpu.memory_space<vmem>> -> memref<80x128xbf16, #tpu.memory_space<vmem>>
      %get3A_280 = arith.index_cast %get3A_275 : i32 to index
      %get3A_281 = arith.constant 96 : index
      %get3A_282 = tpu.vector_load %get3A_279[%get3A_280, %get3A_281] {strides = array<i32>} : memref<80x128xbf16, #tpu.memory_space<vmem>>, vector<32xbf16>,
      %mul3A_283 = arith.mulf %get3A_282, %get3A_282 : vector<32xbf16>
      %add3A_284 = arith.addf %add3A_274, %mul3A_283 : vector<32xbf16>
      %unpack3A_285 = tpu.unpack_subelements %add3A_284, 0 {pack_format = #tpu.pack_format<interleaved>} : vector<32xbf16> -> vector<16xf32>
      %unpack3A_286 = tpu.unpack_subelements %add3A_284, 1 {pack_format = #tpu.pack_format<interleaved>} : vector<32xbf16> -> vector<16xf32>
      %add3A_287 = arith.addf %unpack3A_285, %unpack3A_286 : vector<16xf32>
      %swap3A_288 = arith.constant 5 : i32
      %swap3A_289 = arith.index_cast %swap3A_288 : i32 to index
      %swap3A_290 = arith.constant 0 : index
      %swap3A_291 = tpu.vector_load %arg11[%swap3A_289, %swap3A_290] {strides = array<i32>} : memref<16x16xf32, #tpu.memory_space<vmem>>, vector<16xf32>,
      tpu.vector_store %arg11[%swap3A_289, %swap3A_290], %add3A_287 {strides = array<i32>} : memref<16x16xf32, #tpu.memory_space<vmem>>, vector<16xf32>,
      %get3A_292 = arith.constant 6 : i32
      %get3A_293 = arith.constant 0 : i32
      %get3A_294 = arith.constant 0 : i32
      %get3A_295 = tpu.memref_slice %arg9[%and3A_15, %get3A_293, %get3A_294] : memref<8x80x128xbf16, #tpu.memory_space<vmem>> -> memref<1x80x128xbf16, #tpu.memory_space<vmem>>
      %get3A_296 = tpu.memref_squeeze %get3A_295 : memref<1x80x128xbf16, #tpu.memory_space<vmem>> -> memref<80x128xbf16, #tpu.memory_space<vmem>>
      %get3A_297 = arith.index_cast %get3A_292 : i32 to index
      %get3A_298 = arith.constant 0 : index
      %get3A_299 = tpu.vector_load %get3A_296[%get3A_297, %get3A_298] {strides = array<i32>} : memref<80x128xbf16, #tpu.memory_space<vmem>>, vector<32xbf16>,
      %mul3A_300 = arith.mulf %get3A_299, %get3A_299 : vector<32xbf16>
      %get3A_301 = arith.constant 6 : i32
      %get3A_302 = arith.constant 0 : i32
      %get3A_303 = arith.constant 0 : i32
      %get3A_304 = tpu.memref_slice %arg9[%and3A_15, %get3A_302, %get3A_303] : memref<8x80x128xbf16, #tpu.memory_space<vmem>> -> memref<1x80x128xbf16, #tpu.memory_space<vmem>>
      %get3A_305 = tpu.memref_squeeze %get3A_304 : memref<1x80x128xbf16, #tpu.memory_space<vmem>> -> memref<80x128xbf16, #tpu.memory_space<vmem>>
      %get3A_306 = arith.index_cast %get3A_301 : i32 to index
      %get3A_307 = arith.constant 32 : index
      %get3A_308 = tpu.vector_load %get3A_305[%get3A_306, %get3A_307] {strides = array<i32>} : memref<80x128xbf16, #tpu.memory_space<vmem>>, vector<32xbf16>,
      %mul3A_309 = arith.mulf %get3A_308, %get3A_308 : vector<32xbf16>
      %add3A_310 = arith.addf %mul3A_300, %mul3A_309 : vector<32xbf16>
      %get3A_311 = arith.constant 6 : i32
      %get3A_312 = arith.constant 0 : i32
      %get3A_313 = arith.constant 0 : i32
      %get3A_314 = tpu.memref_slice %arg9[%and3A_15, %get3A_312, %get3A_313] : memref<8x80x128xbf16, #tpu.memory_space<vmem>> -> memref<1x80x128xbf16, #tpu.memory_space<vmem>>
      %get3A_315 = tpu.memref_squeeze %get3A_314 : memref<1x80x128xbf16, #tpu.memory_space<vmem>> -> memref<80x128xbf16, #tpu.memory_space<vmem>>
      %get3A_316 = arith.index_cast %get3A_311 : i32 to index
      %get3A_317 = arith.constant 64 : index
      %get3A_318 = tpu.vector_load %get3A_315[%get3A_316, %get3A_317] {strides = array<i32>} : memref<80x128xbf16, #tpu.memory_space<vmem>>, vector<32xbf16>,
      %mul3A_319 = arith.mulf %get3A_318, %get3A_318 : vector<32xbf16>
      %add3A_320 = arith.addf %add3A_310, %mul3A_319 : vector<32xbf16>
      %get3A_321 = arith.constant 6 : i32
      %get3A_322 = arith.constant 0 : i32
      %get3A_323 = arith.constant 0 : i32
      %get3A_324 = tpu.memref_slice %arg9[%and3A_15, %get3A_322, %get3A_323] : memref<8x80x128xbf16, #tpu.memory_space<vmem>> -> memref<1x80x128xbf16, #tpu.memory_space<vmem>>
      %get3A_325 = tpu.memref_squeeze %get3A_324 : memref<1x80x128xbf16, #tpu.memory_space<vmem>> -> memref<80x128xbf16, #tpu.memory_space<vmem>>
      %get3A_326 = arith.index_cast %get3A_321 : i32 to index
      %get3A_327 = arith.constant 96 : index
      %get3A_328 = tpu.vector_load %get3A_325[%get3A_326, %get3A_327] {strides = array<i32>} : memref<80x128xbf16, #tpu.memory_space<vmem>>, vector<32xbf16>,
      %mul3A_329 = arith.mulf %get3A_328, %get3A_328 : vector<32xbf16>
      %add3A_330 = arith.addf %add3A_320, %mul3A_329 : vector<32xbf16>
      %unpack3A_331 = tpu.unpack_subelements %add3A_330, 0 {pack_format = #tpu.pack_format<interleaved>} : vector<32xbf16> -> vector<16xf32>
      %unpack3A_332 = tpu.unpack_subelements %add3A_330, 1 {pack_format = #tpu.pack_format<interleaved>} : vector<32xbf16> -> vector<16xf32>
      %add3A_333 = arith.addf %unpack3A_331, %unpack3A_332 : vector<16xf32>
      %swap3A_334 = arith.constant 6 : i32
      %swap3A_335 = arith.index_cast %swap3A_334 : i32 to index
      %swap3A_336 = arith.constant 0 : index
      %swap3A_337 = tpu.vector_load %arg11[%swap3A_335, %swap3A_336] {strides = array<i32>} : memref<16x16xf32, #tpu.memory_space<vmem>>, vector<16xf32>,
      tpu.vector_store %arg11[%swap3A_335, %swap3A_336], %add3A_333 {strides = array<i32>} : memref<16x16xf32, #tpu.memory_space<vmem>>, vector<16xf32>,
      %get3A_338 = arith.constant 7 : i32
      %get3A_339 = arith.constant 0 : i32
      %get3A_340 = arith.constant 0 : i32
      %get3A_341 = tpu.memref_slice %arg9[%and3A_15, %get3A_339, %get3A_340] : memref<8x80x128xbf16, #tpu.memory_space<vmem>> -> memref<1x80x128xbf16, #tpu.memory_space<vmem>>
      %get3A_342 = tpu.memref_squeeze %get3A_341 : memref<1x80x128xbf16, #tpu.memory_space<vmem>> -> memref<80x128xbf16, #tpu.memory_space<vmem>>
      %get3A_343 = arith.index_cast %get3A_338 : i32 to index
      %get3A_344 = arith.constant 0 : index
      %get3A_345 = tpu.vector_load %get3A_342[%get3A_343, %get3A_344] {strides = array<i32>} : memref<80x128xbf16, #tpu.memory_space<vmem>>, vector<32xbf16>,
      %mul3A_346 = arith.mulf %get3A_345, %get3A_345 : vector<32xbf16>
      %get3A_347 = arith.constant 7 : i32
      %get3A_348 = arith.constant 0 : i32
      %get3A_349 = arith.constant 0 : i32
      %get3A_350 = tpu.memref_slice %arg9[%and3A_15, %get3A_348, %get3A_349] : memref<8x80x128xbf16, #tpu.memory_space<vmem>> -> memref<1x80x128xbf16, #tpu.memory_space<vmem>>
      %get3A_351 = tpu.memref_squeeze %get3A_350 : memref<1x80x128xbf16, #tpu.memory_space<vmem>> -> memref<80x128xbf16, #tpu.memory_space<vmem>>
      %get3A_352 = arith.index_cast %get3A_347 : i32 to index
      %get3A_353 = arith.constant 32 : index
      %get3A_354 = tpu.vector_load %get3A_351[%get3A_352, %get3A_353] {strides = array<i32>} : memref<80x128xbf16, #tpu.memory_space<vmem>>, vector<32xbf16>,
      %mul3A_355 = arith.mulf %get3A_354, %get3A_354 : vector<32xbf16>
      %add3A_356 = arith.addf %mul3A_346, %mul3A_355 : vector<32xbf16>
      %get3A_357 = arith.constant 7 : i32
      %get3A_358 = arith.constant 0 : i32
      %get3A_359 = arith.constant 0 : i32
      %get3A_360 = tpu.memref_slice %arg9[%and3A_15, %get3A_358, %get3A_359] : memref<8x80x128xbf16, #tpu.memory_space<vmem>> -> memref<1x80x128xbf16, #tpu.memory_space<vmem>>
      %get3A_361 = tpu.memref_squeeze %get3A_360 : memref<1x80x128xbf16, #tpu.memory_space<vmem>> -> memref<80x128xbf16, #tpu.memory_space<vmem>>
      %get3A_362 = arith.index_cast %get3A_357 : i32 to index
      %get3A_363 = arith.constant 64 : index
      %get3A_364 = tpu.vector_load %get3A_361[%get3A_362, %get3A_363] {strides = array<i32>} : memref<80x128xbf16, #tpu.memory_space<vmem>>, vector<32xbf16>,
      %mul3A_365 = arith.mulf %get3A_364, %get3A_364 : vector<32xbf16>
      %add3A_366 = arith.addf %add3A_356, %mul3A_365 : vector<32xbf16>
      %get3A_367 = arith.constant 7 : i32
      %get3A_368 = arith.constant 0 : i32
      %get3A_369 = arith.constant 0 : i32
      %get3A_370 = tpu.memref_slice %arg9[%and3A_15, %get3A_368, %get3A_369] : memref<8x80x128xbf16, #tpu.memory_space<vmem>> -> memref<1x80x128xbf16, #tpu.memory_space<vmem>>
      %get3A_371 = tpu.memref_squeeze %get3A_370 : memref<1x80x128xbf16, #tpu.memory_space<vmem>> -> memref<80x128xbf16, #tpu.memory_space<vmem>>
      %get3A_372 = arith.index_cast %get3A_367 : i32 to index
      %get3A_373 = arith.constant 96 : index
      %get3A_374 = tpu.vector_load %get3A_371[%get3A_372, %get3A_373] {strides = array<i32>} : memref<80x128xbf16, #tpu.memory_space<vmem>>, vector<32xbf16>,
      %mul3A_375 = arith.mulf %get3A_374, %get3A_374 : vector<32xbf16>
      %add3A_376 = arith.addf %add3A_366, %mul3A_375 : vector<32xbf16>
      %unpack3A_377 = tpu.unpack_subelements %add3A_376, 0 {pack_format = #tpu.pack_format<interleaved>} : vector<32xbf16> -> vector<16xf32>
      %unpack3A_378 = tpu.unpack_subelements %add3A_376, 1 {pack_format = #tpu.pack_format<interleaved>} : vector<32xbf16> -> vector<16xf32>
      %add3A_379 = arith.addf %unpack3A_377, %unpack3A_378 : vector<16xf32>
      %swap3A_380 = arith.constant 7 : i32
      %swap3A_381 = arith.index_cast %swap3A_380 : i32 to index
      %swap3A_382 = arith.constant 0 : index
      %swap3A_383 = tpu.vector_load %arg11[%swap3A_381, %swap3A_382] {strides = array<i32>} : memref<16x16xf32, #tpu.memory_space<vmem>>, vector<16xf32>,
      tpu.vector_store %arg11[%swap3A_381, %swap3A_382], %add3A_379 {strides = array<i32>} : memref<16x16xf32, #tpu.memory_space<vmem>>, vector<16xf32>,
      %get3A_384 = arith.constant 8 : i32
      %get3A_385 = arith.constant 0 : i32
      %get3A_386 = arith.constant 0 : i32
      %get3A_387 = tpu.memref_slice %arg9[%and3A_15, %get3A_385, %get3A_386] : memref<8x80x128xbf16, #tpu.memory_space<vmem>> -> memref<1x80x128xbf16, #tpu.memory_space<vmem>>
      %get3A_388 = tpu.memref_squeeze %get3A_387 : memref<1x80x128xbf16, #tpu.memory_space<vmem>> -> memref<80x128xbf16, #tpu.memory_space<vmem>>
      %get3A_389 = arith.index_cast %get3A_384 : i32 to index
      %get3A_390 = arith.constant 0 : index
      %get3A_391 = tpu.vector_load %get3A_388[%get3A_389, %get3A_390] {strides = array<i32>} : memref<80x128xbf16, #tpu.memory_space<vmem>>, vector<32xbf16>,
      %mul3A_392 = arith.mulf %get3A_391, %get3A_391 : vector<32xbf16>
      %get3A_393 = arith.constant 8 : i32
      %get3A_394 = arith.constant 0 : i32
      %get3A_395 = arith.constant 0 : i32
      %get3A_396 = tpu.memref_slice %arg9[%and3A_15, %get3A_394, %get3A_395] : memref<8x80x128xbf16, #tpu.memory_space<vmem>> -> memref<1x80x128xbf16, #tpu.memory_space<vmem>>
      %get3A_397 = tpu.memref_squeeze %get3A_396 : memref<1x80x128xbf16, #tpu.memory_space<vmem>> -> memref<80x128xbf16, #tpu.memory_space<vmem>>
      %get3A_398 = arith.index_cast %get3A_393 : i32 to index
      %get3A_399 = arith.constant 32 : index
      %get3A_400 = tpu.vector_load %get3A_397[%get3A_398, %get3A_399] {strides = array<i32>} : memref<80x128xbf16, #tpu.memory_space<vmem>>, vector<32xbf16>,
      %mul3A_401 = arith.mulf %get3A_400, %get3A_400 : vector<32xbf16>
      %add3A_402 = arith.addf %mul3A_392, %mul3A_401 : vector<32xbf16>
      %get3A_403 = arith.constant 8 : i32
      %get3A_404 = arith.constant 0 : i32
      %get3A_405 = arith.constant 0 : i32
      %get3A_406 = tpu.memref_slice %arg9[%and3A_15, %get3A_404, %get3A_405] : memref<8x80x128xbf16, #tpu.memory_space<vmem>> -> memref<1x80x128xbf16, #tpu.memory_space<vmem>>
      %get3A_407 = tpu.memref_squeeze %get3A_406 : memref<1x80x128xbf16, #tpu.memory_space<vmem>> -> memref<80x128xbf16, #tpu.memory_space<vmem>>
      %get3A_408 = arith.index_cast %get3A_403 : i32 to index
      %get3A_409 = arith.constant 64 : index
      %get3A_410 = tpu.vector_load %get3A_407[%get3A_408, %get3A_409] {strides = array<i32>} : memref<80x128xbf16, #tpu.memory_space<vmem>>, vector<32xbf16>,
      %mul3A_411 = arith.mulf %get3A_410, %get3A_410 : vector<32xbf16>
      %add3A_412 = arith.addf %add3A_402, %mul3A_411 : vector<32xbf16>
      %get3A_413 = arith.constant 8 : i32
      %get3A_414 = arith.constant 0 : i32
      %get3A_415 = arith.constant 0 : i32
      %get3A_416 = tpu.memref_slice %arg9[%and3A_15, %get3A_414, %get3A_415] : memref<8x80x128xbf16, #tpu.memory_space<vmem>> -> memref<1x80x128xbf16, #tpu.memory_space<vmem>>
      %get3A_417 = tpu.memref_squeeze %get3A_416 : memref<1x80x128xbf16, #tpu.memory_space<vmem>> -> memref<80x128xbf16, #tpu.memory_space<vmem>>
      %get3A_418 = arith.index_cast %get3A_413 : i32 to index
      %get3A_419 = arith.constant 96 : index
      %get3A_420 = tpu.vector_load %get3A_417[%get3A_418, %get3A_419] {strides = array<i32>} : memref<80x128xbf16, #tpu.memory_space<vmem>>, vector<32xbf16>,
      %mul3A_421 = arith.mulf %get3A_420, %get3A_420 : vector<32xbf16>
      %add3A_422 = arith.addf %add3A_412, %mul3A_421 : vector<32xbf16>
      %unpack3A_423 = tpu.unpack_subelements %add3A_422, 0 {pack_format = #tpu.pack_format<interleaved>} : vector<32xbf16> -> vector<16xf32>
      %unpack3A_424 = tpu.unpack_subelements %add3A_422, 1 {pack_format = #tpu.pack_format<interleaved>} : vector<32xbf16> -> vector<16xf32>
      %add3A_425 = arith.addf %unpack3A_423, %unpack3A_424 : vector<16xf32>
      %swap3A_426 = arith.constant 8 : i32
      %swap3A_427 = arith.index_cast %swap3A_426 : i32 to index
      %swap3A_428 = arith.constant 0 : index
      %swap3A_429 = tpu.vector_load %arg11[%swap3A_427, %swap3A_428] {strides = array<i32>} : memref<16x16xf32, #tpu.memory_space<vmem>>, vector<16xf32>,
      tpu.vector_store %arg11[%swap3A_427, %swap3A_428], %add3A_425 {strides = array<i32>} : memref<16x16xf32, #tpu.memory_space<vmem>>, vector<16xf32>,
      %get3A_430 = arith.constant 9 : i32
      %get3A_431 = arith.constant 0 : i32
      %get3A_432 = arith.constant 0 : i32
      %get3A_433 = tpu.memref_slice %arg9[%and3A_15, %get3A_431, %get3A_432] : memref<8x80x128xbf16, #tpu.memory_space<vmem>> -> memref<1x80x128xbf16, #tpu.memory_space<vmem>>
      %get3A_434 = tpu.memref_squeeze %get3A_433 : memref<1x80x128xbf16, #tpu.memory_space<vmem>> -> memref<80x128xbf16, #tpu.memory_space<vmem>>
      %get3A_435 = arith.index_cast %get3A_430 : i32 to index
      %get3A_436 = arith.constant 0 : index
      %get3A_437 = tpu.vector_load %get3A_434[%get3A_435, %get3A_436] {strides = array<i32>} : memref<80x128xbf16, #tpu.memory_space<vmem>>, vector<32xbf16>,
      %mul3A_438 = arith.mulf %get3A_437, %get3A_437 : vector<32xbf16>
      %get3A_439 = arith.constant 9 : i32
      %get3A_440 = arith.constant 0 : i32
      %get3A_441 = arith.constant 0 : i32
      %get3A_442 = tpu.memref_slice %arg9[%and3A_15, %get3A_440, %get3A_441] : memref<8x80x128xbf16, #tpu.memory_space<vmem>> -> memref<1x80x128xbf16, #tpu.memory_space<vmem>>
      %get3A_443 = tpu.memref_squeeze %get3A_442 : memref<1x80x128xbf16, #tpu.memory_space<vmem>> -> memref<80x128xbf16, #tpu.memory_space<vmem>>
      %get3A_444 = arith.index_cast %get3A_439 : i32 to index
      %get3A_445 = arith.constant 32 : index
      %get3A_446 = tpu.vector_load %get3A_443[%get3A_444, %get3A_445] {strides = array<i32>} : memref<80x128xbf16, #tpu.memory_space<vmem>>, vector<32xbf16>,
      %mul3A_447 = arith.mulf %get3A_446, %get3A_446 : vector<32xbf16>
      %add3A_448 = arith.addf %mul3A_438, %mul3A_447 : vector<32xbf16>
      %get3A_449 = arith.constant 9 : i32
      %get3A_450 = arith.constant 0 : i32
      %get3A_451 = arith.constant 0 : i32
      %get3A_452 = tpu.memref_slice %arg9[%and3A_15, %get3A_450, %get3A_451] : memref<8x80x128xbf16, #tpu.memory_space<vmem>> -> memref<1x80x128xbf16, #tpu.memory_space<vmem>>
      %get3A_453 = tpu.memref_squeeze %get3A_452 : memref<1x80x128xbf16, #tpu.memory_space<vmem>> -> memref<80x128xbf16, #tpu.memory_space<vmem>>
      %get3A_454 = arith.index_cast %get3A_449 : i32 to index
      %get3A_455 = arith.constant 64 : index
      %get3A_456 = tpu.vector_load %get3A_453[%get3A_454, %get3A_455] {strides = array<i32>} : memref<80x128xbf16, #tpu.memory_space<vmem>>, vector<32xbf16>,
      %mul3A_457 = arith.mulf %get3A_456, %get3A_456 : vector<32xbf16>
      %add3A_458 = arith.addf %add3A_448, %mul3A_457 : vector<32xbf16>
      %get3A_459 = arith.constant 9 : i32
      %get3A_460 = arith.constant 0 : i32
      %get3A_461 = arith.constant 0 : i32
      %get3A_462 = tpu.memref_slice %arg9[%and3A_15, %get3A_460, %get3A_461] : memref<8x80x128xbf16, #tpu.memory_space<vmem>> -> memref<1x80x128xbf16, #tpu.memory_space<vmem>>
      %get3A_463 = tpu.memref_squeeze %get3A_462 : memref<1x80x128xbf16, #tpu.memory_space<vmem>> -> memref<80x128xbf16, #tpu.memory_space<vmem>>
      %get3A_464 = arith.index_cast %get3A_459 : i32 to index
      %get3A_465 = arith.constant 96 : index
      %get3A_466 = tpu.vector_load %get3A_463[%get3A_464, %get3A_465] {strides = array<i32>} : memref<80x128xbf16, #tpu.memory_space<vmem>>, vector<32xbf16>,
      %mul3A_467 = arith.mulf %get3A_466, %get3A_466 : vector<32xbf16>
      %add3A_468 = arith.addf %add3A_458, %mul3A_467 : vector<32xbf16>
      %unpack3A_469 = tpu.unpack_subelements %add3A_468, 0 {pack_format = #tpu.pack_format<interleaved>} : vector<32xbf16> -> vector<16xf32>
      %unpack3A_470 = tpu.unpack_subelements %add3A_468, 1 {pack_format = #tpu.pack_format<interleaved>} : vector<32xbf16> -> vector<16xf32>
      %add3A_471 = arith.addf %unpack3A_469, %unpack3A_470 : vector<16xf32>
      %swap3A_472 = arith.constant 9 : i32
      %swap3A_473 = arith.index_cast %swap3A_472 : i32 to index
      %swap3A_474 = arith.constant 0 : index
      %swap3A_475 = tpu.vector_load %arg11[%swap3A_473, %swap3A_474] {strides = array<i32>} : memref<16x16xf32, #tpu.memory_space<vmem>>, vector<16xf32>,
      tpu.vector_store %arg11[%swap3A_473, %swap3A_474], %add3A_471 {strides = array<i32>} : memref<16x16xf32, #tpu.memory_space<vmem>>, vector<16xf32>,
      %get3A_476 = arith.constant 10 : i32
      %get3A_477 = arith.constant 0 : i32
      %get3A_478 = arith.constant 0 : i32
      %get3A_479 = tpu.memref_slice %arg9[%and3A_15, %get3A_477, %get3A_478] : memref<8x80x128xbf16, #tpu.memory_space<vmem>> -> memref<1x80x128xbf16, #tpu.memory_space<vmem>>
      %get3A_480 = tpu.memref_squeeze %get3A_479 : memref<1x80x128xbf16, #tpu.memory_space<vmem>> -> memref<80x128xbf16, #tpu.memory_space<vmem>>
      %get3A_481 = arith.index_cast %get3A_476 : i32 to index
      %get3A_482 = arith.constant 0 : index
      %get3A_483 = tpu.vector_load %get3A_480[%get3A_481, %get3A_482] {strides = array<i32>} : memref<80x128xbf16, #tpu.memory_space<vmem>>, vector<32xbf16>,
      %mul3A_484 = arith.mulf %get3A_483, %get3A_483 : vector<32xbf16>
      %get3A_485 = arith.constant 10 : i32
      %get3A_486 = arith.constant 0 : i32
      %get3A_487 = arith.constant 0 : i32
      %get3A_488 = tpu.memref_slice %arg9[%and3A_15, %get3A_486, %get3A_487] : memref<8x80x128xbf16, #tpu.memory_space<vmem>> -> memref<1x80x128xbf16, #tpu.memory_space<vmem>>
      %get3A_489 = tpu.memref_squeeze %get3A_488 : memref<1x80x128xbf16, #tpu.memory_space<vmem>> -> memref<80x128xbf16, #tpu.memory_space<vmem>>
      %get3A_490 = arith.index_cast %get3A_485 : i32 to index
      %get3A_491 = arith.constant 32 : index
      %get3A_492 = tpu.vector_load %get3A_489[%get3A_490, %get3A_491] {strides = array<i32>} : memref<80x128xbf16, #tpu.memory_space<vmem>>, vector<32xbf16>,
      %mul3A_493 = arith.mulf %get3A_492, %get3A_492 : vector<32xbf16>
      %add3A_494 = arith.addf %mul3A_484, %mul3A_493 : vector<32xbf16>
      %get3A_495 = arith.constant 10 : i32
      %get3A_496 = arith.constant 0 : i32
      %get3A_497 = arith.constant 0 : i32
      %get3A_498 = tpu.memref_slice %arg9[%and3A_15, %get3A_496, %get3A_497] : memref<8x80x128xbf16, #tpu.memory_space<vmem>> -> memref<1x80x128xbf16, #tpu.memory_space<vmem>>
      %get3A_499 = tpu.memref_squeeze %get3A_498 : memref<1x80x128xbf16, #tpu.memory_space<vmem>> -> memref<80x128xbf16, #tpu.memory_space<vmem>>
      %get3A_500 = arith.index_cast %get3A_495 : i32 to index
      %get3A_501 = arith.constant 64 : index
      %get3A_502 = tpu.vector_load %get3A_499[%get3A_500, %get3A_501] {strides = array<i32>} : memref<80x128xbf16, #tpu.memory_space<vmem>>, vector<32xbf16>,
      %mul3A_503 = arith.mulf %get3A_502, %get3A_502 : vector<32xbf16>
      %add3A_504 = arith.addf %add3A_494, %mul3A_503 : vector<32xbf16>
      %get3A_505 = arith.constant 10 : i32
      %get3A_506 = arith.constant 0 : i32
      %get3A_507 = arith.constant 0 : i32
      %get3A_508 = tpu.memref_slice %arg9[%and3A_15, %get3A_506, %get3A_507] : memref<8x80x128xbf16, #tpu.memory_space<vmem>> -> memref<1x80x128xbf16, #tpu.memory_space<vmem>>
      %get3A_509 = tpu.memref_squeeze %get3A_508 : memref<1x80x128xbf16, #tpu.memory_space<vmem>> -> memref<80x128xbf16, #tpu.memory_space<vmem>>
      %get3A_510 = arith.index_cast %get3A_505 : i32 to index
      %get3A_511 = arith.constant 96 : index
      %get3A_512 = tpu.vector_load %get3A_509[%get3A_510, %get3A_511] {strides = array<i32>} : memref<80x128xbf16, #tpu.memory_space<vmem>>, vector<32xbf16>,
      %mul3A_513 = arith.mulf %get3A_512, %get3A_512 : vector<32xbf16>
      %add3A_514 = arith.addf %add3A_504, %mul3A_513 : vector<32xbf16>
      %unpack3A_515 = tpu.unpack_subelements %add3A_514, 0 {pack_format = #tpu.pack_format<interleaved>} : vector<32xbf16> -> vector<16xf32>
      %unpack3A_516 = tpu.unpack_subelements %add3A_514, 1 {pack_format = #tpu.pack_format<interleaved>} : vector<32xbf16> -> vector<16xf32>
      %add3A_517 = arith.addf %unpack3A_515, %unpack3A_516 : vector<16xf32>
      %swap3A_518 = arith.constant 10 : i32
      %swap3A_519 = arith.index_cast %swap3A_518 : i32 to index
      %swap3A_520 = arith.constant 0 : index
      %swap3A_521 = tpu.vector_load %arg11[%swap3A_519, %swap3A_520] {strides = array<i32>} : memref<16x16xf32, #tpu.memory_space<vmem>>, vector<16xf32>,
      tpu.vector_store %arg11[%swap3A_519, %swap3A_520], %add3A_517 {strides = array<i32>} : memref<16x16xf32, #tpu.memory_space<vmem>>, vector<16xf32>,
      %get3A_522 = arith.constant 11 : i32
      %get3A_523 = arith.constant 0 : i32
      %get3A_524 = arith.constant 0 : i32
      %get3A_525 = tpu.memref_slice %arg9[%and3A_15, %get3A_523, %get3A_524] : memref<8x80x128xbf16, #tpu.memory_space<vmem>> -> memref<1x80x128xbf16, #tpu.memory_space<vmem>>
      %get3A_526 = tpu.memref_squeeze %get3A_525 : memref<1x80x128xbf16, #tpu.memory_space<vmem>> -> memref<80x128xbf16, #tpu.memory_space<vmem>>
      %get3A_527 = arith.index_cast %get3A_522 : i32 to index
      %get3A_528 = arith.constant 0 : index
      %get3A_529 = tpu.vector_load %get3A_526[%get3A_527, %get3A_528] {strides = array<i32>} : memref<80x128xbf16, #tpu.memory_space<vmem>>, vector<32xbf16>,
      %mul3A_530 = arith.mulf %get3A_529, %get3A_529 : vector<32xbf16>
      %get3A_531 = arith.constant 11 : i32
      %get3A_532 = arith.constant 0 : i32
      %get3A_533 = arith.constant 0 : i32
      %get3A_534 = tpu.memref_slice %arg9[%and3A_15, %get3A_532, %get3A_533] : memref<8x80x128xbf16, #tpu.memory_space<vmem>> -> memref<1x80x128xbf16, #tpu.memory_space<vmem>>
      %get3A_535 = tpu.memref_squeeze %get3A_534 : memref<1x80x128xbf16, #tpu.memory_space<vmem>> -> memref<80x128xbf16, #tpu.memory_space<vmem>>
      %get3A_536 = arith.index_cast %get3A_531 : i32 to index
      %get3A_537 = arith.constant 32 : index
      %get3A_538 = tpu.vector_load %get3A_535[%get3A_536, %get3A_537] {strides = array<i32>} : memref<80x128xbf16, #tpu.memory_space<vmem>>, vector<32xbf16>,
      %mul3A_539 = arith.mulf %get3A_538, %get3A_538 : vector<32xbf16>
      %add3A_540 = arith.addf %mul3A_530, %mul3A_539 : vector<32xbf16>
      %get3A_541 = arith.constant 11 : i32
      %get3A_542 = arith.constant 0 : i32
      %get3A_543 = arith.constant 0 : i32
      %get3A_544 = tpu.memref_slice %arg9[%and3A_15, %get3A_542, %get3A_543] : memref<8x80x128xbf16, #tpu.memory_space<vmem>> -> memref<1x80x128xbf16, #tpu.memory_space<vmem>>
      %get3A_545 = tpu.memref_squeeze %get3A_544 : memref<1x80x128xbf16, #tpu.memory_space<vmem>> -> memref<80x128xbf16, #tpu.memory_space<vmem>>
      %get3A_546 = arith.index_cast %get3A_541 : i32 to index
      %get3A_547 = arith.constant 64 : index
      %get3A_548 = tpu.vector_load %get3A_545[%get3A_546, %get3A_547] {strides = array<i32>} : memref<80x128xbf16, #tpu.memory_space<vmem>>, vector<32xbf16>,
      %mul3A_549 = arith.mulf %get3A_548, %get3A_548 : vector<32xbf16>
      %add3A_550 = arith.addf %add3A_540, %mul3A_549 : vector<32xbf16>
      %get3A_551 = arith.constant 11 : i32
      %get3A_552 = arith.constant 0 : i32
      %get3A_553 = arith.constant 0 : i32
      %get3A_554 = tpu.memref_slice %arg9[%and3A_15, %get3A_552, %get3A_553] : memref<8x80x128xbf16, #tpu.memory_space<vmem>> -> memref<1x80x128xbf16, #tpu.memory_space<vmem>>
      %get3A_555 = tpu.memref_squeeze %get3A_554 : memref<1x80x128xbf16, #tpu.memory_space<vmem>> -> memref<80x128xbf16, #tpu.memory_space<vmem>>
      %get3A_556 = arith.index_cast %get3A_551 : i32 to index
      %get3A_557 = arith.constant 96 : index
      %get3A_558 = tpu.vector_load %get3A_555[%get3A_556, %get3A_557] {strides = array<i32>} : memref<80x128xbf16, #tpu.memory_space<vmem>>, vector<32xbf16>,
      %mul3A_559 = arith.mulf %get3A_558, %get3A_558 : vector<32xbf16>
      %add3A_560 = arith.addf %add3A_550, %mul3A_559 : vector<32xbf16>
      %unpack3A_561 = tpu.unpack_subelements %add3A_560, 0 {pack_format = #tpu.pack_format<interleaved>} : vector<32xbf16> -> vector<16xf32>
      %unpack3A_562 = tpu.unpack_subelements %add3A_560, 1 {pack_format = #tpu.pack_format<interleaved>} : vector<32xbf16> -> vector<16xf32>
      %add3A_563 = arith.addf %unpack3A_561, %unpack3A_562 : vector<16xf32>
      %swap3A_564 = arith.constant 11 : i32
      %swap3A_565 = arith.index_cast %swap3A_564 : i32 to index
      %swap3A_566 = arith.constant 0 : index
      %swap3A_567 = tpu.vector_load %arg11[%swap3A_565, %swap3A_566] {strides = array<i32>} : memref<16x16xf32, #tpu.memory_space<vmem>>, vector<16xf32>,
      tpu.vector_store %arg11[%swap3A_565, %swap3A_566], %add3A_563 {strides = array<i32>} : memref<16x16xf32, #tpu.memory_space<vmem>>, vector<16xf32>,
      %get3A_568 = arith.constant 12 : i32
      %get3A_569 = arith.constant 0 : i32
      %get3A_570 = arith.constant 0 : i32
      %get3A_571 = tpu.memref_slice %arg9[%and3A_15, %get3A_569, %get3A_570] : memref<8x80x128xbf16, #tpu.memory_space<vmem>> -> memref<1x80x128xbf16, #tpu.memory_space<vmem>>
      %get3A_572 = tpu.memref_squeeze %get3A_571 : memref<1x80x128xbf16, #tpu.memory_space<vmem>> -> memref<80x128xbf16, #tpu.memory_space<vmem>>
      %get3A_573 = arith.index_cast %get3A_568 : i32 to index
      %get3A_574 = arith.constant 0 : index
      %get3A_575 = tpu.vector_load %get3A_572[%get3A_573, %get3A_574] {strides = array<i32>} : memref<80x128xbf16, #tpu.memory_space<vmem>>, vector<32xbf16>,
      %mul3A_576 = arith.mulf %get3A_575, %get3A_575 : vector<32xbf16>
      %get3A_577 = arith.constant 12 : i32
      %get3A_578 = arith.constant 0 : i32
      %get3A_579 = arith.constant 0 : i32
      %get3A_580 = tpu.memref_slice %arg9[%and3A_15, %get3A_578, %get3A_579] : memref<8x80x128xbf16, #tpu.memory_space<vmem>> -> memref<1x80x128xbf16, #tpu.memory_space<vmem>>
      %get3A_581 = tpu.memref_squeeze %get3A_580 : memref<1x80x128xbf16, #tpu.memory_space<vmem>> -> memref<80x128xbf16, #tpu.memory_space<vmem>>
      %get3A_582 = arith.index_cast %get3A_577 : i32 to index
      %get3A_583 = arith.constant 32 : index
      %get3A_584 = tpu.vector_load %get3A_581[%get3A_582, %get3A_583] {strides = array<i32>} : memref<80x128xbf16, #tpu.memory_space<vmem>>, vector<32xbf16>,
      %mul3A_585 = arith.mulf %get3A_584, %get3A_584 : vector<32xbf16>
      %add3A_586 = arith.addf %mul3A_576, %mul3A_585 : vector<32xbf16>
      %get3A_587 = arith.constant 12 : i32
      %get3A_588 = arith.constant 0 : i32
      %get3A_589 = arith.constant 0 : i32
      %get3A_590 = tpu.memref_slice %arg9[%and3A_15, %get3A_588, %get3A_589] : memref<8x80x128xbf16, #tpu.memory_space<vmem>> -> memref<1x80x128xbf16, #tpu.memory_space<vmem>>
      %get3A_591 = tpu.memref_squeeze %get3A_590 : memref<1x80x128xbf16, #tpu.memory_space<vmem>> -> memref<80x128xbf16, #tpu.memory_space<vmem>>
      %get3A_592 = arith.index_cast %get3A_587 : i32 to index
      %get3A_593 = arith.constant 64 : index
      %get3A_594 = tpu.vector_load %get3A_591[%get3A_592, %get3A_593] {strides = array<i32>} : memref<80x128xbf16, #tpu.memory_space<vmem>>, vector<32xbf16>,
      %mul3A_595 = arith.mulf %get3A_594, %get3A_594 : vector<32xbf16>
      %add3A_596 = arith.addf %add3A_586, %mul3A_595 : vector<32xbf16>
      %get3A_597 = arith.constant 12 : i32
      %get3A_598 = arith.constant 0 : i32
      %get3A_599 = arith.constant 0 : i32
      %get3A_600 = tpu.memref_slice %arg9[%and3A_15, %get3A_598, %get3A_599] : memref<8x80x128xbf16, #tpu.memory_space<vmem>> -> memref<1x80x128xbf16, #tpu.memory_space<vmem>>
      %get3A_601 = tpu.memref_squeeze %get3A_600 : memref<1x80x128xbf16, #tpu.memory_space<vmem>> -> memref<80x128xbf16, #tpu.memory_space<vmem>>
      %get3A_602 = arith.index_cast %get3A_597 : i32 to index
      %get3A_603 = arith.constant 96 : index
      %get3A_604 = tpu.vector_load %get3A_601[%get3A_602, %get3A_603] {strides = array<i32>} : memref<80x128xbf16, #tpu.memory_space<vmem>>, vector<32xbf16>,
      %mul3A_605 = arith.mulf %get3A_604, %get3A_604 : vector<32xbf16>
      %add3A_606 = arith.addf %add3A_596, %mul3A_605 : vector<32xbf16>
      %unpack3A_607 = tpu.unpack_subelements %add3A_606, 0 {pack_format = #tpu.pack_format<interleaved>} : vector<32xbf16> -> vector<16xf32>
      %unpack3A_608 = tpu.unpack_subelements %add3A_606, 1 {pack_format = #tpu.pack_format<interleaved>} : vector<32xbf16> -> vector<16xf32>
      %add3A_609 = arith.addf %unpack3A_607, %unpack3A_608 : vector<16xf32>
      %swap3A_610 = arith.constant 12 : i32
      %swap3A_611 = arith.index_cast %swap3A_610 : i32 to index
      %swap3A_612 = arith.constant 0 : index
      %swap3A_613 = tpu.vector_load %arg11[%swap3A_611, %swap3A_612] {strides = array<i32>} : memref<16x16xf32, #tpu.memory_space<vmem>>, vector<16xf32>,
      tpu.vector_store %arg11[%swap3A_611, %swap3A_612], %add3A_609 {strides = array<i32>} : memref<16x16xf32, #tpu.memory_space<vmem>>, vector<16xf32>,
      %get3A_614 = arith.constant 13 : i32
      %get3A_615 = arith.constant 0 : i32
      %get3A_616 = arith.constant 0 : i32
      %get3A_617 = tpu.memref_slice %arg9[%and3A_15, %get3A_615, %get3A_616] : memref<8x80x128xbf16, #tpu.memory_space<vmem>> -> memref<1x80x128xbf16, #tpu.memory_space<vmem>>
      %get3A_618 = tpu.memref_squeeze %get3A_617 : memref<1x80x128xbf16, #tpu.memory_space<vmem>> -> memref<80x128xbf16, #tpu.memory_space<vmem>>
      %get3A_619 = arith.index_cast %get3A_614 : i32 to index
      %get3A_620 = arith.constant 0 : index
      %get3A_621 = tpu.vector_load %get3A_618[%get3A_619, %get3A_620] {strides = array<i32>} : memref<80x128xbf16, #tpu.memory_space<vmem>>, vector<32xbf16>,
      %mul3A_622 = arith.mulf %get3A_621, %get3A_621 : vector<32xbf16>
      %get3A_623 = arith.constant 13 : i32
      %get3A_624 = arith.constant 0 : i32
      %get3A_625 = arith.constant 0 : i32
      %get3A_626 = tpu.memref_slice %arg9[%and3A_15, %get3A_624, %get3A_625] : memref<8x80x128xbf16, #tpu.memory_space<vmem>> -> memref<1x80x128xbf16, #tpu.memory_space<vmem>>
      %get3A_627 = tpu.memref_squeeze %get3A_626 : memref<1x80x128xbf16, #tpu.memory_space<vmem>> -> memref<80x128xbf16, #tpu.memory_space<vmem>>
      %get3A_628 = arith.index_cast %get3A_623 : i32 to index
      %get3A_629 = arith.constant 32 : index
      %get3A_630 = tpu.vector_load %get3A_627[%get3A_628, %get3A_629] {strides = array<i32>} : memref<80x128xbf16, #tpu.memory_space<vmem>>, vector<32xbf16>,
      %mul3A_631 = arith.mulf %get3A_630, %get3A_630 : vector<32xbf16>
      %add3A_632 = arith.addf %mul3A_622, %mul3A_631 : vector<32xbf16>
      %get3A_633 = arith.constant 13 : i32
      %get3A_634 = arith.constant 0 : i32
      %get3A_635 = arith.constant 0 : i32
      %get3A_636 = tpu.memref_slice %arg9[%and3A_15, %get3A_634, %get3A_635] : memref<8x80x128xbf16, #tpu.memory_space<vmem>> -> memref<1x80x128xbf16, #tpu.memory_space<vmem>>
      %get3A_637 = tpu.memref_squeeze %get3A_636 : memref<1x80x128xbf16, #tpu.memory_space<vmem>> -> memref<80x128xbf16, #tpu.memory_space<vmem>>
      %get3A_638 = arith.index_cast %get3A_633 : i32 to index
      %get3A_639 = arith.constant 64 : index
      %get3A_640 = tpu.vector_load %get3A_637[%get3A_638, %get3A_639] {strides = array<i32>} : memref<80x128xbf16, #tpu.memory_space<vmem>>, vector<32xbf16>,
      %mul3A_641 = arith.mulf %get3A_640, %get3A_640 : vector<32xbf16>
      %add3A_642 = arith.addf %add3A_632, %mul3A_641 : vector<32xbf16>
      %get3A_643 = arith.constant 13 : i32
      %get3A_644 = arith.constant 0 : i32
      %get3A_645 = arith.constant 0 : i32
      %get3A_646 = tpu.memref_slice %arg9[%and3A_15, %get3A_644, %get3A_645] : memref<8x80x128xbf16, #tpu.memory_space<vmem>> -> memref<1x80x128xbf16, #tpu.memory_space<vmem>>
      %get3A_647 = tpu.memref_squeeze %get3A_646 : memref<1x80x128xbf16, #tpu.memory_space<vmem>> -> memref<80x128xbf16, #tpu.memory_space<vmem>>
      %get3A_648 = arith.index_cast %get3A_643 : i32 to index
      %get3A_649 = arith.constant 96 : index
      %get3A_650 = tpu.vector_load %get3A_647[%get3A_648, %get3A_649] {strides = array<i32>} : memref<80x128xbf16, #tpu.memory_space<vmem>>, vector<32xbf16>,
      %mul3A_651 = arith.mulf %get3A_650, %get3A_650 : vector<32xbf16>
      %add3A_652 = arith.addf %add3A_642, %mul3A_651 : vector<32xbf16>
      %unpack3A_653 = tpu.unpack_subelements %add3A_652, 0 {pack_format = #tpu.pack_format<interleaved>} : vector<32xbf16> -> vector<16xf32>
      %unpack3A_654 = tpu.unpack_subelements %add3A_652, 1 {pack_format = #tpu.pack_format<interleaved>} : vector<32xbf16> -> vector<16xf32>
      %add3A_655 = arith.addf %unpack3A_653, %unpack3A_654 : vector<16xf32>
      %swap3A_656 = arith.constant 13 : i32
      %swap3A_657 = arith.index_cast %swap3A_656 : i32 to index
      %swap3A_658 = arith.constant 0 : index
      %swap3A_659 = tpu.vector_load %arg11[%swap3A_657, %swap3A_658] {strides = array<i32>} : memref<16x16xf32, #tpu.memory_space<vmem>>, vector<16xf32>,
      tpu.vector_store %arg11[%swap3A_657, %swap3A_658], %add3A_655 {strides = array<i32>} : memref<16x16xf32, #tpu.memory_space<vmem>>, vector<16xf32>,
      %get3A_660 = arith.constant 14 : i32
      %get3A_661 = arith.constant 0 : i32
      %get3A_662 = arith.constant 0 : i32
      %get3A_663 = tpu.memref_slice %arg9[%and3A_15, %get3A_661, %get3A_662] : memref<8x80x128xbf16, #tpu.memory_space<vmem>> -> memref<1x80x128xbf16, #tpu.memory_space<vmem>>
      %get3A_664 = tpu.memref_squeeze %get3A_663 : memref<1x80x128xbf16, #tpu.memory_space<vmem>> -> memref<80x128xbf16, #tpu.memory_space<vmem>>
      %get3A_665 = arith.index_cast %get3A_660 : i32 to index
      %get3A_666 = arith.constant 0 : index
      %get3A_667 = tpu.vector_load %get3A_664[%get3A_665, %get3A_666] {strides = array<i32>} : memref<80x128xbf16, #tpu.memory_space<vmem>>, vector<32xbf16>,
      %mul3A_668 = arith.mulf %get3A_667, %get3A_667 : vector<32xbf16>
      %get3A_669 = arith.constant 14 : i32
      %get3A_670 = arith.constant 0 : i32
      %get3A_671 = arith.constant 0 : i32
      %get3A_672 = tpu.memref_slice %arg9[%and3A_15, %get3A_670, %get3A_671] : memref<8x80x128xbf16, #tpu.memory_space<vmem>> -> memref<1x80x128xbf16, #tpu.memory_space<vmem>>
      %get3A_673 = tpu.memref_squeeze %get3A_672 : memref<1x80x128xbf16, #tpu.memory_space<vmem>> -> memref<80x128xbf16, #tpu.memory_space<vmem>>
      %get3A_674 = arith.index_cast %get3A_669 : i32 to index
      %get3A_675 = arith.constant 32 : index
      %get3A_676 = tpu.vector_load %get3A_673[%get3A_674, %get3A_675] {strides = array<i32>} : memref<80x128xbf16, #tpu.memory_space<vmem>>, vector<32xbf16>,
      %mul3A_677 = arith.mulf %get3A_676, %get3A_676 : vector<32xbf16>
      %add3A_678 = arith.addf %mul3A_668, %mul3A_677 : vector<32xbf16>
      %get3A_679 = arith.constant 14 : i32
      %get3A_680 = arith.constant 0 : i32
      %get3A_681 = arith.constant 0 : i32
      %get3A_682 = tpu.memref_slice %arg9[%and3A_15, %get3A_680, %get3A_681] : memref<8x80x128xbf16, #tpu.memory_space<vmem>> -> memref<1x80x128xbf16, #tpu.memory_space<vmem>>
      %get3A_683 = tpu.memref_squeeze %get3A_682 : memref<1x80x128xbf16, #tpu.memory_space<vmem>> -> memref<80x128xbf16, #tpu.memory_space<vmem>>
      %get3A_684 = arith.index_cast %get3A_679 : i32 to index
      %get3A_685 = arith.constant 64 : index
      %get3A_686 = tpu.vector_load %get3A_683[%get3A_684, %get3A_685] {strides = array<i32>} : memref<80x128xbf16, #tpu.memory_space<vmem>>, vector<32xbf16>,
      %mul3A_687 = arith.mulf %get3A_686, %get3A_686 : vector<32xbf16>
      %add3A_688 = arith.addf %add3A_678, %mul3A_687 : vector<32xbf16>
      %get3A_689 = arith.constant 14 : i32
      %get3A_690 = arith.constant 0 : i32
      %get3A_691 = arith.constant 0 : i32
      %get3A_692 = tpu.memref_slice %arg9[%and3A_15, %get3A_690, %get3A_691] : memref<8x80x128xbf16, #tpu.memory_space<vmem>> -> memref<1x80x128xbf16, #tpu.memory_space<vmem>>
      %get3A_693 = tpu.memref_squeeze %get3A_692 : memref<1x80x128xbf16, #tpu.memory_space<vmem>> -> memref<80x128xbf16, #tpu.memory_space<vmem>>
      %get3A_694 = arith.index_cast %get3A_689 : i32 to index
      %get3A_695 = arith.constant 96 : index
      %get3A_696 = tpu.vector_load %get3A_693[%get3A_694, %get3A_695] {strides = array<i32>} : memref<80x128xbf16, #tpu.memory_space<vmem>>, vector<32xbf16>,
      %mul3A_697 = arith.mulf %get3A_696, %get3A_696 : vector<32xbf16>
      %add3A_698 = arith.addf %add3A_688, %mul3A_697 : vector<32xbf16>
      %unpack3A_699 = tpu.unpack_subelements %add3A_698, 0 {pack_format = #tpu.pack_format<interleaved>} : vector<32xbf16> -> vector<16xf32>
      %unpack3A_700 = tpu.unpack_subelements %add3A_698, 1 {pack_format = #tpu.pack_format<interleaved>} : vector<32xbf16> -> vector<16xf32>
      %add3A_701 = arith.addf %unpack3A_699, %unpack3A_700 : vector<16xf32>
      %swap3A_702 = arith.constant 14 : i32
      %swap3A_703 = arith.index_cast %swap3A_702 : i32 to index
      %swap3A_704 = arith.constant 0 : index
      %swap3A_705 = tpu.vector_load %arg11[%swap3A_703, %swap3A_704] {strides = array<i32>} : memref<16x16xf32, #tpu.memory_space<vmem>>, vector<16xf32>,
      tpu.vector_store %arg11[%swap3A_703, %swap3A_704], %add3A_701 {strides = array<i32>} : memref<16x16xf32, #tpu.memory_space<vmem>>, vector<16xf32>,
      %get3A_706 = arith.constant 15 : i32
      %get3A_707 = arith.constant 0 : i32
      %get3A_708 = arith.constant 0 : i32
      %get3A_709 = tpu.memref_slice %arg9[%and3A_15, %get3A_707, %get3A_708] : memref<8x80x128xbf16, #tpu.memory_space<vmem>> -> memref<1x80x128xbf16, #tpu.memory_space<vmem>>
      %get3A_710 = tpu.memref_squeeze %get3A_709 : memref<1x80x128xbf16, #tpu.memory_space<vmem>> -> memref<80x128xbf16, #tpu.memory_space<vmem>>
      %get3A_711 = arith.index_cast %get3A_706 : i32 to index
      %get3A_712 = arith.constant 0 : index
      %get3A_713 = tpu.vector_load %get3A_710[%get3A_711, %get3A_712] {strides = array<i32>} : memref<80x128xbf16, #tpu.memory_space<vmem>>, vector<32xbf16>,
      %mul3A_714 = arith.mulf %get3A_713, %get3A_713 : vector<32xbf16>
      %get3A_715 = arith.constant 15 : i32
      %get3A_716 = arith.constant 0 : i32
      %get3A_717 = arith.constant 0 : i32
      %get3A_718 = tpu.memref_slice %arg9[%and3A_15, %get3A_716, %get3A_717] : memref<8x80x128xbf16, #tpu.memory_space<vmem>> -> memref<1x80x128xbf16, #tpu.memory_space<vmem>>
      %get3A_719 = tpu.memref_squeeze %get3A_718 : memref<1x80x128xbf16, #tpu.memory_space<vmem>> -> memref<80x128xbf16, #tpu.memory_space<vmem>>
      %get3A_720 = arith.index_cast %get3A_715 : i32 to index
      %get3A_721 = arith.constant 32 : index
      %get3A_722 = tpu.vector_load %get3A_719[%get3A_720, %get3A_721] {strides = array<i32>} : memref<80x128xbf16, #tpu.memory_space<vmem>>, vector<32xbf16>,
      %mul3A_723 = arith.mulf %get3A_722, %get3A_722 : vector<32xbf16>
      %add3A_724 = arith.addf %mul3A_714, %mul3A_723 : vector<32xbf16>
      %get3A_725 = arith.constant 15 : i32
      %get3A_726 = arith.constant 0 : i32
      %get3A_727 = arith.constant 0 : i32
      %get3A_728 = tpu.memref_slice %arg9[%and3A_15, %get3A_726, %get3A_727] : memref<8x80x128xbf16, #tpu.memory_space<vmem>> -> memref<1x80x128xbf16, #tpu.memory_space<vmem>>
      %get3A_729 = tpu.memref_squeeze %get3A_728 : memref<1x80x128xbf16, #tpu.memory_space<vmem>> -> memref<80x128xbf16, #tpu.memory_space<vmem>>
      %get3A_730 = arith.index_cast %get3A_725 : i32 to index
      %get3A_731 = arith.constant 64 : index
      %get3A_732 = tpu.vector_load %get3A_729[%get3A_730, %get3A_731] {strides = array<i32>} : memref<80x128xbf16, #tpu.memory_space<vmem>>, vector<32xbf16>,
      %mul3A_733 = arith.mulf %get3A_732, %get3A_732 : vector<32xbf16>
      %add3A_734 = arith.addf %add3A_724, %mul3A_733 : vector<32xbf16>
      %get3A_735 = arith.constant 15 : i32
      %get3A_736 = arith.constant 0 : i32
      %get3A_737 = arith.constant 0 : i32
      %get3A_738 = tpu.memref_slice %arg9[%and3A_15, %get3A_736, %get3A_737] : memref<8x80x128xbf16, #tpu.memory_space<vmem>> -> memref<1x80x128xbf16, #tpu.memory_space<vmem>>
      %get3A_739 = tpu.memref_squeeze %get3A_738 : memref<1x80x128xbf16, #tpu.memory_space<vmem>> -> memref<80x128xbf16, #tpu.memory_space<vmem>>
      %get3A_740 = arith.index_cast %get3A_735 : i32 to index
      %get3A_741 = arith.constant 96 : index
      %get3A_742 = tpu.vector_load %get3A_739[%get3A_740, %get3A_741] {strides = array<i32>} : memref<80x128xbf16, #tpu.memory_space<vmem>>, vector<32xbf16>,
      %mul3A_743 = arith.mulf %get3A_742, %get3A_742 : vector<32xbf16>
      %add3A_744 = arith.addf %add3A_734, %mul3A_743 : vector<32xbf16>
      %unpack3A_745 = tpu.unpack_subelements %add3A_744, 0 {pack_format = #tpu.pack_format<interleaved>} : vector<32xbf16> -> vector<16xf32>
      %unpack3A_746 = tpu.unpack_subelements %add3A_744, 1 {pack_format = #tpu.pack_format<interleaved>} : vector<32xbf16> -> vector<16xf32>
      %add3A_747 = arith.addf %unpack3A_745, %unpack3A_746 : vector<16xf32>
      %swap3A_748 = arith.constant 15 : i32
      %swap3A_749 = arith.index_cast %swap3A_748 : i32 to index
      %swap3A_750 = arith.constant 0 : index
      %swap3A_751 = tpu.vector_load %arg11[%swap3A_749, %swap3A_750] {strides = array<i32>} : memref<16x16xf32, #tpu.memory_space<vmem>>, vector<16xf32>,
      tpu.vector_store %arg11[%swap3A_749, %swap3A_750], %add3A_747 {strides = array<i32>} : memref<16x16xf32, #tpu.memory_space<vmem>>, vector<16xf32>,
      %broadcast_in_dim3A_752 = arith.constant 0 : i32
      %broadcast_in_dim3A_753 = vector.broadcast %broadcast_in_dim3A_752 : i32 to vector<16xi32>
      %gather3A = tpu.vector_load_idx %arg11[%iota3A, %broadcast_in_dim3A_753] : memref<16x16xf32, #tpu.memory_space<vmem>>[vector<16xi32>, vector<16xi32>], vector<16xf32>,
      %broadcast_in_dim3A_754 = arith.constant 1 : i32
      %broadcast_in_dim3A_755 = vector.broadcast %broadcast_in_dim3A_754 : i32 to vector<16xi32>
      %gather3A_756 = tpu.vector_load_idx %arg11[%iota3A, %broadcast_in_dim3A_755] : memref<16x16xf32, #tpu.memory_space<vmem>>[vector<16xi32>, vector<16xi32>], vector<16xf32>,
      %broadcast_in_dim3A_757 = arith.constant 2 : i32
      %broadcast_in_dim3A_758 = vector.broadcast %broadcast_in_dim3A_757 : i32 to vector<16xi32>
      %gather3A_759 = tpu.vector_load_idx %arg11[%iota3A, %broadcast_in_dim3A_758] : memref<16x16xf32, #tpu.memory_space<vmem>>[vector<16xi32>, vector<16xi32>], vector<16xf32>,
      %broadcast_in_dim3A_760 = arith.constant 3 : i32
      %broadcast_in_dim3A_761 = vector.broadcast %broadcast_in_dim3A_760 : i32 to vector<16xi32>
      %gather3A_762 = tpu.vector_load_idx %arg11[%iota3A, %broadcast_in_dim3A_761] : memref<16x16xf32, #tpu.memory_space<vmem>>[vector<16xi32>, vector<16xi32>], vector<16xf32>,
      %broadcast_in_dim3A_763 = arith.constant 4 : i32
      %broadcast_in_dim3A_764 = vector.broadcast %broadcast_in_dim3A_763 : i32 to vector<16xi32>
      %gather3A_765 = tpu.vector_load_idx %arg11[%iota3A, %broadcast_in_dim3A_764] : memref<16x16xf32, #tpu.memory_space<vmem>>[vector<16xi32>, vector<16xi32>], vector<16xf32>,
      %broadcast_in_dim3A_766 = arith.constant 5 : i32
      %broadcast_in_dim3A_767 = vector.broadcast %broadcast_in_dim3A_766 : i32 to vector<16xi32>
      %gather3A_768 = tpu.vector_load_idx %arg11[%iota3A, %broadcast_in_dim3A_767] : memref<16x16xf32, #tpu.memory_space<vmem>>[vector<16xi32>, vector<16xi32>], vector<16xf32>,
      %broadcast_in_dim3A_769 = arith.constant 6 : i32
      %broadcast_in_dim3A_770 = vector.broadcast %broadcast_in_dim3A_769 : i32 to vector<16xi32>
      %gather3A_771 = tpu.vector_load_idx %arg11[%iota3A, %broadcast_in_dim3A_770] : memref<16x16xf32, #tpu.memory_space<vmem>>[vector<16xi32>, vector<16xi32>], vector<16xf32>,
      %broadcast_in_dim3A_772 = arith.constant 7 : i32
      %broadcast_in_dim3A_773 = vector.broadcast %broadcast_in_dim3A_772 : i32 to vector<16xi32>
      %gather3A_774 = tpu.vector_load_idx %arg11[%iota3A, %broadcast_in_dim3A_773] : memref<16x16xf32, #tpu.memory_space<vmem>>[vector<16xi32>, vector<16xi32>], vector<16xf32>,
      %broadcast_in_dim3A_775 = arith.constant 8 : i32
      %broadcast_in_dim3A_776 = vector.broadcast %broadcast_in_dim3A_775 : i32 to vector<16xi32>
      %gather3A_777 = tpu.vector_load_idx %arg11[%iota3A, %broadcast_in_dim3A_776] : memref<16x16xf32, #tpu.memory_space<vmem>>[vector<16xi32>, vector<16xi32>], vector<16xf32>,
      %broadcast_in_dim3A_778 = arith.constant 9 : i32
      %broadcast_in_dim3A_779 = vector.broadcast %broadcast_in_dim3A_778 : i32 to vector<16xi32>
      %gather3A_780 = tpu.vector_load_idx %arg11[%iota3A, %broadcast_in_dim3A_779] : memref<16x16xf32, #tpu.memory_space<vmem>>[vector<16xi32>, vector<16xi32>], vector<16xf32>,
      %broadcast_in_dim3A_781 = arith.constant 10 : i32
      %broadcast_in_dim3A_782 = vector.broadcast %broadcast_in_dim3A_781 : i32 to vector<16xi32>
      %gather3A_783 = tpu.vector_load_idx %arg11[%iota3A, %broadcast_in_dim3A_782] : memref<16x16xf32, #tpu.memory_space<vmem>>[vector<16xi32>, vector<16xi32>], vector<16xf32>,
      %broadcast_in_dim3A_784 = arith.constant 11 : i32
      %broadcast_in_dim3A_785 = vector.broadcast %broadcast_in_dim3A_784 : i32 to vector<16xi32>
      %gather3A_786 = tpu.vector_load_idx %arg11[%iota3A, %broadcast_in_dim3A_785] : memref<16x16xf32, #tpu.memory_space<vmem>>[vector<16xi32>, vector<16xi32>], vector<16xf32>,
      %broadcast_in_dim3A_787 = arith.constant 12 : i32
      %broadcast_in_dim3A_788 = vector.broadcast %broadcast_in_dim3A_787 : i32 to vector<16xi32>
      %gather3A_789 = tpu.vector_load_idx %arg11[%iota3A, %broadcast_in_dim3A_788] : memref<16x16xf32, #tpu.memory_space<vmem>>[vector<16xi32>, vector<16xi32>], vector<16xf32>,
      %broadcast_in_dim3A_790 = arith.constant 13 : i32
      %broadcast_in_dim3A_791 = vector.broadcast %broadcast_in_dim3A_790 : i32 to vector<16xi32>
      %gather3A_792 = tpu.vector_load_idx %arg11[%iota3A, %broadcast_in_dim3A_791] : memref<16x16xf32, #tpu.memory_space<vmem>>[vector<16xi32>, vector<16xi32>], vector<16xf32>,
      %broadcast_in_dim3A_793 = arith.constant 14 : i32
      %broadcast_in_dim3A_794 = vector.broadcast %broadcast_in_dim3A_793 : i32 to vector<16xi32>
      %gather3A_795 = tpu.vector_load_idx %arg11[%iota3A, %broadcast_in_dim3A_794] : memref<16x16xf32, #tpu.memory_space<vmem>>[vector<16xi32>, vector<16xi32>], vector<16xf32>,
      %broadcast_in_dim3A_796 = arith.constant 15 : i32
      %broadcast_in_dim3A_797 = vector.broadcast %broadcast_in_dim3A_796 : i32 to vector<16xi32>
      %gather3A_798 = tpu.vector_load_idx %arg11[%iota3A, %broadcast_in_dim3A_797] : memref<16x16xf32, #tpu.memory_space<vmem>>[vector<16xi32>, vector<16xi32>], vector<16xf32>,
      %add3A_799 = arith.addf %gather3A, %gather3A_756 : vector<16xf32>
      %add3A_800 = arith.addf %gather3A_759, %gather3A_762 : vector<16xf32>
      %add3A_801 = arith.addf %gather3A_765, %gather3A_768 : vector<16xf32>
      %add3A_802 = arith.addf %gather3A_771, %gather3A_774 : vector<16xf32>
      %add3A_803 = arith.addf %gather3A_777, %gather3A_780 : vector<16xf32>
      %add3A_804 = arith.addf %gather3A_783, %gather3A_786 : vector<16xf32>
      %add3A_805 = arith.addf %gather3A_789, %gather3A_792 : vector<16xf32>
      %add3A_806 = arith.addf %gather3A_795, %gather3A_798 : vector<16xf32>
      %add3A_807 = arith.addf %add3A_799, %add3A_800 : vector<16xf32>
      %add3A_808 = arith.addf %add3A_801, %add3A_802 : vector<16xf32>
      %add3A_809 = arith.addf %add3A_803, %add3A_804 : vector<16xf32>
      %add3A_810 = arith.addf %add3A_805, %add3A_806 : vector<16xf32>
      %add3A_811 = arith.addf %add3A_807, %add3A_808 : vector<16xf32>
      %add3A_812 = arith.addf %add3A_809, %add3A_810 : vector<16xf32>
      %add3A_813 = arith.addf %add3A_811, %add3A_812 : vector<16xf32>
      %add3A_814 = arith.constant 0 : i32
      %add3A_815 = vector.broadcast %add3A_814 : i32 to vector<16xi32>
      %add3A_816 = arith.addi %add3A_18, %add3A_815 : vector<16xi32>
      tpu.vector_store_idx %arg10[%add3A_816], %add3A_813 : memref<10000xf32, #tpu.memory_space<vmem>>[vector<16xi32>], vector<16xf32>,
      %get3A_817 = arith.constant 16 : i32
      %get3A_818 = arith.constant 0 : i32
      %get3A_819 = arith.constant 0 : i32
      %get3A_820 = tpu.memref_slice %arg9[%and3A_15, %get3A_818, %get3A_819] : memref<8x80x128xbf16, #tpu.memory_space<vmem>> -> memref<1x80x128xbf16, #tpu.memory_space<vmem>>
      %get3A_821 = tpu.memref_squeeze %get3A_820 : memref<1x80x128xbf16, #tpu.memory_space<vmem>> -> memref<80x128xbf16, #tpu.memory_space<vmem>>
      %get3A_822 = arith.index_cast %get3A_817 : i32 to index
      %get3A_823 = arith.constant 0 : index
      %get3A_824 = tpu.vector_load %get3A_821[%get3A_822, %get3A_823] {strides = array<i32>} : memref<80x128xbf16, #tpu.memory_space<vmem>>, vector<32xbf16>,
      %mul3A_825 = arith.mulf %get3A_824, %get3A_824 : vector<32xbf16>
      %get3A_826 = arith.constant 16 : i32
      %get3A_827 = arith.constant 0 : i32
      %get3A_828 = arith.constant 0 : i32
      %get3A_829 = tpu.memref_slice %arg9[%and3A_15, %get3A_827, %get3A_828] : memref<8x80x128xbf16, #tpu.memory_space<vmem>> -> memref<1x80x128xbf16, #tpu.memory_space<vmem>>
      %get3A_830 = tpu.memref_squeeze %get3A_829 : memref<1x80x128xbf16, #tpu.memory_space<vmem>> -> memref<80x128xbf16, #tpu.memory_space<vmem>>
      %get3A_831 = arith.index_cast %get3A_826 : i32 to index
      %get3A_832 = arith.constant 32 : index
      %get3A_833 = tpu.vector_load %get3A_830[%get3A_831, %get3A_832] {strides = array<i32>} : memref<80x128xbf16, #tpu.memory_space<vmem>>, vector<32xbf16>,
      %mul3A_834 = arith.mulf %get3A_833, %get3A_833 : vector<32xbf16>
      %add3A_835 = arith.addf %mul3A_825, %mul3A_834 : vector<32xbf16>
      %get3A_836 = arith.constant 16 : i32
      %get3A_837 = arith.constant 0 : i32
      %get3A_838 = arith.constant 0 : i32
      %get3A_839 = tpu.memref_slice %arg9[%and3A_15, %get3A_837, %get3A_838] : memref<8x80x128xbf16, #tpu.memory_space<vmem>> -> memref<1x80x128xbf16, #tpu.memory_space<vmem>>
      %get3A_840 = tpu.memref_squeeze %get3A_839 : memref<1x80x128xbf16, #tpu.memory_space<vmem>> -> memref<80x128xbf16, #tpu.memory_space<vmem>>
      %get3A_841 = arith.index_cast %get3A_836 : i32 to index
      %get3A_842 = arith.constant 64 : index
      %get3A_843 = tpu.vector_load %get3A_840[%get3A_841, %get3A_842] {strides = array<i32>} : memref<80x128xbf16, #tpu.memory_space<vmem>>, vector<32xbf16>,
      %mul3A_844 = arith.mulf %get3A_843, %get3A_843 : vector<32xbf16>
      %add3A_845 = arith.addf %add3A_835, %mul3A_844 : vector<32xbf16>
      %get3A_846 = arith.constant 16 : i32
      %get3A_847 = arith.constant 0 : i32
      %get3A_848 = arith.constant 0 : i32
      %get3A_849 = tpu.memref_slice %arg9[%and3A_15, %get3A_847, %get3A_848] : memref<8x80x128xbf16, #tpu.memory_space<vmem>> -> memref<1x80x128xbf16, #tpu.memory_space<vmem>>
      %get3A_850 = tpu.memref_squeeze %get3A_849 : memref<1x80x128xbf16, #tpu.memory_space<vmem>> -> memref<80x128xbf16, #tpu.memory_space<vmem>>
      %get3A_851 = arith.index_cast %get3A_846 : i32 to index
      %get3A_852 = arith.constant 96 : index
      %get3A_853 = tpu.vector_load %get3A_850[%get3A_851, %get3A_852] {strides = array<i32>} : memref<80x128xbf16, #tpu.memory_space<vmem>>, vector<32xbf16>,
      %mul3A_854 = arith.mulf %get3A_853, %get3A_853 : vector<32xbf16>
      %add3A_855 = arith.addf %add3A_845, %mul3A_854 : vector<32xbf16>
      %unpack3A_856 = tpu.unpack_subelements %add3A_855, 0 {pack_format = #tpu.pack_format<interleaved>} : vector<32xbf16> -> vector<16xf32>
      %unpack3A_857 = tpu.unpack_subelements %add3A_855, 1 {pack_format = #tpu.pack_format<interleaved>} : vector<32xbf16> -> vector<16xf32>
      %add3A_858 = arith.addf %unpack3A_856, %unpack3A_857 : vector<16xf32>
      %swap3A_859 = arith.constant 0 : i32
      %swap3A_860 = arith.index_cast %swap3A_859 : i32 to index
      %swap3A_861 = arith.constant 0 : index
      %swap3A_862 = tpu.vector_load %arg11[%swap3A_860, %swap3A_861] {strides = array<i32>} : memref<16x16xf32, #tpu.memory_space<vmem>>, vector<16xf32>,
      tpu.vector_store %arg11[%swap3A_860, %swap3A_861], %add3A_858 {strides = array<i32>} : memref<16x16xf32, #tpu.memory_space<vmem>>, vector<16xf32>,
      %get3A_863 = arith.constant 17 : i32
      %get3A_864 = arith.constant 0 : i32
      %get3A_865 = arith.constant 0 : i32
      %get3A_866 = tpu.memref_slice %arg9[%and3A_15, %get3A_864, %get3A_865] : memref<8x80x128xbf16, #tpu.memory_space<vmem>> -> memref<1x80x128xbf16, #tpu.memory_space<vmem>>
      %get3A_867 = tpu.memref_squeeze %get3A_866 : memref<1x80x128xbf16, #tpu.memory_space<vmem>> -> memref<80x128xbf16, #tpu.memory_space<vmem>>
      %get3A_868 = arith.index_cast %get3A_863 : i32 to index
      %get3A_869 = arith.constant 0 : index
      %get3A_870 = tpu.vector_load %get3A_867[%get3A_868, %get3A_869] {strides = array<i32>} : memref<80x128xbf16, #tpu.memory_space<vmem>>, vector<32xbf16>,
      %mul3A_871 = arith.mulf %get3A_870, %get3A_870 : vector<32xbf16>
      %get3A_872 = arith.constant 17 : i32
      %get3A_873 = arith.constant 0 : i32
      %get3A_874 = arith.constant 0 : i32
      %get3A_875 = tpu.memref_slice %arg9[%and3A_15, %get3A_873, %get3A_874] : memref<8x80x128xbf16, #tpu.memory_space<vmem>> -> memref<1x80x128xbf16, #tpu.memory_space<vmem>>
      %get3A_876 = tpu.memref_squeeze %get3A_875 : memref<1x80x128xbf16, #tpu.memory_space<vmem>> -> memref<80x128xbf16, #tpu.memory_space<vmem>>
      %get3A_877 = arith.index_cast %get3A_872 : i32 to index
      %get3A_878 = arith.constant 32 : index
      %get3A_879 = tpu.vector_load %get3A_876[%get3A_877, %get3A_878] {strides = array<i32>} : memref<80x128xbf16, #tpu.memory_space<vmem>>, vector<32xbf16>,
      %mul3A_880 = arith.mulf %get3A_879, %get3A_879 : vector<32xbf16>
      %add3A_881 = arith.addf %mul3A_871, %mul3A_880 : vector<32xbf16>
      %get3A_882 = arith.constant 17 : i32
      %get3A_883 = arith.constant 0 : i32
      %get3A_884 = arith.constant 0 : i32
      %get3A_885 = tpu.memref_slice %arg9[%and3A_15, %get3A_883, %get3A_884] : memref<8x80x128xbf16, #tpu.memory_space<vmem>> -> memref<1x80x128xbf16, #tpu.memory_space<vmem>>
      %get3A_886 = tpu.memref_squeeze %get3A_885 : memref<1x80x128xbf16, #tpu.memory_space<vmem>> -> memref<80x128xbf16, #tpu.memory_space<vmem>>
      %get3A_887 = arith.index_cast %get3A_882 : i32 to index
      %get3A_888 = arith.constant 64 : index
      %get3A_889 = tpu.vector_load %get3A_886[%get3A_887, %get3A_888] {strides = array<i32>} : memref<80x128xbf16, #tpu.memory_space<vmem>>, vector<32xbf16>,
      %mul3A_890 = arith.mulf %get3A_889, %get3A_889 : vector<32xbf16>
      %add3A_891 = arith.addf %add3A_881, %mul3A_890 : vector<32xbf16>
      %get3A_892 = arith.constant 17 : i32
      %get3A_893 = arith.constant 0 : i32
      %get3A_894 = arith.constant 0 : i32
      %get3A_895 = tpu.memref_slice %arg9[%and3A_15, %get3A_893, %get3A_894] : memref<8x80x128xbf16, #tpu.memory_space<vmem>> -> memref<1x80x128xbf16, #tpu.memory_space<vmem>>
      %get3A_896 = tpu.memref_squeeze %get3A_895 : memref<1x80x128xbf16, #tpu.memory_space<vmem>> -> memref<80x128xbf16, #tpu.memory_space<vmem>>
      %get3A_897 = arith.index_cast %get3A_892 : i32 to index
      %get3A_898 = arith.constant 96 : index
      %get3A_899 = tpu.vector_load %get3A_896[%get3A_897, %get3A_898] {strides = array<i32>} : memref<80x128xbf16, #tpu.memory_space<vmem>>, vector<32xbf16>,
      %mul3A_900 = arith.mulf %get3A_899, %get3A_899 : vector<32xbf16>
      %add3A_901 = arith.addf %add3A_891, %mul3A_900 : vector<32xbf16>
      %unpack3A_902 = tpu.unpack_subelements %add3A_901, 0 {pack_format = #tpu.pack_format<interleaved>} : vector<32xbf16> -> vector<16xf32>
      %unpack3A_903 = tpu.unpack_subelements %add3A_901, 1 {pack_format = #tpu.pack_format<interleaved>} : vector<32xbf16> -> vector<16xf32>
      %add3A_904 = arith.addf %unpack3A_902, %unpack3A_903 : vector<16xf32>
      %swap3A_905 = arith.constant 1 : i32
      %swap3A_906 = arith.index_cast %swap3A_905 : i32 to index
      %swap3A_907 = arith.constant 0 : index
      %swap3A_908 = tpu.vector_load %arg11[%swap3A_906, %swap3A_907] {strides = array<i32>} : memref<16x16xf32, #tpu.memory_space<vmem>>, vector<16xf32>,
      tpu.vector_store %arg11[%swap3A_906, %swap3A_907], %add3A_904 {strides = array<i32>} : memref<16x16xf32, #tpu.memory_space<vmem>>, vector<16xf32>,
      %get3A_909 = arith.constant 18 : i32
      %get3A_910 = arith.constant 0 : i32
      %get3A_911 = arith.constant 0 : i32
      %get3A_912 = tpu.memref_slice %arg9[%and3A_15, %get3A_910, %get3A_911] : memref<8x80x128xbf16, #tpu.memory_space<vmem>> -> memref<1x80x128xbf16, #tpu.memory_space<vmem>>
      %get3A_913 = tpu.memref_squeeze %get3A_912 : memref<1x80x128xbf16, #tpu.memory_space<vmem>> -> memref<80x128xbf16, #tpu.memory_space<vmem>>
      %get3A_914 = arith.index_cast %get3A_909 : i32 to index
      %get3A_915 = arith.constant 0 : index
      %get3A_916 = tpu.vector_load %get3A_913[%get3A_914, %get3A_915] {strides = array<i32>} : memref<80x128xbf16, #tpu.memory_space<vmem>>, vector<32xbf16>,
      %mul3A_917 = arith.mulf %get3A_916, %get3A_916 : vector<32xbf16>
      %get3A_918 = arith.constant 18 : i32
      %get3A_919 = arith.constant 0 : i32
      %get3A_920 = arith.constant 0 : i32
      %get3A_921 = tpu.memref_slice %arg9[%and3A_15, %get3A_919, %get3A_920] : memref<8x80x128xbf16, #tpu.memory_space<vmem>> -> memref<1x80x128xbf16, #tpu.memory_space<vmem>>
      %get3A_922 = tpu.memref_squeeze %get3A_921 : memref<1x80x128xbf16, #tpu.memory_space<vmem>> -> memref<80x128xbf16, #tpu.memory_space<vmem>>
      %get3A_923 = arith.index_cast %get3A_918 : i32 to index
      %get3A_924 = arith.constant 32 : index
      %get3A_925 = tpu.vector_load %get3A_922[%get3A_923, %get3A_924] {strides = array<i32>} : memref<80x128xbf16, #tpu.memory_space<vmem>>, vector<32xbf16>,
      %mul3A_926 = arith.mulf %get3A_925, %get3A_925 : vector<32xbf16>
      %add3A_927 = arith.addf %mul3A_917, %mul3A_926 : vector<32xbf16>
      %get3A_928 = arith.constant 18 : i32
      %get3A_929 = arith.constant 0 : i32
      %get3A_930 = arith.constant 0 : i32
      %get3A_931 = tpu.memref_slice %arg9[%and3A_15, %get3A_929, %get3A_930] : memref<8x80x128xbf16, #tpu.memory_space<vmem>> -> memref<1x80x128xbf16, #tpu.memory_space<vmem>>
      %get3A_932 = tpu.memref_squeeze %get3A_931 : memref<1x80x128xbf16, #tpu.memory_space<vmem>> -> memref<80x128xbf16, #tpu.memory_space<vmem>>
      %get3A_933 = arith.index_cast %get3A_928 : i32 to index
      %get3A_934 = arith.constant 64 : index
      %get3A_935 = tpu.vector_load %get3A_932[%get3A_933, %get3A_934] {strides = array<i32>} : memref<80x128xbf16, #tpu.memory_space<vmem>>, vector<32xbf16>,
      %mul3A_936 = arith.mulf %get3A_935, %get3A_935 : vector<32xbf16>
      %add3A_937 = arith.addf %add3A_927, %mul3A_936 : vector<32xbf16>
      %get3A_938 = arith.constant 18 : i32
      %get3A_939 = arith.constant 0 : i32
      %get3A_940 = arith.constant 0 : i32
      %get3A_941 = tpu.memref_slice %arg9[%and3A_15, %get3A_939, %get3A_940] : memref<8x80x128xbf16, #tpu.memory_space<vmem>> -> memref<1x80x128xbf16, #tpu.memory_space<vmem>>
      %get3A_942 = tpu.memref_squeeze %get3A_941 : memref<1x80x128xbf16, #tpu.memory_space<vmem>> -> memref<80x128xbf16, #tpu.memory_space<vmem>>
      %get3A_943 = arith.index_cast %get3A_938 : i32 to index
      %get3A_944 = arith.constant 96 : index
      %get3A_945 = tpu.vector_load %get3A_942[%get3A_943, %get3A_944] {strides = array<i32>} : memref<80x128xbf16, #tpu.memory_space<vmem>>, vector<32xbf16>,
      %mul3A_946 = arith.mulf %get3A_945, %get3A_945 : vector<32xbf16>
      %add3A_947 = arith.addf %add3A_937, %mul3A_946 : vector<32xbf16>
      %unpack3A_948 = tpu.unpack_subelements %add3A_947, 0 {pack_format = #tpu.pack_format<interleaved>} : vector<32xbf16> -> vector<16xf32>
      %unpack3A_949 = tpu.unpack_subelements %add3A_947, 1 {pack_format = #tpu.pack_format<interleaved>} : vector<32xbf16> -> vector<16xf32>
      %add3A_950 = arith.addf %unpack3A_948, %unpack3A_949 : vector<16xf32>
      %swap3A_951 = arith.constant 2 : i32
      %swap3A_952 = arith.index_cast %swap3A_951 : i32 to index
      %swap3A_953 = arith.constant 0 : index
      %swap3A_954 = tpu.vector_load %arg11[%swap3A_952, %swap3A_953] {strides = array<i32>} : memref<16x16xf32, #tpu.memory_space<vmem>>, vector<16xf32>,
      tpu.vector_store %arg11[%swap3A_952, %swap3A_953], %add3A_950 {strides = array<i32>} : memref<16x16xf32, #tpu.memory_space<vmem>>, vector<16xf32>,
      %get3A_955 = arith.constant 19 : i32
      %get3A_956 = arith.constant 0 : i32
      %get3A_957 = arith.constant 0 : i32
      %get3A_958 = tpu.memref_slice %arg9[%and3A_15, %get3A_956, %get3A_957] : memref<8x80x128xbf16, #tpu.memory_space<vmem>> -> memref<1x80x128xbf16, #tpu.memory_space<vmem>>
      %get3A_959 = tpu.memref_squeeze %get3A_958 : memref<1x80x128xbf16, #tpu.memory_space<vmem>> -> memref<80x128xbf16, #tpu.memory_space<vmem>>
      %get3A_960 = arith.index_cast %get3A_955 : i32 to index
      %get3A_961 = arith.constant 0 : index
      %get3A_962 = tpu.vector_load %get3A_959[%get3A_960, %get3A_961] {strides = array<i32>} : memref<80x128xbf16, #tpu.memory_space<vmem>>, vector<32xbf16>,
      %mul3A_963 = arith.mulf %get3A_962, %get3A_962 : vector<32xbf16>
      %get3A_964 = arith.constant 19 : i32
      %get3A_965 = arith.constant 0 : i32
      %get3A_966 = arith.constant 0 : i32
      %get3A_967 = tpu.memref_slice %arg9[%and3A_15, %get3A_965, %get3A_966] : memref<8x80x128xbf16, #tpu.memory_space<vmem>> -> memref<1x80x128xbf16, #tpu.memory_space<vmem>>
      %get3A_968 = tpu.memref_squeeze %get3A_967 : memref<1x80x128xbf16, #tpu.memory_space<vmem>> -> memref<80x128xbf16, #tpu.memory_space<vmem>>
      %get3A_969 = arith.index_cast %get3A_964 : i32 to index
      %get3A_970 = arith.constant 32 : index
      %get3A_971 = tpu.vector_load %get3A_968[%get3A_969, %get3A_970] {strides = array<i32>} : memref<80x128xbf16, #tpu.memory_space<vmem>>, vector<32xbf16>,
      %mul3A_972 = arith.mulf %get3A_971, %get3A_971 : vector<32xbf16>
      %add3A_973 = arith.addf %mul3A_963, %mul3A_972 : vector<32xbf16>
      %get3A_974 = arith.constant 19 : i32
      %get3A_975 = arith.constant 0 : i32
      %get3A_976 = arith.constant 0 : i32
      %get3A_977 = tpu.memref_slice %arg9[%and3A_15, %get3A_975, %get3A_976] : memref<8x80x128xbf16, #tpu.memory_space<vmem>> -> memref<1x80x128xbf16, #tpu.memory_space<vmem>>
      %get3A_978 = tpu.memref_squeeze %get3A_977 : memref<1x80x128xbf16, #tpu.memory_space<vmem>> -> memref<80x128xbf16, #tpu.memory_space<vmem>>
      %get3A_979 = arith.index_cast %get3A_974 : i32 to index
      %get3A_980 = arith.constant 64 : index
      %get3A_981 = tpu.vector_load %get3A_978[%get3A_979, %get3A_980] {strides = array<i32>} : memref<80x128xbf16, #tpu.memory_space<vmem>>, vector<32xbf16>,
      %mul3A_982 = arith.mulf %get3A_981, %get3A_981 : vector<32xbf16>
      %add3A_983 = arith.addf %add3A_973, %mul3A_982 : vector<32xbf16>
      %get3A_984 = arith.constant 19 : i32
      %get3A_985 = arith.constant 0 : i32
      %get3A_986 = arith.constant 0 : i32
      %get3A_987 = tpu.memref_slice %arg9[%and3A_15, %get3A_985, %get3A_986] : memref<8x80x128xbf16, #tpu.memory_space<vmem>> -> memref<1x80x128xbf16, #tpu.memory_space<vmem>>
      %get3A_988 = tpu.memref_squeeze %get3A_987 : memref<1x80x128xbf16, #tpu.memory_space<vmem>> -> memref<80x128xbf16, #tpu.memory_space<vmem>>
      %get3A_989 = arith.index_cast %get3A_984 : i32 to index
      %get3A_990 = arith.constant 96 : index
      %get3A_991 = tpu.vector_load %get3A_988[%get3A_989, %get3A_990] {strides = array<i32>} : memref<80x128xbf16, #tpu.memory_space<vmem>>, vector<32xbf16>,
      %mul3A_992 = arith.mulf %get3A_991, %get3A_991 : vector<32xbf16>
      %add3A_993 = arith.addf %add3A_983, %mul3A_992 : vector<32xbf16>
      %unpack3A_994 = tpu.unpack_subelements %add3A_993, 0 {pack_format = #tpu.pack_format<interleaved>} : vector<32xbf16> -> vector<16xf32>
      %unpack3A_995 = tpu.unpack_subelements %add3A_993, 1 {pack_format = #tpu.pack_format<interleaved>} : vector<32xbf16> -> vector<16xf32>
      %add3A_996 = arith.addf %unpack3A_994, %unpack3A_995 : vector<16xf32>
      %swap3A_997 = arith.constant 3 : i32
      %swap3A_998 = arith.index_cast %swap3A_997 : i32 to index
      %swap3A_999 = arith.constant 0 : index
      %swap3A_1000 = tpu.vector_load %arg11[%swap3A_998, %swap3A_999] {strides = array<i32>} : memref<16x16xf32, #tpu.memory_space<vmem>>, vector<16xf32>,
      tpu.vector_store %arg11[%swap3A_998, %swap3A_999], %add3A_996 {strides = array<i32>} : memref<16x16xf32, #tpu.memory_space<vmem>>, vector<16xf32>,
      %get3A_1001 = arith.constant 20 : i32
      %get3A_1002 = arith.constant 0 : i32
      %get3A_1003 = arith.constant 0 : i32
      %get3A_1004 = tpu.memref_slice %arg9[%and3A_15, %get3A_1002, %get3A_1003] : memref<8x80x128xbf16, #tpu.memory_space<vmem>> -> memref<1x80x128xbf16, #tpu.memory_space<vmem>>
      %get3A_1005 = tpu.memref_squeeze %get3A_1004 : memref<1x80x128xbf16, #tpu.memory_space<vmem>> -> memref<80x128xbf16, #tpu.memory_space<vmem>>
      %get3A_1006 = arith.index_cast %get3A_1001 : i32 to index
      %get3A_1007 = arith.constant 0 : index
      %get3A_1008 = tpu.vector_load %get3A_1005[%get3A_1006, %get3A_1007] {strides = array<i32>} : memref<80x128xbf16, #tpu.memory_space<vmem>>, vector<32xbf16>,
      %mul3A_1009 = arith.mulf %get3A_1008, %get3A_1008 : vector<32xbf16>
      %get3A_1010 = arith.constant 20 : i32
      %get3A_1011 = arith.constant 0 : i32
      %get3A_1012 = arith.constant 0 : i32
      %get3A_1013 = tpu.memref_slice %arg9[%and3A_15, %get3A_1011, %get3A_1012] : memref<8x80x128xbf16, #tpu.memory_space<vmem>> -> memref<1x80x128xbf16, #tpu.memory_space<vmem>>
      %get3A_1014 = tpu.memref_squeeze %get3A_1013 : memref<1x80x128xbf16, #tpu.memory_space<vmem>> -> memref<80x128xbf16, #tpu.memory_space<vmem>>
      %get3A_1015 = arith.index_cast %get3A_1010 : i32 to index
      %get3A_1016 = arith.constant 32 : index
      %get3A_1017 = tpu.vector_load %get3A_1014[%get3A_1015, %get3A_1016] {strides = array<i32>} : memref<80x128xbf16, #tpu.memory_space<vmem>>, vector<32xbf16>,
      %mul3A_1018 = arith.mulf %get3A_1017, %get3A_1017 : vector<32xbf16>
      %add3A_1019 = arith.addf %mul3A_1009, %mul3A_1018 : vector<32xbf16>
      %get3A_1020 = arith.constant 20 : i32
      %get3A_1021 = arith.constant 0 : i32
      %get3A_1022 = arith.constant 0 : i32
      %get3A_1023 = tpu.memref_slice %arg9[%and3A_15, %get3A_1021, %get3A_1022] : memref<8x80x128xbf16, #tpu.memory_space<vmem>> -> memref<1x80x128xbf16, #tpu.memory_space<vmem>>
      %get3A_1024 = tpu.memref_squeeze %get3A_1023 : memref<1x80x128xbf16, #tpu.memory_space<vmem>> -> memref<80x128xbf16, #tpu.memory_space<vmem>>
      %get3A_1025 = arith.index_cast %get3A_1020 : i32 to index
      %get3A_1026 = arith.constant 64 : index
      %get3A_1027 = tpu.vector_load %get3A_1024[%get3A_1025, %get3A_1026] {strides = array<i32>} : memref<80x128xbf16, #tpu.memory_space<vmem>>, vector<32xbf16>,
      %mul3A_1028 = arith.mulf %get3A_1027, %get3A_1027 : vector<32xbf16>
      %add3A_1029 = arith.addf %add3A_1019, %mul3A_1028 : vector<32xbf16>
      %get3A_1030 = arith.constant 20 : i32
      %get3A_1031 = arith.constant 0 : i32
      %get3A_1032 = arith.constant 0 : i32
      %get3A_1033 = tpu.memref_slice %arg9[%and3A_15, %get3A_1031, %get3A_1032] : memref<8x80x128xbf16, #tpu.memory_space<vmem>> -> memref<1x80x128xbf16, #tpu.memory_space<vmem>>
      %get3A_1034 = tpu.memref_squeeze %get3A_1033 : memref<1x80x128xbf16, #tpu.memory_space<vmem>> -> memref<80x128xbf16, #tpu.memory_space<vmem>>
      %get3A_1035 = arith.index_cast %get3A_1030 : i32 to index
      %get3A_1036 = arith.constant 96 : index
      %get3A_1037 = tpu.vector_load %get3A_1034[%get3A_1035, %get3A_1036] {strides = array<i32>} : memref<80x128xbf16, #tpu.memory_space<vmem>>, vector<32xbf16>,
      %mul3A_1038 = arith.mulf %get3A_1037, %get3A_1037 : vector<32xbf16>
      %add3A_1039 = arith.addf %add3A_1029, %mul3A_1038 : vector<32xbf16>
      %unpack3A_1040 = tpu.unpack_subelements %add3A_1039, 0 {pack_format = #tpu.pack_format<interleaved>} : vector<32xbf16> -> vector<16xf32>
      %unpack3A_1041 = tpu.unpack_subelements %add3A_1039, 1 {pack_format = #tpu.pack_format<interleaved>} : vector<32xbf16> -> vector<16xf32>
      %add3A_1042 = arith.addf %unpack3A_1040, %unpack3A_1041 : vector<16xf32>
      %swap3A_1043 = arith.constant 4 : i32
      %swap3A_1044 = arith.index_cast %swap3A_1043 : i32 to index
      %swap3A_1045 = arith.constant 0 : index
      %swap3A_1046 = tpu.vector_load %arg11[%swap3A_1044, %swap3A_1045] {strides = array<i32>} : memref<16x16xf32, #tpu.memory_space<vmem>>, vector<16xf32>,
      tpu.vector_store %arg11[%swap3A_1044, %swap3A_1045], %add3A_1042 {strides = array<i32>} : memref<16x16xf32, #tpu.memory_space<vmem>>, vector<16xf32>,
      %get3A_1047 = arith.constant 21 : i32
      %get3A_1048 = arith.constant 0 : i32
      %get3A_1049 = arith.constant 0 : i32
      %get3A_1050 = tpu.memref_slice %arg9[%and3A_15, %get3A_1048, %get3A_1049] : memref<8x80x128xbf16, #tpu.memory_space<vmem>> -> memref<1x80x128xbf16, #tpu.memory_space<vmem>>
      %get3A_1051 = tpu.memref_squeeze %get3A_1050 : memref<1x80x128xbf16, #tpu.memory_space<vmem>> -> memref<80x128xbf16, #tpu.memory_space<vmem>>
      %get3A_1052 = arith.index_cast %get3A_1047 : i32 to index
      %get3A_1053 = arith.constant 0 : index
      %get3A_1054 = tpu.vector_load %get3A_1051[%get3A_1052, %get3A_1053] {strides = array<i32>} : memref<80x128xbf16, #tpu.memory_space<vmem>>, vector<32xbf16>,
      %mul3A_1055 = arith.mulf %get3A_1054, %get3A_1054 : vector<32xbf16>
      %get3A_1056 = arith.constant 21 : i32
      %get3A_1057 = arith.constant 0 : i32
      %get3A_1058 = arith.constant 0 : i32
      %get3A_1059 = tpu.memref_slice %arg9[%and3A_15, %get3A_1057, %get3A_1058] : memref<8x80x128xbf16, #tpu.memory_space<vmem>> -> memref<1x80x128xbf16, #tpu.memory_space<vmem>>
      %get3A_1060 = tpu.memref_squeeze %get3A_1059 : memref<1x80x128xbf16, #tpu.memory_space<vmem>> -> memref<80x128xbf16, #tpu.memory_space<vmem>>
      %get3A_1061 = arith.index_cast %get3A_1056 : i32 to index
      %get3A_1062 = arith.constant 32 : index
      %get3A_1063 = tpu.vector_load %get3A_1060[%get3A_1061, %get3A_1062] {strides = array<i32>} : memref<80x128xbf16, #tpu.memory_space<vmem>>, vector<32xbf16>,
      %mul3A_1064 = arith.mulf %get3A_1063, %get3A_1063 : vector<32xbf16>
      %add3A_1065 = arith.addf %mul3A_1055, %mul3A_1064 : vector<32xbf16>
      %get3A_1066 = arith.constant 21 : i32
      %get3A_1067 = arith.constant 0 : i32
      %get3A_1068 = arith.constant 0 : i32
      %get3A_1069 = tpu.memref_slice %arg9[%and3A_15, %get3A_1067, %get3A_1068] : memref<8x80x128xbf16, #tpu.memory_space<vmem>> -> memref<1x80x128xbf16, #tpu.memory_space<vmem>>
      %get3A_1070 = tpu.memref_squeeze %get3A_1069 : memref<1x80x128xbf16, #tpu.memory_space<vmem>> -> memref<80x128xbf16, #tpu.memory_space<vmem>>
      %get3A_1071 = arith.index_cast %get3A_1066 : i32 to index
      %get3A_1072 = arith.constant 64 : index
      %get3A_1073 = tpu.vector_load %get3A_1070[%get3A_1071, %get3A_1072] {strides = array<i32>} : memref<80x128xbf16, #tpu.memory_space<vmem>>, vector<32xbf16>,
      %mul3A_1074 = arith.mulf %get3A_1073, %get3A_1073 : vector<32xbf16>
      %add3A_1075 = arith.addf %add3A_1065, %mul3A_1074 : vector<32xbf16>
      %get3A_1076 = arith.constant 21 : i32
      %get3A_1077 = arith.constant 0 : i32
      %get3A_1078 = arith.constant 0 : i32
      %get3A_1079 = tpu.memref_slice %arg9[%and3A_15, %get3A_1077, %get3A_1078] : memref<8x80x128xbf16, #tpu.memory_space<vmem>> -> memref<1x80x128xbf16, #tpu.memory_space<vmem>>
      %get3A_1080 = tpu.memref_squeeze %get3A_1079 : memref<1x80x128xbf16, #tpu.memory_space<vmem>> -> memref<80x128xbf16, #tpu.memory_space<vmem>>
      %get3A_1081 = arith.index_cast %get3A_1076 : i32 to index
      %get3A_1082 = arith.constant 96 : index
      %get3A_1083 = tpu.vector_load %get3A_1080[%get3A_1081, %get3A_1082] {strides = array<i32>} : memref<80x128xbf16, #tpu.memory_space<vmem>>, vector<32xbf16>,
      %mul3A_1084 = arith.mulf %get3A_1083, %get3A_1083 : vector<32xbf16>
      %add3A_1085 = arith.addf %add3A_1075, %mul3A_1084 : vector<32xbf16>
      %unpack3A_1086 = tpu.unpack_subelements %add3A_1085, 0 {pack_format = #tpu.pack_format<interleaved>} : vector<32xbf16> -> vector<16xf32>
      %unpack3A_1087 = tpu.unpack_subelements %add3A_1085, 1 {pack_format = #tpu.pack_format<interleaved>} : vector<32xbf16> -> vector<16xf32>
      %add3A_1088 = arith.addf %unpack3A_1086, %unpack3A_1087 : vector<16xf32>
      %swap3A_1089 = arith.constant 5 : i32
      %swap3A_1090 = arith.index_cast %swap3A_1089 : i32 to index
      %swap3A_1091 = arith.constant 0 : index
      %swap3A_1092 = tpu.vector_load %arg11[%swap3A_1090, %swap3A_1091] {strides = array<i32>} : memref<16x16xf32, #tpu.memory_space<vmem>>, vector<16xf32>,
      tpu.vector_store %arg11[%swap3A_1090, %swap3A_1091], %add3A_1088 {strides = array<i32>} : memref<16x16xf32, #tpu.memory_space<vmem>>, vector<16xf32>,
      %get3A_1093 = arith.constant 22 : i32
      %get3A_1094 = arith.constant 0 : i32
      %get3A_1095 = arith.constant 0 : i32
      %get3A_1096 = tpu.memref_slice %arg9[%and3A_15, %get3A_1094, %get3A_1095] : memref<8x80x128xbf16, #tpu.memory_space<vmem>> -> memref<1x80x128xbf16, #tpu.memory_space<vmem>>
      %get3A_1097 = tpu.memref_squeeze %get3A_1096 : memref<1x80x128xbf16, #tpu.memory_space<vmem>> -> memref<80x128xbf16, #tpu.memory_space<vmem>>
      %get3A_1098 = arith.index_cast %get3A_1093 : i32 to index
      %get3A_1099 = arith.constant 0 : index
      %get3A_1100 = tpu.vector_load %get3A_1097[%get3A_1098, %get3A_1099] {strides = array<i32>} : memref<80x128xbf16, #tpu.memory_space<vmem>>, vector<32xbf16>,
      %mul3A_1101 = arith.mulf %get3A_1100, %get3A_1100 : vector<32xbf16>
      %get3A_1102 = arith.constant 22 : i32
      %get3A_1103 = arith.constant 0 : i32
      %get3A_1104 = arith.constant 0 : i32
      %get3A_1105 = tpu.memref_slice %arg9[%and3A_15, %get3A_1103, %get3A_1104] : memref<8x80x128xbf16, #tpu.memory_space<vmem>> -> memref<1x80x128xbf16, #tpu.memory_space<vmem>>
      %get3A_1106 = tpu.memref_squeeze %get3A_1105 : memref<1x80x128xbf16, #tpu.memory_space<vmem>> -> memref<80x128xbf16, #tpu.memory_space<vmem>>
      %get3A_1107 = arith.index_cast %get3A_1102 : i32 to index
      %get3A_1108 = arith.constant 32 : index
      %get3A_1109 = tpu.vector_load %get3A_1106[%get3A_1107, %get3A_1108] {strides = array<i32>} : memref<80x128xbf16, #tpu.memory_space<vmem>>, vector<32xbf16>,
      %mul3A_1110 = arith.mulf %get3A_1109, %get3A_1109 : vector<32xbf16>
      %add3A_1111 = arith.addf %mul3A_1101, %mul3A_1110 : vector<32xbf16>
      %get3A_1112 = arith.constant 22 : i32
      %get3A_1113 = arith.constant 0 : i32
      %get3A_1114 = arith.constant 0 : i32
      %get3A_1115 = tpu.memref_slice %arg9[%and3A_15, %get3A_1113, %get3A_1114] : memref<8x80x128xbf16, #tpu.memory_space<vmem>> -> memref<1x80x128xbf16, #tpu.memory_space<vmem>>
      %get3A_1116 = tpu.memref_squeeze %get3A_1115 : memref<1x80x128xbf16, #tpu.memory_space<vmem>> -> memref<80x128xbf16, #tpu.memory_space<vmem>>
      %get3A_1117 = arith.index_cast %get3A_1112 : i32 to index
      %get3A_1118 = arith.constant 64 : index
      %get3A_1119 = tpu.vector_load %get3A_1116[%get3A_1117, %get3A_1118] {strides = array<i32>} : memref<80x128xbf16, #tpu.memory_space<vmem>>, vector<32xbf16>,
      %mul3A_1120 = arith.mulf %get3A_1119, %get3A_1119 : vector<32xbf16>
      %add3A_1121 = arith.addf %add3A_1111, %mul3A_1120 : vector<32xbf16>
      %get3A_1122 = arith.constant 22 : i32
      %get3A_1123 = arith.constant 0 : i32
      %get3A_1124 = arith.constant 0 : i32
      %get3A_1125 = tpu.memref_slice %arg9[%and3A_15, %get3A_1123, %get3A_1124] : memref<8x80x128xbf16, #tpu.memory_space<vmem>> -> memref<1x80x128xbf16, #tpu.memory_space<vmem>>
      %get3A_1126 = tpu.memref_squeeze %get3A_1125 : memref<1x80x128xbf16, #tpu.memory_space<vmem>> -> memref<80x128xbf16, #tpu.memory_space<vmem>>
      %get3A_1127 = arith.index_cast %get3A_1122 : i32 to index
      %get3A_1128 = arith.constant 96 : index
      %get3A_1129 = tpu.vector_load %get3A_1126[%get3A_1127, %get3A_1128] {strides = array<i32>} : memref<80x128xbf16, #tpu.memory_space<vmem>>, vector<32xbf16>,
      %mul3A_1130 = arith.mulf %get3A_1129, %get3A_1129 : vector<32xbf16>
      %add3A_1131 = arith.addf %add3A_1121, %mul3A_1130 : vector<32xbf16>
      %unpack3A_1132 = tpu.unpack_subelements %add3A_1131, 0 {pack_format = #tpu.pack_format<interleaved>} : vector<32xbf16> -> vector<16xf32>
      %unpack3A_1133 = tpu.unpack_subelements %add3A_1131, 1 {pack_format = #tpu.pack_format<interleaved>} : vector<32xbf16> -> vector<16xf32>
      %add3A_1134 = arith.addf %unpack3A_1132, %unpack3A_1133 : vector<16xf32>
      %swap3A_1135 = arith.constant 6 : i32
      %swap3A_1136 = arith.index_cast %swap3A_1135 : i32 to index
      %swap3A_1137 = arith.constant 0 : index
      %swap3A_1138 = tpu.vector_load %arg11[%swap3A_1136, %swap3A_1137] {strides = array<i32>} : memref<16x16xf32, #tpu.memory_space<vmem>>, vector<16xf32>,
      tpu.vector_store %arg11[%swap3A_1136, %swap3A_1137], %add3A_1134 {strides = array<i32>} : memref<16x16xf32, #tpu.memory_space<vmem>>, vector<16xf32>,
      %get3A_1139 = arith.constant 23 : i32
      %get3A_1140 = arith.constant 0 : i32
      %get3A_1141 = arith.constant 0 : i32
      %get3A_1142 = tpu.memref_slice %arg9[%and3A_15, %get3A_1140, %get3A_1141] : memref<8x80x128xbf16, #tpu.memory_space<vmem>> -> memref<1x80x128xbf16, #tpu.memory_space<vmem>>
      %get3A_1143 = tpu.memref_squeeze %get3A_1142 : memref<1x80x128xbf16, #tpu.memory_space<vmem>> -> memref<80x128xbf16, #tpu.memory_space<vmem>>
      %get3A_1144 = arith.index_cast %get3A_1139 : i32 to index
      %get3A_1145 = arith.constant 0 : index
      %get3A_1146 = tpu.vector_load %get3A_1143[%get3A_1144, %get3A_1145] {strides = array<i32>} : memref<80x128xbf16, #tpu.memory_space<vmem>>, vector<32xbf16>,
      %mul3A_1147 = arith.mulf %get3A_1146, %get3A_1146 : vector<32xbf16>
      %get3A_1148 = arith.constant 23 : i32
      %get3A_1149 = arith.constant 0 : i32
      %get3A_1150 = arith.constant 0 : i32
      %get3A_1151 = tpu.memref_slice %arg9[%and3A_15, %get3A_1149, %get3A_1150] : memref<8x80x128xbf16, #tpu.memory_space<vmem>> -> memref<1x80x128xbf16, #tpu.memory_space<vmem>>
      %get3A_1152 = tpu.memref_squeeze %get3A_1151 : memref<1x80x128xbf16, #tpu.memory_space<vmem>> -> memref<80x128xbf16, #tpu.memory_space<vmem>>
      %get3A_1153 = arith.index_cast %get3A_1148 : i32 to index
      %get3A_1154 = arith.constant 32 : index
      %get3A_1155 = tpu.vector_load %get3A_1152[%get3A_1153, %get3A_1154] {strides = array<i32>} : memref<80x128xbf16, #tpu.memory_space<vmem>>, vector<32xbf16>,
      %mul3A_1156 = arith.mulf %get3A_1155, %get3A_1155 : vector<32xbf16>
      %add3A_1157 = arith.addf %mul3A_1147, %mul3A_1156 : vector<32xbf16>
      %get3A_1158 = arith.constant 23 : i32
      %get3A_1159 = arith.constant 0 : i32
      %get3A_1160 = arith.constant 0 : i32
      %get3A_1161 = tpu.memref_slice %arg9[%and3A_15, %get3A_1159, %get3A_1160] : memref<8x80x128xbf16, #tpu.memory_space<vmem>> -> memref<1x80x128xbf16, #tpu.memory_space<vmem>>
      %get3A_1162 = tpu.memref_squeeze %get3A_1161 : memref<1x80x128xbf16, #tpu.memory_space<vmem>> -> memref<80x128xbf16, #tpu.memory_space<vmem>>
      %get3A_1163 = arith.index_cast %get3A_1158 : i32 to index
      %get3A_1164 = arith.constant 64 : index
      %get3A_1165 = tpu.vector_load %get3A_1162[%get3A_1163, %get3A_1164] {strides = array<i32>} : memref<80x128xbf16, #tpu.memory_space<vmem>>, vector<32xbf16>,
      %mul3A_1166 = arith.mulf %get3A_1165, %get3A_1165 : vector<32xbf16>
      %add3A_1167 = arith.addf %add3A_1157, %mul3A_1166 : vector<32xbf16>
      %get3A_1168 = arith.constant 23 : i32
      %get3A_1169 = arith.constant 0 : i32
      %get3A_1170 = arith.constant 0 : i32
      %get3A_1171 = tpu.memref_slice %arg9[%and3A_15, %get3A_1169, %get3A_1170] : memref<8x80x128xbf16, #tpu.memory_space<vmem>> -> memref<1x80x128xbf16, #tpu.memory_space<vmem>>
      %get3A_1172 = tpu.memref_squeeze %get3A_1171 : memref<1x80x128xbf16, #tpu.memory_space<vmem>> -> memref<80x128xbf16, #tpu.memory_space<vmem>>
      %get3A_1173 = arith.index_cast %get3A_1168 : i32 to index
      %get3A_1174 = arith.constant 96 : index
      %get3A_1175 = tpu.vector_load %get3A_1172[%get3A_1173, %get3A_1174] {strides = array<i32>} : memref<80x128xbf16, #tpu.memory_space<vmem>>, vector<32xbf16>,
      %mul3A_1176 = arith.mulf %get3A_1175, %get3A_1175 : vector<32xbf16>
      %add3A_1177 = arith.addf %add3A_1167, %mul3A_1176 : vector<32xbf16>
      %unpack3A_1178 = tpu.unpack_subelements %add3A_1177, 0 {pack_format = #tpu.pack_format<interleaved>} : vector<32xbf16> -> vector<16xf32>
      %unpack3A_1179 = tpu.unpack_subelements %add3A_1177, 1 {pack_format = #tpu.pack_format<interleaved>} : vector<32xbf16> -> vector<16xf32>
      %add3A_1180 = arith.addf %unpack3A_1178, %unpack3A_1179 : vector<16xf32>
      %swap3A_1181 = arith.constant 7 : i32
      %swap3A_1182 = arith.index_cast %swap3A_1181 : i32 to index
      %swap3A_1183 = arith.constant 0 : index
      %swap3A_1184 = tpu.vector_load %arg11[%swap3A_1182, %swap3A_1183] {strides = array<i32>} : memref<16x16xf32, #tpu.memory_space<vmem>>, vector<16xf32>,
      tpu.vector_store %arg11[%swap3A_1182, %swap3A_1183], %add3A_1180 {strides = array<i32>} : memref<16x16xf32, #tpu.memory_space<vmem>>, vector<16xf32>,
      %get3A_1185 = arith.constant 24 : i32
      %get3A_1186 = arith.constant 0 : i32
      %get3A_1187 = arith.constant 0 : i32
      %get3A_1188 = tpu.memref_slice %arg9[%and3A_15, %get3A_1186, %get3A_1187] : memref<8x80x128xbf16, #tpu.memory_space<vmem>> -> memref<1x80x128xbf16, #tpu.memory_space<vmem>>
      %get3A_1189 = tpu.memref_squeeze %get3A_1188 : memref<1x80x128xbf16, #tpu.memory_space<vmem>> -> memref<80x128xbf16, #tpu.memory_space<vmem>>
      %get3A_1190 = arith.index_cast %get3A_1185 : i32 to index
      %get3A_1191 = arith.constant 0 : index
      %get3A_1192 = tpu.vector_load %get3A_1189[%get3A_1190, %get3A_1191] {strides = array<i32>} : memref<80x128xbf16, #tpu.memory_space<vmem>>, vector<32xbf16>,
      %mul3A_1193 = arith.mulf %get3A_1192, %get3A_1192 : vector<32xbf16>
      %get3A_1194 = arith.constant 24 : i32
      %get3A_1195 = arith.constant 0 : i32
      %get3A_1196 = arith.constant 0 : i32
      %get3A_1197 = tpu.memref_slice %arg9[%and3A_15, %get3A_1195, %get3A_1196] : memref<8x80x128xbf16, #tpu.memory_space<vmem>> -> memref<1x80x128xbf16, #tpu.memory_space<vmem>>
      %get3A_1198 = tpu.memref_squeeze %get3A_1197 : memref<1x80x128xbf16, #tpu.memory_space<vmem>> -> memref<80x128xbf16, #tpu.memory_space<vmem>>
      %get3A_1199 = arith.index_cast %get3A_1194 : i32 to index
      %get3A_1200 = arith.constant 32 : index
      %get3A_1201 = tpu.vector_load %get3A_1198[%get3A_1199, %get3A_1200] {strides = array<i32>} : memref<80x128xbf16, #tpu.memory_space<vmem>>, vector<32xbf16>,
      %mul3A_1202 = arith.mulf %get3A_1201, %get3A_1201 : vector<32xbf16>
      %add3A_1203 = arith.addf %mul3A_1193, %mul3A_1202 : vector<32xbf16>
      %get3A_1204 = arith.constant 24 : i32
      %get3A_1205 = arith.constant 0 : i32
      %get3A_1206 = arith.constant 0 : i32
      %get3A_1207 = tpu.memref_slice %arg9[%and3A_15, %get3A_1205, %get3A_1206] : memref<8x80x128xbf16, #tpu.memory_space<vmem>> -> memref<1x80x128xbf16, #tpu.memory_space<vmem>>
      %get3A_1208 = tpu.memref_squeeze %get3A_1207 : memref<1x80x128xbf16, #tpu.memory_space<vmem>> -> memref<80x128xbf16, #tpu.memory_space<vmem>>
      %get3A_1209 = arith.index_cast %get3A_1204 : i32 to index
      %get3A_1210 = arith.constant 64 : index
      %get3A_1211 = tpu.vector_load %get3A_1208[%get3A_1209, %get3A_1210] {strides = array<i32>} : memref<80x128xbf16, #tpu.memory_space<vmem>>, vector<32xbf16>,
      %mul3A_1212 = arith.mulf %get3A_1211, %get3A_1211 : vector<32xbf16>
      %add3A_1213 = arith.addf %add3A_1203, %mul3A_1212 : vector<32xbf16>
      %get3A_1214 = arith.constant 24 : i32
      %get3A_1215 = arith.constant 0 : i32
      %get3A_1216 = arith.constant 0 : i32
      %get3A_1217 = tpu.memref_slice %arg9[%and3A_15, %get3A_1215, %get3A_1216] : memref<8x80x128xbf16, #tpu.memory_space<vmem>> -> memref<1x80x128xbf16, #tpu.memory_space<vmem>>
      %get3A_1218 = tpu.memref_squeeze %get3A_1217 : memref<1x80x128xbf16, #tpu.memory_space<vmem>> -> memref<80x128xbf16, #tpu.memory_space<vmem>>
      %get3A_1219 = arith.index_cast %get3A_1214 : i32 to index
      %get3A_1220 = arith.constant 96 : index
      %get3A_1221 = tpu.vector_load %get3A_1218[%get3A_1219, %get3A_1220] {strides = array<i32>} : memref<80x128xbf16, #tpu.memory_space<vmem>>, vector<32xbf16>,
      %mul3A_1222 = arith.mulf %get3A_1221, %get3A_1221 : vector<32xbf16>
      %add3A_1223 = arith.addf %add3A_1213, %mul3A_1222 : vector<32xbf16>
      %unpack3A_1224 = tpu.unpack_subelements %add3A_1223, 0 {pack_format = #tpu.pack_format<interleaved>} : vector<32xbf16> -> vector<16xf32>
      %unpack3A_1225 = tpu.unpack_subelements %add3A_1223, 1 {pack_format = #tpu.pack_format<interleaved>} : vector<32xbf16> -> vector<16xf32>
      %add3A_1226 = arith.addf %unpack3A_1224, %unpack3A_1225 : vector<16xf32>
      %swap3A_1227 = arith.constant 8 : i32
      %swap3A_1228 = arith.index_cast %swap3A_1227 : i32 to index
      %swap3A_1229 = arith.constant 0 : index
      %swap3A_1230 = tpu.vector_load %arg11[%swap3A_1228, %swap3A_1229] {strides = array<i32>} : memref<16x16xf32, #tpu.memory_space<vmem>>, vector<16xf32>,
      tpu.vector_store %arg11[%swap3A_1228, %swap3A_1229], %add3A_1226 {strides = array<i32>} : memref<16x16xf32, #tpu.memory_space<vmem>>, vector<16xf32>,
      %get3A_1231 = arith.constant 25 : i32
      %get3A_1232 = arith.constant 0 : i32
      %get3A_1233 = arith.constant 0 : i32
      %get3A_1234 = tpu.memref_slice %arg9[%and3A_15, %get3A_1232, %get3A_1233] : memref<8x80x128xbf16, #tpu.memory_space<vmem>> -> memref<1x80x128xbf16, #tpu.memory_space<vmem>>
      %get3A_1235 = tpu.memref_squeeze %get3A_1234 : memref<1x80x128xbf16, #tpu.memory_space<vmem>> -> memref<80x128xbf16, #tpu.memory_space<vmem>>
      %get3A_1236 = arith.index_cast %get3A_1231 : i32 to index
      %get3A_1237 = arith.constant 0 : index
      %get3A_1238 = tpu.vector_load %get3A_1235[%get3A_1236, %get3A_1237] {strides = array<i32>} : memref<80x128xbf16, #tpu.memory_space<vmem>>, vector<32xbf16>,
      %mul3A_1239 = arith.mulf %get3A_1238, %get3A_1238 : vector<32xbf16>
      %get3A_1240 = arith.constant 25 : i32
      %get3A_1241 = arith.constant 0 : i32
      %get3A_1242 = arith.constant 0 : i32
      %get3A_1243 = tpu.memref_slice %arg9[%and3A_15, %get3A_1241, %get3A_1242] : memref<8x80x128xbf16, #tpu.memory_space<vmem>> -> memref<1x80x128xbf16, #tpu.memory_space<vmem>>
      %get3A_1244 = tpu.memref_squeeze %get3A_1243 : memref<1x80x128xbf16, #tpu.memory_space<vmem>> -> memref<80x128xbf16, #tpu.memory_space<vmem>>
      %get3A_1245 = arith.index_cast %get3A_1240 : i32 to index
      %get3A_1246 = arith.constant 32 : index
      %get3A_1247 = tpu.vector_load %get3A_1244[%get3A_1245, %get3A_1246] {strides = array<i32>} : memref<80x128xbf16, #tpu.memory_space<vmem>>, vector<32xbf16>,
      %mul3A_1248 = arith.mulf %get3A_1247, %get3A_1247 : vector<32xbf16>
      %add3A_1249 = arith.addf %mul3A_1239, %mul3A_1248 : vector<32xbf16>
      %get3A_1250 = arith.constant 25 : i32
      %get3A_1251 = arith.constant 0 : i32
      %get3A_1252 = arith.constant 0 : i32
      %get3A_1253 = tpu.memref_slice %arg9[%and3A_15, %get3A_1251, %get3A_1252] : memref<8x80x128xbf16, #tpu.memory_space<vmem>> -> memref<1x80x128xbf16, #tpu.memory_space<vmem>>
      %get3A_1254 = tpu.memref_squeeze %get3A_1253 : memref<1x80x128xbf16, #tpu.memory_space<vmem>> -> memref<80x128xbf16, #tpu.memory_space<vmem>>
      %get3A_1255 = arith.index_cast %get3A_1250 : i32 to index
      %get3A_1256 = arith.constant 64 : index
      %get3A_1257 = tpu.vector_load %get3A_1254[%get3A_1255, %get3A_1256] {strides = array<i32>} : memref<80x128xbf16, #tpu.memory_space<vmem>>, vector<32xbf16>,
      %mul3A_1258 = arith.mulf %get3A_1257, %get3A_1257 : vector<32xbf16>
      %add3A_1259 = arith.addf %add3A_1249, %mul3A_1258 : vector<32xbf16>
      %get3A_1260 = arith.constant 25 : i32
      %get3A_1261 = arith.constant 0 : i32
      %get3A_1262 = arith.constant 0 : i32
      %get3A_1263 = tpu.memref_slice %arg9[%and3A_15, %get3A_1261, %get3A_1262] : memref<8x80x128xbf16, #tpu.memory_space<vmem>> -> memref<1x80x128xbf16, #tpu.memory_space<vmem>>
      %get3A_1264 = tpu.memref_squeeze %get3A_1263 : memref<1x80x128xbf16, #tpu.memory_space<vmem>> -> memref<80x128xbf16, #tpu.memory_space<vmem>>
      %get3A_1265 = arith.index_cast %get3A_1260 : i32 to index
      %get3A_1266 = arith.constant 96 : index
      %get3A_1267 = tpu.vector_load %get3A_1264[%get3A_1265, %get3A_1266] {strides = array<i32>} : memref<80x128xbf16, #tpu.memory_space<vmem>>, vector<32xbf16>,
      %mul3A_1268 = arith.mulf %get3A_1267, %get3A_1267 : vector<32xbf16>
      %add3A_1269 = arith.addf %add3A_1259, %mul3A_1268 : vector<32xbf16>
      %unpack3A_1270 = tpu.unpack_subelements %add3A_1269, 0 {pack_format = #tpu.pack_format<interleaved>} : vector<32xbf16> -> vector<16xf32>
      %unpack3A_1271 = tpu.unpack_subelements %add3A_1269, 1 {pack_format = #tpu.pack_format<interleaved>} : vector<32xbf16> -> vector<16xf32>
      %add3A_1272 = arith.addf %unpack3A_1270, %unpack3A_1271 : vector<16xf32>
      %swap3A_1273 = arith.constant 9 : i32
      %swap3A_1274 = arith.index_cast %swap3A_1273 : i32 to index
      %swap3A_1275 = arith.constant 0 : index
      %swap3A_1276 = tpu.vector_load %arg11[%swap3A_1274, %swap3A_1275] {strides = array<i32>} : memref<16x16xf32, #tpu.memory_space<vmem>>, vector<16xf32>,
      tpu.vector_store %arg11[%swap3A_1274, %swap3A_1275], %add3A_1272 {strides = array<i32>} : memref<16x16xf32, #tpu.memory_space<vmem>>, vector<16xf32>,
      %get3A_1277 = arith.constant 26 : i32
      %get3A_1278 = arith.constant 0 : i32
      %get3A_1279 = arith.constant 0 : i32
      %get3A_1280 = tpu.memref_slice %arg9[%and3A_15, %get3A_1278, %get3A_1279] : memref<8x80x128xbf16, #tpu.memory_space<vmem>> -> memref<1x80x128xbf16, #tpu.memory_space<vmem>>
      %get3A_1281 = tpu.memref_squeeze %get3A_1280 : memref<1x80x128xbf16, #tpu.memory_space<vmem>> -> memref<80x128xbf16, #tpu.memory_space<vmem>>
      %get3A_1282 = arith.index_cast %get3A_1277 : i32 to index
      %get3A_1283 = arith.constant 0 : index
      %get3A_1284 = tpu.vector_load %get3A_1281[%get3A_1282, %get3A_1283] {strides = array<i32>} : memref<80x128xbf16, #tpu.memory_space<vmem>>, vector<32xbf16>,
      %mul3A_1285 = arith.mulf %get3A_1284, %get3A_1284 : vector<32xbf16>
      %get3A_1286 = arith.constant 26 : i32
      %get3A_1287 = arith.constant 0 : i32
      %get3A_1288 = arith.constant 0 : i32
      %get3A_1289 = tpu.memref_slice %arg9[%and3A_15, %get3A_1287, %get3A_1288] : memref<8x80x128xbf16, #tpu.memory_space<vmem>> -> memref<1x80x128xbf16, #tpu.memory_space<vmem>>
      %get3A_1290 = tpu.memref_squeeze %get3A_1289 : memref<1x80x128xbf16, #tpu.memory_space<vmem>> -> memref<80x128xbf16, #tpu.memory_space<vmem>>
      %get3A_1291 = arith.index_cast %get3A_1286 : i32 to index
      %get3A_1292 = arith.constant 32 : index
      %get3A_1293 = tpu.vector_load %get3A_1290[%get3A_1291, %get3A_1292] {strides = array<i32>} : memref<80x128xbf16, #tpu.memory_space<vmem>>, vector<32xbf16>,
      %mul3A_1294 = arith.mulf %get3A_1293, %get3A_1293 : vector<32xbf16>
      %add3A_1295 = arith.addf %mul3A_1285, %mul3A_1294 : vector<32xbf16>
      %get3A_1296 = arith.constant 26 : i32
      %get3A_1297 = arith.constant 0 : i32
      %get3A_1298 = arith.constant 0 : i32
      %get3A_1299 = tpu.memref_slice %arg9[%and3A_15, %get3A_1297, %get3A_1298] : memref<8x80x128xbf16, #tpu.memory_space<vmem>> -> memref<1x80x128xbf16, #tpu.memory_space<vmem>>
      %get3A_1300 = tpu.memref_squeeze %get3A_1299 : memref<1x80x128xbf16, #tpu.memory_space<vmem>> -> memref<80x128xbf16, #tpu.memory_space<vmem>>
      %get3A_1301 = arith.index_cast %get3A_1296 : i32 to index
      %get3A_1302 = arith.constant 64 : index
      %get3A_1303 = tpu.vector_load %get3A_1300[%get3A_1301, %get3A_1302] {strides = array<i32>} : memref<80x128xbf16, #tpu.memory_space<vmem>>, vector<32xbf16>,
      %mul3A_1304 = arith.mulf %get3A_1303, %get3A_1303 : vector<32xbf16>
      %add3A_1305 = arith.addf %add3A_1295, %mul3A_1304 : vector<32xbf16>
      %get3A_1306 = arith.constant 26 : i32
      %get3A_1307 = arith.constant 0 : i32
      %get3A_1308 = arith.constant 0 : i32
      %get3A_1309 = tpu.memref_slice %arg9[%and3A_15, %get3A_1307, %get3A_1308] : memref<8x80x128xbf16, #tpu.memory_space<vmem>> -> memref<1x80x128xbf16, #tpu.memory_space<vmem>>
      %get3A_1310 = tpu.memref_squeeze %get3A_1309 : memref<1x80x128xbf16, #tpu.memory_space<vmem>> -> memref<80x128xbf16, #tpu.memory_space<vmem>>
      %get3A_1311 = arith.index_cast %get3A_1306 : i32 to index
      %get3A_1312 = arith.constant 96 : index
      %get3A_1313 = tpu.vector_load %get3A_1310[%get3A_1311, %get3A_1312] {strides = array<i32>} : memref<80x128xbf16, #tpu.memory_space<vmem>>, vector<32xbf16>,
      %mul3A_1314 = arith.mulf %get3A_1313, %get3A_1313 : vector<32xbf16>
      %add3A_1315 = arith.addf %add3A_1305, %mul3A_1314 : vector<32xbf16>
      %unpack3A_1316 = tpu.unpack_subelements %add3A_1315, 0 {pack_format = #tpu.pack_format<interleaved>} : vector<32xbf16> -> vector<16xf32>
      %unpack3A_1317 = tpu.unpack_subelements %add3A_1315, 1 {pack_format = #tpu.pack_format<interleaved>} : vector<32xbf16> -> vector<16xf32>
      %add3A_1318 = arith.addf %unpack3A_1316, %unpack3A_1317 : vector<16xf32>
      %swap3A_1319 = arith.constant 10 : i32
      %swap3A_1320 = arith.index_cast %swap3A_1319 : i32 to index
      %swap3A_1321 = arith.constant 0 : index
      %swap3A_1322 = tpu.vector_load %arg11[%swap3A_1320, %swap3A_1321] {strides = array<i32>} : memref<16x16xf32, #tpu.memory_space<vmem>>, vector<16xf32>,
      tpu.vector_store %arg11[%swap3A_1320, %swap3A_1321], %add3A_1318 {strides = array<i32>} : memref<16x16xf32, #tpu.memory_space<vmem>>, vector<16xf32>,
      %get3A_1323 = arith.constant 27 : i32
      %get3A_1324 = arith.constant 0 : i32
      %get3A_1325 = arith.constant 0 : i32
      %get3A_1326 = tpu.memref_slice %arg9[%and3A_15, %get3A_1324, %get3A_1325] : memref<8x80x128xbf16, #tpu.memory_space<vmem>> -> memref<1x80x128xbf16, #tpu.memory_space<vmem>>
      %get3A_1327 = tpu.memref_squeeze %get3A_1326 : memref<1x80x128xbf16, #tpu.memory_space<vmem>> -> memref<80x128xbf16, #tpu.memory_space<vmem>>
      %get3A_1328 = arith.index_cast %get3A_1323 : i32 to index
      %get3A_1329 = arith.constant 0 : index
      %get3A_1330 = tpu.vector_load %get3A_1327[%get3A_1328, %get3A_1329] {strides = array<i32>} : memref<80x128xbf16, #tpu.memory_space<vmem>>, vector<32xbf16>,
      %mul3A_1331 = arith.mulf %get3A_1330, %get3A_1330 : vector<32xbf16>
      %get3A_1332 = arith.constant 27 : i32
      %get3A_1333 = arith.constant 0 : i32
      %get3A_1334 = arith.constant 0 : i32
      %get3A_1335 = tpu.memref_slice %arg9[%and3A_15, %get3A_1333, %get3A_1334] : memref<8x80x128xbf16, #tpu.memory_space<vmem>> -> memref<1x80x128xbf16, #tpu.memory_space<vmem>>
      %get3A_1336 = tpu.memref_squeeze %get3A_1335 : memref<1x80x128xbf16, #tpu.memory_space<vmem>> -> memref<80x128xbf16, #tpu.memory_space<vmem>>
      %get3A_1337 = arith.index_cast %get3A_1332 : i32 to index
      %get3A_1338 = arith.constant 32 : index
      %get3A_1339 = tpu.vector_load %get3A_1336[%get3A_1337, %get3A_1338] {strides = array<i32>} : memref<80x128xbf16, #tpu.memory_space<vmem>>, vector<32xbf16>,
      %mul3A_1340 = arith.mulf %get3A_1339, %get3A_1339 : vector<32xbf16>
      %add3A_1341 = arith.addf %mul3A_1331, %mul3A_1340 : vector<32xbf16>
      %get3A_1342 = arith.constant 27 : i32
      %get3A_1343 = arith.constant 0 : i32
      %get3A_1344 = arith.constant 0 : i32
      %get3A_1345 = tpu.memref_slice %arg9[%and3A_15, %get3A_1343, %get3A_1344] : memref<8x80x128xbf16, #tpu.memory_space<vmem>> -> memref<1x80x128xbf16, #tpu.memory_space<vmem>>
      %get3A_1346 = tpu.memref_squeeze %get3A_1345 : memref<1x80x128xbf16, #tpu.memory_space<vmem>> -> memref<80x128xbf16, #tpu.memory_space<vmem>>
      %get3A_1347 = arith.index_cast %get3A_1342 : i32 to index
      %get3A_1348 = arith.constant 64 : index
      %get3A_1349 = tpu.vector_load %get3A_1346[%get3A_1347, %get3A_1348] {strides = array<i32>} : memref<80x128xbf16, #tpu.memory_space<vmem>>, vector<32xbf16>,
      %mul3A_1350 = arith.mulf %get3A_1349, %get3A_1349 : vector<32xbf16>
      %add3A_1351 = arith.addf %add3A_1341, %mul3A_1350 : vector<32xbf16>
      %get3A_1352 = arith.constant 27 : i32
      %get3A_1353 = arith.constant 0 : i32
      %get3A_1354 = arith.constant 0 : i32
      %get3A_1355 = tpu.memref_slice %arg9[%and3A_15, %get3A_1353, %get3A_1354] : memref<8x80x128xbf16, #tpu.memory_space<vmem>> -> memref<1x80x128xbf16, #tpu.memory_space<vmem>>
      %get3A_1356 = tpu.memref_squeeze %get3A_1355 : memref<1x80x128xbf16, #tpu.memory_space<vmem>> -> memref<80x128xbf16, #tpu.memory_space<vmem>>
      %get3A_1357 = arith.index_cast %get3A_1352 : i32 to index
      %get3A_1358 = arith.constant 96 : index
      %get3A_1359 = tpu.vector_load %get3A_1356[%get3A_1357, %get3A_1358] {strides = array<i32>} : memref<80x128xbf16, #tpu.memory_space<vmem>>, vector<32xbf16>,
      %mul3A_1360 = arith.mulf %get3A_1359, %get3A_1359 : vector<32xbf16>
      %add3A_1361 = arith.addf %add3A_1351, %mul3A_1360 : vector<32xbf16>
      %unpack3A_1362 = tpu.unpack_subelements %add3A_1361, 0 {pack_format = #tpu.pack_format<interleaved>} : vector<32xbf16> -> vector<16xf32>
      %unpack3A_1363 = tpu.unpack_subelements %add3A_1361, 1 {pack_format = #tpu.pack_format<interleaved>} : vector<32xbf16> -> vector<16xf32>
      %add3A_1364 = arith.addf %unpack3A_1362, %unpack3A_1363 : vector<16xf32>
      %swap3A_1365 = arith.constant 11 : i32
      %swap3A_1366 = arith.index_cast %swap3A_1365 : i32 to index
      %swap3A_1367 = arith.constant 0 : index
      %swap3A_1368 = tpu.vector_load %arg11[%swap3A_1366, %swap3A_1367] {strides = array<i32>} : memref<16x16xf32, #tpu.memory_space<vmem>>, vector<16xf32>,
      tpu.vector_store %arg11[%swap3A_1366, %swap3A_1367], %add3A_1364 {strides = array<i32>} : memref<16x16xf32, #tpu.memory_space<vmem>>, vector<16xf32>,
      %get3A_1369 = arith.constant 28 : i32
      %get3A_1370 = arith.constant 0 : i32
      %get3A_1371 = arith.constant 0 : i32
      %get3A_1372 = tpu.memref_slice %arg9[%and3A_15, %get3A_1370, %get3A_1371] : memref<8x80x128xbf16, #tpu.memory_space<vmem>> -> memref<1x80x128xbf16, #tpu.memory_space<vmem>>
      %get3A_1373 = tpu.memref_squeeze %get3A_1372 : memref<1x80x128xbf16, #tpu.memory_space<vmem>> -> memref<80x128xbf16, #tpu.memory_space<vmem>>
      %get3A_1374 = arith.index_cast %get3A_1369 : i32 to index
      %get3A_1375 = arith.constant 0 : index
      %get3A_1376 = tpu.vector_load %get3A_1373[%get3A_1374, %get3A_1375] {strides = array<i32>} : memref<80x128xbf16, #tpu.memory_space<vmem>>, vector<32xbf16>,
      %mul3A_1377 = arith.mulf %get3A_1376, %get3A_1376 : vector<32xbf16>
      %get3A_1378 = arith.constant 28 : i32
      %get3A_1379 = arith.constant 0 : i32
      %get3A_1380 = arith.constant 0 : i32
      %get3A_1381 = tpu.memref_slice %arg9[%and3A_15, %get3A_1379, %get3A_1380] : memref<8x80x128xbf16, #tpu.memory_space<vmem>> -> memref<1x80x128xbf16, #tpu.memory_space<vmem>>
      %get3A_1382 = tpu.memref_squeeze %get3A_1381 : memref<1x80x128xbf16, #tpu.memory_space<vmem>> -> memref<80x128xbf16, #tpu.memory_space<vmem>>
      %get3A_1383 = arith.index_cast %get3A_1378 : i32 to index
      %get3A_1384 = arith.constant 32 : index
      %get3A_1385 = tpu.vector_load %get3A_1382[%get3A_1383, %get3A_1384] {strides = array<i32>} : memref<80x128xbf16, #tpu.memory_space<vmem>>, vector<32xbf16>,
      %mul3A_1386 = arith.mulf %get3A_1385, %get3A_1385 : vector<32xbf16>
      %add3A_1387 = arith.addf %mul3A_1377, %mul3A_1386 : vector<32xbf16>
      %get3A_1388 = arith.constant 28 : i32
      %get3A_1389 = arith.constant 0 : i32
      %get3A_1390 = arith.constant 0 : i32
      %get3A_1391 = tpu.memref_slice %arg9[%and3A_15, %get3A_1389, %get3A_1390] : memref<8x80x128xbf16, #tpu.memory_space<vmem>> -> memref<1x80x128xbf16, #tpu.memory_space<vmem>>
      %get3A_1392 = tpu.memref_squeeze %get3A_1391 : memref<1x80x128xbf16, #tpu.memory_space<vmem>> -> memref<80x128xbf16, #tpu.memory_space<vmem>>
      %get3A_1393 = arith.index_cast %get3A_1388 : i32 to index
      %get3A_1394 = arith.constant 64 : index
      %get3A_1395 = tpu.vector_load %get3A_1392[%get3A_1393, %get3A_1394] {strides = array<i32>} : memref<80x128xbf16, #tpu.memory_space<vmem>>, vector<32xbf16>,
      %mul3A_1396 = arith.mulf %get3A_1395, %get3A_1395 : vector<32xbf16>
      %add3A_1397 = arith.addf %add3A_1387, %mul3A_1396 : vector<32xbf16>
      %get3A_1398 = arith.constant 28 : i32
      %get3A_1399 = arith.constant 0 : i32
      %get3A_1400 = arith.constant 0 : i32
      %get3A_1401 = tpu.memref_slice %arg9[%and3A_15, %get3A_1399, %get3A_1400] : memref<8x80x128xbf16, #tpu.memory_space<vmem>> -> memref<1x80x128xbf16, #tpu.memory_space<vmem>>
      %get3A_1402 = tpu.memref_squeeze %get3A_1401 : memref<1x80x128xbf16, #tpu.memory_space<vmem>> -> memref<80x128xbf16, #tpu.memory_space<vmem>>
      %get3A_1403 = arith.index_cast %get3A_1398 : i32 to index
      %get3A_1404 = arith.constant 96 : index
      %get3A_1405 = tpu.vector_load %get3A_1402[%get3A_1403, %get3A_1404] {strides = array<i32>} : memref<80x128xbf16, #tpu.memory_space<vmem>>, vector<32xbf16>,
      %mul3A_1406 = arith.mulf %get3A_1405, %get3A_1405 : vector<32xbf16>
      %add3A_1407 = arith.addf %add3A_1397, %mul3A_1406 : vector<32xbf16>
      %unpack3A_1408 = tpu.unpack_subelements %add3A_1407, 0 {pack_format = #tpu.pack_format<interleaved>} : vector<32xbf16> -> vector<16xf32>
      %unpack3A_1409 = tpu.unpack_subelements %add3A_1407, 1 {pack_format = #tpu.pack_format<interleaved>} : vector<32xbf16> -> vector<16xf32>
      %add3A_1410 = arith.addf %unpack3A_1408, %unpack3A_1409 : vector<16xf32>
      %swap3A_1411 = arith.constant 12 : i32
      %swap3A_1412 = arith.index_cast %swap3A_1411 : i32 to index
      %swap3A_1413 = arith.constant 0 : index
      %swap3A_1414 = tpu.vector_load %arg11[%swap3A_1412, %swap3A_1413] {strides = array<i32>} : memref<16x16xf32, #tpu.memory_space<vmem>>, vector<16xf32>,
      tpu.vector_store %arg11[%swap3A_1412, %swap3A_1413], %add3A_1410 {strides = array<i32>} : memref<16x16xf32, #tpu.memory_space<vmem>>, vector<16xf32>,
      %get3A_1415 = arith.constant 29 : i32
      %get3A_1416 = arith.constant 0 : i32
      %get3A_1417 = arith.constant 0 : i32
      %get3A_1418 = tpu.memref_slice %arg9[%and3A_15, %get3A_1416, %get3A_1417] : memref<8x80x128xbf16, #tpu.memory_space<vmem>> -> memref<1x80x128xbf16, #tpu.memory_space<vmem>>
      %get3A_1419 = tpu.memref_squeeze %get3A_1418 : memref<1x80x128xbf16, #tpu.memory_space<vmem>> -> memref<80x128xbf16, #tpu.memory_space<vmem>>
      %get3A_1420 = arith.index_cast %get3A_1415 : i32 to index
      %get3A_1421 = arith.constant 0 : index
      %get3A_1422 = tpu.vector_load %get3A_1419[%get3A_1420, %get3A_1421] {strides = array<i32>} : memref<80x128xbf16, #tpu.memory_space<vmem>>, vector<32xbf16>,
      %mul3A_1423 = arith.mulf %get3A_1422, %get3A_1422 : vector<32xbf16>
      %get3A_1424 = arith.constant 29 : i32
      %get3A_1425 = arith.constant 0 : i32
      %get3A_1426 = arith.constant 0 : i32
      %get3A_1427 = tpu.memref_slice %arg9[%and3A_15, %get3A_1425, %get3A_1426] : memref<8x80x128xbf16, #tpu.memory_space<vmem>> -> memref<1x80x128xbf16, #tpu.memory_space<vmem>>
      %get3A_1428 = tpu.memref_squeeze %get3A_1427 : memref<1x80x128xbf16, #tpu.memory_space<vmem>> -> memref<80x128xbf16, #tpu.memory_space<vmem>>
      %get3A_1429 = arith.index_cast %get3A_1424 : i32 to index
      %get3A_1430 = arith.constant 32 : index
      %get3A_1431 = tpu.vector_load %get3A_1428[%get3A_1429, %get3A_1430] {strides = array<i32>} : memref<80x128xbf16, #tpu.memory_space<vmem>>, vector<32xbf16>,
      %mul3A_1432 = arith.mulf %get3A_1431, %get3A_1431 : vector<32xbf16>
      %add3A_1433 = arith.addf %mul3A_1423, %mul3A_1432 : vector<32xbf16>
      %get3A_1434 = arith.constant 29 : i32
      %get3A_1435 = arith.constant 0 : i32
      %get3A_1436 = arith.constant 0 : i32
      %get3A_1437 = tpu.memref_slice %arg9[%and3A_15, %get3A_1435, %get3A_1436] : memref<8x80x128xbf16, #tpu.memory_space<vmem>> -> memref<1x80x128xbf16, #tpu.memory_space<vmem>>
      %get3A_1438 = tpu.memref_squeeze %get3A_1437 : memref<1x80x128xbf16, #tpu.memory_space<vmem>> -> memref<80x128xbf16, #tpu.memory_space<vmem>>
      %get3A_1439 = arith.index_cast %get3A_1434 : i32 to index
      %get3A_1440 = arith.constant 64 : index
      %get3A_1441 = tpu.vector_load %get3A_1438[%get3A_1439, %get3A_1440] {strides = array<i32>} : memref<80x128xbf16, #tpu.memory_space<vmem>>, vector<32xbf16>,
      %mul3A_1442 = arith.mulf %get3A_1441, %get3A_1441 : vector<32xbf16>
      %add3A_1443 = arith.addf %add3A_1433, %mul3A_1442 : vector<32xbf16>
      %get3A_1444 = arith.constant 29 : i32
      %get3A_1445 = arith.constant 0 : i32
      %get3A_1446 = arith.constant 0 : i32
      %get3A_1447 = tpu.memref_slice %arg9[%and3A_15, %get3A_1445, %get3A_1446] : memref<8x80x128xbf16, #tpu.memory_space<vmem>> -> memref<1x80x128xbf16, #tpu.memory_space<vmem>>
      %get3A_1448 = tpu.memref_squeeze %get3A_1447 : memref<1x80x128xbf16, #tpu.memory_space<vmem>> -> memref<80x128xbf16, #tpu.memory_space<vmem>>
      %get3A_1449 = arith.index_cast %get3A_1444 : i32 to index
      %get3A_1450 = arith.constant 96 : index
      %get3A_1451 = tpu.vector_load %get3A_1448[%get3A_1449, %get3A_1450] {strides = array<i32>} : memref<80x128xbf16, #tpu.memory_space<vmem>>, vector<32xbf16>,
      %mul3A_1452 = arith.mulf %get3A_1451, %get3A_1451 : vector<32xbf16>
      %add3A_1453 = arith.addf %add3A_1443, %mul3A_1452 : vector<32xbf16>
      %unpack3A_1454 = tpu.unpack_subelements %add3A_1453, 0 {pack_format = #tpu.pack_format<interleaved>} : vector<32xbf16> -> vector<16xf32>
      %unpack3A_1455 = tpu.unpack_subelements %add3A_1453, 1 {pack_format = #tpu.pack_format<interleaved>} : vector<32xbf16> -> vector<16xf32>
      %add3A_1456 = arith.addf %unpack3A_1454, %unpack3A_1455 : vector<16xf32>
      %swap3A_1457 = arith.constant 13 : i32
      %swap3A_1458 = arith.index_cast %swap3A_1457 : i32 to index
      %swap3A_1459 = arith.constant 0 : index
      %swap3A_1460 = tpu.vector_load %arg11[%swap3A_1458, %swap3A_1459] {strides = array<i32>} : memref<16x16xf32, #tpu.memory_space<vmem>>, vector<16xf32>,
      tpu.vector_store %arg11[%swap3A_1458, %swap3A_1459], %add3A_1456 {strides = array<i32>} : memref<16x16xf32, #tpu.memory_space<vmem>>, vector<16xf32>,
      %get3A_1461 = arith.constant 30 : i32
      %get3A_1462 = arith.constant 0 : i32
      %get3A_1463 = arith.constant 0 : i32
      %get3A_1464 = tpu.memref_slice %arg9[%and3A_15, %get3A_1462, %get3A_1463] : memref<8x80x128xbf16, #tpu.memory_space<vmem>> -> memref<1x80x128xbf16, #tpu.memory_space<vmem>>
      %get3A_1465 = tpu.memref_squeeze %get3A_1464 : memref<1x80x128xbf16, #tpu.memory_space<vmem>> -> memref<80x128xbf16, #tpu.memory_space<vmem>>
      %get3A_1466 = arith.index_cast %get3A_1461 : i32 to index
      %get3A_1467 = arith.constant 0 : index
      %get3A_1468 = tpu.vector_load %get3A_1465[%get3A_1466, %get3A_1467] {strides = array<i32>} : memref<80x128xbf16, #tpu.memory_space<vmem>>, vector<32xbf16>,
      %mul3A_1469 = arith.mulf %get3A_1468, %get3A_1468 : vector<32xbf16>
      %get3A_1470 = arith.constant 30 : i32
      %get3A_1471 = arith.constant 0 : i32
      %get3A_1472 = arith.constant 0 : i32
      %get3A_1473 = tpu.memref_slice %arg9[%and3A_15, %get3A_1471, %get3A_1472] : memref<8x80x128xbf16, #tpu.memory_space<vmem>> -> memref<1x80x128xbf16, #tpu.memory_space<vmem>>
      %get3A_1474 = tpu.memref_squeeze %get3A_1473 : memref<1x80x128xbf16, #tpu.memory_space<vmem>> -> memref<80x128xbf16, #tpu.memory_space<vmem>>
      %get3A_1475 = arith.index_cast %get3A_1470 : i32 to index
      %get3A_1476 = arith.constant 32 : index
      %get3A_1477 = tpu.vector_load %get3A_1474[%get3A_1475, %get3A_1476] {strides = array<i32>} : memref<80x128xbf16, #tpu.memory_space<vmem>>, vector<32xbf16>,
      %mul3A_1478 = arith.mulf %get3A_1477, %get3A_1477 : vector<32xbf16>
      %add3A_1479 = arith.addf %mul3A_1469, %mul3A_1478 : vector<32xbf16>
      %get3A_1480 = arith.constant 30 : i32
      %get3A_1481 = arith.constant 0 : i32
      %get3A_1482 = arith.constant 0 : i32
      %get3A_1483 = tpu.memref_slice %arg9[%and3A_15, %get3A_1481, %get3A_1482] : memref<8x80x128xbf16, #tpu.memory_space<vmem>> -> memref<1x80x128xbf16, #tpu.memory_space<vmem>>
      %get3A_1484 = tpu.memref_squeeze %get3A_1483 : memref<1x80x128xbf16, #tpu.memory_space<vmem>> -> memref<80x128xbf16, #tpu.memory_space<vmem>>
      %get3A_1485 = arith.index_cast %get3A_1480 : i32 to index
      %get3A_1486 = arith.constant 64 : index
      %get3A_1487 = tpu.vector_load %get3A_1484[%get3A_1485, %get3A_1486] {strides = array<i32>} : memref<80x128xbf16, #tpu.memory_space<vmem>>, vector<32xbf16>,
      %mul3A_1488 = arith.mulf %get3A_1487, %get3A_1487 : vector<32xbf16>
      %add3A_1489 = arith.addf %add3A_1479, %mul3A_1488 : vector<32xbf16>
      %get3A_1490 = arith.constant 30 : i32
      %get3A_1491 = arith.constant 0 : i32
      %get3A_1492 = arith.constant 0 : i32
      %get3A_1493 = tpu.memref_slice %arg9[%and3A_15, %get3A_1491, %get3A_1492] : memref<8x80x128xbf16, #tpu.memory_space<vmem>> -> memref<1x80x128xbf16, #tpu.memory_space<vmem>>
      %get3A_1494 = tpu.memref_squeeze %get3A_1493 : memref<1x80x128xbf16, #tpu.memory_space<vmem>> -> memref<80x128xbf16, #tpu.memory_space<vmem>>
      %get3A_1495 = arith.index_cast %get3A_1490 : i32 to index
      %get3A_1496 = arith.constant 96 : index
      %get3A_1497 = tpu.vector_load %get3A_1494[%get3A_1495, %get3A_1496] {strides = array<i32>} : memref<80x128xbf16, #tpu.memory_space<vmem>>, vector<32xbf16>,
      %mul3A_1498 = arith.mulf %get3A_1497, %get3A_1497 : vector<32xbf16>
      %add3A_1499 = arith.addf %add3A_1489, %mul3A_1498 : vector<32xbf16>
      %unpack3A_1500 = tpu.unpack_subelements %add3A_1499, 0 {pack_format = #tpu.pack_format<interleaved>} : vector<32xbf16> -> vector<16xf32>
      %unpack3A_1501 = tpu.unpack_subelements %add3A_1499, 1 {pack_format = #tpu.pack_format<interleaved>} : vector<32xbf16> -> vector<16xf32>
      %add3A_1502 = arith.addf %unpack3A_1500, %unpack3A_1501 : vector<16xf32>
      %swap3A_1503 = arith.constant 14 : i32
      %swap3A_1504 = arith.index_cast %swap3A_1503 : i32 to index
      %swap3A_1505 = arith.constant 0 : index
      %swap3A_1506 = tpu.vector_load %arg11[%swap3A_1504, %swap3A_1505] {strides = array<i32>} : memref<16x16xf32, #tpu.memory_space<vmem>>, vector<16xf32>,
      tpu.vector_store %arg11[%swap3A_1504, %swap3A_1505], %add3A_1502 {strides = array<i32>} : memref<16x16xf32, #tpu.memory_space<vmem>>, vector<16xf32>,
      %get3A_1507 = arith.constant 31 : i32
      %get3A_1508 = arith.constant 0 : i32
      %get3A_1509 = arith.constant 0 : i32
      %get3A_1510 = tpu.memref_slice %arg9[%and3A_15, %get3A_1508, %get3A_1509] : memref<8x80x128xbf16, #tpu.memory_space<vmem>> -> memref<1x80x128xbf16, #tpu.memory_space<vmem>>
      %get3A_1511 = tpu.memref_squeeze %get3A_1510 : memref<1x80x128xbf16, #tpu.memory_space<vmem>> -> memref<80x128xbf16, #tpu.memory_space<vmem>>
      %get3A_1512 = arith.index_cast %get3A_1507 : i32 to index
      %get3A_1513 = arith.constant 0 : index
      %get3A_1514 = tpu.vector_load %get3A_1511[%get3A_1512, %get3A_1513] {strides = array<i32>} : memref<80x128xbf16, #tpu.memory_space<vmem>>, vector<32xbf16>,
      %mul3A_1515 = arith.mulf %get3A_1514, %get3A_1514 : vector<32xbf16>
      %get3A_1516 = arith.constant 31 : i32
      %get3A_1517 = arith.constant 0 : i32
      %get3A_1518 = arith.constant 0 : i32
      %get3A_1519 = tpu.memref_slice %arg9[%and3A_15, %get3A_1517, %get3A_1518] : memref<8x80x128xbf16, #tpu.memory_space<vmem>> -> memref<1x80x128xbf16, #tpu.memory_space<vmem>>
      %get3A_1520 = tpu.memref_squeeze %get3A_1519 : memref<1x80x128xbf16, #tpu.memory_space<vmem>> -> memref<80x128xbf16, #tpu.memory_space<vmem>>
      %get3A_1521 = arith.index_cast %get3A_1516 : i32 to index
      %get3A_1522 = arith.constant 32 : index
      %get3A_1523 = tpu.vector_load %get3A_1520[%get3A_1521, %get3A_1522] {strides = array<i32>} : memref<80x128xbf16, #tpu.memory_space<vmem>>, vector<32xbf16>,
      %mul3A_1524 = arith.mulf %get3A_1523, %get3A_1523 : vector<32xbf16>
      %add3A_1525 = arith.addf %mul3A_1515, %mul3A_1524 : vector<32xbf16>
      %get3A_1526 = arith.constant 31 : i32
      %get3A_1527 = arith.constant 0 : i32
      %get3A_1528 = arith.constant 0 : i32
      %get3A_1529 = tpu.memref_slice %arg9[%and3A_15, %get3A_1527, %get3A_1528] : memref<8x80x128xbf16, #tpu.memory_space<vmem>> -> memref<1x80x128xbf16, #tpu.memory_space<vmem>>
      %get3A_1530 = tpu.memref_squeeze %get3A_1529 : memref<1x80x128xbf16, #tpu.memory_space<vmem>> -> memref<80x128xbf16, #tpu.memory_space<vmem>>
      %get3A_1531 = arith.index_cast %get3A_1526 : i32 to index
      %get3A_1532 = arith.constant 64 : index
      %get3A_1533 = tpu.vector_load %get3A_1530[%get3A_1531, %get3A_1532] {strides = array<i32>} : memref<80x128xbf16, #tpu.memory_space<vmem>>, vector<32xbf16>,
      %mul3A_1534 = arith.mulf %get3A_1533, %get3A_1533 : vector<32xbf16>
      %add3A_1535 = arith.addf %add3A_1525, %mul3A_1534 : vector<32xbf16>
      %get3A_1536 = arith.constant 31 : i32
      %get3A_1537 = arith.constant 0 : i32
      %get3A_1538 = arith.constant 0 : i32
      %get3A_1539 = tpu.memref_slice %arg9[%and3A_15, %get3A_1537, %get3A_1538] : memref<8x80x128xbf16, #tpu.memory_space<vmem>> -> memref<1x80x128xbf16, #tpu.memory_space<vmem>>
      %get3A_1540 = tpu.memref_squeeze %get3A_1539 : memref<1x80x128xbf16, #tpu.memory_space<vmem>> -> memref<80x128xbf16, #tpu.memory_space<vmem>>
      %get3A_1541 = arith.index_cast %get3A_1536 : i32 to index
      %get3A_1542 = arith.constant 96 : index
      %get3A_1543 = tpu.vector_load %get3A_1540[%get3A_1541, %get3A_1542] {strides = array<i32>} : memref<80x128xbf16, #tpu.memory_space<vmem>>, vector<32xbf16>,
      %mul3A_1544 = arith.mulf %get3A_1543, %get3A_1543 : vector<32xbf16>
      %add3A_1545 = arith.addf %add3A_1535, %mul3A_1544 : vector<32xbf16>
      %unpack3A_1546 = tpu.unpack_subelements %add3A_1545, 0 {pack_format = #tpu.pack_format<interleaved>} : vector<32xbf16> -> vector<16xf32>
      %unpack3A_1547 = tpu.unpack_subelements %add3A_1545, 1 {pack_format = #tpu.pack_format<interleaved>} : vector<32xbf16> -> vector<16xf32>
      %add3A_1548 = arith.addf %unpack3A_1546, %unpack3A_1547 : vector<16xf32>
      %swap3A_1549 = arith.constant 15 : i32
      %swap3A_1550 = arith.index_cast %swap3A_1549 : i32 to index
      %swap3A_1551 = arith.constant 0 : index
      %swap3A_1552 = tpu.vector_load %arg11[%swap3A_1550, %swap3A_1551] {strides = array<i32>} : memref<16x16xf32, #tpu.memory_space<vmem>>, vector<16xf32>,
      tpu.vector_store %arg11[%swap3A_1550, %swap3A_1551], %add3A_1548 {strides = array<i32>} : memref<16x16xf32, #tpu.memory_space<vmem>>, vector<16xf32>,
      %broadcast_in_dim3A_1553 = arith.constant 0 : i32
      %broadcast_in_dim3A_1554 = vector.broadcast %broadcast_in_dim3A_1553 : i32 to vector<16xi32>
      %gather3A_1555 = tpu.vector_load_idx %arg11[%iota3A, %broadcast_in_dim3A_1554] : memref<16x16xf32, #tpu.memory_space<vmem>>[vector<16xi32>, vector<16xi32>], vector<16xf32>,
      %broadcast_in_dim3A_1556 = arith.constant 1 : i32
      %broadcast_in_dim3A_1557 = vector.broadcast %broadcast_in_dim3A_1556 : i32 to vector<16xi32>
      %gather3A_1558 = tpu.vector_load_idx %arg11[%iota3A, %broadcast_in_dim3A_1557] : memref<16x16xf32, #tpu.memory_space<vmem>>[vector<16xi32>, vector<16xi32>], vector<16xf32>,
      %broadcast_in_dim3A_1559 = arith.constant 2 : i32
      %broadcast_in_dim3A_1560 = vector.broadcast %broadcast_in_dim3A_1559 : i32 to vector<16xi32>
      %gather3A_1561 = tpu.vector_load_idx %arg11[%iota3A, %broadcast_in_dim3A_1560] : memref<16x16xf32, #tpu.memory_space<vmem>>[vector<16xi32>, vector<16xi32>], vector<16xf32>,
      %broadcast_in_dim3A_1562 = arith.constant 3 : i32
      %broadcast_in_dim3A_1563 = vector.broadcast %broadcast_in_dim3A_1562 : i32 to vector<16xi32>
      %gather3A_1564 = tpu.vector_load_idx %arg11[%iota3A, %broadcast_in_dim3A_1563] : memref<16x16xf32, #tpu.memory_space<vmem>>[vector<16xi32>, vector<16xi32>], vector<16xf32>,
      %broadcast_in_dim3A_1565 = arith.constant 4 : i32
      %broadcast_in_dim3A_1566 = vector.broadcast %broadcast_in_dim3A_1565 : i32 to vector<16xi32>
      %gather3A_1567 = tpu.vector_load_idx %arg11[%iota3A, %broadcast_in_dim3A_1566] : memref<16x16xf32, #tpu.memory_space<vmem>>[vector<16xi32>, vector<16xi32>], vector<16xf32>,
      %broadcast_in_dim3A_1568 = arith.constant 5 : i32
      %broadcast_in_dim3A_1569 = vector.broadcast %broadcast_in_dim3A_1568 : i32 to vector<16xi32>
      %gather3A_1570 = tpu.vector_load_idx %arg11[%iota3A, %broadcast_in_dim3A_1569] : memref<16x16xf32, #tpu.memory_space<vmem>>[vector<16xi32>, vector<16xi32>], vector<16xf32>,
      %broadcast_in_dim3A_1571 = arith.constant 6 : i32
      %broadcast_in_dim3A_1572 = vector.broadcast %broadcast_in_dim3A_1571 : i32 to vector<16xi32>
      %gather3A_1573 = tpu.vector_load_idx %arg11[%iota3A, %broadcast_in_dim3A_1572] : memref<16x16xf32, #tpu.memory_space<vmem>>[vector<16xi32>, vector<16xi32>], vector<16xf32>,
      %broadcast_in_dim3A_1574 = arith.constant 7 : i32
      %broadcast_in_dim3A_1575 = vector.broadcast %broadcast_in_dim3A_1574 : i32 to vector<16xi32>
      %gather3A_1576 = tpu.vector_load_idx %arg11[%iota3A, %broadcast_in_dim3A_1575] : memref<16x16xf32, #tpu.memory_space<vmem>>[vector<16xi32>, vector<16xi32>], vector<16xf32>,
      %broadcast_in_dim3A_1577 = arith.constant 8 : i32
      %broadcast_in_dim3A_1578 = vector.broadcast %broadcast_in_dim3A_1577 : i32 to vector<16xi32>
      %gather3A_1579 = tpu.vector_load_idx %arg11[%iota3A, %broadcast_in_dim3A_1578] : memref<16x16xf32, #tpu.memory_space<vmem>>[vector<16xi32>, vector<16xi32>], vector<16xf32>,
      %broadcast_in_dim3A_1580 = arith.constant 9 : i32
      %broadcast_in_dim3A_1581 = vector.broadcast %broadcast_in_dim3A_1580 : i32 to vector<16xi32>
      %gather3A_1582 = tpu.vector_load_idx %arg11[%iota3A, %broadcast_in_dim3A_1581] : memref<16x16xf32, #tpu.memory_space<vmem>>[vector<16xi32>, vector<16xi32>], vector<16xf32>,
      %broadcast_in_dim3A_1583 = arith.constant 10 : i32
      %broadcast_in_dim3A_1584 = vector.broadcast %broadcast_in_dim3A_1583 : i32 to vector<16xi32>
      %gather3A_1585 = tpu.vector_load_idx %arg11[%iota3A, %broadcast_in_dim3A_1584] : memref<16x16xf32, #tpu.memory_space<vmem>>[vector<16xi32>, vector<16xi32>], vector<16xf32>,
      %broadcast_in_dim3A_1586 = arith.constant 11 : i32
      %broadcast_in_dim3A_1587 = vector.broadcast %broadcast_in_dim3A_1586 : i32 to vector<16xi32>
      %gather3A_1588 = tpu.vector_load_idx %arg11[%iota3A, %broadcast_in_dim3A_1587] : memref<16x16xf32, #tpu.memory_space<vmem>>[vector<16xi32>, vector<16xi32>], vector<16xf32>,
      %broadcast_in_dim3A_1589 = arith.constant 12 : i32
      %broadcast_in_dim3A_1590 = vector.broadcast %broadcast_in_dim3A_1589 : i32 to vector<16xi32>
      %gather3A_1591 = tpu.vector_load_idx %arg11[%iota3A, %broadcast_in_dim3A_1590] : memref<16x16xf32, #tpu.memory_space<vmem>>[vector<16xi32>, vector<16xi32>], vector<16xf32>,
      %broadcast_in_dim3A_1592 = arith.constant 13 : i32
      %broadcast_in_dim3A_1593 = vector.broadcast %broadcast_in_dim3A_1592 : i32 to vector<16xi32>
      %gather3A_1594 = tpu.vector_load_idx %arg11[%iota3A, %broadcast_in_dim3A_1593] : memref<16x16xf32, #tpu.memory_space<vmem>>[vector<16xi32>, vector<16xi32>], vector<16xf32>,
      %broadcast_in_dim3A_1595 = arith.constant 14 : i32
      %broadcast_in_dim3A_1596 = vector.broadcast %broadcast_in_dim3A_1595 : i32 to vector<16xi32>
      %gather3A_1597 = tpu.vector_load_idx %arg11[%iota3A, %broadcast_in_dim3A_1596] : memref<16x16xf32, #tpu.memory_space<vmem>>[vector<16xi32>, vector<16xi32>], vector<16xf32>,
      %broadcast_in_dim3A_1598 = arith.constant 15 : i32
      %broadcast_in_dim3A_1599 = vector.broadcast %broadcast_in_dim3A_1598 : i32 to vector<16xi32>
      %gather3A_1600 = tpu.vector_load_idx %arg11[%iota3A, %broadcast_in_dim3A_1599] : memref<16x16xf32, #tpu.memory_space<vmem>>[vector<16xi32>, vector<16xi32>], vector<16xf32>,
      %add3A_1601 = arith.addf %gather3A_1555, %gather3A_1558 : vector<16xf32>
      %add3A_1602 = arith.addf %gather3A_1561, %gather3A_1564 : vector<16xf32>
      %add3A_1603 = arith.addf %gather3A_1567, %gather3A_1570 : vector<16xf32>
      %add3A_1604 = arith.addf %gather3A_1573, %gather3A_1576 : vector<16xf32>
      %add3A_1605 = arith.addf %gather3A_1579, %gather3A_1582 : vector<16xf32>
      %add3A_1606 = arith.addf %gather3A_1585, %gather3A_1588 : vector<16xf32>
      %add3A_1607 = arith.addf %gather3A_1591, %gather3A_1594 : vector<16xf32>
      %add3A_1608 = arith.addf %gather3A_1597, %gather3A_1600 : vector<16xf32>
      %add3A_1609 = arith.addf %add3A_1601, %add3A_1602 : vector<16xf32>
      %add3A_1610 = arith.addf %add3A_1603, %add3A_1604 : vector<16xf32>
      %add3A_1611 = arith.addf %add3A_1605, %add3A_1606 : vector<16xf32>
      %add3A_1612 = arith.addf %add3A_1607, %add3A_1608 : vector<16xf32>
      %add3A_1613 = arith.addf %add3A_1609, %add3A_1610 : vector<16xf32>
      %add3A_1614 = arith.addf %add3A_1611, %add3A_1612 : vector<16xf32>
      %add3A_1615 = arith.addf %add3A_1613, %add3A_1614 : vector<16xf32>
      %add3A_1616 = arith.constant 16 : i32
      %add3A_1617 = vector.broadcast %add3A_1616 : i32 to vector<16xi32>
      %add3A_1618 = arith.addi %add3A_18, %add3A_1617 : vector<16xi32>
      tpu.vector_store_idx %arg10[%add3A_1618], %add3A_1615 : memref<10000xf32, #tpu.memory_space<vmem>>[vector<16xi32>], vector<16xf32>,
      %get3A_1619 = arith.constant 32 : i32
      %get3A_1620 = arith.constant 0 : i32
      %get3A_1621 = arith.constant 0 : i32
      %get3A_1622 = tpu.memref_slice %arg9[%and3A_15, %get3A_1620, %get3A_1621] : memref<8x80x128xbf16, #tpu.memory_space<vmem>> -> memref<1x80x128xbf16, #tpu.memory_space<vmem>>
      %get3A_1623 = tpu.memref_squeeze %get3A_1622 : memref<1x80x128xbf16, #tpu.memory_space<vmem>> -> memref<80x128xbf16, #tpu.memory_space<vmem>>
      %get3A_1624 = arith.index_cast %get3A_1619 : i32 to index
      %get3A_1625 = arith.constant 0 : index
      %get3A_1626 = tpu.vector_load %get3A_1623[%get3A_1624, %get3A_1625] {strides = array<i32>} : memref<80x128xbf16, #tpu.memory_space<vmem>>, vector<32xbf16>,
      %mul3A_1627 = arith.mulf %get3A_1626, %get3A_1626 : vector<32xbf16>
      %get3A_1628 = arith.constant 32 : i32
      %get3A_1629 = arith.constant 0 : i32
      %get3A_1630 = arith.constant 0 : i32
      %get3A_1631 = tpu.memref_slice %arg9[%and3A_15, %get3A_1629, %get3A_1630] : memref<8x80x128xbf16, #tpu.memory_space<vmem>> -> memref<1x80x128xbf16, #tpu.memory_space<vmem>>
      %get3A_1632 = tpu.memref_squeeze %get3A_1631 : memref<1x80x128xbf16, #tpu.memory_space<vmem>> -> memref<80x128xbf16, #tpu.memory_space<vmem>>
      %get3A_1633 = arith.index_cast %get3A_1628 : i32 to index
      %get3A_1634 = arith.constant 32 : index
      %get3A_1635 = tpu.vector_load %get3A_1632[%get3A_1633, %get3A_1634] {strides = array<i32>} : memref<80x128xbf16, #tpu.memory_space<vmem>>, vector<32xbf16>,
      %mul3A_1636 = arith.mulf %get3A_1635, %get3A_1635 : vector<32xbf16>
      %add3A_1637 = arith.addf %mul3A_1627, %mul3A_1636 : vector<32xbf16>
      %get3A_1638 = arith.constant 32 : i32
      %get3A_1639 = arith.constant 0 : i32
      %get3A_1640 = arith.constant 0 : i32
      %get3A_1641 = tpu.memref_slice %arg9[%and3A_15, %get3A_1639, %get3A_1640] : memref<8x80x128xbf16, #tpu.memory_space<vmem>> -> memref<1x80x128xbf16, #tpu.memory_space<vmem>>
      %get3A_1642 = tpu.memref_squeeze %get3A_1641 : memref<1x80x128xbf16, #tpu.memory_space<vmem>> -> memref<80x128xbf16, #tpu.memory_space<vmem>>
      %get3A_1643 = arith.index_cast %get3A_1638 : i32 to index
      %get3A_1644 = arith.constant 64 : index
      %get3A_1645 = tpu.vector_load %get3A_1642[%get3A_1643, %get3A_1644] {strides = array<i32>} : memref<80x128xbf16, #tpu.memory_space<vmem>>, vector<32xbf16>,
      %mul3A_1646 = arith.mulf %get3A_1645, %get3A_1645 : vector<32xbf16>
      %add3A_1647 = arith.addf %add3A_1637, %mul3A_1646 : vector<32xbf16>
      %get3A_1648 = arith.constant 32 : i32
      %get3A_1649 = arith.constant 0 : i32
      %get3A_1650 = arith.constant 0 : i32
      %get3A_1651 = tpu.memref_slice %arg9[%and3A_15, %get3A_1649, %get3A_1650] : memref<8x80x128xbf16, #tpu.memory_space<vmem>> -> memref<1x80x128xbf16, #tpu.memory_space<vmem>>
      %get3A_1652 = tpu.memref_squeeze %get3A_1651 : memref<1x80x128xbf16, #tpu.memory_space<vmem>> -> memref<80x128xbf16, #tpu.memory_space<vmem>>
      %get3A_1653 = arith.index_cast %get3A_1648 : i32 to index
      %get3A_1654 = arith.constant 96 : index
      %get3A_1655 = tpu.vector_load %get3A_1652[%get3A_1653, %get3A_1654] {strides = array<i32>} : memref<80x128xbf16, #tpu.memory_space<vmem>>, vector<32xbf16>,
      %mul3A_1656 = arith.mulf %get3A_1655, %get3A_1655 : vector<32xbf16>
      %add3A_1657 = arith.addf %add3A_1647, %mul3A_1656 : vector<32xbf16>
      %unpack3A_1658 = tpu.unpack_subelements %add3A_1657, 0 {pack_format = #tpu.pack_format<interleaved>} : vector<32xbf16> -> vector<16xf32>
      %unpack3A_1659 = tpu.unpack_subelements %add3A_1657, 1 {pack_format = #tpu.pack_format<interleaved>} : vector<32xbf16> -> vector<16xf32>
      %add3A_1660 = arith.addf %unpack3A_1658, %unpack3A_1659 : vector<16xf32>
      %swap3A_1661 = arith.constant 0 : i32
      %swap3A_1662 = arith.index_cast %swap3A_1661 : i32 to index
      %swap3A_1663 = arith.constant 0 : index
      %swap3A_1664 = tpu.vector_load %arg11[%swap3A_1662, %swap3A_1663] {strides = array<i32>} : memref<16x16xf32, #tpu.memory_space<vmem>>, vector<16xf32>,
      tpu.vector_store %arg11[%swap3A_1662, %swap3A_1663], %add3A_1660 {strides = array<i32>} : memref<16x16xf32, #tpu.memory_space<vmem>>, vector<16xf32>,
      %get3A_1665 = arith.constant 33 : i32
      %get3A_1666 = arith.constant 0 : i32
      %get3A_1667 = arith.constant 0 : i32
      %get3A_1668 = tpu.memref_slice %arg9[%and3A_15, %get3A_1666, %get3A_1667] : memref<8x80x128xbf16, #tpu.memory_space<vmem>> -> memref<1x80x128xbf16, #tpu.memory_space<vmem>>
      %get3A_1669 = tpu.memref_squeeze %get3A_1668 : memref<1x80x128xbf16, #tpu.memory_space<vmem>> -> memref<80x128xbf16, #tpu.memory_space<vmem>>
      %get3A_1670 = arith.index_cast %get3A_1665 : i32 to index
      %get3A_1671 = arith.constant 0 : index
      %get3A_1672 = tpu.vector_load %get3A_1669[%get3A_1670, %get3A_1671] {strides = array<i32>} : memref<80x128xbf16, #tpu.memory_space<vmem>>, vector<32xbf16>,
      %mul3A_1673 = arith.mulf %get3A_1672, %get3A_1672 : vector<32xbf16>
      %get3A_1674 = arith.constant 33 : i32
      %get3A_1675 = arith.constant 0 : i32
      %get3A_1676 = arith.constant 0 : i32
      %get3A_1677 = tpu.memref_slice %arg9[%and3A_15, %get3A_1675, %get3A_1676] : memref<8x80x128xbf16, #tpu.memory_space<vmem>> -> memref<1x80x128xbf16, #tpu.memory_space<vmem>>
      %get3A_1678 = tpu.memref_squeeze %get3A_1677 : memref<1x80x128xbf16, #tpu.memory_space<vmem>> -> memref<80x128xbf16, #tpu.memory_space<vmem>>
      %get3A_1679 = arith.index_cast %get3A_1674 : i32 to index
      %get3A_1680 = arith.constant 32 : index
      %get3A_1681 = tpu.vector_load %get3A_1678[%get3A_1679, %get3A_1680] {strides = array<i32>} : memref<80x128xbf16, #tpu.memory_space<vmem>>, vector<32xbf16>,
      %mul3A_1682 = arith.mulf %get3A_1681, %get3A_1681 : vector<32xbf16>
      %add3A_1683 = arith.addf %mul3A_1673, %mul3A_1682 : vector<32xbf16>
      %get3A_1684 = arith.constant 33 : i32
      %get3A_1685 = arith.constant 0 : i32
      %get3A_1686 = arith.constant 0 : i32
      %get3A_1687 = tpu.memref_slice %arg9[%and3A_15, %get3A_1685, %get3A_1686] : memref<8x80x128xbf16, #tpu.memory_space<vmem>> -> memref<1x80x128xbf16, #tpu.memory_space<vmem>>
      %get3A_1688 = tpu.memref_squeeze %get3A_1687 : memref<1x80x128xbf16, #tpu.memory_space<vmem>> -> memref<80x128xbf16, #tpu.memory_space<vmem>>
      %get3A_1689 = arith.index_cast %get3A_1684 : i32 to index
      %get3A_1690 = arith.constant 64 : index
      %get3A_1691 = tpu.vector_load %get3A_1688[%get3A_1689, %get3A_1690] {strides = array<i32>} : memref<80x128xbf16, #tpu.memory_space<vmem>>, vector<32xbf16>,
      %mul3A_1692 = arith.mulf %get3A_1691, %get3A_1691 : vector<32xbf16>
      %add3A_1693 = arith.addf %add3A_1683, %mul3A_1692 : vector<32xbf16>
      %get3A_1694 = arith.constant 33 : i32
      %get3A_1695 = arith.constant 0 : i32
      %get3A_1696 = arith.constant 0 : i32
      %get3A_1697 = tpu.memref_slice %arg9[%and3A_15, %get3A_1695, %get3A_1696] : memref<8x80x128xbf16, #tpu.memory_space<vmem>> -> memref<1x80x128xbf16, #tpu.memory_space<vmem>>
      %get3A_1698 = tpu.memref_squeeze %get3A_1697 : memref<1x80x128xbf16, #tpu.memory_space<vmem>> -> memref<80x128xbf16, #tpu.memory_space<vmem>>
      %get3A_1699 = arith.index_cast %get3A_1694 : i32 to index
      %get3A_1700 = arith.constant 96 : index
      %get3A_1701 = tpu.vector_load %get3A_1698[%get3A_1699, %get3A_1700] {strides = array<i32>} : memref<80x128xbf16, #tpu.memory_space<vmem>>, vector<32xbf16>,
      %mul3A_1702 = arith.mulf %get3A_1701, %get3A_1701 : vector<32xbf16>
      %add3A_1703 = arith.addf %add3A_1693, %mul3A_1702 : vector<32xbf16>
      %unpack3A_1704 = tpu.unpack_subelements %add3A_1703, 0 {pack_format = #tpu.pack_format<interleaved>} : vector<32xbf16> -> vector<16xf32>
      %unpack3A_1705 = tpu.unpack_subelements %add3A_1703, 1 {pack_format = #tpu.pack_format<interleaved>} : vector<32xbf16> -> vector<16xf32>
      %add3A_1706 = arith.addf %unpack3A_1704, %unpack3A_1705 : vector<16xf32>
      %swap3A_1707 = arith.constant 1 : i32
      %swap3A_1708 = arith.index_cast %swap3A_1707 : i32 to index
      %swap3A_1709 = arith.constant 0 : index
      %swap3A_1710 = tpu.vector_load %arg11[%swap3A_1708, %swap3A_1709] {strides = array<i32>} : memref<16x16xf32, #tpu.memory_space<vmem>>, vector<16xf32>,
      tpu.vector_store %arg11[%swap3A_1708, %swap3A_1709], %add3A_1706 {strides = array<i32>} : memref<16x16xf32, #tpu.memory_space<vmem>>, vector<16xf32>,
      %get3A_1711 = arith.constant 34 : i32
      %get3A_1712 = arith.constant 0 : i32
      %get3A_1713 = arith.constant 0 : i32
      %get3A_1714 = tpu.memref_slice %arg9[%and3A_15, %get3A_1712, %get3A_1713] : memref<8x80x128xbf16, #tpu.memory_space<vmem>> -> memref<1x80x128xbf16, #tpu.memory_space<vmem>>
      %get3A_1715 = tpu.memref_squeeze %get3A_1714 : memref<1x80x128xbf16, #tpu.memory_space<vmem>> -> memref<80x128xbf16, #tpu.memory_space<vmem>>
      %get3A_1716 = arith.index_cast %get3A_1711 : i32 to index
      %get3A_1717 = arith.constant 0 : index
      %get3A_1718 = tpu.vector_load %get3A_1715[%get3A_1716, %get3A_1717] {strides = array<i32>} : memref<80x128xbf16, #tpu.memory_space<vmem>>, vector<32xbf16>,
      %mul3A_1719 = arith.mulf %get3A_1718, %get3A_1718 : vector<32xbf16>
      %get3A_1720 = arith.constant 34 : i32
      %get3A_1721 = arith.constant 0 : i32
      %get3A_1722 = arith.constant 0 : i32
      %get3A_1723 = tpu.memref_slice %arg9[%and3A_15, %get3A_1721, %get3A_1722] : memref<8x80x128xbf16, #tpu.memory_space<vmem>> -> memref<1x80x128xbf16, #tpu.memory_space<vmem>>
      %get3A_1724 = tpu.memref_squeeze %get3A_1723 : memref<1x80x128xbf16, #tpu.memory_space<vmem>> -> memref<80x128xbf16, #tpu.memory_space<vmem>>
      %get3A_1725 = arith.index_cast %get3A_1720 : i32 to index
      %get3A_1726 = arith.constant 32 : index
      %get3A_1727 = tpu.vector_load %get3A_1724[%get3A_1725, %get3A_1726] {strides = array<i32>} : memref<80x128xbf16, #tpu.memory_space<vmem>>, vector<32xbf16>,
      %mul3A_1728 = arith.mulf %get3A_1727, %get3A_1727 : vector<32xbf16>
      %add3A_1729 = arith.addf %mul3A_1719, %mul3A_1728 : vector<32xbf16>
      %get3A_1730 = arith.constant 34 : i32
      %get3A_1731 = arith.constant 0 : i32
      %get3A_1732 = arith.constant 0 : i32
      %get3A_1733 = tpu.memref_slice %arg9[%and3A_15, %get3A_1731, %get3A_1732] : memref<8x80x128xbf16, #tpu.memory_space<vmem>> -> memref<1x80x128xbf16, #tpu.memory_space<vmem>>
      %get3A_1734 = tpu.memref_squeeze %get3A_1733 : memref<1x80x128xbf16, #tpu.memory_space<vmem>> -> memref<80x128xbf16, #tpu.memory_space<vmem>>
      %get3A_1735 = arith.index_cast %get3A_1730 : i32 to index
      %get3A_1736 = arith.constant 64 : index
      %get3A_1737 = tpu.vector_load %get3A_1734[%get3A_1735, %get3A_1736] {strides = array<i32>} : memref<80x128xbf16, #tpu.memory_space<vmem>>, vector<32xbf16>,
      %mul3A_1738 = arith.mulf %get3A_1737, %get3A_1737 : vector<32xbf16>
      %add3A_1739 = arith.addf %add3A_1729, %mul3A_1738 : vector<32xbf16>
      %get3A_1740 = arith.constant 34 : i32
      %get3A_1741 = arith.constant 0 : i32
      %get3A_1742 = arith.constant 0 : i32
      %get3A_1743 = tpu.memref_slice %arg9[%and3A_15, %get3A_1741, %get3A_1742] : memref<8x80x128xbf16, #tpu.memory_space<vmem>> -> memref<1x80x128xbf16, #tpu.memory_space<vmem>>
      %get3A_1744 = tpu.memref_squeeze %get3A_1743 : memref<1x80x128xbf16, #tpu.memory_space<vmem>> -> memref<80x128xbf16, #tpu.memory_space<vmem>>
      %get3A_1745 = arith.index_cast %get3A_1740 : i32 to index
      %get3A_1746 = arith.constant 96 : index
      %get3A_1747 = tpu.vector_load %get3A_1744[%get3A_1745, %get3A_1746] {strides = array<i32>} : memref<80x128xbf16, #tpu.memory_space<vmem>>, vector<32xbf16>,
      %mul3A_1748 = arith.mulf %get3A_1747, %get3A_1747 : vector<32xbf16>
      %add3A_1749 = arith.addf %add3A_1739, %mul3A_1748 : vector<32xbf16>
      %unpack3A_1750 = tpu.unpack_subelements %add3A_1749, 0 {pack_format = #tpu.pack_format<interleaved>} : vector<32xbf16> -> vector<16xf32>
      %unpack3A_1751 = tpu.unpack_subelements %add3A_1749, 1 {pack_format = #tpu.pack_format<interleaved>} : vector<32xbf16> -> vector<16xf32>
      %add3A_1752 = arith.addf %unpack3A_1750, %unpack3A_1751 : vector<16xf32>
      %swap3A_1753 = arith.constant 2 : i32
      %swap3A_1754 = arith.index_cast %swap3A_1753 : i32 to index
      %swap3A_1755 = arith.constant 0 : index
      %swap3A_1756 = tpu.vector_load %arg11[%swap3A_1754, %swap3A_1755] {strides = array<i32>} : memref<16x16xf32, #tpu.memory_space<vmem>>, vector<16xf32>,
      tpu.vector_store %arg11[%swap3A_1754, %swap3A_1755], %add3A_1752 {strides = array<i32>} : memref<16x16xf32, #tpu.memory_space<vmem>>, vector<16xf32>,
      %get3A_1757 = arith.constant 35 : i32
      %get3A_1758 = arith.constant 0 : i32
      %get3A_1759 = arith.constant 0 : i32
      %get3A_1760 = tpu.memref_slice %arg9[%and3A_15, %get3A_1758, %get3A_1759] : memref<8x80x128xbf16, #tpu.memory_space<vmem>> -> memref<1x80x128xbf16, #tpu.memory_space<vmem>>
      %get3A_1761 = tpu.memref_squeeze %get3A_1760 : memref<1x80x128xbf16, #tpu.memory_space<vmem>> -> memref<80x128xbf16, #tpu.memory_space<vmem>>
      %get3A_1762 = arith.index_cast %get3A_1757 : i32 to index
      %get3A_1763 = arith.constant 0 : index
      %get3A_1764 = tpu.vector_load %get3A_1761[%get3A_1762, %get3A_1763] {strides = array<i32>} : memref<80x128xbf16, #tpu.memory_space<vmem>>, vector<32xbf16>,
      %mul3A_1765 = arith.mulf %get3A_1764, %get3A_1764 : vector<32xbf16>
      %get3A_1766 = arith.constant 35 : i32
      %get3A_1767 = arith.constant 0 : i32
      %get3A_1768 = arith.constant 0 : i32
      %get3A_1769 = tpu.memref_slice %arg9[%and3A_15, %get3A_1767, %get3A_1768] : memref<8x80x128xbf16, #tpu.memory_space<vmem>> -> memref<1x80x128xbf16, #tpu.memory_space<vmem>>
      %get3A_1770 = tpu.memref_squeeze %get3A_1769 : memref<1x80x128xbf16, #tpu.memory_space<vmem>> -> memref<80x128xbf16, #tpu.memory_space<vmem>>
      %get3A_1771 = arith.index_cast %get3A_1766 : i32 to index
      %get3A_1772 = arith.constant 32 : index
      %get3A_1773 = tpu.vector_load %get3A_1770[%get3A_1771, %get3A_1772] {strides = array<i32>} : memref<80x128xbf16, #tpu.memory_space<vmem>>, vector<32xbf16>,
      %mul3A_1774 = arith.mulf %get3A_1773, %get3A_1773 : vector<32xbf16>
      %add3A_1775 = arith.addf %mul3A_1765, %mul3A_1774 : vector<32xbf16>
      %get3A_1776 = arith.constant 35 : i32
      %get3A_1777 = arith.constant 0 : i32
      %get3A_1778 = arith.constant 0 : i32
      %get3A_1779 = tpu.memref_slice %arg9[%and3A_15, %get3A_1777, %get3A_1778] : memref<8x80x128xbf16, #tpu.memory_space<vmem>> -> memref<1x80x128xbf16, #tpu.memory_space<vmem>>
      %get3A_1780 = tpu.memref_squeeze %get3A_1779 : memref<1x80x128xbf16, #tpu.memory_space<vmem>> -> memref<80x128xbf16, #tpu.memory_space<vmem>>
      %get3A_1781 = arith.index_cast %get3A_1776 : i32 to index
      %get3A_1782 = arith.constant 64 : index
      %get3A_1783 = tpu.vector_load %get3A_1780[%get3A_1781, %get3A_1782] {strides = array<i32>} : memref<80x128xbf16, #tpu.memory_space<vmem>>, vector<32xbf16>,
      %mul3A_1784 = arith.mulf %get3A_1783, %get3A_1783 : vector<32xbf16>
      %add3A_1785 = arith.addf %add3A_1775, %mul3A_1784 : vector<32xbf16>
      %get3A_1786 = arith.constant 35 : i32
      %get3A_1787 = arith.constant 0 : i32
      %get3A_1788 = arith.constant 0 : i32
      %get3A_1789 = tpu.memref_slice %arg9[%and3A_15, %get3A_1787, %get3A_1788] : memref<8x80x128xbf16, #tpu.memory_space<vmem>> -> memref<1x80x128xbf16, #tpu.memory_space<vmem>>
      %get3A_1790 = tpu.memref_squeeze %get3A_1789 : memref<1x80x128xbf16, #tpu.memory_space<vmem>> -> memref<80x128xbf16, #tpu.memory_space<vmem>>
      %get3A_1791 = arith.index_cast %get3A_1786 : i32 to index
      %get3A_1792 = arith.constant 96 : index
      %get3A_1793 = tpu.vector_load %get3A_1790[%get3A_1791, %get3A_1792] {strides = array<i32>} : memref<80x128xbf16, #tpu.memory_space<vmem>>, vector<32xbf16>,
      %mul3A_1794 = arith.mulf %get3A_1793, %get3A_1793 : vector<32xbf16>
      %add3A_1795 = arith.addf %add3A_1785, %mul3A_1794 : vector<32xbf16>
      %unpack3A_1796 = tpu.unpack_subelements %add3A_1795, 0 {pack_format = #tpu.pack_format<interleaved>} : vector<32xbf16> -> vector<16xf32>
      %unpack3A_1797 = tpu.unpack_subelements %add3A_1795, 1 {pack_format = #tpu.pack_format<interleaved>} : vector<32xbf16> -> vector<16xf32>
      %add3A_1798 = arith.addf %unpack3A_1796, %unpack3A_1797 : vector<16xf32>
      %swap3A_1799 = arith.constant 3 : i32
      %swap3A_1800 = arith.index_cast %swap3A_1799 : i32 to index
      %swap3A_1801 = arith.constant 0 : index
      %swap3A_1802 = tpu.vector_load %arg11[%swap3A_1800, %swap3A_1801] {strides = array<i32>} : memref<16x16xf32, #tpu.memory_space<vmem>>, vector<16xf32>,
      tpu.vector_store %arg11[%swap3A_1800, %swap3A_1801], %add3A_1798 {strides = array<i32>} : memref<16x16xf32, #tpu.memory_space<vmem>>, vector<16xf32>,
      %get3A_1803 = arith.constant 36 : i32
      %get3A_1804 = arith.constant 0 : i32
      %get3A_1805 = arith.constant 0 : i32
      %get3A_1806 = tpu.memref_slice %arg9[%and3A_15, %get3A_1804, %get3A_1805] : memref<8x80x128xbf16, #tpu.memory_space<vmem>> -> memref<1x80x128xbf16, #tpu.memory_space<vmem>>
      %get3A_1807 = tpu.memref_squeeze %get3A_1806 : memref<1x80x128xbf16, #tpu.memory_space<vmem>> -> memref<80x128xbf16, #tpu.memory_space<vmem>>
      %get3A_1808 = arith.index_cast %get3A_1803 : i32 to index
      %get3A_1809 = arith.constant 0 : index
      %get3A_1810 = tpu.vector_load %get3A_1807[%get3A_1808, %get3A_1809] {strides = array<i32>} : memref<80x128xbf16, #tpu.memory_space<vmem>>, vector<32xbf16>,
      %mul3A_1811 = arith.mulf %get3A_1810, %get3A_1810 : vector<32xbf16>
      %get3A_1812 = arith.constant 36 : i32
      %get3A_1813 = arith.constant 0 : i32
      %get3A_1814 = arith.constant 0 : i32
      %get3A_1815 = tpu.memref_slice %arg9[%and3A_15, %get3A_1813, %get3A_1814] : memref<8x80x128xbf16, #tpu.memory_space<vmem>> -> memref<1x80x128xbf16, #tpu.memory_space<vmem>>
      %get3A_1816 = tpu.memref_squeeze %get3A_1815 : memref<1x80x128xbf16, #tpu.memory_space<vmem>> -> memref<80x128xbf16, #tpu.memory_space<vmem>>
      %get3A_1817 = arith.index_cast %get3A_1812 : i32 to index
      %get3A_1818 = arith.constant 32 : index
      %get3A_1819 = tpu.vector_load %get3A_1816[%get3A_1817, %get3A_1818] {strides = array<i32>} : memref<80x128xbf16, #tpu.memory_space<vmem>>, vector<32xbf16>,
      %mul3A_1820 = arith.mulf %get3A_1819, %get3A_1819 : vector<32xbf16>
      %add3A_1821 = arith.addf %mul3A_1811, %mul3A_1820 : vector<32xbf16>
      %get3A_1822 = arith.constant 36 : i32
      %get3A_1823 = arith.constant 0 : i32
      %get3A_1824 = arith.constant 0 : i32
      %get3A_1825 = tpu.memref_slice %arg9[%and3A_15, %get3A_1823, %get3A_1824] : memref<8x80x128xbf16, #tpu.memory_space<vmem>> -> memref<1x80x128xbf16, #tpu.memory_space<vmem>>
      %get3A_1826 = tpu.memref_squeeze %get3A_1825 : memref<1x80x128xbf16, #tpu.memory_space<vmem>> -> memref<80x128xbf16, #tpu.memory_space<vmem>>
      %get3A_1827 = arith.index_cast %get3A_1822 : i32 to index
      %get3A_1828 = arith.constant 64 : index
      %get3A_1829 = tpu.vector_load %get3A_1826[%get3A_1827, %get3A_1828] {strides = array<i32>} : memref<80x128xbf16, #tpu.memory_space<vmem>>, vector<32xbf16>,
      %mul3A_1830 = arith.mulf %get3A_1829, %get3A_1829 : vector<32xbf16>
      %add3A_1831 = arith.addf %add3A_1821, %mul3A_1830 : vector<32xbf16>
      %get3A_1832 = arith.constant 36 : i32
      %get3A_1833 = arith.constant 0 : i32
      %get3A_1834 = arith.constant 0 : i32
      %get3A_1835 = tpu.memref_slice %arg9[%and3A_15, %get3A_1833, %get3A_1834] : memref<8x80x128xbf16, #tpu.memory_space<vmem>> -> memref<1x80x128xbf16, #tpu.memory_space<vmem>>
      %get3A_1836 = tpu.memref_squeeze %get3A_1835 : memref<1x80x128xbf16, #tpu.memory_space<vmem>> -> memref<80x128xbf16, #tpu.memory_space<vmem>>
      %get3A_1837 = arith.index_cast %get3A_1832 : i32 to index
      %get3A_1838 = arith.constant 96 : index
      %get3A_1839 = tpu.vector_load %get3A_1836[%get3A_1837, %get3A_1838] {strides = array<i32>} : memref<80x128xbf16, #tpu.memory_space<vmem>>, vector<32xbf16>,
      %mul3A_1840 = arith.mulf %get3A_1839, %get3A_1839 : vector<32xbf16>
      %add3A_1841 = arith.addf %add3A_1831, %mul3A_1840 : vector<32xbf16>
      %unpack3A_1842 = tpu.unpack_subelements %add3A_1841, 0 {pack_format = #tpu.pack_format<interleaved>} : vector<32xbf16> -> vector<16xf32>
      %unpack3A_1843 = tpu.unpack_subelements %add3A_1841, 1 {pack_format = #tpu.pack_format<interleaved>} : vector<32xbf16> -> vector<16xf32>
      %add3A_1844 = arith.addf %unpack3A_1842, %unpack3A_1843 : vector<16xf32>
      %swap3A_1845 = arith.constant 4 : i32
      %swap3A_1846 = arith.index_cast %swap3A_1845 : i32 to index
      %swap3A_1847 = arith.constant 0 : index
      %swap3A_1848 = tpu.vector_load %arg11[%swap3A_1846, %swap3A_1847] {strides = array<i32>} : memref<16x16xf32, #tpu.memory_space<vmem>>, vector<16xf32>,
      tpu.vector_store %arg11[%swap3A_1846, %swap3A_1847], %add3A_1844 {strides = array<i32>} : memref<16x16xf32, #tpu.memory_space<vmem>>, vector<16xf32>,
      %get3A_1849 = arith.constant 37 : i32
      %get3A_1850 = arith.constant 0 : i32
      %get3A_1851 = arith.constant 0 : i32
      %get3A_1852 = tpu.memref_slice %arg9[%and3A_15, %get3A_1850, %get3A_1851] : memref<8x80x128xbf16, #tpu.memory_space<vmem>> -> memref<1x80x128xbf16, #tpu.memory_space<vmem>>
      %get3A_1853 = tpu.memref_squeeze %get3A_1852 : memref<1x80x128xbf16, #tpu.memory_space<vmem>> -> memref<80x128xbf16, #tpu.memory_space<vmem>>
      %get3A_1854 = arith.index_cast %get3A_1849 : i32 to index
      %get3A_1855 = arith.constant 0 : index
      %get3A_1856 = tpu.vector_load %get3A_1853[%get3A_1854, %get3A_1855] {strides = array<i32>} : memref<80x128xbf16, #tpu.memory_space<vmem>>, vector<32xbf16>,
      %mul3A_1857 = arith.mulf %get3A_1856, %get3A_1856 : vector<32xbf16>
      %get3A_1858 = arith.constant 37 : i32
      %get3A_1859 = arith.constant 0 : i32
      %get3A_1860 = arith.constant 0 : i32
      %get3A_1861 = tpu.memref_slice %arg9[%and3A_15, %get3A_1859, %get3A_1860] : memref<8x80x128xbf16, #tpu.memory_space<vmem>> -> memref<1x80x128xbf16, #tpu.memory_space<vmem>>
      %get3A_1862 = tpu.memref_squeeze %get3A_1861 : memref<1x80x128xbf16, #tpu.memory_space<vmem>> -> memref<80x128xbf16, #tpu.memory_space<vmem>>
      %get3A_1863 = arith.index_cast %get3A_1858 : i32 to index
      %get3A_1864 = arith.constant 32 : index
      %get3A_1865 = tpu.vector_load %get3A_1862[%get3A_1863, %get3A_1864] {strides = array<i32>} : memref<80x128xbf16, #tpu.memory_space<vmem>>, vector<32xbf16>,
      %mul3A_1866 = arith.mulf %get3A_1865, %get3A_1865 : vector<32xbf16>
      %add3A_1867 = arith.addf %mul3A_1857, %mul3A_1866 : vector<32xbf16>
      %get3A_1868 = arith.constant 37 : i32
      %get3A_1869 = arith.constant 0 : i32
      %get3A_1870 = arith.constant 0 : i32
      %get3A_1871 = tpu.memref_slice %arg9[%and3A_15, %get3A_1869, %get3A_1870] : memref<8x80x128xbf16, #tpu.memory_space<vmem>> -> memref<1x80x128xbf16, #tpu.memory_space<vmem>>
      %get3A_1872 = tpu.memref_squeeze %get3A_1871 : memref<1x80x128xbf16, #tpu.memory_space<vmem>> -> memref<80x128xbf16, #tpu.memory_space<vmem>>
      %get3A_1873 = arith.index_cast %get3A_1868 : i32 to index
      %get3A_1874 = arith.constant 64 : index
      %get3A_1875 = tpu.vector_load %get3A_1872[%get3A_1873, %get3A_1874] {strides = array<i32>} : memref<80x128xbf16, #tpu.memory_space<vmem>>, vector<32xbf16>,
      %mul3A_1876 = arith.mulf %get3A_1875, %get3A_1875 : vector<32xbf16>
      %add3A_1877 = arith.addf %add3A_1867, %mul3A_1876 : vector<32xbf16>
      %get3A_1878 = arith.constant 37 : i32
      %get3A_1879 = arith.constant 0 : i32
      %get3A_1880 = arith.constant 0 : i32
      %get3A_1881 = tpu.memref_slice %arg9[%and3A_15, %get3A_1879, %get3A_1880] : memref<8x80x128xbf16, #tpu.memory_space<vmem>> -> memref<1x80x128xbf16, #tpu.memory_space<vmem>>
      %get3A_1882 = tpu.memref_squeeze %get3A_1881 : memref<1x80x128xbf16, #tpu.memory_space<vmem>> -> memref<80x128xbf16, #tpu.memory_space<vmem>>
      %get3A_1883 = arith.index_cast %get3A_1878 : i32 to index
      %get3A_1884 = arith.constant 96 : index
      %get3A_1885 = tpu.vector_load %get3A_1882[%get3A_1883, %get3A_1884] {strides = array<i32>} : memref<80x128xbf16, #tpu.memory_space<vmem>>, vector<32xbf16>,
      %mul3A_1886 = arith.mulf %get3A_1885, %get3A_1885 : vector<32xbf16>
      %add3A_1887 = arith.addf %add3A_1877, %mul3A_1886 : vector<32xbf16>
      %unpack3A_1888 = tpu.unpack_subelements %add3A_1887, 0 {pack_format = #tpu.pack_format<interleaved>} : vector<32xbf16> -> vector<16xf32>
      %unpack3A_1889 = tpu.unpack_subelements %add3A_1887, 1 {pack_format = #tpu.pack_format<interleaved>} : vector<32xbf16> -> vector<16xf32>
      %add3A_1890 = arith.addf %unpack3A_1888, %unpack3A_1889 : vector<16xf32>
      %swap3A_1891 = arith.constant 5 : i32
      %swap3A_1892 = arith.index_cast %swap3A_1891 : i32 to index
      %swap3A_1893 = arith.constant 0 : index
      %swap3A_1894 = tpu.vector_load %arg11[%swap3A_1892, %swap3A_1893] {strides = array<i32>} : memref<16x16xf32, #tpu.memory_space<vmem>>, vector<16xf32>,
      tpu.vector_store %arg11[%swap3A_1892, %swap3A_1893], %add3A_1890 {strides = array<i32>} : memref<16x16xf32, #tpu.memory_space<vmem>>, vector<16xf32>,
      %get3A_1895 = arith.constant 38 : i32
      %get3A_1896 = arith.constant 0 : i32
      %get3A_1897 = arith.constant 0 : i32
      %get3A_1898 = tpu.memref_slice %arg9[%and3A_15, %get3A_1896, %get3A_1897] : memref<8x80x128xbf16, #tpu.memory_space<vmem>> -> memref<1x80x128xbf16, #tpu.memory_space<vmem>>
      %get3A_1899 = tpu.memref_squeeze %get3A_1898 : memref<1x80x128xbf16, #tpu.memory_space<vmem>> -> memref<80x128xbf16, #tpu.memory_space<vmem>>
      %get3A_1900 = arith.index_cast %get3A_1895 : i32 to index
      %get3A_1901 = arith.constant 0 : index
      %get3A_1902 = tpu.vector_load %get3A_1899[%get3A_1900, %get3A_1901] {strides = array<i32>} : memref<80x128xbf16, #tpu.memory_space<vmem>>, vector<32xbf16>,
      %mul3A_1903 = arith.mulf %get3A_1902, %get3A_1902 : vector<32xbf16>
      %get3A_1904 = arith.constant 38 : i32
      %get3A_1905 = arith.constant 0 : i32
      %get3A_1906 = arith.constant 0 : i32
      %get3A_1907 = tpu.memref_slice %arg9[%and3A_15, %get3A_1905, %get3A_1906] : memref<8x80x128xbf16, #tpu.memory_space<vmem>> -> memref<1x80x128xbf16, #tpu.memory_space<vmem>>
      %get3A_1908 = tpu.memref_squeeze %get3A_1907 : memref<1x80x128xbf16, #tpu.memory_space<vmem>> -> memref<80x128xbf16, #tpu.memory_space<vmem>>
      %get3A_1909 = arith.index_cast %get3A_1904 : i32 to index
      %get3A_1910 = arith.constant 32 : index
      %get3A_1911 = tpu.vector_load %get3A_1908[%get3A_1909, %get3A_1910] {strides = array<i32>} : memref<80x128xbf16, #tpu.memory_space<vmem>>, vector<32xbf16>,
      %mul3A_1912 = arith.mulf %get3A_1911, %get3A_1911 : vector<32xbf16>
      %add3A_1913 = arith.addf %mul3A_1903, %mul3A_1912 : vector<32xbf16>
      %get3A_1914 = arith.constant 38 : i32
      %get3A_1915 = arith.constant 0 : i32
      %get3A_1916 = arith.constant 0 : i32
      %get3A_1917 = tpu.memref_slice %arg9[%and3A_15, %get3A_1915, %get3A_1916] : memref<8x80x128xbf16, #tpu.memory_space<vmem>> -> memref<1x80x128xbf16, #tpu.memory_space<vmem>>
      %get3A_1918 = tpu.memref_squeeze %get3A_1917 : memref<1x80x128xbf16, #tpu.memory_space<vmem>> -> memref<80x128xbf16, #tpu.memory_space<vmem>>
      %get3A_1919 = arith.index_cast %get3A_1914 : i32 to index
      %get3A_1920 = arith.constant 64 : index
      %get3A_1921 = tpu.vector_load %get3A_1918[%get3A_1919, %get3A_1920] {strides = array<i32>} : memref<80x128xbf16, #tpu.memory_space<vmem>>, vector<32xbf16>,
      %mul3A_1922 = arith.mulf %get3A_1921, %get3A_1921 : vector<32xbf16>
      %add3A_1923 = arith.addf %add3A_1913, %mul3A_1922 : vector<32xbf16>
      %get3A_1924 = arith.constant 38 : i32
      %get3A_1925 = arith.constant 0 : i32
      %get3A_1926 = arith.constant 0 : i32
      %get3A_1927 = tpu.memref_slice %arg9[%and3A_15, %get3A_1925, %get3A_1926] : memref<8x80x128xbf16, #tpu.memory_space<vmem>> -> memref<1x80x128xbf16, #tpu.memory_space<vmem>>
      %get3A_1928 = tpu.memref_squeeze %get3A_1927 : memref<1x80x128xbf16, #tpu.memory_space<vmem>> -> memref<80x128xbf16, #tpu.memory_space<vmem>>
      %get3A_1929 = arith.index_cast %get3A_1924 : i32 to index
      %get3A_1930 = arith.constant 96 : index
      %get3A_1931 = tpu.vector_load %get3A_1928[%get3A_1929, %get3A_1930] {strides = array<i32>} : memref<80x128xbf16, #tpu.memory_space<vmem>>, vector<32xbf16>,
      %mul3A_1932 = arith.mulf %get3A_1931, %get3A_1931 : vector<32xbf16>
      %add3A_1933 = arith.addf %add3A_1923, %mul3A_1932 : vector<32xbf16>
      %unpack3A_1934 = tpu.unpack_subelements %add3A_1933, 0 {pack_format = #tpu.pack_format<interleaved>} : vector<32xbf16> -> vector<16xf32>
      %unpack3A_1935 = tpu.unpack_subelements %add3A_1933, 1 {pack_format = #tpu.pack_format<interleaved>} : vector<32xbf16> -> vector<16xf32>
      %add3A_1936 = arith.addf %unpack3A_1934, %unpack3A_1935 : vector<16xf32>
      %swap3A_1937 = arith.constant 6 : i32
      %swap3A_1938 = arith.index_cast %swap3A_1937 : i32 to index
      %swap3A_1939 = arith.constant 0 : index
      %swap3A_1940 = tpu.vector_load %arg11[%swap3A_1938, %swap3A_1939] {strides = array<i32>} : memref<16x16xf32, #tpu.memory_space<vmem>>, vector<16xf32>,
      tpu.vector_store %arg11[%swap3A_1938, %swap3A_1939], %add3A_1936 {strides = array<i32>} : memref<16x16xf32, #tpu.memory_space<vmem>>, vector<16xf32>,
      %get3A_1941 = arith.constant 39 : i32
      %get3A_1942 = arith.constant 0 : i32
      %get3A_1943 = arith.constant 0 : i32
      %get3A_1944 = tpu.memref_slice %arg9[%and3A_15, %get3A_1942, %get3A_1943] : memref<8x80x128xbf16, #tpu.memory_space<vmem>> -> memref<1x80x128xbf16, #tpu.memory_space<vmem>>
      %get3A_1945 = tpu.memref_squeeze %get3A_1944 : memref<1x80x128xbf16, #tpu.memory_space<vmem>> -> memref<80x128xbf16, #tpu.memory_space<vmem>>
      %get3A_1946 = arith.index_cast %get3A_1941 : i32 to index
      %get3A_1947 = arith.constant 0 : index
      %get3A_1948 = tpu.vector_load %get3A_1945[%get3A_1946, %get3A_1947] {strides = array<i32>} : memref<80x128xbf16, #tpu.memory_space<vmem>>, vector<32xbf16>,
      %mul3A_1949 = arith.mulf %get3A_1948, %get3A_1948 : vector<32xbf16>
      %get3A_1950 = arith.constant 39 : i32
      %get3A_1951 = arith.constant 0 : i32
      %get3A_1952 = arith.constant 0 : i32
      %get3A_1953 = tpu.memref_slice %arg9[%and3A_15, %get3A_1951, %get3A_1952] : memref<8x80x128xbf16, #tpu.memory_space<vmem>> -> memref<1x80x128xbf16, #tpu.memory_space<vmem>>
      %get3A_1954 = tpu.memref_squeeze %get3A_1953 : memref<1x80x128xbf16, #tpu.memory_space<vmem>> -> memref<80x128xbf16, #tpu.memory_space<vmem>>
      %get3A_1955 = arith.index_cast %get3A_1950 : i32 to index
      %get3A_1956 = arith.constant 32 : index
      %get3A_1957 = tpu.vector_load %get3A_1954[%get3A_1955, %get3A_1956] {strides = array<i32>} : memref<80x128xbf16, #tpu.memory_space<vmem>>, vector<32xbf16>,
      %mul3A_1958 = arith.mulf %get3A_1957, %get3A_1957 : vector<32xbf16>
      %add3A_1959 = arith.addf %mul3A_1949, %mul3A_1958 : vector<32xbf16>
      %get3A_1960 = arith.constant 39 : i32
      %get3A_1961 = arith.constant 0 : i32
      %get3A_1962 = arith.constant 0 : i32
      %get3A_1963 = tpu.memref_slice %arg9[%and3A_15, %get3A_1961, %get3A_1962] : memref<8x80x128xbf16, #tpu.memory_space<vmem>> -> memref<1x80x128xbf16, #tpu.memory_space<vmem>>
      %get3A_1964 = tpu.memref_squeeze %get3A_1963 : memref<1x80x128xbf16, #tpu.memory_space<vmem>> -> memref<80x128xbf16, #tpu.memory_space<vmem>>
      %get3A_1965 = arith.index_cast %get3A_1960 : i32 to index
      %get3A_1966 = arith.constant 64 : index
      %get3A_1967 = tpu.vector_load %get3A_1964[%get3A_1965, %get3A_1966] {strides = array<i32>} : memref<80x128xbf16, #tpu.memory_space<vmem>>, vector<32xbf16>,
      %mul3A_1968 = arith.mulf %get3A_1967, %get3A_1967 : vector<32xbf16>
      %add3A_1969 = arith.addf %add3A_1959, %mul3A_1968 : vector<32xbf16>
      %get3A_1970 = arith.constant 39 : i32
      %get3A_1971 = arith.constant 0 : i32
      %get3A_1972 = arith.constant 0 : i32
      %get3A_1973 = tpu.memref_slice %arg9[%and3A_15, %get3A_1971, %get3A_1972] : memref<8x80x128xbf16, #tpu.memory_space<vmem>> -> memref<1x80x128xbf16, #tpu.memory_space<vmem>>
      %get3A_1974 = tpu.memref_squeeze %get3A_1973 : memref<1x80x128xbf16, #tpu.memory_space<vmem>> -> memref<80x128xbf16, #tpu.memory_space<vmem>>
      %get3A_1975 = arith.index_cast %get3A_1970 : i32 to index
      %get3A_1976 = arith.constant 96 : index
      %get3A_1977 = tpu.vector_load %get3A_1974[%get3A_1975, %get3A_1976] {strides = array<i32>} : memref<80x128xbf16, #tpu.memory_space<vmem>>, vector<32xbf16>,
      %mul3A_1978 = arith.mulf %get3A_1977, %get3A_1977 : vector<32xbf16>
      %add3A_1979 = arith.addf %add3A_1969, %mul3A_1978 : vector<32xbf16>
      %unpack3A_1980 = tpu.unpack_subelements %add3A_1979, 0 {pack_format = #tpu.pack_format<interleaved>} : vector<32xbf16> -> vector<16xf32>
      %unpack3A_1981 = tpu.unpack_subelements %add3A_1979, 1 {pack_format = #tpu.pack_format<interleaved>} : vector<32xbf16> -> vector<16xf32>
      %add3A_1982 = arith.addf %unpack3A_1980, %unpack3A_1981 : vector<16xf32>
      %swap3A_1983 = arith.constant 7 : i32
      %swap3A_1984 = arith.index_cast %swap3A_1983 : i32 to index
      %swap3A_1985 = arith.constant 0 : index
      %swap3A_1986 = tpu.vector_load %arg11[%swap3A_1984, %swap3A_1985] {strides = array<i32>} : memref<16x16xf32, #tpu.memory_space<vmem>>, vector<16xf32>,
      tpu.vector_store %arg11[%swap3A_1984, %swap3A_1985], %add3A_1982 {strides = array<i32>} : memref<16x16xf32, #tpu.memory_space<vmem>>, vector<16xf32>,
      %get3A_1987 = arith.constant 40 : i32
      %get3A_1988 = arith.constant 0 : i32
      %get3A_1989 = arith.constant 0 : i32
      %get3A_1990 = tpu.memref_slice %arg9[%and3A_15, %get3A_1988, %get3A_1989] : memref<8x80x128xbf16, #tpu.memory_space<vmem>> -> memref<1x80x128xbf16, #tpu.memory_space<vmem>>
      %get3A_1991 = tpu.memref_squeeze %get3A_1990 : memref<1x80x128xbf16, #tpu.memory_space<vmem>> -> memref<80x128xbf16, #tpu.memory_space<vmem>>
      %get3A_1992 = arith.index_cast %get3A_1987 : i32 to index
      %get3A_1993 = arith.constant 0 : index
      %get3A_1994 = tpu.vector_load %get3A_1991[%get3A_1992, %get3A_1993] {strides = array<i32>} : memref<80x128xbf16, #tpu.memory_space<vmem>>, vector<32xbf16>,
      %mul3A_1995 = arith.mulf %get3A_1994, %get3A_1994 : vector<32xbf16>
      %get3A_1996 = arith.constant 40 : i32
      %get3A_1997 = arith.constant 0 : i32
      %get3A_1998 = arith.constant 0 : i32
      %get3A_1999 = tpu.memref_slice %arg9[%and3A_15, %get3A_1997, %get3A_1998] : memref<8x80x128xbf16, #tpu.memory_space<vmem>> -> memref<1x80x128xbf16, #tpu.memory_space<vmem>>
      %get3A_2000 = tpu.memref_squeeze %get3A_1999 : memref<1x80x128xbf16, #tpu.memory_space<vmem>> -> memref<80x128xbf16, #tpu.memory_space<vmem>>
      %get3A_2001 = arith.index_cast %get3A_1996 : i32 to index
      %get3A_2002 = arith.constant 32 : index
      %get3A_2003 = tpu.vector_load %get3A_2000[%get3A_2001, %get3A_2002] {strides = array<i32>} : memref<80x128xbf16, #tpu.memory_space<vmem>>, vector<32xbf16>,
      %mul3A_2004 = arith.mulf %get3A_2003, %get3A_2003 : vector<32xbf16>
      %add3A_2005 = arith.addf %mul3A_1995, %mul3A_2004 : vector<32xbf16>
      %get3A_2006 = arith.constant 40 : i32
      %get3A_2007 = arith.constant 0 : i32
      %get3A_2008 = arith.constant 0 : i32
      %get3A_2009 = tpu.memref_slice %arg9[%and3A_15, %get3A_2007, %get3A_2008] : memref<8x80x128xbf16, #tpu.memory_space<vmem>> -> memref<1x80x128xbf16, #tpu.memory_space<vmem>>
      %get3A_2010 = tpu.memref_squeeze %get3A_2009 : memref<1x80x128xbf16, #tpu.memory_space<vmem>> -> memref<80x128xbf16, #tpu.memory_space<vmem>>
      %get3A_2011 = arith.index_cast %get3A_2006 : i32 to index
      %get3A_2012 = arith.constant 64 : index
      %get3A_2013 = tpu.vector_load %get3A_2010[%get3A_2011, %get3A_2012] {strides = array<i32>} : memref<80x128xbf16, #tpu.memory_space<vmem>>, vector<32xbf16>,
      %mul3A_2014 = arith.mulf %get3A_2013, %get3A_2013 : vector<32xbf16>
      %add3A_2015 = arith.addf %add3A_2005, %mul3A_2014 : vector<32xbf16>
      %get3A_2016 = arith.constant 40 : i32
      %get3A_2017 = arith.constant 0 : i32
      %get3A_2018 = arith.constant 0 : i32
      %get3A_2019 = tpu.memref_slice %arg9[%and3A_15, %get3A_2017, %get3A_2018] : memref<8x80x128xbf16, #tpu.memory_space<vmem>> -> memref<1x80x128xbf16, #tpu.memory_space<vmem>>
      %get3A_2020 = tpu.memref_squeeze %get3A_2019 : memref<1x80x128xbf16, #tpu.memory_space<vmem>> -> memref<80x128xbf16, #tpu.memory_space<vmem>>
      %get3A_2021 = arith.index_cast %get3A_2016 : i32 to index
      %get3A_2022 = arith.constant 96 : index
      %get3A_2023 = tpu.vector_load %get3A_2020[%get3A_2021, %get3A_2022] {strides = array<i32>} : memref<80x128xbf16, #tpu.memory_space<vmem>>, vector<32xbf16>,
      %mul3A_2024 = arith.mulf %get3A_2023, %get3A_2023 : vector<32xbf16>
      %add3A_2025 = arith.addf %add3A_2015, %mul3A_2024 : vector<32xbf16>
      %unpack3A_2026 = tpu.unpack_subelements %add3A_2025, 0 {pack_format = #tpu.pack_format<interleaved>} : vector<32xbf16> -> vector<16xf32>
      %unpack3A_2027 = tpu.unpack_subelements %add3A_2025, 1 {pack_format = #tpu.pack_format<interleaved>} : vector<32xbf16> -> vector<16xf32>
      %add3A_2028 = arith.addf %unpack3A_2026, %unpack3A_2027 : vector<16xf32>
      %swap3A_2029 = arith.constant 8 : i32
      %swap3A_2030 = arith.index_cast %swap3A_2029 : i32 to index
      %swap3A_2031 = arith.constant 0 : index
      %swap3A_2032 = tpu.vector_load %arg11[%swap3A_2030, %swap3A_2031] {strides = array<i32>} : memref<16x16xf32, #tpu.memory_space<vmem>>, vector<16xf32>,
      tpu.vector_store %arg11[%swap3A_2030, %swap3A_2031], %add3A_2028 {strides = array<i32>} : memref<16x16xf32, #tpu.memory_space<vmem>>, vector<16xf32>,
      %get3A_2033 = arith.constant 41 : i32
      %get3A_2034 = arith.constant 0 : i32
      %get3A_2035 = arith.constant 0 : i32
      %get3A_2036 = tpu.memref_slice %arg9[%and3A_15, %get3A_2034, %get3A_2035] : memref<8x80x128xbf16, #tpu.memory_space<vmem>> -> memref<1x80x128xbf16, #tpu.memory_space<vmem>>
      %get3A_2037 = tpu.memref_squeeze %get3A_2036 : memref<1x80x128xbf16, #tpu.memory_space<vmem>> -> memref<80x128xbf16, #tpu.memory_space<vmem>>
      %get3A_2038 = arith.index_cast %get3A_2033 : i32 to index
      %get3A_2039 = arith.constant 0 : index
      %get3A_2040 = tpu.vector_load %get3A_2037[%get3A_2038, %get3A_2039] {strides = array<i32>} : memref<80x128xbf16, #tpu.memory_space<vmem>>, vector<32xbf16>,
      %mul3A_2041 = arith.mulf %get3A_2040, %get3A_2040 : vector<32xbf16>
      %get3A_2042 = arith.constant 41 : i32
      %get3A_2043 = arith.constant 0 : i32
      %get3A_2044 = arith.constant 0 : i32
      %get3A_2045 = tpu.memref_slice %arg9[%and3A_15, %get3A_2043, %get3A_2044] : memref<8x80x128xbf16, #tpu.memory_space<vmem>> -> memref<1x80x128xbf16, #tpu.memory_space<vmem>>
      %get3A_2046 = tpu.memref_squeeze %get3A_2045 : memref<1x80x128xbf16, #tpu.memory_space<vmem>> -> memref<80x128xbf16, #tpu.memory_space<vmem>>
      %get3A_2047 = arith.index_cast %get3A_2042 : i32 to index
      %get3A_2048 = arith.constant 32 : index
      %get3A_2049 = tpu.vector_load %get3A_2046[%get3A_2047, %get3A_2048] {strides = array<i32>} : memref<80x128xbf16, #tpu.memory_space<vmem>>, vector<32xbf16>,
      %mul3A_2050 = arith.mulf %get3A_2049, %get3A_2049 : vector<32xbf16>
      %add3A_2051 = arith.addf %mul3A_2041, %mul3A_2050 : vector<32xbf16>
      %get3A_2052 = arith.constant 41 : i32
      %get3A_2053 = arith.constant 0 : i32
      %get3A_2054 = arith.constant 0 : i32
      %get3A_2055 = tpu.memref_slice %arg9[%and3A_15, %get3A_2053, %get3A_2054] : memref<8x80x128xbf16, #tpu.memory_space<vmem>> -> memref<1x80x128xbf16, #tpu.memory_space<vmem>>
      %get3A_2056 = tpu.memref_squeeze %get3A_2055 : memref<1x80x128xbf16, #tpu.memory_space<vmem>> -> memref<80x128xbf16, #tpu.memory_space<vmem>>
      %get3A_2057 = arith.index_cast %get3A_2052 : i32 to index
      %get3A_2058 = arith.constant 64 : index
      %get3A_2059 = tpu.vector_load %get3A_2056[%get3A_2057, %get3A_2058] {strides = array<i32>} : memref<80x128xbf16, #tpu.memory_space<vmem>>, vector<32xbf16>,
      %mul3A_2060 = arith.mulf %get3A_2059, %get3A_2059 : vector<32xbf16>
      %add3A_2061 = arith.addf %add3A_2051, %mul3A_2060 : vector<32xbf16>
      %get3A_2062 = arith.constant 41 : i32
      %get3A_2063 = arith.constant 0 : i32
      %get3A_2064 = arith.constant 0 : i32
      %get3A_2065 = tpu.memref_slice %arg9[%and3A_15, %get3A_2063, %get3A_2064] : memref<8x80x128xbf16, #tpu.memory_space<vmem>> -> memref<1x80x128xbf16, #tpu.memory_space<vmem>>
      %get3A_2066 = tpu.memref_squeeze %get3A_2065 : memref<1x80x128xbf16, #tpu.memory_space<vmem>> -> memref<80x128xbf16, #tpu.memory_space<vmem>>
      %get3A_2067 = arith.index_cast %get3A_2062 : i32 to index
      %get3A_2068 = arith.constant 96 : index
      %get3A_2069 = tpu.vector_load %get3A_2066[%get3A_2067, %get3A_2068] {strides = array<i32>} : memref<80x128xbf16, #tpu.memory_space<vmem>>, vector<32xbf16>,
      %mul3A_2070 = arith.mulf %get3A_2069, %get3A_2069 : vector<32xbf16>
      %add3A_2071 = arith.addf %add3A_2061, %mul3A_2070 : vector<32xbf16>
      %unpack3A_2072 = tpu.unpack_subelements %add3A_2071, 0 {pack_format = #tpu.pack_format<interleaved>} : vector<32xbf16> -> vector<16xf32>
      %unpack3A_2073 = tpu.unpack_subelements %add3A_2071, 1 {pack_format = #tpu.pack_format<interleaved>} : vector<32xbf16> -> vector<16xf32>
      %add3A_2074 = arith.addf %unpack3A_2072, %unpack3A_2073 : vector<16xf32>
      %swap3A_2075 = arith.constant 9 : i32
      %swap3A_2076 = arith.index_cast %swap3A_2075 : i32 to index
      %swap3A_2077 = arith.constant 0 : index
      %swap3A_2078 = tpu.vector_load %arg11[%swap3A_2076, %swap3A_2077] {strides = array<i32>} : memref<16x16xf32, #tpu.memory_space<vmem>>, vector<16xf32>,
      tpu.vector_store %arg11[%swap3A_2076, %swap3A_2077], %add3A_2074 {strides = array<i32>} : memref<16x16xf32, #tpu.memory_space<vmem>>, vector<16xf32>,
      %get3A_2079 = arith.constant 42 : i32
      %get3A_2080 = arith.constant 0 : i32
      %get3A_2081 = arith.constant 0 : i32
      %get3A_2082 = tpu.memref_slice %arg9[%and3A_15, %get3A_2080, %get3A_2081] : memref<8x80x128xbf16, #tpu.memory_space<vmem>> -> memref<1x80x128xbf16, #tpu.memory_space<vmem>>
      %get3A_2083 = tpu.memref_squeeze %get3A_2082 : memref<1x80x128xbf16, #tpu.memory_space<vmem>> -> memref<80x128xbf16, #tpu.memory_space<vmem>>
      %get3A_2084 = arith.index_cast %get3A_2079 : i32 to index
      %get3A_2085 = arith.constant 0 : index
      %get3A_2086 = tpu.vector_load %get3A_2083[%get3A_2084, %get3A_2085] {strides = array<i32>} : memref<80x128xbf16, #tpu.memory_space<vmem>>, vector<32xbf16>,
      %mul3A_2087 = arith.mulf %get3A_2086, %get3A_2086 : vector<32xbf16>
      %get3A_2088 = arith.constant 42 : i32
      %get3A_2089 = arith.constant 0 : i32
      %get3A_2090 = arith.constant 0 : i32
      %get3A_2091 = tpu.memref_slice %arg9[%and3A_15, %get3A_2089, %get3A_2090] : memref<8x80x128xbf16, #tpu.memory_space<vmem>> -> memref<1x80x128xbf16, #tpu.memory_space<vmem>>
      %get3A_2092 = tpu.memref_squeeze %get3A_2091 : memref<1x80x128xbf16, #tpu.memory_space<vmem>> -> memref<80x128xbf16, #tpu.memory_space<vmem>>
      %get3A_2093 = arith.index_cast %get3A_2088 : i32 to index
      %get3A_2094 = arith.constant 32 : index
      %get3A_2095 = tpu.vector_load %get3A_2092[%get3A_2093, %get3A_2094] {strides = array<i32>} : memref<80x128xbf16, #tpu.memory_space<vmem>>, vector<32xbf16>,
      %mul3A_2096 = arith.mulf %get3A_2095, %get3A_2095 : vector<32xbf16>
      %add3A_2097 = arith.addf %mul3A_2087, %mul3A_2096 : vector<32xbf16>
      %get3A_2098 = arith.constant 42 : i32
      %get3A_2099 = arith.constant 0 : i32
      %get3A_2100 = arith.constant 0 : i32
      %get3A_2101 = tpu.memref_slice %arg9[%and3A_15, %get3A_2099, %get3A_2100] : memref<8x80x128xbf16, #tpu.memory_space<vmem>> -> memref<1x80x128xbf16, #tpu.memory_space<vmem>>
      %get3A_2102 = tpu.memref_squeeze %get3A_2101 : memref<1x80x128xbf16, #tpu.memory_space<vmem>> -> memref<80x128xbf16, #tpu.memory_space<vmem>>
      %get3A_2103 = arith.index_cast %get3A_2098 : i32 to index
      %get3A_2104 = arith.constant 64 : index
      %get3A_2105 = tpu.vector_load %get3A_2102[%get3A_2103, %get3A_2104] {strides = array<i32>} : memref<80x128xbf16, #tpu.memory_space<vmem>>, vector<32xbf16>,
      %mul3A_2106 = arith.mulf %get3A_2105, %get3A_2105 : vector<32xbf16>
      %add3A_2107 = arith.addf %add3A_2097, %mul3A_2106 : vector<32xbf16>
      %get3A_2108 = arith.constant 42 : i32
      %get3A_2109 = arith.constant 0 : i32
      %get3A_2110 = arith.constant 0 : i32
      %get3A_2111 = tpu.memref_slice %arg9[%and3A_15, %get3A_2109, %get3A_2110] : memref<8x80x128xbf16, #tpu.memory_space<vmem>> -> memref<1x80x128xbf16, #tpu.memory_space<vmem>>
      %get3A_2112 = tpu.memref_squeeze %get3A_2111 : memref<1x80x128xbf16, #tpu.memory_space<vmem>> -> memref<80x128xbf16, #tpu.memory_space<vmem>>
      %get3A_2113 = arith.index_cast %get3A_2108 : i32 to index
      %get3A_2114 = arith.constant 96 : index
      %get3A_2115 = tpu.vector_load %get3A_2112[%get3A_2113, %get3A_2114] {strides = array<i32>} : memref<80x128xbf16, #tpu.memory_space<vmem>>, vector<32xbf16>,
      %mul3A_2116 = arith.mulf %get3A_2115, %get3A_2115 : vector<32xbf16>
      %add3A_2117 = arith.addf %add3A_2107, %mul3A_2116 : vector<32xbf16>
      %unpack3A_2118 = tpu.unpack_subelements %add3A_2117, 0 {pack_format = #tpu.pack_format<interleaved>} : vector<32xbf16> -> vector<16xf32>
      %unpack3A_2119 = tpu.unpack_subelements %add3A_2117, 1 {pack_format = #tpu.pack_format<interleaved>} : vector<32xbf16> -> vector<16xf32>
      %add3A_2120 = arith.addf %unpack3A_2118, %unpack3A_2119 : vector<16xf32>
      %swap3A_2121 = arith.constant 10 : i32
      %swap3A_2122 = arith.index_cast %swap3A_2121 : i32 to index
      %swap3A_2123 = arith.constant 0 : index
      %swap3A_2124 = tpu.vector_load %arg11[%swap3A_2122, %swap3A_2123] {strides = array<i32>} : memref<16x16xf32, #tpu.memory_space<vmem>>, vector<16xf32>,
      tpu.vector_store %arg11[%swap3A_2122, %swap3A_2123], %add3A_2120 {strides = array<i32>} : memref<16x16xf32, #tpu.memory_space<vmem>>, vector<16xf32>,
      %get3A_2125 = arith.constant 43 : i32
      %get3A_2126 = arith.constant 0 : i32
      %get3A_2127 = arith.constant 0 : i32
      %get3A_2128 = tpu.memref_slice %arg9[%and3A_15, %get3A_2126, %get3A_2127] : memref<8x80x128xbf16, #tpu.memory_space<vmem>> -> memref<1x80x128xbf16, #tpu.memory_space<vmem>>
      %get3A_2129 = tpu.memref_squeeze %get3A_2128 : memref<1x80x128xbf16, #tpu.memory_space<vmem>> -> memref<80x128xbf16, #tpu.memory_space<vmem>>
      %get3A_2130 = arith.index_cast %get3A_2125 : i32 to index
      %get3A_2131 = arith.constant 0 : index
      %get3A_2132 = tpu.vector_load %get3A_2129[%get3A_2130, %get3A_2131] {strides = array<i32>} : memref<80x128xbf16, #tpu.memory_space<vmem>>, vector<32xbf16>,
      %mul3A_2133 = arith.mulf %get3A_2132, %get3A_2132 : vector<32xbf16>
      %get3A_2134 = arith.constant 43 : i32
      %get3A_2135 = arith.constant 0 : i32
      %get3A_2136 = arith.constant 0 : i32
      %get3A_2137 = tpu.memref_slice %arg9[%and3A_15, %get3A_2135, %get3A_2136] : memref<8x80x128xbf16, #tpu.memory_space<vmem>> -> memref<1x80x128xbf16, #tpu.memory_space<vmem>>
      %get3A_2138 = tpu.memref_squeeze %get3A_2137 : memref<1x80x128xbf16, #tpu.memory_space<vmem>> -> memref<80x128xbf16, #tpu.memory_space<vmem>>
      %get3A_2139 = arith.index_cast %get3A_2134 : i32 to index
      %get3A_2140 = arith.constant 32 : index
      %get3A_2141 = tpu.vector_load %get3A_2138[%get3A_2139, %get3A_2140] {strides = array<i32>} : memref<80x128xbf16, #tpu.memory_space<vmem>>, vector<32xbf16>,
      %mul3A_2142 = arith.mulf %get3A_2141, %get3A_2141 : vector<32xbf16>
      %add3A_2143 = arith.addf %mul3A_2133, %mul3A_2142 : vector<32xbf16>
      %get3A_2144 = arith.constant 43 : i32
      %get3A_2145 = arith.constant 0 : i32
      %get3A_2146 = arith.constant 0 : i32
      %get3A_2147 = tpu.memref_slice %arg9[%and3A_15, %get3A_2145, %get3A_2146] : memref<8x80x128xbf16, #tpu.memory_space<vmem>> -> memref<1x80x128xbf16, #tpu.memory_space<vmem>>
      %get3A_2148 = tpu.memref_squeeze %get3A_2147 : memref<1x80x128xbf16, #tpu.memory_space<vmem>> -> memref<80x128xbf16, #tpu.memory_space<vmem>>
      %get3A_2149 = arith.index_cast %get3A_2144 : i32 to index
      %get3A_2150 = arith.constant 64 : index
      %get3A_2151 = tpu.vector_load %get3A_2148[%get3A_2149, %get3A_2150] {strides = array<i32>} : memref<80x128xbf16, #tpu.memory_space<vmem>>, vector<32xbf16>,
      %mul3A_2152 = arith.mulf %get3A_2151, %get3A_2151 : vector<32xbf16>
      %add3A_2153 = arith.addf %add3A_2143, %mul3A_2152 : vector<32xbf16>
      %get3A_2154 = arith.constant 43 : i32
      %get3A_2155 = arith.constant 0 : i32
      %get3A_2156 = arith.constant 0 : i32
      %get3A_2157 = tpu.memref_slice %arg9[%and3A_15, %get3A_2155, %get3A_2156] : memref<8x80x128xbf16, #tpu.memory_space<vmem>> -> memref<1x80x128xbf16, #tpu.memory_space<vmem>>
      %get3A_2158 = tpu.memref_squeeze %get3A_2157 : memref<1x80x128xbf16, #tpu.memory_space<vmem>> -> memref<80x128xbf16, #tpu.memory_space<vmem>>
      %get3A_2159 = arith.index_cast %get3A_2154 : i32 to index
      %get3A_2160 = arith.constant 96 : index
      %get3A_2161 = tpu.vector_load %get3A_2158[%get3A_2159, %get3A_2160] {strides = array<i32>} : memref<80x128xbf16, #tpu.memory_space<vmem>>, vector<32xbf16>,
      %mul3A_2162 = arith.mulf %get3A_2161, %get3A_2161 : vector<32xbf16>
      %add3A_2163 = arith.addf %add3A_2153, %mul3A_2162 : vector<32xbf16>
      %unpack3A_2164 = tpu.unpack_subelements %add3A_2163, 0 {pack_format = #tpu.pack_format<interleaved>} : vector<32xbf16> -> vector<16xf32>
      %unpack3A_2165 = tpu.unpack_subelements %add3A_2163, 1 {pack_format = #tpu.pack_format<interleaved>} : vector<32xbf16> -> vector<16xf32>
      %add3A_2166 = arith.addf %unpack3A_2164, %unpack3A_2165 : vector<16xf32>
      %swap3A_2167 = arith.constant 11 : i32
      %swap3A_2168 = arith.index_cast %swap3A_2167 : i32 to index
      %swap3A_2169 = arith.constant 0 : index
      %swap3A_2170 = tpu.vector_load %arg11[%swap3A_2168, %swap3A_2169] {strides = array<i32>} : memref<16x16xf32, #tpu.memory_space<vmem>>, vector<16xf32>,
      tpu.vector_store %arg11[%swap3A_2168, %swap3A_2169], %add3A_2166 {strides = array<i32>} : memref<16x16xf32, #tpu.memory_space<vmem>>, vector<16xf32>,
      %get3A_2171 = arith.constant 44 : i32
      %get3A_2172 = arith.constant 0 : i32
      %get3A_2173 = arith.constant 0 : i32
      %get3A_2174 = tpu.memref_slice %arg9[%and3A_15, %get3A_2172, %get3A_2173] : memref<8x80x128xbf16, #tpu.memory_space<vmem>> -> memref<1x80x128xbf16, #tpu.memory_space<vmem>>
      %get3A_2175 = tpu.memref_squeeze %get3A_2174 : memref<1x80x128xbf16, #tpu.memory_space<vmem>> -> memref<80x128xbf16, #tpu.memory_space<vmem>>
      %get3A_2176 = arith.index_cast %get3A_2171 : i32 to index
      %get3A_2177 = arith.constant 0 : index
      %get3A_2178 = tpu.vector_load %get3A_2175[%get3A_2176, %get3A_2177] {strides = array<i32>} : memref<80x128xbf16, #tpu.memory_space<vmem>>, vector<32xbf16>,
      %mul3A_2179 = arith.mulf %get3A_2178, %get3A_2178 : vector<32xbf16>
      %get3A_2180 = arith.constant 44 : i32
      %get3A_2181 = arith.constant 0 : i32
      %get3A_2182 = arith.constant 0 : i32
      %get3A_2183 = tpu.memref_slice %arg9[%and3A_15, %get3A_2181, %get3A_2182] : memref<8x80x128xbf16, #tpu.memory_space<vmem>> -> memref<1x80x128xbf16, #tpu.memory_space<vmem>>
      %get3A_2184 = tpu.memref_squeeze %get3A_2183 : memref<1x80x128xbf16, #tpu.memory_space<vmem>> -> memref<80x128xbf16, #tpu.memory_space<vmem>>
      %get3A_2185 = arith.index_cast %get3A_2180 : i32 to index
      %get3A_2186 = arith.constant 32 : index
      %get3A_2187 = tpu.vector_load %get3A_2184[%get3A_2185, %get3A_2186] {strides = array<i32>} : memref<80x128xbf16, #tpu.memory_space<vmem>>, vector<32xbf16>,
      %mul3A_2188 = arith.mulf %get3A_2187, %get3A_2187 : vector<32xbf16>
      %add3A_2189 = arith.addf %mul3A_2179, %mul3A_2188 : vector<32xbf16>
      %get3A_2190 = arith.constant 44 : i32
      %get3A_2191 = arith.constant 0 : i32
      %get3A_2192 = arith.constant 0 : i32
      %get3A_2193 = tpu.memref_slice %arg9[%and3A_15, %get3A_2191, %get3A_2192] : memref<8x80x128xbf16, #tpu.memory_space<vmem>> -> memref<1x80x128xbf16, #tpu.memory_space<vmem>>
      %get3A_2194 = tpu.memref_squeeze %get3A_2193 : memref<1x80x128xbf16, #tpu.memory_space<vmem>> -> memref<80x128xbf16, #tpu.memory_space<vmem>>
      %get3A_2195 = arith.index_cast %get3A_2190 : i32 to index
      %get3A_2196 = arith.constant 64 : index
      %get3A_2197 = tpu.vector_load %get3A_2194[%get3A_2195, %get3A_2196] {strides = array<i32>} : memref<80x128xbf16, #tpu.memory_space<vmem>>, vector<32xbf16>,
      %mul3A_2198 = arith.mulf %get3A_2197, %get3A_2197 : vector<32xbf16>
      %add3A_2199 = arith.addf %add3A_2189, %mul3A_2198 : vector<32xbf16>
      %get3A_2200 = arith.constant 44 : i32
      %get3A_2201 = arith.constant 0 : i32
      %get3A_2202 = arith.constant 0 : i32
      %get3A_2203 = tpu.memref_slice %arg9[%and3A_15, %get3A_2201, %get3A_2202] : memref<8x80x128xbf16, #tpu.memory_space<vmem>> -> memref<1x80x128xbf16, #tpu.memory_space<vmem>>
      %get3A_2204 = tpu.memref_squeeze %get3A_2203 : memref<1x80x128xbf16, #tpu.memory_space<vmem>> -> memref<80x128xbf16, #tpu.memory_space<vmem>>
      %get3A_2205 = arith.index_cast %get3A_2200 : i32 to index
      %get3A_2206 = arith.constant 96 : index
      %get3A_2207 = tpu.vector_load %get3A_2204[%get3A_2205, %get3A_2206] {strides = array<i32>} : memref<80x128xbf16, #tpu.memory_space<vmem>>, vector<32xbf16>,
      %mul3A_2208 = arith.mulf %get3A_2207, %get3A_2207 : vector<32xbf16>
      %add3A_2209 = arith.addf %add3A_2199, %mul3A_2208 : vector<32xbf16>
      %unpack3A_2210 = tpu.unpack_subelements %add3A_2209, 0 {pack_format = #tpu.pack_format<interleaved>} : vector<32xbf16> -> vector<16xf32>
      %unpack3A_2211 = tpu.unpack_subelements %add3A_2209, 1 {pack_format = #tpu.pack_format<interleaved>} : vector<32xbf16> -> vector<16xf32>
      %add3A_2212 = arith.addf %unpack3A_2210, %unpack3A_2211 : vector<16xf32>
      %swap3A_2213 = arith.constant 12 : i32
      %swap3A_2214 = arith.index_cast %swap3A_2213 : i32 to index
      %swap3A_2215 = arith.constant 0 : index
      %swap3A_2216 = tpu.vector_load %arg11[%swap3A_2214, %swap3A_2215] {strides = array<i32>} : memref<16x16xf32, #tpu.memory_space<vmem>>, vector<16xf32>,
      tpu.vector_store %arg11[%swap3A_2214, %swap3A_2215], %add3A_2212 {strides = array<i32>} : memref<16x16xf32, #tpu.memory_space<vmem>>, vector<16xf32>,
      %get3A_2217 = arith.constant 45 : i32
      %get3A_2218 = arith.constant 0 : i32
      %get3A_2219 = arith.constant 0 : i32
      %get3A_2220 = tpu.memref_slice %arg9[%and3A_15, %get3A_2218, %get3A_2219] : memref<8x80x128xbf16, #tpu.memory_space<vmem>> -> memref<1x80x128xbf16, #tpu.memory_space<vmem>>
      %get3A_2221 = tpu.memref_squeeze %get3A_2220 : memref<1x80x128xbf16, #tpu.memory_space<vmem>> -> memref<80x128xbf16, #tpu.memory_space<vmem>>
      %get3A_2222 = arith.index_cast %get3A_2217 : i32 to index
      %get3A_2223 = arith.constant 0 : index
      %get3A_2224 = tpu.vector_load %get3A_2221[%get3A_2222, %get3A_2223] {strides = array<i32>} : memref<80x128xbf16, #tpu.memory_space<vmem>>, vector<32xbf16>,
      %mul3A_2225 = arith.mulf %get3A_2224, %get3A_2224 : vector<32xbf16>
      %get3A_2226 = arith.constant 45 : i32
      %get3A_2227 = arith.constant 0 : i32
      %get3A_2228 = arith.constant 0 : i32
      %get3A_2229 = tpu.memref_slice %arg9[%and3A_15, %get3A_2227, %get3A_2228] : memref<8x80x128xbf16, #tpu.memory_space<vmem>> -> memref<1x80x128xbf16, #tpu.memory_space<vmem>>
      %get3A_2230 = tpu.memref_squeeze %get3A_2229 : memref<1x80x128xbf16, #tpu.memory_space<vmem>> -> memref<80x128xbf16, #tpu.memory_space<vmem>>
      %get3A_2231 = arith.index_cast %get3A_2226 : i32 to index
      %get3A_2232 = arith.constant 32 : index
      %get3A_2233 = tpu.vector_load %get3A_2230[%get3A_2231, %get3A_2232] {strides = array<i32>} : memref<80x128xbf16, #tpu.memory_space<vmem>>, vector<32xbf16>,
      %mul3A_2234 = arith.mulf %get3A_2233, %get3A_2233 : vector<32xbf16>
      %add3A_2235 = arith.addf %mul3A_2225, %mul3A_2234 : vector<32xbf16>
      %get3A_2236 = arith.constant 45 : i32
      %get3A_2237 = arith.constant 0 : i32
      %get3A_2238 = arith.constant 0 : i32
      %get3A_2239 = tpu.memref_slice %arg9[%and3A_15, %get3A_2237, %get3A_2238] : memref<8x80x128xbf16, #tpu.memory_space<vmem>> -> memref<1x80x128xbf16, #tpu.memory_space<vmem>>
      %get3A_2240 = tpu.memref_squeeze %get3A_2239 : memref<1x80x128xbf16, #tpu.memory_space<vmem>> -> memref<80x128xbf16, #tpu.memory_space<vmem>>
      %get3A_2241 = arith.index_cast %get3A_2236 : i32 to index
      %get3A_2242 = arith.constant 64 : index
      %get3A_2243 = tpu.vector_load %get3A_2240[%get3A_2241, %get3A_2242] {strides = array<i32>} : memref<80x128xbf16, #tpu.memory_space<vmem>>, vector<32xbf16>,
      %mul3A_2244 = arith.mulf %get3A_2243, %get3A_2243 : vector<32xbf16>
      %add3A_2245 = arith.addf %add3A_2235, %mul3A_2244 : vector<32xbf16>
      %get3A_2246 = arith.constant 45 : i32
      %get3A_2247 = arith.constant 0 : i32
      %get3A_2248 = arith.constant 0 : i32
      %get3A_2249 = tpu.memref_slice %arg9[%and3A_15, %get3A_2247, %get3A_2248] : memref<8x80x128xbf16, #tpu.memory_space<vmem>> -> memref<1x80x128xbf16, #tpu.memory_space<vmem>>
      %get3A_2250 = tpu.memref_squeeze %get3A_2249 : memref<1x80x128xbf16, #tpu.memory_space<vmem>> -> memref<80x128xbf16, #tpu.memory_space<vmem>>
      %get3A_2251 = arith.index_cast %get3A_2246 : i32 to index
      %get3A_2252 = arith.constant 96 : index
      %get3A_2253 = tpu.vector_load %get3A_2250[%get3A_2251, %get3A_2252] {strides = array<i32>} : memref<80x128xbf16, #tpu.memory_space<vmem>>, vector<32xbf16>,
      %mul3A_2254 = arith.mulf %get3A_2253, %get3A_2253 : vector<32xbf16>
      %add3A_2255 = arith.addf %add3A_2245, %mul3A_2254 : vector<32xbf16>
      %unpack3A_2256 = tpu.unpack_subelements %add3A_2255, 0 {pack_format = #tpu.pack_format<interleaved>} : vector<32xbf16> -> vector<16xf32>
      %unpack3A_2257 = tpu.unpack_subelements %add3A_2255, 1 {pack_format = #tpu.pack_format<interleaved>} : vector<32xbf16> -> vector<16xf32>
      %add3A_2258 = arith.addf %unpack3A_2256, %unpack3A_2257 : vector<16xf32>
      %swap3A_2259 = arith.constant 13 : i32
      %swap3A_2260 = arith.index_cast %swap3A_2259 : i32 to index
      %swap3A_2261 = arith.constant 0 : index
      %swap3A_2262 = tpu.vector_load %arg11[%swap3A_2260, %swap3A_2261] {strides = array<i32>} : memref<16x16xf32, #tpu.memory_space<vmem>>, vector<16xf32>,
      tpu.vector_store %arg11[%swap3A_2260, %swap3A_2261], %add3A_2258 {strides = array<i32>} : memref<16x16xf32, #tpu.memory_space<vmem>>, vector<16xf32>,
      %get3A_2263 = arith.constant 46 : i32
      %get3A_2264 = arith.constant 0 : i32
      %get3A_2265 = arith.constant 0 : i32
      %get3A_2266 = tpu.memref_slice %arg9[%and3A_15, %get3A_2264, %get3A_2265] : memref<8x80x128xbf16, #tpu.memory_space<vmem>> -> memref<1x80x128xbf16, #tpu.memory_space<vmem>>
      %get3A_2267 = tpu.memref_squeeze %get3A_2266 : memref<1x80x128xbf16, #tpu.memory_space<vmem>> -> memref<80x128xbf16, #tpu.memory_space<vmem>>
      %get3A_2268 = arith.index_cast %get3A_2263 : i32 to index
      %get3A_2269 = arith.constant 0 : index
      %get3A_2270 = tpu.vector_load %get3A_2267[%get3A_2268, %get3A_2269] {strides = array<i32>} : memref<80x128xbf16, #tpu.memory_space<vmem>>, vector<32xbf16>,
      %mul3A_2271 = arith.mulf %get3A_2270, %get3A_2270 : vector<32xbf16>
      %get3A_2272 = arith.constant 46 : i32
      %get3A_2273 = arith.constant 0 : i32
      %get3A_2274 = arith.constant 0 : i32
      %get3A_2275 = tpu.memref_slice %arg9[%and3A_15, %get3A_2273, %get3A_2274] : memref<8x80x128xbf16, #tpu.memory_space<vmem>> -> memref<1x80x128xbf16, #tpu.memory_space<vmem>>
      %get3A_2276 = tpu.memref_squeeze %get3A_2275 : memref<1x80x128xbf16, #tpu.memory_space<vmem>> -> memref<80x128xbf16, #tpu.memory_space<vmem>>
      %get3A_2277 = arith.index_cast %get3A_2272 : i32 to index
      %get3A_2278 = arith.constant 32 : index
      %get3A_2279 = tpu.vector_load %get3A_2276[%get3A_2277, %get3A_2278] {strides = array<i32>} : memref<80x128xbf16, #tpu.memory_space<vmem>>, vector<32xbf16>,
      %mul3A_2280 = arith.mulf %get3A_2279, %get3A_2279 : vector<32xbf16>
      %add3A_2281 = arith.addf %mul3A_2271, %mul3A_2280 : vector<32xbf16>
      %get3A_2282 = arith.constant 46 : i32
      %get3A_2283 = arith.constant 0 : i32
      %get3A_2284 = arith.constant 0 : i32
      %get3A_2285 = tpu.memref_slice %arg9[%and3A_15, %get3A_2283, %get3A_2284] : memref<8x80x128xbf16, #tpu.memory_space<vmem>> -> memref<1x80x128xbf16, #tpu.memory_space<vmem>>
      %get3A_2286 = tpu.memref_squeeze %get3A_2285 : memref<1x80x128xbf16, #tpu.memory_space<vmem>> -> memref<80x128xbf16, #tpu.memory_space<vmem>>
      %get3A_2287 = arith.index_cast %get3A_2282 : i32 to index
      %get3A_2288 = arith.constant 64 : index
      %get3A_2289 = tpu.vector_load %get3A_2286[%get3A_2287, %get3A_2288] {strides = array<i32>} : memref<80x128xbf16, #tpu.memory_space<vmem>>, vector<32xbf16>,
      %mul3A_2290 = arith.mulf %get3A_2289, %get3A_2289 : vector<32xbf16>
      %add3A_2291 = arith.addf %add3A_2281, %mul3A_2290 : vector<32xbf16>
      %get3A_2292 = arith.constant 46 : i32
      %get3A_2293 = arith.constant 0 : i32
      %get3A_2294 = arith.constant 0 : i32
      %get3A_2295 = tpu.memref_slice %arg9[%and3A_15, %get3A_2293, %get3A_2294] : memref<8x80x128xbf16, #tpu.memory_space<vmem>> -> memref<1x80x128xbf16, #tpu.memory_space<vmem>>
      %get3A_2296 = tpu.memref_squeeze %get3A_2295 : memref<1x80x128xbf16, #tpu.memory_space<vmem>> -> memref<80x128xbf16, #tpu.memory_space<vmem>>
      %get3A_2297 = arith.index_cast %get3A_2292 : i32 to index
      %get3A_2298 = arith.constant 96 : index
      %get3A_2299 = tpu.vector_load %get3A_2296[%get3A_2297, %get3A_2298] {strides = array<i32>} : memref<80x128xbf16, #tpu.memory_space<vmem>>, vector<32xbf16>,
      %mul3A_2300 = arith.mulf %get3A_2299, %get3A_2299 : vector<32xbf16>
      %add3A_2301 = arith.addf %add3A_2291, %mul3A_2300 : vector<32xbf16>
      %unpack3A_2302 = tpu.unpack_subelements %add3A_2301, 0 {pack_format = #tpu.pack_format<interleaved>} : vector<32xbf16> -> vector<16xf32>
      %unpack3A_2303 = tpu.unpack_subelements %add3A_2301, 1 {pack_format = #tpu.pack_format<interleaved>} : vector<32xbf16> -> vector<16xf32>
      %add3A_2304 = arith.addf %unpack3A_2302, %unpack3A_2303 : vector<16xf32>
      %swap3A_2305 = arith.constant 14 : i32
      %swap3A_2306 = arith.index_cast %swap3A_2305 : i32 to index
      %swap3A_2307 = arith.constant 0 : index
      %swap3A_2308 = tpu.vector_load %arg11[%swap3A_2306, %swap3A_2307] {strides = array<i32>} : memref<16x16xf32, #tpu.memory_space<vmem>>, vector<16xf32>,
      tpu.vector_store %arg11[%swap3A_2306, %swap3A_2307], %add3A_2304 {strides = array<i32>} : memref<16x16xf32, #tpu.memory_space<vmem>>, vector<16xf32>,
      %get3A_2309 = arith.constant 47 : i32
      %get3A_2310 = arith.constant 0 : i32
      %get3A_2311 = arith.constant 0 : i32
      %get3A_2312 = tpu.memref_slice %arg9[%and3A_15, %get3A_2310, %get3A_2311] : memref<8x80x128xbf16, #tpu.memory_space<vmem>> -> memref<1x80x128xbf16, #tpu.memory_space<vmem>>
      %get3A_2313 = tpu.memref_squeeze %get3A_2312 : memref<1x80x128xbf16, #tpu.memory_space<vmem>> -> memref<80x128xbf16, #tpu.memory_space<vmem>>
      %get3A_2314 = arith.index_cast %get3A_2309 : i32 to index
      %get3A_2315 = arith.constant 0 : index
      %get3A_2316 = tpu.vector_load %get3A_2313[%get3A_2314, %get3A_2315] {strides = array<i32>} : memref<80x128xbf16, #tpu.memory_space<vmem>>, vector<32xbf16>,
      %mul3A_2317 = arith.mulf %get3A_2316, %get3A_2316 : vector<32xbf16>
      %get3A_2318 = arith.constant 47 : i32
      %get3A_2319 = arith.constant 0 : i32
      %get3A_2320 = arith.constant 0 : i32
      %get3A_2321 = tpu.memref_slice %arg9[%and3A_15, %get3A_2319, %get3A_2320] : memref<8x80x128xbf16, #tpu.memory_space<vmem>> -> memref<1x80x128xbf16, #tpu.memory_space<vmem>>
      %get3A_2322 = tpu.memref_squeeze %get3A_2321 : memref<1x80x128xbf16, #tpu.memory_space<vmem>> -> memref<80x128xbf16, #tpu.memory_space<vmem>>
      %get3A_2323 = arith.index_cast %get3A_2318 : i32 to index
      %get3A_2324 = arith.constant 32 : index
      %get3A_2325 = tpu.vector_load %get3A_2322[%get3A_2323, %get3A_2324] {strides = array<i32>} : memref<80x128xbf16, #tpu.memory_space<vmem>>, vector<32xbf16>,
      %mul3A_2326 = arith.mulf %get3A_2325, %get3A_2325 : vector<32xbf16>
      %add3A_2327 = arith.addf %mul3A_2317, %mul3A_2326 : vector<32xbf16>
      %get3A_2328 = arith.constant 47 : i32
      %get3A_2329 = arith.constant 0 : i32
      %get3A_2330 = arith.constant 0 : i32
      %get3A_2331 = tpu.memref_slice %arg9[%and3A_15, %get3A_2329, %get3A_2330] : memref<8x80x128xbf16, #tpu.memory_space<vmem>> -> memref<1x80x128xbf16, #tpu.memory_space<vmem>>
      %get3A_2332 = tpu.memref_squeeze %get3A_2331 : memref<1x80x128xbf16, #tpu.memory_space<vmem>> -> memref<80x128xbf16, #tpu.memory_space<vmem>>
      %get3A_2333 = arith.index_cast %get3A_2328 : i32 to index
      %get3A_2334 = arith.constant 64 : index
      %get3A_2335 = tpu.vector_load %get3A_2332[%get3A_2333, %get3A_2334] {strides = array<i32>} : memref<80x128xbf16, #tpu.memory_space<vmem>>, vector<32xbf16>,
      %mul3A_2336 = arith.mulf %get3A_2335, %get3A_2335 : vector<32xbf16>
      %add3A_2337 = arith.addf %add3A_2327, %mul3A_2336 : vector<32xbf16>
      %get3A_2338 = arith.constant 47 : i32
      %get3A_2339 = arith.constant 0 : i32
      %get3A_2340 = arith.constant 0 : i32
      %get3A_2341 = tpu.memref_slice %arg9[%and3A_15, %get3A_2339, %get3A_2340] : memref<8x80x128xbf16, #tpu.memory_space<vmem>> -> memref<1x80x128xbf16, #tpu.memory_space<vmem>>
      %get3A_2342 = tpu.memref_squeeze %get3A_2341 : memref<1x80x128xbf16, #tpu.memory_space<vmem>> -> memref<80x128xbf16, #tpu.memory_space<vmem>>
      %get3A_2343 = arith.index_cast %get3A_2338 : i32 to index
      %get3A_2344 = arith.constant 96 : index
      %get3A_2345 = tpu.vector_load %get3A_2342[%get3A_2343, %get3A_2344] {strides = array<i32>} : memref<80x128xbf16, #tpu.memory_space<vmem>>, vector<32xbf16>,
      %mul3A_2346 = arith.mulf %get3A_2345, %get3A_2345 : vector<32xbf16>
      %add3A_2347 = arith.addf %add3A_2337, %mul3A_2346 : vector<32xbf16>
      %unpack3A_2348 = tpu.unpack_subelements %add3A_2347, 0 {pack_format = #tpu.pack_format<interleaved>} : vector<32xbf16> -> vector<16xf32>
      %unpack3A_2349 = tpu.unpack_subelements %add3A_2347, 1 {pack_format = #tpu.pack_format<interleaved>} : vector<32xbf16> -> vector<16xf32>
      %add3A_2350 = arith.addf %unpack3A_2348, %unpack3A_2349 : vector<16xf32>
      %swap3A_2351 = arith.constant 15 : i32
      %swap3A_2352 = arith.index_cast %swap3A_2351 : i32 to index
      %swap3A_2353 = arith.constant 0 : index
      %swap3A_2354 = tpu.vector_load %arg11[%swap3A_2352, %swap3A_2353] {strides = array<i32>} : memref<16x16xf32, #tpu.memory_space<vmem>>, vector<16xf32>,
      tpu.vector_store %arg11[%swap3A_2352, %swap3A_2353], %add3A_2350 {strides = array<i32>} : memref<16x16xf32, #tpu.memory_space<vmem>>, vector<16xf32>,
      %broadcast_in_dim3A_2355 = arith.constant 0 : i32
      %broadcast_in_dim3A_2356 = vector.broadcast %broadcast_in_dim3A_2355 : i32 to vector<16xi32>
      %gather3A_2357 = tpu.vector_load_idx %arg11[%iota3A, %broadcast_in_dim3A_2356] : memref<16x16xf32, #tpu.memory_space<vmem>>[vector<16xi32>, vector<16xi32>], vector<16xf32>,
      %broadcast_in_dim3A_2358 = arith.constant 1 : i32
      %broadcast_in_dim3A_2359 = vector.broadcast %broadcast_in_dim3A_2358 : i32 to vector<16xi32>
      %gather3A_2360 = tpu.vector_load_idx %arg11[%iota3A, %broadcast_in_dim3A_2359] : memref<16x16xf32, #tpu.memory_space<vmem>>[vector<16xi32>, vector<16xi32>], vector<16xf32>,
      %broadcast_in_dim3A_2361 = arith.constant 2 : i32
      %broadcast_in_dim3A_2362 = vector.broadcast %broadcast_in_dim3A_2361 : i32 to vector<16xi32>
      %gather3A_2363 = tpu.vector_load_idx %arg11[%iota3A, %broadcast_in_dim3A_2362] : memref<16x16xf32, #tpu.memory_space<vmem>>[vector<16xi32>, vector<16xi32>], vector<16xf32>,
      %broadcast_in_dim3A_2364 = arith.constant 3 : i32
      %broadcast_in_dim3A_2365 = vector.broadcast %broadcast_in_dim3A_2364 : i32 to vector<16xi32>
      %gather3A_2366 = tpu.vector_load_idx %arg11[%iota3A, %broadcast_in_dim3A_2365] : memref<16x16xf32, #tpu.memory_space<vmem>>[vector<16xi32>, vector<16xi32>], vector<16xf32>,
      %broadcast_in_dim3A_2367 = arith.constant 4 : i32
      %broadcast_in_dim3A_2368 = vector.broadcast %broadcast_in_dim3A_2367 : i32 to vector<16xi32>
      %gather3A_2369 = tpu.vector_load_idx %arg11[%iota3A, %broadcast_in_dim3A_2368] : memref<16x16xf32, #tpu.memory_space<vmem>>[vector<16xi32>, vector<16xi32>], vector<16xf32>,
      %broadcast_in_dim3A_2370 = arith.constant 5 : i32
      %broadcast_in_dim3A_2371 = vector.broadcast %broadcast_in_dim3A_2370 : i32 to vector<16xi32>
      %gather3A_2372 = tpu.vector_load_idx %arg11[%iota3A, %broadcast_in_dim3A_2371] : memref<16x16xf32, #tpu.memory_space<vmem>>[vector<16xi32>, vector<16xi32>], vector<16xf32>,
      %broadcast_in_dim3A_2373 = arith.constant 6 : i32
      %broadcast_in_dim3A_2374 = vector.broadcast %broadcast_in_dim3A_2373 : i32 to vector<16xi32>
      %gather3A_2375 = tpu.vector_load_idx %arg11[%iota3A, %broadcast_in_dim3A_2374] : memref<16x16xf32, #tpu.memory_space<vmem>>[vector<16xi32>, vector<16xi32>], vector<16xf32>,
      %broadcast_in_dim3A_2376 = arith.constant 7 : i32
      %broadcast_in_dim3A_2377 = vector.broadcast %broadcast_in_dim3A_2376 : i32 to vector<16xi32>
      %gather3A_2378 = tpu.vector_load_idx %arg11[%iota3A, %broadcast_in_dim3A_2377] : memref<16x16xf32, #tpu.memory_space<vmem>>[vector<16xi32>, vector<16xi32>], vector<16xf32>,
      %broadcast_in_dim3A_2379 = arith.constant 8 : i32
      %broadcast_in_dim3A_2380 = vector.broadcast %broadcast_in_dim3A_2379 : i32 to vector<16xi32>
      %gather3A_2381 = tpu.vector_load_idx %arg11[%iota3A, %broadcast_in_dim3A_2380] : memref<16x16xf32, #tpu.memory_space<vmem>>[vector<16xi32>, vector<16xi32>], vector<16xf32>,
      %broadcast_in_dim3A_2382 = arith.constant 9 : i32
      %broadcast_in_dim3A_2383 = vector.broadcast %broadcast_in_dim3A_2382 : i32 to vector<16xi32>
      %gather3A_2384 = tpu.vector_load_idx %arg11[%iota3A, %broadcast_in_dim3A_2383] : memref<16x16xf32, #tpu.memory_space<vmem>>[vector<16xi32>, vector<16xi32>], vector<16xf32>,
      %broadcast_in_dim3A_2385 = arith.constant 10 : i32
      %broadcast_in_dim3A_2386 = vector.broadcast %broadcast_in_dim3A_2385 : i32 to vector<16xi32>
      %gather3A_2387 = tpu.vector_load_idx %arg11[%iota3A, %broadcast_in_dim3A_2386] : memref<16x16xf32, #tpu.memory_space<vmem>>[vector<16xi32>, vector<16xi32>], vector<16xf32>,
      %broadcast_in_dim3A_2388 = arith.constant 11 : i32
      %broadcast_in_dim3A_2389 = vector.broadcast %broadcast_in_dim3A_2388 : i32 to vector<16xi32>
      %gather3A_2390 = tpu.vector_load_idx %arg11[%iota3A, %broadcast_in_dim3A_2389] : memref<16x16xf32, #tpu.memory_space<vmem>>[vector<16xi32>, vector<16xi32>], vector<16xf32>,
      %broadcast_in_dim3A_2391 = arith.constant 12 : i32
      %broadcast_in_dim3A_2392 = vector.broadcast %broadcast_in_dim3A_2391 : i32 to vector<16xi32>
      %gather3A_2393 = tpu.vector_load_idx %arg11[%iota3A, %broadcast_in_dim3A_2392] : memref<16x16xf32, #tpu.memory_space<vmem>>[vector<16xi32>, vector<16xi32>], vector<16xf32>,
      %broadcast_in_dim3A_2394 = arith.constant 13 : i32
      %broadcast_in_dim3A_2395 = vector.broadcast %broadcast_in_dim3A_2394 : i32 to vector<16xi32>
      %gather3A_2396 = tpu.vector_load_idx %arg11[%iota3A, %broadcast_in_dim3A_2395] : memref<16x16xf32, #tpu.memory_space<vmem>>[vector<16xi32>, vector<16xi32>], vector<16xf32>,
      %broadcast_in_dim3A_2397 = arith.constant 14 : i32
      %broadcast_in_dim3A_2398 = vector.broadcast %broadcast_in_dim3A_2397 : i32 to vector<16xi32>
      %gather3A_2399 = tpu.vector_load_idx %arg11[%iota3A, %broadcast_in_dim3A_2398] : memref<16x16xf32, #tpu.memory_space<vmem>>[vector<16xi32>, vector<16xi32>], vector<16xf32>,
      %broadcast_in_dim3A_2400 = arith.constant 15 : i32
      %broadcast_in_dim3A_2401 = vector.broadcast %broadcast_in_dim3A_2400 : i32 to vector<16xi32>
      %gather3A_2402 = tpu.vector_load_idx %arg11[%iota3A, %broadcast_in_dim3A_2401] : memref<16x16xf32, #tpu.memory_space<vmem>>[vector<16xi32>, vector<16xi32>], vector<16xf32>,
      %add3A_2403 = arith.addf %gather3A_2357, %gather3A_2360 : vector<16xf32>
      %add3A_2404 = arith.addf %gather3A_2363, %gather3A_2366 : vector<16xf32>
      %add3A_2405 = arith.addf %gather3A_2369, %gather3A_2372 : vector<16xf32>
      %add3A_2406 = arith.addf %gather3A_2375, %gather3A_2378 : vector<16xf32>
      %add3A_2407 = arith.addf %gather3A_2381, %gather3A_2384 : vector<16xf32>
      %add3A_2408 = arith.addf %gather3A_2387, %gather3A_2390 : vector<16xf32>
      %add3A_2409 = arith.addf %gather3A_2393, %gather3A_2396 : vector<16xf32>
      %add3A_2410 = arith.addf %gather3A_2399, %gather3A_2402 : vector<16xf32>
      %add3A_2411 = arith.addf %add3A_2403, %add3A_2404 : vector<16xf32>
      %add3A_2412 = arith.addf %add3A_2405, %add3A_2406 : vector<16xf32>
      %add3A_2413 = arith.addf %add3A_2407, %add3A_2408 : vector<16xf32>
      %add3A_2414 = arith.addf %add3A_2409, %add3A_2410 : vector<16xf32>
      %add3A_2415 = arith.addf %add3A_2411, %add3A_2412 : vector<16xf32>
      %add3A_2416 = arith.addf %add3A_2413, %add3A_2414 : vector<16xf32>
      %add3A_2417 = arith.addf %add3A_2415, %add3A_2416 : vector<16xf32>
      %add3A_2418 = arith.constant 32 : i32
      %add3A_2419 = vector.broadcast %add3A_2418 : i32 to vector<16xi32>
      %add3A_2420 = arith.addi %add3A_18, %add3A_2419 : vector<16xi32>
      tpu.vector_store_idx %arg10[%add3A_2420], %add3A_2417 : memref<10000xf32, #tpu.memory_space<vmem>>[vector<16xi32>], vector<16xf32>,
      %get3A_2421 = arith.constant 48 : i32
      %get3A_2422 = arith.constant 0 : i32
      %get3A_2423 = arith.constant 0 : i32
      %get3A_2424 = tpu.memref_slice %arg9[%and3A_15, %get3A_2422, %get3A_2423] : memref<8x80x128xbf16, #tpu.memory_space<vmem>> -> memref<1x80x128xbf16, #tpu.memory_space<vmem>>
      %get3A_2425 = tpu.memref_squeeze %get3A_2424 : memref<1x80x128xbf16, #tpu.memory_space<vmem>> -> memref<80x128xbf16, #tpu.memory_space<vmem>>
      %get3A_2426 = arith.index_cast %get3A_2421 : i32 to index
      %get3A_2427 = arith.constant 0 : index
      %get3A_2428 = tpu.vector_load %get3A_2425[%get3A_2426, %get3A_2427] {strides = array<i32>} : memref<80x128xbf16, #tpu.memory_space<vmem>>, vector<32xbf16>,
      %mul3A_2429 = arith.mulf %get3A_2428, %get3A_2428 : vector<32xbf16>
      %get3A_2430 = arith.constant 48 : i32
      %get3A_2431 = arith.constant 0 : i32
      %get3A_2432 = arith.constant 0 : i32
      %get3A_2433 = tpu.memref_slice %arg9[%and3A_15, %get3A_2431, %get3A_2432] : memref<8x80x128xbf16, #tpu.memory_space<vmem>> -> memref<1x80x128xbf16, #tpu.memory_space<vmem>>
      %get3A_2434 = tpu.memref_squeeze %get3A_2433 : memref<1x80x128xbf16, #tpu.memory_space<vmem>> -> memref<80x128xbf16, #tpu.memory_space<vmem>>
      %get3A_2435 = arith.index_cast %get3A_2430 : i32 to index
      %get3A_2436 = arith.constant 32 : index
      %get3A_2437 = tpu.vector_load %get3A_2434[%get3A_2435, %get3A_2436] {strides = array<i32>} : memref<80x128xbf16, #tpu.memory_space<vmem>>, vector<32xbf16>,
      %mul3A_2438 = arith.mulf %get3A_2437, %get3A_2437 : vector<32xbf16>
      %add3A_2439 = arith.addf %mul3A_2429, %mul3A_2438 : vector<32xbf16>
      %get3A_2440 = arith.constant 48 : i32
      %get3A_2441 = arith.constant 0 : i32
      %get3A_2442 = arith.constant 0 : i32
      %get3A_2443 = tpu.memref_slice %arg9[%and3A_15, %get3A_2441, %get3A_2442] : memref<8x80x128xbf16, #tpu.memory_space<vmem>> -> memref<1x80x128xbf16, #tpu.memory_space<vmem>>
      %get3A_2444 = tpu.memref_squeeze %get3A_2443 : memref<1x80x128xbf16, #tpu.memory_space<vmem>> -> memref<80x128xbf16, #tpu.memory_space<vmem>>
      %get3A_2445 = arith.index_cast %get3A_2440 : i32 to index
      %get3A_2446 = arith.constant 64 : index
      %get3A_2447 = tpu.vector_load %get3A_2444[%get3A_2445, %get3A_2446] {strides = array<i32>} : memref<80x128xbf16, #tpu.memory_space<vmem>>, vector<32xbf16>,
      %mul3A_2448 = arith.mulf %get3A_2447, %get3A_2447 : vector<32xbf16>
      %add3A_2449 = arith.addf %add3A_2439, %mul3A_2448 : vector<32xbf16>
      %get3A_2450 = arith.constant 48 : i32
      %get3A_2451 = arith.constant 0 : i32
      %get3A_2452 = arith.constant 0 : i32
      %get3A_2453 = tpu.memref_slice %arg9[%and3A_15, %get3A_2451, %get3A_2452] : memref<8x80x128xbf16, #tpu.memory_space<vmem>> -> memref<1x80x128xbf16, #tpu.memory_space<vmem>>
      %get3A_2454 = tpu.memref_squeeze %get3A_2453 : memref<1x80x128xbf16, #tpu.memory_space<vmem>> -> memref<80x128xbf16, #tpu.memory_space<vmem>>
      %get3A_2455 = arith.index_cast %get3A_2450 : i32 to index
      %get3A_2456 = arith.constant 96 : index
      %get3A_2457 = tpu.vector_load %get3A_2454[%get3A_2455, %get3A_2456] {strides = array<i32>} : memref<80x128xbf16, #tpu.memory_space<vmem>>, vector<32xbf16>,
      %mul3A_2458 = arith.mulf %get3A_2457, %get3A_2457 : vector<32xbf16>
      %add3A_2459 = arith.addf %add3A_2449, %mul3A_2458 : vector<32xbf16>
      %unpack3A_2460 = tpu.unpack_subelements %add3A_2459, 0 {pack_format = #tpu.pack_format<interleaved>} : vector<32xbf16> -> vector<16xf32>
      %unpack3A_2461 = tpu.unpack_subelements %add3A_2459, 1 {pack_format = #tpu.pack_format<interleaved>} : vector<32xbf16> -> vector<16xf32>
      %add3A_2462 = arith.addf %unpack3A_2460, %unpack3A_2461 : vector<16xf32>
      %swap3A_2463 = arith.constant 0 : i32
      %swap3A_2464 = arith.index_cast %swap3A_2463 : i32 to index
      %swap3A_2465 = arith.constant 0 : index
      %swap3A_2466 = tpu.vector_load %arg11[%swap3A_2464, %swap3A_2465] {strides = array<i32>} : memref<16x16xf32, #tpu.memory_space<vmem>>, vector<16xf32>,
      tpu.vector_store %arg11[%swap3A_2464, %swap3A_2465], %add3A_2462 {strides = array<i32>} : memref<16x16xf32, #tpu.memory_space<vmem>>, vector<16xf32>,
      %get3A_2467 = arith.constant 49 : i32
      %get3A_2468 = arith.constant 0 : i32
      %get3A_2469 = arith.constant 0 : i32
      %get3A_2470 = tpu.memref_slice %arg9[%and3A_15, %get3A_2468, %get3A_2469] : memref<8x80x128xbf16, #tpu.memory_space<vmem>> -> memref<1x80x128xbf16, #tpu.memory_space<vmem>>
      %get3A_2471 = tpu.memref_squeeze %get3A_2470 : memref<1x80x128xbf16, #tpu.memory_space<vmem>> -> memref<80x128xbf16, #tpu.memory_space<vmem>>
      %get3A_2472 = arith.index_cast %get3A_2467 : i32 to index
      %get3A_2473 = arith.constant 0 : index
      %get3A_2474 = tpu.vector_load %get3A_2471[%get3A_2472, %get3A_2473] {strides = array<i32>} : memref<80x128xbf16, #tpu.memory_space<vmem>>, vector<32xbf16>,
      %mul3A_2475 = arith.mulf %get3A_2474, %get3A_2474 : vector<32xbf16>
      %get3A_2476 = arith.constant 49 : i32
      %get3A_2477 = arith.constant 0 : i32
      %get3A_2478 = arith.constant 0 : i32
      %get3A_2479 = tpu.memref_slice %arg9[%and3A_15, %get3A_2477, %get3A_2478] : memref<8x80x128xbf16, #tpu.memory_space<vmem>> -> memref<1x80x128xbf16, #tpu.memory_space<vmem>>
      %get3A_2480 = tpu.memref_squeeze %get3A_2479 : memref<1x80x128xbf16, #tpu.memory_space<vmem>> -> memref<80x128xbf16, #tpu.memory_space<vmem>>
      %get3A_2481 = arith.index_cast %get3A_2476 : i32 to index
      %get3A_2482 = arith.constant 32 : index
      %get3A_2483 = tpu.vector_load %get3A_2480[%get3A_2481, %get3A_2482] {strides = array<i32>} : memref<80x128xbf16, #tpu.memory_space<vmem>>, vector<32xbf16>,
      %mul3A_2484 = arith.mulf %get3A_2483, %get3A_2483 : vector<32xbf16>
      %add3A_2485 = arith.addf %mul3A_2475, %mul3A_2484 : vector<32xbf16>
      %get3A_2486 = arith.constant 49 : i32
      %get3A_2487 = arith.constant 0 : i32
      %get3A_2488 = arith.constant 0 : i32
      %get3A_2489 = tpu.memref_slice %arg9[%and3A_15, %get3A_2487, %get3A_2488] : memref<8x80x128xbf16, #tpu.memory_space<vmem>> -> memref<1x80x128xbf16, #tpu.memory_space<vmem>>
      %get3A_2490 = tpu.memref_squeeze %get3A_2489 : memref<1x80x128xbf16, #tpu.memory_space<vmem>> -> memref<80x128xbf16, #tpu.memory_space<vmem>>
      %get3A_2491 = arith.index_cast %get3A_2486 : i32 to index
      %get3A_2492 = arith.constant 64 : index
      %get3A_2493 = tpu.vector_load %get3A_2490[%get3A_2491, %get3A_2492] {strides = array<i32>} : memref<80x128xbf16, #tpu.memory_space<vmem>>, vector<32xbf16>,
      %mul3A_2494 = arith.mulf %get3A_2493, %get3A_2493 : vector<32xbf16>
      %add3A_2495 = arith.addf %add3A_2485, %mul3A_2494 : vector<32xbf16>
      %get3A_2496 = arith.constant 49 : i32
      %get3A_2497 = arith.constant 0 : i32
      %get3A_2498 = arith.constant 0 : i32
      %get3A_2499 = tpu.memref_slice %arg9[%and3A_15, %get3A_2497, %get3A_2498] : memref<8x80x128xbf16, #tpu.memory_space<vmem>> -> memref<1x80x128xbf16, #tpu.memory_space<vmem>>
      %get3A_2500 = tpu.memref_squeeze %get3A_2499 : memref<1x80x128xbf16, #tpu.memory_space<vmem>> -> memref<80x128xbf16, #tpu.memory_space<vmem>>
      %get3A_2501 = arith.index_cast %get3A_2496 : i32 to index
      %get3A_2502 = arith.constant 96 : index
      %get3A_2503 = tpu.vector_load %get3A_2500[%get3A_2501, %get3A_2502] {strides = array<i32>} : memref<80x128xbf16, #tpu.memory_space<vmem>>, vector<32xbf16>,
      %mul3A_2504 = arith.mulf %get3A_2503, %get3A_2503 : vector<32xbf16>
      %add3A_2505 = arith.addf %add3A_2495, %mul3A_2504 : vector<32xbf16>
      %unpack3A_2506 = tpu.unpack_subelements %add3A_2505, 0 {pack_format = #tpu.pack_format<interleaved>} : vector<32xbf16> -> vector<16xf32>
      %unpack3A_2507 = tpu.unpack_subelements %add3A_2505, 1 {pack_format = #tpu.pack_format<interleaved>} : vector<32xbf16> -> vector<16xf32>
      %add3A_2508 = arith.addf %unpack3A_2506, %unpack3A_2507 : vector<16xf32>
      %swap3A_2509 = arith.constant 1 : i32
      %swap3A_2510 = arith.index_cast %swap3A_2509 : i32 to index
      %swap3A_2511 = arith.constant 0 : index
      %swap3A_2512 = tpu.vector_load %arg11[%swap3A_2510, %swap3A_2511] {strides = array<i32>} : memref<16x16xf32, #tpu.memory_space<vmem>>, vector<16xf32>,
      tpu.vector_store %arg11[%swap3A_2510, %swap3A_2511], %add3A_2508 {strides = array<i32>} : memref<16x16xf32, #tpu.memory_space<vmem>>, vector<16xf32>,
      %get3A_2513 = arith.constant 50 : i32
      %get3A_2514 = arith.constant 0 : i32
      %get3A_2515 = arith.constant 0 : i32
      %get3A_2516 = tpu.memref_slice %arg9[%and3A_15, %get3A_2514, %get3A_2515] : memref<8x80x128xbf16, #tpu.memory_space<vmem>> -> memref<1x80x128xbf16, #tpu.memory_space<vmem>>
      %get3A_2517 = tpu.memref_squeeze %get3A_2516 : memref<1x80x128xbf16, #tpu.memory_space<vmem>> -> memref<80x128xbf16, #tpu.memory_space<vmem>>
      %get3A_2518 = arith.index_cast %get3A_2513 : i32 to index
      %get3A_2519 = arith.constant 0 : index
      %get3A_2520 = tpu.vector_load %get3A_2517[%get3A_2518, %get3A_2519] {strides = array<i32>} : memref<80x128xbf16, #tpu.memory_space<vmem>>, vector<32xbf16>,
      %mul3A_2521 = arith.mulf %get3A_2520, %get3A_2520 : vector<32xbf16>
      %get3A_2522 = arith.constant 50 : i32
      %get3A_2523 = arith.constant 0 : i32
      %get3A_2524 = arith.constant 0 : i32
      %get3A_2525 = tpu.memref_slice %arg9[%and3A_15, %get3A_2523, %get3A_2524] : memref<8x80x128xbf16, #tpu.memory_space<vmem>> -> memref<1x80x128xbf16, #tpu.memory_space<vmem>>
      %get3A_2526 = tpu.memref_squeeze %get3A_2525 : memref<1x80x128xbf16, #tpu.memory_space<vmem>> -> memref<80x128xbf16, #tpu.memory_space<vmem>>
      %get3A_2527 = arith.index_cast %get3A_2522 : i32 to index
      %get3A_2528 = arith.constant 32 : index
      %get3A_2529 = tpu.vector_load %get3A_2526[%get3A_2527, %get3A_2528] {strides = array<i32>} : memref<80x128xbf16, #tpu.memory_space<vmem>>, vector<32xbf16>,
      %mul3A_2530 = arith.mulf %get3A_2529, %get3A_2529 : vector<32xbf16>
      %add3A_2531 = arith.addf %mul3A_2521, %mul3A_2530 : vector<32xbf16>
      %get3A_2532 = arith.constant 50 : i32
      %get3A_2533 = arith.constant 0 : i32
      %get3A_2534 = arith.constant 0 : i32
      %get3A_2535 = tpu.memref_slice %arg9[%and3A_15, %get3A_2533, %get3A_2534] : memref<8x80x128xbf16, #tpu.memory_space<vmem>> -> memref<1x80x128xbf16, #tpu.memory_space<vmem>>
      %get3A_2536 = tpu.memref_squeeze %get3A_2535 : memref<1x80x128xbf16, #tpu.memory_space<vmem>> -> memref<80x128xbf16, #tpu.memory_space<vmem>>
      %get3A_2537 = arith.index_cast %get3A_2532 : i32 to index
      %get3A_2538 = arith.constant 64 : index
      %get3A_2539 = tpu.vector_load %get3A_2536[%get3A_2537, %get3A_2538] {strides = array<i32>} : memref<80x128xbf16, #tpu.memory_space<vmem>>, vector<32xbf16>,
      %mul3A_2540 = arith.mulf %get3A_2539, %get3A_2539 : vector<32xbf16>
      %add3A_2541 = arith.addf %add3A_2531, %mul3A_2540 : vector<32xbf16>
      %get3A_2542 = arith.constant 50 : i32
      %get3A_2543 = arith.constant 0 : i32
      %get3A_2544 = arith.constant 0 : i32
      %get3A_2545 = tpu.memref_slice %arg9[%and3A_15, %get3A_2543, %get3A_2544] : memref<8x80x128xbf16, #tpu.memory_space<vmem>> -> memref<1x80x128xbf16, #tpu.memory_space<vmem>>
      %get3A_2546 = tpu.memref_squeeze %get3A_2545 : memref<1x80x128xbf16, #tpu.memory_space<vmem>> -> memref<80x128xbf16, #tpu.memory_space<vmem>>
      %get3A_2547 = arith.index_cast %get3A_2542 : i32 to index
      %get3A_2548 = arith.constant 96 : index
      %get3A_2549 = tpu.vector_load %get3A_2546[%get3A_2547, %get3A_2548] {strides = array<i32>} : memref<80x128xbf16, #tpu.memory_space<vmem>>, vector<32xbf16>,
      %mul3A_2550 = arith.mulf %get3A_2549, %get3A_2549 : vector<32xbf16>
      %add3A_2551 = arith.addf %add3A_2541, %mul3A_2550 : vector<32xbf16>
      %unpack3A_2552 = tpu.unpack_subelements %add3A_2551, 0 {pack_format = #tpu.pack_format<interleaved>} : vector<32xbf16> -> vector<16xf32>
      %unpack3A_2553 = tpu.unpack_subelements %add3A_2551, 1 {pack_format = #tpu.pack_format<interleaved>} : vector<32xbf16> -> vector<16xf32>
      %add3A_2554 = arith.addf %unpack3A_2552, %unpack3A_2553 : vector<16xf32>
      %swap3A_2555 = arith.constant 2 : i32
      %swap3A_2556 = arith.index_cast %swap3A_2555 : i32 to index
      %swap3A_2557 = arith.constant 0 : index
      %swap3A_2558 = tpu.vector_load %arg11[%swap3A_2556, %swap3A_2557] {strides = array<i32>} : memref<16x16xf32, #tpu.memory_space<vmem>>, vector<16xf32>,
      tpu.vector_store %arg11[%swap3A_2556, %swap3A_2557], %add3A_2554 {strides = array<i32>} : memref<16x16xf32, #tpu.memory_space<vmem>>, vector<16xf32>,
      %get3A_2559 = arith.constant 51 : i32
      %get3A_2560 = arith.constant 0 : i32
      %get3A_2561 = arith.constant 0 : i32
      %get3A_2562 = tpu.memref_slice %arg9[%and3A_15, %get3A_2560, %get3A_2561] : memref<8x80x128xbf16, #tpu.memory_space<vmem>> -> memref<1x80x128xbf16, #tpu.memory_space<vmem>>
      %get3A_2563 = tpu.memref_squeeze %get3A_2562 : memref<1x80x128xbf16, #tpu.memory_space<vmem>> -> memref<80x128xbf16, #tpu.memory_space<vmem>>
      %get3A_2564 = arith.index_cast %get3A_2559 : i32 to index
      %get3A_2565 = arith.constant 0 : index
      %get3A_2566 = tpu.vector_load %get3A_2563[%get3A_2564, %get3A_2565] {strides = array<i32>} : memref<80x128xbf16, #tpu.memory_space<vmem>>, vector<32xbf16>,
      %mul3A_2567 = arith.mulf %get3A_2566, %get3A_2566 : vector<32xbf16>
      %get3A_2568 = arith.constant 51 : i32
      %get3A_2569 = arith.constant 0 : i32
      %get3A_2570 = arith.constant 0 : i32
      %get3A_2571 = tpu.memref_slice %arg9[%and3A_15, %get3A_2569, %get3A_2570] : memref<8x80x128xbf16, #tpu.memory_space<vmem>> -> memref<1x80x128xbf16, #tpu.memory_space<vmem>>
      %get3A_2572 = tpu.memref_squeeze %get3A_2571 : memref<1x80x128xbf16, #tpu.memory_space<vmem>> -> memref<80x128xbf16, #tpu.memory_space<vmem>>
      %get3A_2573 = arith.index_cast %get3A_2568 : i32 to index
      %get3A_2574 = arith.constant 32 : index
      %get3A_2575 = tpu.vector_load %get3A_2572[%get3A_2573, %get3A_2574] {strides = array<i32>} : memref<80x128xbf16, #tpu.memory_space<vmem>>, vector<32xbf16>,
      %mul3A_2576 = arith.mulf %get3A_2575, %get3A_2575 : vector<32xbf16>
      %add3A_2577 = arith.addf %mul3A_2567, %mul3A_2576 : vector<32xbf16>
      %get3A_2578 = arith.constant 51 : i32
      %get3A_2579 = arith.constant 0 : i32
      %get3A_2580 = arith.constant 0 : i32
      %get3A_2581 = tpu.memref_slice %arg9[%and3A_15, %get3A_2579, %get3A_2580] : memref<8x80x128xbf16, #tpu.memory_space<vmem>> -> memref<1x80x128xbf16, #tpu.memory_space<vmem>>
      %get3A_2582 = tpu.memref_squeeze %get3A_2581 : memref<1x80x128xbf16, #tpu.memory_space<vmem>> -> memref<80x128xbf16, #tpu.memory_space<vmem>>
      %get3A_2583 = arith.index_cast %get3A_2578 : i32 to index
      %get3A_2584 = arith.constant 64 : index
      %get3A_2585 = tpu.vector_load %get3A_2582[%get3A_2583, %get3A_2584] {strides = array<i32>} : memref<80x128xbf16, #tpu.memory_space<vmem>>, vector<32xbf16>,
      %mul3A_2586 = arith.mulf %get3A_2585, %get3A_2585 : vector<32xbf16>
      %add3A_2587 = arith.addf %add3A_2577, %mul3A_2586 : vector<32xbf16>
      %get3A_2588 = arith.constant 51 : i32
      %get3A_2589 = arith.constant 0 : i32
      %get3A_2590 = arith.constant 0 : i32
      %get3A_2591 = tpu.memref_slice %arg9[%and3A_15, %get3A_2589, %get3A_2590] : memref<8x80x128xbf16, #tpu.memory_space<vmem>> -> memref<1x80x128xbf16, #tpu.memory_space<vmem>>
      %get3A_2592 = tpu.memref_squeeze %get3A_2591 : memref<1x80x128xbf16, #tpu.memory_space<vmem>> -> memref<80x128xbf16, #tpu.memory_space<vmem>>
      %get3A_2593 = arith.index_cast %get3A_2588 : i32 to index
      %get3A_2594 = arith.constant 96 : index
      %get3A_2595 = tpu.vector_load %get3A_2592[%get3A_2593, %get3A_2594] {strides = array<i32>} : memref<80x128xbf16, #tpu.memory_space<vmem>>, vector<32xbf16>,
      %mul3A_2596 = arith.mulf %get3A_2595, %get3A_2595 : vector<32xbf16>
      %add3A_2597 = arith.addf %add3A_2587, %mul3A_2596 : vector<32xbf16>
      %unpack3A_2598 = tpu.unpack_subelements %add3A_2597, 0 {pack_format = #tpu.pack_format<interleaved>} : vector<32xbf16> -> vector<16xf32>
      %unpack3A_2599 = tpu.unpack_subelements %add3A_2597, 1 {pack_format = #tpu.pack_format<interleaved>} : vector<32xbf16> -> vector<16xf32>
      %add3A_2600 = arith.addf %unpack3A_2598, %unpack3A_2599 : vector<16xf32>
      %swap3A_2601 = arith.constant 3 : i32
      %swap3A_2602 = arith.index_cast %swap3A_2601 : i32 to index
      %swap3A_2603 = arith.constant 0 : index
      %swap3A_2604 = tpu.vector_load %arg11[%swap3A_2602, %swap3A_2603] {strides = array<i32>} : memref<16x16xf32, #tpu.memory_space<vmem>>, vector<16xf32>,
      tpu.vector_store %arg11[%swap3A_2602, %swap3A_2603], %add3A_2600 {strides = array<i32>} : memref<16x16xf32, #tpu.memory_space<vmem>>, vector<16xf32>,
      %get3A_2605 = arith.constant 52 : i32
      %get3A_2606 = arith.constant 0 : i32
      %get3A_2607 = arith.constant 0 : i32
      %get3A_2608 = tpu.memref_slice %arg9[%and3A_15, %get3A_2606, %get3A_2607] : memref<8x80x128xbf16, #tpu.memory_space<vmem>> -> memref<1x80x128xbf16, #tpu.memory_space<vmem>>
      %get3A_2609 = tpu.memref_squeeze %get3A_2608 : memref<1x80x128xbf16, #tpu.memory_space<vmem>> -> memref<80x128xbf16, #tpu.memory_space<vmem>>
      %get3A_2610 = arith.index_cast %get3A_2605 : i32 to index
      %get3A_2611 = arith.constant 0 : index
      %get3A_2612 = tpu.vector_load %get3A_2609[%get3A_2610, %get3A_2611] {strides = array<i32>} : memref<80x128xbf16, #tpu.memory_space<vmem>>, vector<32xbf16>,
      %mul3A_2613 = arith.mulf %get3A_2612, %get3A_2612 : vector<32xbf16>
      %get3A_2614 = arith.constant 52 : i32
      %get3A_2615 = arith.constant 0 : i32
      %get3A_2616 = arith.constant 0 : i32
      %get3A_2617 = tpu.memref_slice %arg9[%and3A_15, %get3A_2615, %get3A_2616] : memref<8x80x128xbf16, #tpu.memory_space<vmem>> -> memref<1x80x128xbf16, #tpu.memory_space<vmem>>
      %get3A_2618 = tpu.memref_squeeze %get3A_2617 : memref<1x80x128xbf16, #tpu.memory_space<vmem>> -> memref<80x128xbf16, #tpu.memory_space<vmem>>
      %get3A_2619 = arith.index_cast %get3A_2614 : i32 to index
      %get3A_2620 = arith.constant 32 : index
      %get3A_2621 = tpu.vector_load %get3A_2618[%get3A_2619, %get3A_2620] {strides = array<i32>} : memref<80x128xbf16, #tpu.memory_space<vmem>>, vector<32xbf16>,
      %mul3A_2622 = arith.mulf %get3A_2621, %get3A_2621 : vector<32xbf16>
      %add3A_2623 = arith.addf %mul3A_2613, %mul3A_2622 : vector<32xbf16>
      %get3A_2624 = arith.constant 52 : i32
      %get3A_2625 = arith.constant 0 : i32
      %get3A_2626 = arith.constant 0 : i32
      %get3A_2627 = tpu.memref_slice %arg9[%and3A_15, %get3A_2625, %get3A_2626] : memref<8x80x128xbf16, #tpu.memory_space<vmem>> -> memref<1x80x128xbf16, #tpu.memory_space<vmem>>
      %get3A_2628 = tpu.memref_squeeze %get3A_2627 : memref<1x80x128xbf16, #tpu.memory_space<vmem>> -> memref<80x128xbf16, #tpu.memory_space<vmem>>
      %get3A_2629 = arith.index_cast %get3A_2624 : i32 to index
      %get3A_2630 = arith.constant 64 : index
      %get3A_2631 = tpu.vector_load %get3A_2628[%get3A_2629, %get3A_2630] {strides = array<i32>} : memref<80x128xbf16, #tpu.memory_space<vmem>>, vector<32xbf16>,
      %mul3A_2632 = arith.mulf %get3A_2631, %get3A_2631 : vector<32xbf16>
      %add3A_2633 = arith.addf %add3A_2623, %mul3A_2632 : vector<32xbf16>
      %get3A_2634 = arith.constant 52 : i32
      %get3A_2635 = arith.constant 0 : i32
      %get3A_2636 = arith.constant 0 : i32
      %get3A_2637 = tpu.memref_slice %arg9[%and3A_15, %get3A_2635, %get3A_2636] : memref<8x80x128xbf16, #tpu.memory_space<vmem>> -> memref<1x80x128xbf16, #tpu.memory_space<vmem>>
      %get3A_2638 = tpu.memref_squeeze %get3A_2637 : memref<1x80x128xbf16, #tpu.memory_space<vmem>> -> memref<80x128xbf16, #tpu.memory_space<vmem>>
      %get3A_2639 = arith.index_cast %get3A_2634 : i32 to index
      %get3A_2640 = arith.constant 96 : index
      %get3A_2641 = tpu.vector_load %get3A_2638[%get3A_2639, %get3A_2640] {strides = array<i32>} : memref<80x128xbf16, #tpu.memory_space<vmem>>, vector<32xbf16>,
      %mul3A_2642 = arith.mulf %get3A_2641, %get3A_2641 : vector<32xbf16>
      %add3A_2643 = arith.addf %add3A_2633, %mul3A_2642 : vector<32xbf16>
      %unpack3A_2644 = tpu.unpack_subelements %add3A_2643, 0 {pack_format = #tpu.pack_format<interleaved>} : vector<32xbf16> -> vector<16xf32>
      %unpack3A_2645 = tpu.unpack_subelements %add3A_2643, 1 {pack_format = #tpu.pack_format<interleaved>} : vector<32xbf16> -> vector<16xf32>
      %add3A_2646 = arith.addf %unpack3A_2644, %unpack3A_2645 : vector<16xf32>
      %swap3A_2647 = arith.constant 4 : i32
      %swap3A_2648 = arith.index_cast %swap3A_2647 : i32 to index
      %swap3A_2649 = arith.constant 0 : index
      %swap3A_2650 = tpu.vector_load %arg11[%swap3A_2648, %swap3A_2649] {strides = array<i32>} : memref<16x16xf32, #tpu.memory_space<vmem>>, vector<16xf32>,
      tpu.vector_store %arg11[%swap3A_2648, %swap3A_2649], %add3A_2646 {strides = array<i32>} : memref<16x16xf32, #tpu.memory_space<vmem>>, vector<16xf32>,
      %get3A_2651 = arith.constant 53 : i32
      %get3A_2652 = arith.constant 0 : i32
      %get3A_2653 = arith.constant 0 : i32
      %get3A_2654 = tpu.memref_slice %arg9[%and3A_15, %get3A_2652, %get3A_2653] : memref<8x80x128xbf16, #tpu.memory_space<vmem>> -> memref<1x80x128xbf16, #tpu.memory_space<vmem>>
      %get3A_2655 = tpu.memref_squeeze %get3A_2654 : memref<1x80x128xbf16, #tpu.memory_space<vmem>> -> memref<80x128xbf16, #tpu.memory_space<vmem>>
      %get3A_2656 = arith.index_cast %get3A_2651 : i32 to index
      %get3A_2657 = arith.constant 0 : index
      %get3A_2658 = tpu.vector_load %get3A_2655[%get3A_2656, %get3A_2657] {strides = array<i32>} : memref<80x128xbf16, #tpu.memory_space<vmem>>, vector<32xbf16>,
      %mul3A_2659 = arith.mulf %get3A_2658, %get3A_2658 : vector<32xbf16>
      %get3A_2660 = arith.constant 53 : i32
      %get3A_2661 = arith.constant 0 : i32
      %get3A_2662 = arith.constant 0 : i32
      %get3A_2663 = tpu.memref_slice %arg9[%and3A_15, %get3A_2661, %get3A_2662] : memref<8x80x128xbf16, #tpu.memory_space<vmem>> -> memref<1x80x128xbf16, #tpu.memory_space<vmem>>
      %get3A_2664 = tpu.memref_squeeze %get3A_2663 : memref<1x80x128xbf16, #tpu.memory_space<vmem>> -> memref<80x128xbf16, #tpu.memory_space<vmem>>
      %get3A_2665 = arith.index_cast %get3A_2660 : i32 to index
      %get3A_2666 = arith.constant 32 : index
      %get3A_2667 = tpu.vector_load %get3A_2664[%get3A_2665, %get3A_2666] {strides = array<i32>} : memref<80x128xbf16, #tpu.memory_space<vmem>>, vector<32xbf16>,
      %mul3A_2668 = arith.mulf %get3A_2667, %get3A_2667 : vector<32xbf16>
      %add3A_2669 = arith.addf %mul3A_2659, %mul3A_2668 : vector<32xbf16>
      %get3A_2670 = arith.constant 53 : i32
      %get3A_2671 = arith.constant 0 : i32
      %get3A_2672 = arith.constant 0 : i32
      %get3A_2673 = tpu.memref_slice %arg9[%and3A_15, %get3A_2671, %get3A_2672] : memref<8x80x128xbf16, #tpu.memory_space<vmem>> -> memref<1x80x128xbf16, #tpu.memory_space<vmem>>
      %get3A_2674 = tpu.memref_squeeze %get3A_2673 : memref<1x80x128xbf16, #tpu.memory_space<vmem>> -> memref<80x128xbf16, #tpu.memory_space<vmem>>
      %get3A_2675 = arith.index_cast %get3A_2670 : i32 to index
      %get3A_2676 = arith.constant 64 : index
      %get3A_2677 = tpu.vector_load %get3A_2674[%get3A_2675, %get3A_2676] {strides = array<i32>} : memref<80x128xbf16, #tpu.memory_space<vmem>>, vector<32xbf16>,
      %mul3A_2678 = arith.mulf %get3A_2677, %get3A_2677 : vector<32xbf16>
      %add3A_2679 = arith.addf %add3A_2669, %mul3A_2678 : vector<32xbf16>
      %get3A_2680 = arith.constant 53 : i32
      %get3A_2681 = arith.constant 0 : i32
      %get3A_2682 = arith.constant 0 : i32
      %get3A_2683 = tpu.memref_slice %arg9[%and3A_15, %get3A_2681, %get3A_2682] : memref<8x80x128xbf16, #tpu.memory_space<vmem>> -> memref<1x80x128xbf16, #tpu.memory_space<vmem>>
      %get3A_2684 = tpu.memref_squeeze %get3A_2683 : memref<1x80x128xbf16, #tpu.memory_space<vmem>> -> memref<80x128xbf16, #tpu.memory_space<vmem>>
      %get3A_2685 = arith.index_cast %get3A_2680 : i32 to index
      %get3A_2686 = arith.constant 96 : index
      %get3A_2687 = tpu.vector_load %get3A_2684[%get3A_2685, %get3A_2686] {strides = array<i32>} : memref<80x128xbf16, #tpu.memory_space<vmem>>, vector<32xbf16>,
      %mul3A_2688 = arith.mulf %get3A_2687, %get3A_2687 : vector<32xbf16>
      %add3A_2689 = arith.addf %add3A_2679, %mul3A_2688 : vector<32xbf16>
      %unpack3A_2690 = tpu.unpack_subelements %add3A_2689, 0 {pack_format = #tpu.pack_format<interleaved>} : vector<32xbf16> -> vector<16xf32>
      %unpack3A_2691 = tpu.unpack_subelements %add3A_2689, 1 {pack_format = #tpu.pack_format<interleaved>} : vector<32xbf16> -> vector<16xf32>
      %add3A_2692 = arith.addf %unpack3A_2690, %unpack3A_2691 : vector<16xf32>
      %swap3A_2693 = arith.constant 5 : i32
      %swap3A_2694 = arith.index_cast %swap3A_2693 : i32 to index
      %swap3A_2695 = arith.constant 0 : index
      %swap3A_2696 = tpu.vector_load %arg11[%swap3A_2694, %swap3A_2695] {strides = array<i32>} : memref<16x16xf32, #tpu.memory_space<vmem>>, vector<16xf32>,
      tpu.vector_store %arg11[%swap3A_2694, %swap3A_2695], %add3A_2692 {strides = array<i32>} : memref<16x16xf32, #tpu.memory_space<vmem>>, vector<16xf32>,
      %get3A_2697 = arith.constant 54 : i32
      %get3A_2698 = arith.constant 0 : i32
      %get3A_2699 = arith.constant 0 : i32
      %get3A_2700 = tpu.memref_slice %arg9[%and3A_15, %get3A_2698, %get3A_2699] : memref<8x80x128xbf16, #tpu.memory_space<vmem>> -> memref<1x80x128xbf16, #tpu.memory_space<vmem>>
      %get3A_2701 = tpu.memref_squeeze %get3A_2700 : memref<1x80x128xbf16, #tpu.memory_space<vmem>> -> memref<80x128xbf16, #tpu.memory_space<vmem>>
      %get3A_2702 = arith.index_cast %get3A_2697 : i32 to index
      %get3A_2703 = arith.constant 0 : index
      %get3A_2704 = tpu.vector_load %get3A_2701[%get3A_2702, %get3A_2703] {strides = array<i32>} : memref<80x128xbf16, #tpu.memory_space<vmem>>, vector<32xbf16>,
      %mul3A_2705 = arith.mulf %get3A_2704, %get3A_2704 : vector<32xbf16>
      %get3A_2706 = arith.constant 54 : i32
      %get3A_2707 = arith.constant 0 : i32
      %get3A_2708 = arith.constant 0 : i32
      %get3A_2709 = tpu.memref_slice %arg9[%and3A_15, %get3A_2707, %get3A_2708] : memref<8x80x128xbf16, #tpu.memory_space<vmem>> -> memref<1x80x128xbf16, #tpu.memory_space<vmem>>
      %get3A_2710 = tpu.memref_squeeze %get3A_2709 : memref<1x80x128xbf16, #tpu.memory_space<vmem>> -> memref<80x128xbf16, #tpu.memory_space<vmem>>
      %get3A_2711 = arith.index_cast %get3A_2706 : i32 to index
      %get3A_2712 = arith.constant 32 : index
      %get3A_2713 = tpu.vector_load %get3A_2710[%get3A_2711, %get3A_2712] {strides = array<i32>} : memref<80x128xbf16, #tpu.memory_space<vmem>>, vector<32xbf16>,
      %mul3A_2714 = arith.mulf %get3A_2713, %get3A_2713 : vector<32xbf16>
      %add3A_2715 = arith.addf %mul3A_2705, %mul3A_2714 : vector<32xbf16>
      %get3A_2716 = arith.constant 54 : i32
      %get3A_2717 = arith.constant 0 : i32
      %get3A_2718 = arith.constant 0 : i32
      %get3A_2719 = tpu.memref_slice %arg9[%and3A_15, %get3A_2717, %get3A_2718] : memref<8x80x128xbf16, #tpu.memory_space<vmem>> -> memref<1x80x128xbf16, #tpu.memory_space<vmem>>
      %get3A_2720 = tpu.memref_squeeze %get3A_2719 : memref<1x80x128xbf16, #tpu.memory_space<vmem>> -> memref<80x128xbf16, #tpu.memory_space<vmem>>
      %get3A_2721 = arith.index_cast %get3A_2716 : i32 to index
      %get3A_2722 = arith.constant 64 : index
      %get3A_2723 = tpu.vector_load %get3A_2720[%get3A_2721, %get3A_2722] {strides = array<i32>} : memref<80x128xbf16, #tpu.memory_space<vmem>>, vector<32xbf16>,
      %mul3A_2724 = arith.mulf %get3A_2723, %get3A_2723 : vector<32xbf16>
      %add3A_2725 = arith.addf %add3A_2715, %mul3A_2724 : vector<32xbf16>
      %get3A_2726 = arith.constant 54 : i32
      %get3A_2727 = arith.constant 0 : i32
      %get3A_2728 = arith.constant 0 : i32
      %get3A_2729 = tpu.memref_slice %arg9[%and3A_15, %get3A_2727, %get3A_2728] : memref<8x80x128xbf16, #tpu.memory_space<vmem>> -> memref<1x80x128xbf16, #tpu.memory_space<vmem>>
      %get3A_2730 = tpu.memref_squeeze %get3A_2729 : memref<1x80x128xbf16, #tpu.memory_space<vmem>> -> memref<80x128xbf16, #tpu.memory_space<vmem>>
      %get3A_2731 = arith.index_cast %get3A_2726 : i32 to index
      %get3A_2732 = arith.constant 96 : index
      %get3A_2733 = tpu.vector_load %get3A_2730[%get3A_2731, %get3A_2732] {strides = array<i32>} : memref<80x128xbf16, #tpu.memory_space<vmem>>, vector<32xbf16>,
      %mul3A_2734 = arith.mulf %get3A_2733, %get3A_2733 : vector<32xbf16>
      %add3A_2735 = arith.addf %add3A_2725, %mul3A_2734 : vector<32xbf16>
      %unpack3A_2736 = tpu.unpack_subelements %add3A_2735, 0 {pack_format = #tpu.pack_format<interleaved>} : vector<32xbf16> -> vector<16xf32>
      %unpack3A_2737 = tpu.unpack_subelements %add3A_2735, 1 {pack_format = #tpu.pack_format<interleaved>} : vector<32xbf16> -> vector<16xf32>
      %add3A_2738 = arith.addf %unpack3A_2736, %unpack3A_2737 : vector<16xf32>
      %swap3A_2739 = arith.constant 6 : i32
      %swap3A_2740 = arith.index_cast %swap3A_2739 : i32 to index
      %swap3A_2741 = arith.constant 0 : index
      %swap3A_2742 = tpu.vector_load %arg11[%swap3A_2740, %swap3A_2741] {strides = array<i32>} : memref<16x16xf32, #tpu.memory_space<vmem>>, vector<16xf32>,
      tpu.vector_store %arg11[%swap3A_2740, %swap3A_2741], %add3A_2738 {strides = array<i32>} : memref<16x16xf32, #tpu.memory_space<vmem>>, vector<16xf32>,
      %get3A_2743 = arith.constant 55 : i32
      %get3A_2744 = arith.constant 0 : i32
      %get3A_2745 = arith.constant 0 : i32
      %get3A_2746 = tpu.memref_slice %arg9[%and3A_15, %get3A_2744, %get3A_2745] : memref<8x80x128xbf16, #tpu.memory_space<vmem>> -> memref<1x80x128xbf16, #tpu.memory_space<vmem>>
      %get3A_2747 = tpu.memref_squeeze %get3A_2746 : memref<1x80x128xbf16, #tpu.memory_space<vmem>> -> memref<80x128xbf16, #tpu.memory_space<vmem>>
      %get3A_2748 = arith.index_cast %get3A_2743 : i32 to index
      %get3A_2749 = arith.constant 0 : index
      %get3A_2750 = tpu.vector_load %get3A_2747[%get3A_2748, %get3A_2749] {strides = array<i32>} : memref<80x128xbf16, #tpu.memory_space<vmem>>, vector<32xbf16>,
      %mul3A_2751 = arith.mulf %get3A_2750, %get3A_2750 : vector<32xbf16>
      %get3A_2752 = arith.constant 55 : i32
      %get3A_2753 = arith.constant 0 : i32
      %get3A_2754 = arith.constant 0 : i32
      %get3A_2755 = tpu.memref_slice %arg9[%and3A_15, %get3A_2753, %get3A_2754] : memref<8x80x128xbf16, #tpu.memory_space<vmem>> -> memref<1x80x128xbf16, #tpu.memory_space<vmem>>
      %get3A_2756 = tpu.memref_squeeze %get3A_2755 : memref<1x80x128xbf16, #tpu.memory_space<vmem>> -> memref<80x128xbf16, #tpu.memory_space<vmem>>
      %get3A_2757 = arith.index_cast %get3A_2752 : i32 to index
      %get3A_2758 = arith.constant 32 : index
      %get3A_2759 = tpu.vector_load %get3A_2756[%get3A_2757, %get3A_2758] {strides = array<i32>} : memref<80x128xbf16, #tpu.memory_space<vmem>>, vector<32xbf16>,
      %mul3A_2760 = arith.mulf %get3A_2759, %get3A_2759 : vector<32xbf16>
      %add3A_2761 = arith.addf %mul3A_2751, %mul3A_2760 : vector<32xbf16>
      %get3A_2762 = arith.constant 55 : i32
      %get3A_2763 = arith.constant 0 : i32
      %get3A_2764 = arith.constant 0 : i32
      %get3A_2765 = tpu.memref_slice %arg9[%and3A_15, %get3A_2763, %get3A_2764] : memref<8x80x128xbf16, #tpu.memory_space<vmem>> -> memref<1x80x128xbf16, #tpu.memory_space<vmem>>
      %get3A_2766 = tpu.memref_squeeze %get3A_2765 : memref<1x80x128xbf16, #tpu.memory_space<vmem>> -> memref<80x128xbf16, #tpu.memory_space<vmem>>
      %get3A_2767 = arith.index_cast %get3A_2762 : i32 to index
      %get3A_2768 = arith.constant 64 : index
      %get3A_2769 = tpu.vector_load %get3A_2766[%get3A_2767, %get3A_2768] {strides = array<i32>} : memref<80x128xbf16, #tpu.memory_space<vmem>>, vector<32xbf16>,
      %mul3A_2770 = arith.mulf %get3A_2769, %get3A_2769 : vector<32xbf16>
      %add3A_2771 = arith.addf %add3A_2761, %mul3A_2770 : vector<32xbf16>
      %get3A_2772 = arith.constant 55 : i32
      %get3A_2773 = arith.constant 0 : i32
      %get3A_2774 = arith.constant 0 : i32
      %get3A_2775 = tpu.memref_slice %arg9[%and3A_15, %get3A_2773, %get3A_2774] : memref<8x80x128xbf16, #tpu.memory_space<vmem>> -> memref<1x80x128xbf16, #tpu.memory_space<vmem>>
      %get3A_2776 = tpu.memref_squeeze %get3A_2775 : memref<1x80x128xbf16, #tpu.memory_space<vmem>> -> memref<80x128xbf16, #tpu.memory_space<vmem>>
      %get3A_2777 = arith.index_cast %get3A_2772 : i32 to index
      %get3A_2778 = arith.constant 96 : index
      %get3A_2779 = tpu.vector_load %get3A_2776[%get3A_2777, %get3A_2778] {strides = array<i32>} : memref<80x128xbf16, #tpu.memory_space<vmem>>, vector<32xbf16>,
      %mul3A_2780 = arith.mulf %get3A_2779, %get3A_2779 : vector<32xbf16>
      %add3A_2781 = arith.addf %add3A_2771, %mul3A_2780 : vector<32xbf16>
      %unpack3A_2782 = tpu.unpack_subelements %add3A_2781, 0 {pack_format = #tpu.pack_format<interleaved>} : vector<32xbf16> -> vector<16xf32>
      %unpack3A_2783 = tpu.unpack_subelements %add3A_2781, 1 {pack_format = #tpu.pack_format<interleaved>} : vector<32xbf16> -> vector<16xf32>
      %add3A_2784 = arith.addf %unpack3A_2782, %unpack3A_2783 : vector<16xf32>
      %swap3A_2785 = arith.constant 7 : i32
      %swap3A_2786 = arith.index_cast %swap3A_2785 : i32 to index
      %swap3A_2787 = arith.constant 0 : index
      %swap3A_2788 = tpu.vector_load %arg11[%swap3A_2786, %swap3A_2787] {strides = array<i32>} : memref<16x16xf32, #tpu.memory_space<vmem>>, vector<16xf32>,
      tpu.vector_store %arg11[%swap3A_2786, %swap3A_2787], %add3A_2784 {strides = array<i32>} : memref<16x16xf32, #tpu.memory_space<vmem>>, vector<16xf32>,
      %get3A_2789 = arith.constant 56 : i32
      %get3A_2790 = arith.constant 0 : i32
      %get3A_2791 = arith.constant 0 : i32
      %get3A_2792 = tpu.memref_slice %arg9[%and3A_15, %get3A_2790, %get3A_2791] : memref<8x80x128xbf16, #tpu.memory_space<vmem>> -> memref<1x80x128xbf16, #tpu.memory_space<vmem>>
      %get3A_2793 = tpu.memref_squeeze %get3A_2792 : memref<1x80x128xbf16, #tpu.memory_space<vmem>> -> memref<80x128xbf16, #tpu.memory_space<vmem>>
      %get3A_2794 = arith.index_cast %get3A_2789 : i32 to index
      %get3A_2795 = arith.constant 0 : index
      %get3A_2796 = tpu.vector_load %get3A_2793[%get3A_2794, %get3A_2795] {strides = array<i32>} : memref<80x128xbf16, #tpu.memory_space<vmem>>, vector<32xbf16>,
      %mul3A_2797 = arith.mulf %get3A_2796, %get3A_2796 : vector<32xbf16>
      %get3A_2798 = arith.constant 56 : i32
      %get3A_2799 = arith.constant 0 : i32
      %get3A_2800 = arith.constant 0 : i32
      %get3A_2801 = tpu.memref_slice %arg9[%and3A_15, %get3A_2799, %get3A_2800] : memref<8x80x128xbf16, #tpu.memory_space<vmem>> -> memref<1x80x128xbf16, #tpu.memory_space<vmem>>
      %get3A_2802 = tpu.memref_squeeze %get3A_2801 : memref<1x80x128xbf16, #tpu.memory_space<vmem>> -> memref<80x128xbf16, #tpu.memory_space<vmem>>
      %get3A_2803 = arith.index_cast %get3A_2798 : i32 to index
      %get3A_2804 = arith.constant 32 : index
      %get3A_2805 = tpu.vector_load %get3A_2802[%get3A_2803, %get3A_2804] {strides = array<i32>} : memref<80x128xbf16, #tpu.memory_space<vmem>>, vector<32xbf16>,
      %mul3A_2806 = arith.mulf %get3A_2805, %get3A_2805 : vector<32xbf16>
      %add3A_2807 = arith.addf %mul3A_2797, %mul3A_2806 : vector<32xbf16>
      %get3A_2808 = arith.constant 56 : i32
      %get3A_2809 = arith.constant 0 : i32
      %get3A_2810 = arith.constant 0 : i32
      %get3A_2811 = tpu.memref_slice %arg9[%and3A_15, %get3A_2809, %get3A_2810] : memref<8x80x128xbf16, #tpu.memory_space<vmem>> -> memref<1x80x128xbf16, #tpu.memory_space<vmem>>
      %get3A_2812 = tpu.memref_squeeze %get3A_2811 : memref<1x80x128xbf16, #tpu.memory_space<vmem>> -> memref<80x128xbf16, #tpu.memory_space<vmem>>
      %get3A_2813 = arith.index_cast %get3A_2808 : i32 to index
      %get3A_2814 = arith.constant 64 : index
      %get3A_2815 = tpu.vector_load %get3A_2812[%get3A_2813, %get3A_2814] {strides = array<i32>} : memref<80x128xbf16, #tpu.memory_space<vmem>>, vector<32xbf16>,
      %mul3A_2816 = arith.mulf %get3A_2815, %get3A_2815 : vector<32xbf16>
      %add3A_2817 = arith.addf %add3A_2807, %mul3A_2816 : vector<32xbf16>
      %get3A_2818 = arith.constant 56 : i32
      %get3A_2819 = arith.constant 0 : i32
      %get3A_2820 = arith.constant 0 : i32
      %get3A_2821 = tpu.memref_slice %arg9[%and3A_15, %get3A_2819, %get3A_2820] : memref<8x80x128xbf16, #tpu.memory_space<vmem>> -> memref<1x80x128xbf16, #tpu.memory_space<vmem>>
      %get3A_2822 = tpu.memref_squeeze %get3A_2821 : memref<1x80x128xbf16, #tpu.memory_space<vmem>> -> memref<80x128xbf16, #tpu.memory_space<vmem>>
      %get3A_2823 = arith.index_cast %get3A_2818 : i32 to index
      %get3A_2824 = arith.constant 96 : index
      %get3A_2825 = tpu.vector_load %get3A_2822[%get3A_2823, %get3A_2824] {strides = array<i32>} : memref<80x128xbf16, #tpu.memory_space<vmem>>, vector<32xbf16>,
      %mul3A_2826 = arith.mulf %get3A_2825, %get3A_2825 : vector<32xbf16>
      %add3A_2827 = arith.addf %add3A_2817, %mul3A_2826 : vector<32xbf16>
      %unpack3A_2828 = tpu.unpack_subelements %add3A_2827, 0 {pack_format = #tpu.pack_format<interleaved>} : vector<32xbf16> -> vector<16xf32>
      %unpack3A_2829 = tpu.unpack_subelements %add3A_2827, 1 {pack_format = #tpu.pack_format<interleaved>} : vector<32xbf16> -> vector<16xf32>
      %add3A_2830 = arith.addf %unpack3A_2828, %unpack3A_2829 : vector<16xf32>
      %swap3A_2831 = arith.constant 8 : i32
      %swap3A_2832 = arith.index_cast %swap3A_2831 : i32 to index
      %swap3A_2833 = arith.constant 0 : index
      %swap3A_2834 = tpu.vector_load %arg11[%swap3A_2832, %swap3A_2833] {strides = array<i32>} : memref<16x16xf32, #tpu.memory_space<vmem>>, vector<16xf32>,
      tpu.vector_store %arg11[%swap3A_2832, %swap3A_2833], %add3A_2830 {strides = array<i32>} : memref<16x16xf32, #tpu.memory_space<vmem>>, vector<16xf32>,
      %get3A_2835 = arith.constant 57 : i32
      %get3A_2836 = arith.constant 0 : i32
      %get3A_2837 = arith.constant 0 : i32
      %get3A_2838 = tpu.memref_slice %arg9[%and3A_15, %get3A_2836, %get3A_2837] : memref<8x80x128xbf16, #tpu.memory_space<vmem>> -> memref<1x80x128xbf16, #tpu.memory_space<vmem>>
      %get3A_2839 = tpu.memref_squeeze %get3A_2838 : memref<1x80x128xbf16, #tpu.memory_space<vmem>> -> memref<80x128xbf16, #tpu.memory_space<vmem>>
      %get3A_2840 = arith.index_cast %get3A_2835 : i32 to index
      %get3A_2841 = arith.constant 0 : index
      %get3A_2842 = tpu.vector_load %get3A_2839[%get3A_2840, %get3A_2841] {strides = array<i32>} : memref<80x128xbf16, #tpu.memory_space<vmem>>, vector<32xbf16>,
      %mul3A_2843 = arith.mulf %get3A_2842, %get3A_2842 : vector<32xbf16>
      %get3A_2844 = arith.constant 57 : i32
      %get3A_2845 = arith.constant 0 : i32
      %get3A_2846 = arith.constant 0 : i32
      %get3A_2847 = tpu.memref_slice %arg9[%and3A_15, %get3A_2845, %get3A_2846] : memref<8x80x128xbf16, #tpu.memory_space<vmem>> -> memref<1x80x128xbf16, #tpu.memory_space<vmem>>
      %get3A_2848 = tpu.memref_squeeze %get3A_2847 : memref<1x80x128xbf16, #tpu.memory_space<vmem>> -> memref<80x128xbf16, #tpu.memory_space<vmem>>
      %get3A_2849 = arith.index_cast %get3A_2844 : i32 to index
      %get3A_2850 = arith.constant 32 : index
      %get3A_2851 = tpu.vector_load %get3A_2848[%get3A_2849, %get3A_2850] {strides = array<i32>} : memref<80x128xbf16, #tpu.memory_space<vmem>>, vector<32xbf16>,
      %mul3A_2852 = arith.mulf %get3A_2851, %get3A_2851 : vector<32xbf16>
      %add3A_2853 = arith.addf %mul3A_2843, %mul3A_2852 : vector<32xbf16>
      %get3A_2854 = arith.constant 57 : i32
      %get3A_2855 = arith.constant 0 : i32
      %get3A_2856 = arith.constant 0 : i32
      %get3A_2857 = tpu.memref_slice %arg9[%and3A_15, %get3A_2855, %get3A_2856] : memref<8x80x128xbf16, #tpu.memory_space<vmem>> -> memref<1x80x128xbf16, #tpu.memory_space<vmem>>
      %get3A_2858 = tpu.memref_squeeze %get3A_2857 : memref<1x80x128xbf16, #tpu.memory_space<vmem>> -> memref<80x128xbf16, #tpu.memory_space<vmem>>
      %get3A_2859 = arith.index_cast %get3A_2854 : i32 to index
      %get3A_2860 = arith.constant 64 : index
      %get3A_2861 = tpu.vector_load %get3A_2858[%get3A_2859, %get3A_2860] {strides = array<i32>} : memref<80x128xbf16, #tpu.memory_space<vmem>>, vector<32xbf16>,
      %mul3A_2862 = arith.mulf %get3A_2861, %get3A_2861 : vector<32xbf16>
      %add3A_2863 = arith.addf %add3A_2853, %mul3A_2862 : vector<32xbf16>
      %get3A_2864 = arith.constant 57 : i32
      %get3A_2865 = arith.constant 0 : i32
      %get3A_2866 = arith.constant 0 : i32
      %get3A_2867 = tpu.memref_slice %arg9[%and3A_15, %get3A_2865, %get3A_2866] : memref<8x80x128xbf16, #tpu.memory_space<vmem>> -> memref<1x80x128xbf16, #tpu.memory_space<vmem>>
      %get3A_2868 = tpu.memref_squeeze %get3A_2867 : memref<1x80x128xbf16, #tpu.memory_space<vmem>> -> memref<80x128xbf16, #tpu.memory_space<vmem>>
      %get3A_2869 = arith.index_cast %get3A_2864 : i32 to index
      %get3A_2870 = arith.constant 96 : index
      %get3A_2871 = tpu.vector_load %get3A_2868[%get3A_2869, %get3A_2870] {strides = array<i32>} : memref<80x128xbf16, #tpu.memory_space<vmem>>, vector<32xbf16>,
      %mul3A_2872 = arith.mulf %get3A_2871, %get3A_2871 : vector<32xbf16>
      %add3A_2873 = arith.addf %add3A_2863, %mul3A_2872 : vector<32xbf16>
      %unpack3A_2874 = tpu.unpack_subelements %add3A_2873, 0 {pack_format = #tpu.pack_format<interleaved>} : vector<32xbf16> -> vector<16xf32>
      %unpack3A_2875 = tpu.unpack_subelements %add3A_2873, 1 {pack_format = #tpu.pack_format<interleaved>} : vector<32xbf16> -> vector<16xf32>
      %add3A_2876 = arith.addf %unpack3A_2874, %unpack3A_2875 : vector<16xf32>
      %swap3A_2877 = arith.constant 9 : i32
      %swap3A_2878 = arith.index_cast %swap3A_2877 : i32 to index
      %swap3A_2879 = arith.constant 0 : index
      %swap3A_2880 = tpu.vector_load %arg11[%swap3A_2878, %swap3A_2879] {strides = array<i32>} : memref<16x16xf32, #tpu.memory_space<vmem>>, vector<16xf32>,
      tpu.vector_store %arg11[%swap3A_2878, %swap3A_2879], %add3A_2876 {strides = array<i32>} : memref<16x16xf32, #tpu.memory_space<vmem>>, vector<16xf32>,
      %get3A_2881 = arith.constant 58 : i32
      %get3A_2882 = arith.constant 0 : i32
      %get3A_2883 = arith.constant 0 : i32
      %get3A_2884 = tpu.memref_slice %arg9[%and3A_15, %get3A_2882, %get3A_2883] : memref<8x80x128xbf16, #tpu.memory_space<vmem>> -> memref<1x80x128xbf16, #tpu.memory_space<vmem>>
      %get3A_2885 = tpu.memref_squeeze %get3A_2884 : memref<1x80x128xbf16, #tpu.memory_space<vmem>> -> memref<80x128xbf16, #tpu.memory_space<vmem>>
      %get3A_2886 = arith.index_cast %get3A_2881 : i32 to index
      %get3A_2887 = arith.constant 0 : index
      %get3A_2888 = tpu.vector_load %get3A_2885[%get3A_2886, %get3A_2887] {strides = array<i32>} : memref<80x128xbf16, #tpu.memory_space<vmem>>, vector<32xbf16>,
      %mul3A_2889 = arith.mulf %get3A_2888, %get3A_2888 : vector<32xbf16>
      %get3A_2890 = arith.constant 58 : i32
      %get3A_2891 = arith.constant 0 : i32
      %get3A_2892 = arith.constant 0 : i32
      %get3A_2893 = tpu.memref_slice %arg9[%and3A_15, %get3A_2891, %get3A_2892] : memref<8x80x128xbf16, #tpu.memory_space<vmem>> -> memref<1x80x128xbf16, #tpu.memory_space<vmem>>
      %get3A_2894 = tpu.memref_squeeze %get3A_2893 : memref<1x80x128xbf16, #tpu.memory_space<vmem>> -> memref<80x128xbf16, #tpu.memory_space<vmem>>
      %get3A_2895 = arith.index_cast %get3A_2890 : i32 to index
      %get3A_2896 = arith.constant 32 : index
      %get3A_2897 = tpu.vector_load %get3A_2894[%get3A_2895, %get3A_2896] {strides = array<i32>} : memref<80x128xbf16, #tpu.memory_space<vmem>>, vector<32xbf16>,
      %mul3A_2898 = arith.mulf %get3A_2897, %get3A_2897 : vector<32xbf16>
      %add3A_2899 = arith.addf %mul3A_2889, %mul3A_2898 : vector<32xbf16>
      %get3A_2900 = arith.constant 58 : i32
      %get3A_2901 = arith.constant 0 : i32
      %get3A_2902 = arith.constant 0 : i32
      %get3A_2903 = tpu.memref_slice %arg9[%and3A_15, %get3A_2901, %get3A_2902] : memref<8x80x128xbf16, #tpu.memory_space<vmem>> -> memref<1x80x128xbf16, #tpu.memory_space<vmem>>
      %get3A_2904 = tpu.memref_squeeze %get3A_2903 : memref<1x80x128xbf16, #tpu.memory_space<vmem>> -> memref<80x128xbf16, #tpu.memory_space<vmem>>
      %get3A_2905 = arith.index_cast %get3A_2900 : i32 to index
      %get3A_2906 = arith.constant 64 : index
      %get3A_2907 = tpu.vector_load %get3A_2904[%get3A_2905, %get3A_2906] {strides = array<i32>} : memref<80x128xbf16, #tpu.memory_space<vmem>>, vector<32xbf16>,
      %mul3A_2908 = arith.mulf %get3A_2907, %get3A_2907 : vector<32xbf16>
      %add3A_2909 = arith.addf %add3A_2899, %mul3A_2908 : vector<32xbf16>
      %get3A_2910 = arith.constant 58 : i32
      %get3A_2911 = arith.constant 0 : i32
      %get3A_2912 = arith.constant 0 : i32
      %get3A_2913 = tpu.memref_slice %arg9[%and3A_15, %get3A_2911, %get3A_2912] : memref<8x80x128xbf16, #tpu.memory_space<vmem>> -> memref<1x80x128xbf16, #tpu.memory_space<vmem>>
      %get3A_2914 = tpu.memref_squeeze %get3A_2913 : memref<1x80x128xbf16, #tpu.memory_space<vmem>> -> memref<80x128xbf16, #tpu.memory_space<vmem>>
      %get3A_2915 = arith.index_cast %get3A_2910 : i32 to index
      %get3A_2916 = arith.constant 96 : index
      %get3A_2917 = tpu.vector_load %get3A_2914[%get3A_2915, %get3A_2916] {strides = array<i32>} : memref<80x128xbf16, #tpu.memory_space<vmem>>, vector<32xbf16>,
      %mul3A_2918 = arith.mulf %get3A_2917, %get3A_2917 : vector<32xbf16>
      %add3A_2919 = arith.addf %add3A_2909, %mul3A_2918 : vector<32xbf16>
      %unpack3A_2920 = tpu.unpack_subelements %add3A_2919, 0 {pack_format = #tpu.pack_format<interleaved>} : vector<32xbf16> -> vector<16xf32>
      %unpack3A_2921 = tpu.unpack_subelements %add3A_2919, 1 {pack_format = #tpu.pack_format<interleaved>} : vector<32xbf16> -> vector<16xf32>
      %add3A_2922 = arith.addf %unpack3A_2920, %unpack3A_2921 : vector<16xf32>
      %swap3A_2923 = arith.constant 10 : i32
      %swap3A_2924 = arith.index_cast %swap3A_2923 : i32 to index
      %swap3A_2925 = arith.constant 0 : index
      %swap3A_2926 = tpu.vector_load %arg11[%swap3A_2924, %swap3A_2925] {strides = array<i32>} : memref<16x16xf32, #tpu.memory_space<vmem>>, vector<16xf32>,
      tpu.vector_store %arg11[%swap3A_2924, %swap3A_2925], %add3A_2922 {strides = array<i32>} : memref<16x16xf32, #tpu.memory_space<vmem>>, vector<16xf32>,
      %get3A_2927 = arith.constant 59 : i32
      %get3A_2928 = arith.constant 0 : i32
      %get3A_2929 = arith.constant 0 : i32
      %get3A_2930 = tpu.memref_slice %arg9[%and3A_15, %get3A_2928, %get3A_2929] : memref<8x80x128xbf16, #tpu.memory_space<vmem>> -> memref<1x80x128xbf16, #tpu.memory_space<vmem>>
      %get3A_2931 = tpu.memref_squeeze %get3A_2930 : memref<1x80x128xbf16, #tpu.memory_space<vmem>> -> memref<80x128xbf16, #tpu.memory_space<vmem>>
      %get3A_2932 = arith.index_cast %get3A_2927 : i32 to index
      %get3A_2933 = arith.constant 0 : index
      %get3A_2934 = tpu.vector_load %get3A_2931[%get3A_2932, %get3A_2933] {strides = array<i32>} : memref<80x128xbf16, #tpu.memory_space<vmem>>, vector<32xbf16>,
      %mul3A_2935 = arith.mulf %get3A_2934, %get3A_2934 : vector<32xbf16>
      %get3A_2936 = arith.constant 59 : i32
      %get3A_2937 = arith.constant 0 : i32
      %get3A_2938 = arith.constant 0 : i32
      %get3A_2939 = tpu.memref_slice %arg9[%and3A_15, %get3A_2937, %get3A_2938] : memref<8x80x128xbf16, #tpu.memory_space<vmem>> -> memref<1x80x128xbf16, #tpu.memory_space<vmem>>
      %get3A_2940 = tpu.memref_squeeze %get3A_2939 : memref<1x80x128xbf16, #tpu.memory_space<vmem>> -> memref<80x128xbf16, #tpu.memory_space<vmem>>
      %get3A_2941 = arith.index_cast %get3A_2936 : i32 to index
      %get3A_2942 = arith.constant 32 : index
      %get3A_2943 = tpu.vector_load %get3A_2940[%get3A_2941, %get3A_2942] {strides = array<i32>} : memref<80x128xbf16, #tpu.memory_space<vmem>>, vector<32xbf16>,
      %mul3A_2944 = arith.mulf %get3A_2943, %get3A_2943 : vector<32xbf16>
      %add3A_2945 = arith.addf %mul3A_2935, %mul3A_2944 : vector<32xbf16>
      %get3A_2946 = arith.constant 59 : i32
      %get3A_2947 = arith.constant 0 : i32
      %get3A_2948 = arith.constant 0 : i32
      %get3A_2949 = tpu.memref_slice %arg9[%and3A_15, %get3A_2947, %get3A_2948] : memref<8x80x128xbf16, #tpu.memory_space<vmem>> -> memref<1x80x128xbf16, #tpu.memory_space<vmem>>
      %get3A_2950 = tpu.memref_squeeze %get3A_2949 : memref<1x80x128xbf16, #tpu.memory_space<vmem>> -> memref<80x128xbf16, #tpu.memory_space<vmem>>
      %get3A_2951 = arith.index_cast %get3A_2946 : i32 to index
      %get3A_2952 = arith.constant 64 : index
      %get3A_2953 = tpu.vector_load %get3A_2950[%get3A_2951, %get3A_2952] {strides = array<i32>} : memref<80x128xbf16, #tpu.memory_space<vmem>>, vector<32xbf16>,
      %mul3A_2954 = arith.mulf %get3A_2953, %get3A_2953 : vector<32xbf16>
      %add3A_2955 = arith.addf %add3A_2945, %mul3A_2954 : vector<32xbf16>
      %get3A_2956 = arith.constant 59 : i32
      %get3A_2957 = arith.constant 0 : i32
      %get3A_2958 = arith.constant 0 : i32
      %get3A_2959 = tpu.memref_slice %arg9[%and3A_15, %get3A_2957, %get3A_2958] : memref<8x80x128xbf16, #tpu.memory_space<vmem>> -> memref<1x80x128xbf16, #tpu.memory_space<vmem>>
      %get3A_2960 = tpu.memref_squeeze %get3A_2959 : memref<1x80x128xbf16, #tpu.memory_space<vmem>> -> memref<80x128xbf16, #tpu.memory_space<vmem>>
      %get3A_2961 = arith.index_cast %get3A_2956 : i32 to index
      %get3A_2962 = arith.constant 96 : index
      %get3A_2963 = tpu.vector_load %get3A_2960[%get3A_2961, %get3A_2962] {strides = array<i32>} : memref<80x128xbf16, #tpu.memory_space<vmem>>, vector<32xbf16>,
      %mul3A_2964 = arith.mulf %get3A_2963, %get3A_2963 : vector<32xbf16>
      %add3A_2965 = arith.addf %add3A_2955, %mul3A_2964 : vector<32xbf16>
      %unpack3A_2966 = tpu.unpack_subelements %add3A_2965, 0 {pack_format = #tpu.pack_format<interleaved>} : vector<32xbf16> -> vector<16xf32>
      %unpack3A_2967 = tpu.unpack_subelements %add3A_2965, 1 {pack_format = #tpu.pack_format<interleaved>} : vector<32xbf16> -> vector<16xf32>
      %add3A_2968 = arith.addf %unpack3A_2966, %unpack3A_2967 : vector<16xf32>
      %swap3A_2969 = arith.constant 11 : i32
      %swap3A_2970 = arith.index_cast %swap3A_2969 : i32 to index
      %swap3A_2971 = arith.constant 0 : index
      %swap3A_2972 = tpu.vector_load %arg11[%swap3A_2970, %swap3A_2971] {strides = array<i32>} : memref<16x16xf32, #tpu.memory_space<vmem>>, vector<16xf32>,
      tpu.vector_store %arg11[%swap3A_2970, %swap3A_2971], %add3A_2968 {strides = array<i32>} : memref<16x16xf32, #tpu.memory_space<vmem>>, vector<16xf32>,
      %get3A_2973 = arith.constant 60 : i32
      %get3A_2974 = arith.constant 0 : i32
      %get3A_2975 = arith.constant 0 : i32
      %get3A_2976 = tpu.memref_slice %arg9[%and3A_15, %get3A_2974, %get3A_2975] : memref<8x80x128xbf16, #tpu.memory_space<vmem>> -> memref<1x80x128xbf16, #tpu.memory_space<vmem>>
      %get3A_2977 = tpu.memref_squeeze %get3A_2976 : memref<1x80x128xbf16, #tpu.memory_space<vmem>> -> memref<80x128xbf16, #tpu.memory_space<vmem>>
      %get3A_2978 = arith.index_cast %get3A_2973 : i32 to index
      %get3A_2979 = arith.constant 0 : index
      %get3A_2980 = tpu.vector_load %get3A_2977[%get3A_2978, %get3A_2979] {strides = array<i32>} : memref<80x128xbf16, #tpu.memory_space<vmem>>, vector<32xbf16>,
      %mul3A_2981 = arith.mulf %get3A_2980, %get3A_2980 : vector<32xbf16>
      %get3A_2982 = arith.constant 60 : i32
      %get3A_2983 = arith.constant 0 : i32
      %get3A_2984 = arith.constant 0 : i32
      %get3A_2985 = tpu.memref_slice %arg9[%and3A_15, %get3A_2983, %get3A_2984] : memref<8x80x128xbf16, #tpu.memory_space<vmem>> -> memref<1x80x128xbf16, #tpu.memory_space<vmem>>
      %get3A_2986 = tpu.memref_squeeze %get3A_2985 : memref<1x80x128xbf16, #tpu.memory_space<vmem>> -> memref<80x128xbf16, #tpu.memory_space<vmem>>
      %get3A_2987 = arith.index_cast %get3A_2982 : i32 to index
      %get3A_2988 = arith.constant 32 : index
      %get3A_2989 = tpu.vector_load %get3A_2986[%get3A_2987, %get3A_2988] {strides = array<i32>} : memref<80x128xbf16, #tpu.memory_space<vmem>>, vector<32xbf16>,
      %mul3A_2990 = arith.mulf %get3A_2989, %get3A_2989 : vector<32xbf16>
      %add3A_2991 = arith.addf %mul3A_2981, %mul3A_2990 : vector<32xbf16>
      %get3A_2992 = arith.constant 60 : i32
      %get3A_2993 = arith.constant 0 : i32
      %get3A_2994 = arith.constant 0 : i32
      %get3A_2995 = tpu.memref_slice %arg9[%and3A_15, %get3A_2993, %get3A_2994] : memref<8x80x128xbf16, #tpu.memory_space<vmem>> -> memref<1x80x128xbf16, #tpu.memory_space<vmem>>
      %get3A_2996 = tpu.memref_squeeze %get3A_2995 : memref<1x80x128xbf16, #tpu.memory_space<vmem>> -> memref<80x128xbf16, #tpu.memory_space<vmem>>
      %get3A_2997 = arith.index_cast %get3A_2992 : i32 to index
      %get3A_2998 = arith.constant 64 : index
      %get3A_2999 = tpu.vector_load %get3A_2996[%get3A_2997, %get3A_2998] {strides = array<i32>} : memref<80x128xbf16, #tpu.memory_space<vmem>>, vector<32xbf16>,
      %mul3A_3000 = arith.mulf %get3A_2999, %get3A_2999 : vector<32xbf16>
      %add3A_3001 = arith.addf %add3A_2991, %mul3A_3000 : vector<32xbf16>
      %get3A_3002 = arith.constant 60 : i32
      %get3A_3003 = arith.constant 0 : i32
      %get3A_3004 = arith.constant 0 : i32
      %get3A_3005 = tpu.memref_slice %arg9[%and3A_15, %get3A_3003, %get3A_3004] : memref<8x80x128xbf16, #tpu.memory_space<vmem>> -> memref<1x80x128xbf16, #tpu.memory_space<vmem>>
      %get3A_3006 = tpu.memref_squeeze %get3A_3005 : memref<1x80x128xbf16, #tpu.memory_space<vmem>> -> memref<80x128xbf16, #tpu.memory_space<vmem>>
      %get3A_3007 = arith.index_cast %get3A_3002 : i32 to index
      %get3A_3008 = arith.constant 96 : index
      %get3A_3009 = tpu.vector_load %get3A_3006[%get3A_3007, %get3A_3008] {strides = array<i32>} : memref<80x128xbf16, #tpu.memory_space<vmem>>, vector<32xbf16>,
      %mul3A_3010 = arith.mulf %get3A_3009, %get3A_3009 : vector<32xbf16>
      %add3A_3011 = arith.addf %add3A_3001, %mul3A_3010 : vector<32xbf16>
      %unpack3A_3012 = tpu.unpack_subelements %add3A_3011, 0 {pack_format = #tpu.pack_format<interleaved>} : vector<32xbf16> -> vector<16xf32>
      %unpack3A_3013 = tpu.unpack_subelements %add3A_3011, 1 {pack_format = #tpu.pack_format<interleaved>} : vector<32xbf16> -> vector<16xf32>
      %add3A_3014 = arith.addf %unpack3A_3012, %unpack3A_3013 : vector<16xf32>
      %swap3A_3015 = arith.constant 12 : i32
      %swap3A_3016 = arith.index_cast %swap3A_3015 : i32 to index
      %swap3A_3017 = arith.constant 0 : index
      %swap3A_3018 = tpu.vector_load %arg11[%swap3A_3016, %swap3A_3017] {strides = array<i32>} : memref<16x16xf32, #tpu.memory_space<vmem>>, vector<16xf32>,
      tpu.vector_store %arg11[%swap3A_3016, %swap3A_3017], %add3A_3014 {strides = array<i32>} : memref<16x16xf32, #tpu.memory_space<vmem>>, vector<16xf32>,
      %get3A_3019 = arith.constant 61 : i32
      %get3A_3020 = arith.constant 0 : i32
      %get3A_3021 = arith.constant 0 : i32
      %get3A_3022 = tpu.memref_slice %arg9[%and3A_15, %get3A_3020, %get3A_3021] : memref<8x80x128xbf16, #tpu.memory_space<vmem>> -> memref<1x80x128xbf16, #tpu.memory_space<vmem>>
      %get3A_3023 = tpu.memref_squeeze %get3A_3022 : memref<1x80x128xbf16, #tpu.memory_space<vmem>> -> memref<80x128xbf16, #tpu.memory_space<vmem>>
      %get3A_3024 = arith.index_cast %get3A_3019 : i32 to index
      %get3A_3025 = arith.constant 0 : index
      %get3A_3026 = tpu.vector_load %get3A_3023[%get3A_3024, %get3A_3025] {strides = array<i32>} : memref<80x128xbf16, #tpu.memory_space<vmem>>, vector<32xbf16>,
      %mul3A_3027 = arith.mulf %get3A_3026, %get3A_3026 : vector<32xbf16>
      %get3A_3028 = arith.constant 61 : i32
      %get3A_3029 = arith.constant 0 : i32
      %get3A_3030 = arith.constant 0 : i32
      %get3A_3031 = tpu.memref_slice %arg9[%and3A_15, %get3A_3029, %get3A_3030] : memref<8x80x128xbf16, #tpu.memory_space<vmem>> -> memref<1x80x128xbf16, #tpu.memory_space<vmem>>
      %get3A_3032 = tpu.memref_squeeze %get3A_3031 : memref<1x80x128xbf16, #tpu.memory_space<vmem>> -> memref<80x128xbf16, #tpu.memory_space<vmem>>
      %get3A_3033 = arith.index_cast %get3A_3028 : i32 to index
      %get3A_3034 = arith.constant 32 : index
      %get3A_3035 = tpu.vector_load %get3A_3032[%get3A_3033, %get3A_3034] {strides = array<i32>} : memref<80x128xbf16, #tpu.memory_space<vmem>>, vector<32xbf16>,
      %mul3A_3036 = arith.mulf %get3A_3035, %get3A_3035 : vector<32xbf16>
      %add3A_3037 = arith.addf %mul3A_3027, %mul3A_3036 : vector<32xbf16>
      %get3A_3038 = arith.constant 61 : i32
      %get3A_3039 = arith.constant 0 : i32
      %get3A_3040 = arith.constant 0 : i32
      %get3A_3041 = tpu.memref_slice %arg9[%and3A_15, %get3A_3039, %get3A_3040] : memref<8x80x128xbf16, #tpu.memory_space<vmem>> -> memref<1x80x128xbf16, #tpu.memory_space<vmem>>
      %get3A_3042 = tpu.memref_squeeze %get3A_3041 : memref<1x80x128xbf16, #tpu.memory_space<vmem>> -> memref<80x128xbf16, #tpu.memory_space<vmem>>
      %get3A_3043 = arith.index_cast %get3A_3038 : i32 to index
      %get3A_3044 = arith.constant 64 : index
      %get3A_3045 = tpu.vector_load %get3A_3042[%get3A_3043, %get3A_3044] {strides = array<i32>} : memref<80x128xbf16, #tpu.memory_space<vmem>>, vector<32xbf16>,
      %mul3A_3046 = arith.mulf %get3A_3045, %get3A_3045 : vector<32xbf16>
      %add3A_3047 = arith.addf %add3A_3037, %mul3A_3046 : vector<32xbf16>
      %get3A_3048 = arith.constant 61 : i32
      %get3A_3049 = arith.constant 0 : i32
      %get3A_3050 = arith.constant 0 : i32
      %get3A_3051 = tpu.memref_slice %arg9[%and3A_15, %get3A_3049, %get3A_3050] : memref<8x80x128xbf16, #tpu.memory_space<vmem>> -> memref<1x80x128xbf16, #tpu.memory_space<vmem>>
      %get3A_3052 = tpu.memref_squeeze %get3A_3051 : memref<1x80x128xbf16, #tpu.memory_space<vmem>> -> memref<80x128xbf16, #tpu.memory_space<vmem>>
      %get3A_3053 = arith.index_cast %get3A_3048 : i32 to index
      %get3A_3054 = arith.constant 96 : index
      %get3A_3055 = tpu.vector_load %get3A_3052[%get3A_3053, %get3A_3054] {strides = array<i32>} : memref<80x128xbf16, #tpu.memory_space<vmem>>, vector<32xbf16>,
      %mul3A_3056 = arith.mulf %get3A_3055, %get3A_3055 : vector<32xbf16>
      %add3A_3057 = arith.addf %add3A_3047, %mul3A_3056 : vector<32xbf16>
      %unpack3A_3058 = tpu.unpack_subelements %add3A_3057, 0 {pack_format = #tpu.pack_format<interleaved>} : vector<32xbf16> -> vector<16xf32>
      %unpack3A_3059 = tpu.unpack_subelements %add3A_3057, 1 {pack_format = #tpu.pack_format<interleaved>} : vector<32xbf16> -> vector<16xf32>
      %add3A_3060 = arith.addf %unpack3A_3058, %unpack3A_3059 : vector<16xf32>
      %swap3A_3061 = arith.constant 13 : i32
      %swap3A_3062 = arith.index_cast %swap3A_3061 : i32 to index
      %swap3A_3063 = arith.constant 0 : index
      %swap3A_3064 = tpu.vector_load %arg11[%swap3A_3062, %swap3A_3063] {strides = array<i32>} : memref<16x16xf32, #tpu.memory_space<vmem>>, vector<16xf32>,
      tpu.vector_store %arg11[%swap3A_3062, %swap3A_3063], %add3A_3060 {strides = array<i32>} : memref<16x16xf32, #tpu.memory_space<vmem>>, vector<16xf32>,
      %get3A_3065 = arith.constant 62 : i32
      %get3A_3066 = arith.constant 0 : i32
      %get3A_3067 = arith.constant 0 : i32
      %get3A_3068 = tpu.memref_slice %arg9[%and3A_15, %get3A_3066, %get3A_3067] : memref<8x80x128xbf16, #tpu.memory_space<vmem>> -> memref<1x80x128xbf16, #tpu.memory_space<vmem>>
      %get3A_3069 = tpu.memref_squeeze %get3A_3068 : memref<1x80x128xbf16, #tpu.memory_space<vmem>> -> memref<80x128xbf16, #tpu.memory_space<vmem>>
      %get3A_3070 = arith.index_cast %get3A_3065 : i32 to index
      %get3A_3071 = arith.constant 0 : index
      %get3A_3072 = tpu.vector_load %get3A_3069[%get3A_3070, %get3A_3071] {strides = array<i32>} : memref<80x128xbf16, #tpu.memory_space<vmem>>, vector<32xbf16>,
      %mul3A_3073 = arith.mulf %get3A_3072, %get3A_3072 : vector<32xbf16>
      %get3A_3074 = arith.constant 62 : i32
      %get3A_3075 = arith.constant 0 : i32
      %get3A_3076 = arith.constant 0 : i32
      %get3A_3077 = tpu.memref_slice %arg9[%and3A_15, %get3A_3075, %get3A_3076] : memref<8x80x128xbf16, #tpu.memory_space<vmem>> -> memref<1x80x128xbf16, #tpu.memory_space<vmem>>
      %get3A_3078 = tpu.memref_squeeze %get3A_3077 : memref<1x80x128xbf16, #tpu.memory_space<vmem>> -> memref<80x128xbf16, #tpu.memory_space<vmem>>
      %get3A_3079 = arith.index_cast %get3A_3074 : i32 to index
      %get3A_3080 = arith.constant 32 : index
      %get3A_3081 = tpu.vector_load %get3A_3078[%get3A_3079, %get3A_3080] {strides = array<i32>} : memref<80x128xbf16, #tpu.memory_space<vmem>>, vector<32xbf16>,
      %mul3A_3082 = arith.mulf %get3A_3081, %get3A_3081 : vector<32xbf16>
      %add3A_3083 = arith.addf %mul3A_3073, %mul3A_3082 : vector<32xbf16>
      %get3A_3084 = arith.constant 62 : i32
      %get3A_3085 = arith.constant 0 : i32
      %get3A_3086 = arith.constant 0 : i32
      %get3A_3087 = tpu.memref_slice %arg9[%and3A_15, %get3A_3085, %get3A_3086] : memref<8x80x128xbf16, #tpu.memory_space<vmem>> -> memref<1x80x128xbf16, #tpu.memory_space<vmem>>
      %get3A_3088 = tpu.memref_squeeze %get3A_3087 : memref<1x80x128xbf16, #tpu.memory_space<vmem>> -> memref<80x128xbf16, #tpu.memory_space<vmem>>
      %get3A_3089 = arith.index_cast %get3A_3084 : i32 to index
      %get3A_3090 = arith.constant 64 : index
      %get3A_3091 = tpu.vector_load %get3A_3088[%get3A_3089, %get3A_3090] {strides = array<i32>} : memref<80x128xbf16, #tpu.memory_space<vmem>>, vector<32xbf16>,
      %mul3A_3092 = arith.mulf %get3A_3091, %get3A_3091 : vector<32xbf16>
      %add3A_3093 = arith.addf %add3A_3083, %mul3A_3092 : vector<32xbf16>
      %get3A_3094 = arith.constant 62 : i32
      %get3A_3095 = arith.constant 0 : i32
      %get3A_3096 = arith.constant 0 : i32
      %get3A_3097 = tpu.memref_slice %arg9[%and3A_15, %get3A_3095, %get3A_3096] : memref<8x80x128xbf16, #tpu.memory_space<vmem>> -> memref<1x80x128xbf16, #tpu.memory_space<vmem>>
      %get3A_3098 = tpu.memref_squeeze %get3A_3097 : memref<1x80x128xbf16, #tpu.memory_space<vmem>> -> memref<80x128xbf16, #tpu.memory_space<vmem>>
      %get3A_3099 = arith.index_cast %get3A_3094 : i32 to index
      %get3A_3100 = arith.constant 96 : index
      %get3A_3101 = tpu.vector_load %get3A_3098[%get3A_3099, %get3A_3100] {strides = array<i32>} : memref<80x128xbf16, #tpu.memory_space<vmem>>, vector<32xbf16>,
      %mul3A_3102 = arith.mulf %get3A_3101, %get3A_3101 : vector<32xbf16>
      %add3A_3103 = arith.addf %add3A_3093, %mul3A_3102 : vector<32xbf16>
      %unpack3A_3104 = tpu.unpack_subelements %add3A_3103, 0 {pack_format = #tpu.pack_format<interleaved>} : vector<32xbf16> -> vector<16xf32>
      %unpack3A_3105 = tpu.unpack_subelements %add3A_3103, 1 {pack_format = #tpu.pack_format<interleaved>} : vector<32xbf16> -> vector<16xf32>
      %add3A_3106 = arith.addf %unpack3A_3104, %unpack3A_3105 : vector<16xf32>
      %swap3A_3107 = arith.constant 14 : i32
      %swap3A_3108 = arith.index_cast %swap3A_3107 : i32 to index
      %swap3A_3109 = arith.constant 0 : index
      %swap3A_3110 = tpu.vector_load %arg11[%swap3A_3108, %swap3A_3109] {strides = array<i32>} : memref<16x16xf32, #tpu.memory_space<vmem>>, vector<16xf32>,
      tpu.vector_store %arg11[%swap3A_3108, %swap3A_3109], %add3A_3106 {strides = array<i32>} : memref<16x16xf32, #tpu.memory_space<vmem>>, vector<16xf32>,
      %get3A_3111 = arith.constant 63 : i32
      %get3A_3112 = arith.constant 0 : i32
      %get3A_3113 = arith.constant 0 : i32
      %get3A_3114 = tpu.memref_slice %arg9[%and3A_15, %get3A_3112, %get3A_3113] : memref<8x80x128xbf16, #tpu.memory_space<vmem>> -> memref<1x80x128xbf16, #tpu.memory_space<vmem>>
      %get3A_3115 = tpu.memref_squeeze %get3A_3114 : memref<1x80x128xbf16, #tpu.memory_space<vmem>> -> memref<80x128xbf16, #tpu.memory_space<vmem>>
      %get3A_3116 = arith.index_cast %get3A_3111 : i32 to index
      %get3A_3117 = arith.constant 0 : index
      %get3A_3118 = tpu.vector_load %get3A_3115[%get3A_3116, %get3A_3117] {strides = array<i32>} : memref<80x128xbf16, #tpu.memory_space<vmem>>, vector<32xbf16>,
      %mul3A_3119 = arith.mulf %get3A_3118, %get3A_3118 : vector<32xbf16>
      %get3A_3120 = arith.constant 63 : i32
      %get3A_3121 = arith.constant 0 : i32
      %get3A_3122 = arith.constant 0 : i32
      %get3A_3123 = tpu.memref_slice %arg9[%and3A_15, %get3A_3121, %get3A_3122] : memref<8x80x128xbf16, #tpu.memory_space<vmem>> -> memref<1x80x128xbf16, #tpu.memory_space<vmem>>
      %get3A_3124 = tpu.memref_squeeze %get3A_3123 : memref<1x80x128xbf16, #tpu.memory_space<vmem>> -> memref<80x128xbf16, #tpu.memory_space<vmem>>
      %get3A_3125 = arith.index_cast %get3A_3120 : i32 to index
      %get3A_3126 = arith.constant 32 : index
      %get3A_3127 = tpu.vector_load %get3A_3124[%get3A_3125, %get3A_3126] {strides = array<i32>} : memref<80x128xbf16, #tpu.memory_space<vmem>>, vector<32xbf16>,
      %mul3A_3128 = arith.mulf %get3A_3127, %get3A_3127 : vector<32xbf16>
      %add3A_3129 = arith.addf %mul3A_3119, %mul3A_3128 : vector<32xbf16>
      %get3A_3130 = arith.constant 63 : i32
      %get3A_3131 = arith.constant 0 : i32
      %get3A_3132 = arith.constant 0 : i32
      %get3A_3133 = tpu.memref_slice %arg9[%and3A_15, %get3A_3131, %get3A_3132] : memref<8x80x128xbf16, #tpu.memory_space<vmem>> -> memref<1x80x128xbf16, #tpu.memory_space<vmem>>
      %get3A_3134 = tpu.memref_squeeze %get3A_3133 : memref<1x80x128xbf16, #tpu.memory_space<vmem>> -> memref<80x128xbf16, #tpu.memory_space<vmem>>
      %get3A_3135 = arith.index_cast %get3A_3130 : i32 to index
      %get3A_3136 = arith.constant 64 : index
      %get3A_3137 = tpu.vector_load %get3A_3134[%get3A_3135, %get3A_3136] {strides = array<i32>} : memref<80x128xbf16, #tpu.memory_space<vmem>>, vector<32xbf16>,
      %mul3A_3138 = arith.mulf %get3A_3137, %get3A_3137 : vector<32xbf16>
      %add3A_3139 = arith.addf %add3A_3129, %mul3A_3138 : vector<32xbf16>
      %get3A_3140 = arith.constant 63 : i32
      %get3A_3141 = arith.constant 0 : i32
      %get3A_3142 = arith.constant 0 : i32
      %get3A_3143 = tpu.memref_slice %arg9[%and3A_15, %get3A_3141, %get3A_3142] : memref<8x80x128xbf16, #tpu.memory_space<vmem>> -> memref<1x80x128xbf16, #tpu.memory_space<vmem>>
      %get3A_3144 = tpu.memref_squeeze %get3A_3143 : memref<1x80x128xbf16, #tpu.memory_space<vmem>> -> memref<80x128xbf16, #tpu.memory_space<vmem>>
      %get3A_3145 = arith.index_cast %get3A_3140 : i32 to index
      %get3A_3146 = arith.constant 96 : index
      %get3A_3147 = tpu.vector_load %get3A_3144[%get3A_3145, %get3A_3146] {strides = array<i32>} : memref<80x128xbf16, #tpu.memory_space<vmem>>, vector<32xbf16>,
      %mul3A_3148 = arith.mulf %get3A_3147, %get3A_3147 : vector<32xbf16>
      %add3A_3149 = arith.addf %add3A_3139, %mul3A_3148 : vector<32xbf16>
      %unpack3A_3150 = tpu.unpack_subelements %add3A_3149, 0 {pack_format = #tpu.pack_format<interleaved>} : vector<32xbf16> -> vector<16xf32>
      %unpack3A_3151 = tpu.unpack_subelements %add3A_3149, 1 {pack_format = #tpu.pack_format<interleaved>} : vector<32xbf16> -> vector<16xf32>
      %add3A_3152 = arith.addf %unpack3A_3150, %unpack3A_3151 : vector<16xf32>
      %swap3A_3153 = arith.constant 15 : i32
      %swap3A_3154 = arith.index_cast %swap3A_3153 : i32 to index
      %swap3A_3155 = arith.constant 0 : index
      %swap3A_3156 = tpu.vector_load %arg11[%swap3A_3154, %swap3A_3155] {strides = array<i32>} : memref<16x16xf32, #tpu.memory_space<vmem>>, vector<16xf32>,
      tpu.vector_store %arg11[%swap3A_3154, %swap3A_3155], %add3A_3152 {strides = array<i32>} : memref<16x16xf32, #tpu.memory_space<vmem>>, vector<16xf32>,
      %broadcast_in_dim3A_3157 = arith.constant 0 : i32
      %broadcast_in_dim3A_3158 = vector.broadcast %broadcast_in_dim3A_3157 : i32 to vector<16xi32>
      %gather3A_3159 = tpu.vector_load_idx %arg11[%iota3A, %broadcast_in_dim3A_3158] : memref<16x16xf32, #tpu.memory_space<vmem>>[vector<16xi32>, vector<16xi32>], vector<16xf32>,
      %broadcast_in_dim3A_3160 = arith.constant 1 : i32
      %broadcast_in_dim3A_3161 = vector.broadcast %broadcast_in_dim3A_3160 : i32 to vector<16xi32>
      %gather3A_3162 = tpu.vector_load_idx %arg11[%iota3A, %broadcast_in_dim3A_3161] : memref<16x16xf32, #tpu.memory_space<vmem>>[vector<16xi32>, vector<16xi32>], vector<16xf32>,
      %broadcast_in_dim3A_3163 = arith.constant 2 : i32
      %broadcast_in_dim3A_3164 = vector.broadcast %broadcast_in_dim3A_3163 : i32 to vector<16xi32>
      %gather3A_3165 = tpu.vector_load_idx %arg11[%iota3A, %broadcast_in_dim3A_3164] : memref<16x16xf32, #tpu.memory_space<vmem>>[vector<16xi32>, vector<16xi32>], vector<16xf32>,
      %broadcast_in_dim3A_3166 = arith.constant 3 : i32
      %broadcast_in_dim3A_3167 = vector.broadcast %broadcast_in_dim3A_3166 : i32 to vector<16xi32>
      %gather3A_3168 = tpu.vector_load_idx %arg11[%iota3A, %broadcast_in_dim3A_3167] : memref<16x16xf32, #tpu.memory_space<vmem>>[vector<16xi32>, vector<16xi32>], vector<16xf32>,
      %broadcast_in_dim3A_3169 = arith.constant 4 : i32
      %broadcast_in_dim3A_3170 = vector.broadcast %broadcast_in_dim3A_3169 : i32 to vector<16xi32>
      %gather3A_3171 = tpu.vector_load_idx %arg11[%iota3A, %broadcast_in_dim3A_3170] : memref<16x16xf32, #tpu.memory_space<vmem>>[vector<16xi32>, vector<16xi32>], vector<16xf32>,
      %broadcast_in_dim3A_3172 = arith.constant 5 : i32
      %broadcast_in_dim3A_3173 = vector.broadcast %broadcast_in_dim3A_3172 : i32 to vector<16xi32>
      %gather3A_3174 = tpu.vector_load_idx %arg11[%iota3A, %broadcast_in_dim3A_3173] : memref<16x16xf32, #tpu.memory_space<vmem>>[vector<16xi32>, vector<16xi32>], vector<16xf32>,
      %broadcast_in_dim3A_3175 = arith.constant 6 : i32
      %broadcast_in_dim3A_3176 = vector.broadcast %broadcast_in_dim3A_3175 : i32 to vector<16xi32>
      %gather3A_3177 = tpu.vector_load_idx %arg11[%iota3A, %broadcast_in_dim3A_3176] : memref<16x16xf32, #tpu.memory_space<vmem>>[vector<16xi32>, vector<16xi32>], vector<16xf32>,
      %broadcast_in_dim3A_3178 = arith.constant 7 : i32
      %broadcast_in_dim3A_3179 = vector.broadcast %broadcast_in_dim3A_3178 : i32 to vector<16xi32>
      %gather3A_3180 = tpu.vector_load_idx %arg11[%iota3A, %broadcast_in_dim3A_3179] : memref<16x16xf32, #tpu.memory_space<vmem>>[vector<16xi32>, vector<16xi32>], vector<16xf32>,
      %broadcast_in_dim3A_3181 = arith.constant 8 : i32
      %broadcast_in_dim3A_3182 = vector.broadcast %broadcast_in_dim3A_3181 : i32 to vector<16xi32>
      %gather3A_3183 = tpu.vector_load_idx %arg11[%iota3A, %broadcast_in_dim3A_3182] : memref<16x16xf32, #tpu.memory_space<vmem>>[vector<16xi32>, vector<16xi32>], vector<16xf32>,
      %broadcast_in_dim3A_3184 = arith.constant 9 : i32
      %broadcast_in_dim3A_3185 = vector.broadcast %broadcast_in_dim3A_3184 : i32 to vector<16xi32>
      %gather3A_3186 = tpu.vector_load_idx %arg11[%iota3A, %broadcast_in_dim3A_3185] : memref<16x16xf32, #tpu.memory_space<vmem>>[vector<16xi32>, vector<16xi32>], vector<16xf32>,
      %broadcast_in_dim3A_3187 = arith.constant 10 : i32
      %broadcast_in_dim3A_3188 = vector.broadcast %broadcast_in_dim3A_3187 : i32 to vector<16xi32>
      %gather3A_3189 = tpu.vector_load_idx %arg11[%iota3A, %broadcast_in_dim3A_3188] : memref<16x16xf32, #tpu.memory_space<vmem>>[vector<16xi32>, vector<16xi32>], vector<16xf32>,
      %broadcast_in_dim3A_3190 = arith.constant 11 : i32
      %broadcast_in_dim3A_3191 = vector.broadcast %broadcast_in_dim3A_3190 : i32 to vector<16xi32>
      %gather3A_3192 = tpu.vector_load_idx %arg11[%iota3A, %broadcast_in_dim3A_3191] : memref<16x16xf32, #tpu.memory_space<vmem>>[vector<16xi32>, vector<16xi32>], vector<16xf32>,
      %broadcast_in_dim3A_3193 = arith.constant 12 : i32
      %broadcast_in_dim3A_3194 = vector.broadcast %broadcast_in_dim3A_3193 : i32 to vector<16xi32>
      %gather3A_3195 = tpu.vector_load_idx %arg11[%iota3A, %broadcast_in_dim3A_3194] : memref<16x16xf32, #tpu.memory_space<vmem>>[vector<16xi32>, vector<16xi32>], vector<16xf32>,
      %broadcast_in_dim3A_3196 = arith.constant 13 : i32
      %broadcast_in_dim3A_3197 = vector.broadcast %broadcast_in_dim3A_3196 : i32 to vector<16xi32>
      %gather3A_3198 = tpu.vector_load_idx %arg11[%iota3A, %broadcast_in_dim3A_3197] : memref<16x16xf32, #tpu.memory_space<vmem>>[vector<16xi32>, vector<16xi32>], vector<16xf32>,
      %broadcast_in_dim3A_3199 = arith.constant 14 : i32
      %broadcast_in_dim3A_3200 = vector.broadcast %broadcast_in_dim3A_3199 : i32 to vector<16xi32>
      %gather3A_3201 = tpu.vector_load_idx %arg11[%iota3A, %broadcast_in_dim3A_3200] : memref<16x16xf32, #tpu.memory_space<vmem>>[vector<16xi32>, vector<16xi32>], vector<16xf32>,
      %broadcast_in_dim3A_3202 = arith.constant 15 : i32
      %broadcast_in_dim3A_3203 = vector.broadcast %broadcast_in_dim3A_3202 : i32 to vector<16xi32>
      %gather3A_3204 = tpu.vector_load_idx %arg11[%iota3A, %broadcast_in_dim3A_3203] : memref<16x16xf32, #tpu.memory_space<vmem>>[vector<16xi32>, vector<16xi32>], vector<16xf32>,
      %add3A_3205 = arith.addf %gather3A_3159, %gather3A_3162 : vector<16xf32>
      %add3A_3206 = arith.addf %gather3A_3165, %gather3A_3168 : vector<16xf32>
      %add3A_3207 = arith.addf %gather3A_3171, %gather3A_3174 : vector<16xf32>
      %add3A_3208 = arith.addf %gather3A_3177, %gather3A_3180 : vector<16xf32>
      %add3A_3209 = arith.addf %gather3A_3183, %gather3A_3186 : vector<16xf32>
      %add3A_3210 = arith.addf %gather3A_3189, %gather3A_3192 : vector<16xf32>
      %add3A_3211 = arith.addf %gather3A_3195, %gather3A_3198 : vector<16xf32>
      %add3A_3212 = arith.addf %gather3A_3201, %gather3A_3204 : vector<16xf32>
      %add3A_3213 = arith.addf %add3A_3205, %add3A_3206 : vector<16xf32>
      %add3A_3214 = arith.addf %add3A_3207, %add3A_3208 : vector<16xf32>
      %add3A_3215 = arith.addf %add3A_3209, %add3A_3210 : vector<16xf32>
      %add3A_3216 = arith.addf %add3A_3211, %add3A_3212 : vector<16xf32>
      %add3A_3217 = arith.addf %add3A_3213, %add3A_3214 : vector<16xf32>
      %add3A_3218 = arith.addf %add3A_3215, %add3A_3216 : vector<16xf32>
      %add3A_3219 = arith.addf %add3A_3217, %add3A_3218 : vector<16xf32>
      %add3A_3220 = arith.constant 48 : i32
      %add3A_3221 = vector.broadcast %add3A_3220 : i32 to vector<16xi32>
      %add3A_3222 = arith.addi %add3A_18, %add3A_3221 : vector<16xi32>
      tpu.vector_store_idx %arg10[%add3A_3222], %add3A_3219 : memref<10000xf32, #tpu.memory_space<vmem>>[vector<16xi32>], vector<16xf32>,
      %get3A_3223 = arith.constant 64 : i32
      %get3A_3224 = arith.constant 0 : i32
      %get3A_3225 = arith.constant 0 : i32
      %get3A_3226 = tpu.memref_slice %arg9[%and3A_15, %get3A_3224, %get3A_3225] : memref<8x80x128xbf16, #tpu.memory_space<vmem>> -> memref<1x80x128xbf16, #tpu.memory_space<vmem>>
      %get3A_3227 = tpu.memref_squeeze %get3A_3226 : memref<1x80x128xbf16, #tpu.memory_space<vmem>> -> memref<80x128xbf16, #tpu.memory_space<vmem>>
      %get3A_3228 = arith.index_cast %get3A_3223 : i32 to index
      %get3A_3229 = arith.constant 0 : index
      %get3A_3230 = tpu.vector_load %get3A_3227[%get3A_3228, %get3A_3229] {strides = array<i32>} : memref<80x128xbf16, #tpu.memory_space<vmem>>, vector<32xbf16>,
      %mul3A_3231 = arith.mulf %get3A_3230, %get3A_3230 : vector<32xbf16>
      %get3A_3232 = arith.constant 64 : i32
      %get3A_3233 = arith.constant 0 : i32
      %get3A_3234 = arith.constant 0 : i32
      %get3A_3235 = tpu.memref_slice %arg9[%and3A_15, %get3A_3233, %get3A_3234] : memref<8x80x128xbf16, #tpu.memory_space<vmem>> -> memref<1x80x128xbf16, #tpu.memory_space<vmem>>
      %get3A_3236 = tpu.memref_squeeze %get3A_3235 : memref<1x80x128xbf16, #tpu.memory_space<vmem>> -> memref<80x128xbf16, #tpu.memory_space<vmem>>
      %get3A_3237 = arith.index_cast %get3A_3232 : i32 to index
      %get3A_3238 = arith.constant 32 : index
      %get3A_3239 = tpu.vector_load %get3A_3236[%get3A_3237, %get3A_3238] {strides = array<i32>} : memref<80x128xbf16, #tpu.memory_space<vmem>>, vector<32xbf16>,
      %mul3A_3240 = arith.mulf %get3A_3239, %get3A_3239 : vector<32xbf16>
      %add3A_3241 = arith.addf %mul3A_3231, %mul3A_3240 : vector<32xbf16>
      %get3A_3242 = arith.constant 64 : i32
      %get3A_3243 = arith.constant 0 : i32
      %get3A_3244 = arith.constant 0 : i32
      %get3A_3245 = tpu.memref_slice %arg9[%and3A_15, %get3A_3243, %get3A_3244] : memref<8x80x128xbf16, #tpu.memory_space<vmem>> -> memref<1x80x128xbf16, #tpu.memory_space<vmem>>
      %get3A_3246 = tpu.memref_squeeze %get3A_3245 : memref<1x80x128xbf16, #tpu.memory_space<vmem>> -> memref<80x128xbf16, #tpu.memory_space<vmem>>
      %get3A_3247 = arith.index_cast %get3A_3242 : i32 to index
      %get3A_3248 = arith.constant 64 : index
      %get3A_3249 = tpu.vector_load %get3A_3246[%get3A_3247, %get3A_3248] {strides = array<i32>} : memref<80x128xbf16, #tpu.memory_space<vmem>>, vector<32xbf16>,
      %mul3A_3250 = arith.mulf %get3A_3249, %get3A_3249 : vector<32xbf16>
      %add3A_3251 = arith.addf %add3A_3241, %mul3A_3250 : vector<32xbf16>
      %get3A_3252 = arith.constant 64 : i32
      %get3A_3253 = arith.constant 0 : i32
      %get3A_3254 = arith.constant 0 : i32
      %get3A_3255 = tpu.memref_slice %arg9[%and3A_15, %get3A_3253, %get3A_3254] : memref<8x80x128xbf16, #tpu.memory_space<vmem>> -> memref<1x80x128xbf16, #tpu.memory_space<vmem>>
      %get3A_3256 = tpu.memref_squeeze %get3A_3255 : memref<1x80x128xbf16, #tpu.memory_space<vmem>> -> memref<80x128xbf16, #tpu.memory_space<vmem>>
      %get3A_3257 = arith.index_cast %get3A_3252 : i32 to index
      %get3A_3258 = arith.constant 96 : index
      %get3A_3259 = tpu.vector_load %get3A_3256[%get3A_3257, %get3A_3258] {strides = array<i32>} : memref<80x128xbf16, #tpu.memory_space<vmem>>, vector<32xbf16>,
      %mul3A_3260 = arith.mulf %get3A_3259, %get3A_3259 : vector<32xbf16>
      %add3A_3261 = arith.addf %add3A_3251, %mul3A_3260 : vector<32xbf16>
      %unpack3A_3262 = tpu.unpack_subelements %add3A_3261, 0 {pack_format = #tpu.pack_format<interleaved>} : vector<32xbf16> -> vector<16xf32>
      %unpack3A_3263 = tpu.unpack_subelements %add3A_3261, 1 {pack_format = #tpu.pack_format<interleaved>} : vector<32xbf16> -> vector<16xf32>
      %add3A_3264 = arith.addf %unpack3A_3262, %unpack3A_3263 : vector<16xf32>
      %swap3A_3265 = arith.constant 0 : i32
      %swap3A_3266 = arith.index_cast %swap3A_3265 : i32 to index
      %swap3A_3267 = arith.constant 0 : index
      %swap3A_3268 = tpu.vector_load %arg11[%swap3A_3266, %swap3A_3267] {strides = array<i32>} : memref<16x16xf32, #tpu.memory_space<vmem>>, vector<16xf32>,
      tpu.vector_store %arg11[%swap3A_3266, %swap3A_3267], %add3A_3264 {strides = array<i32>} : memref<16x16xf32, #tpu.memory_space<vmem>>, vector<16xf32>,
      %get3A_3269 = arith.constant 65 : i32
      %get3A_3270 = arith.constant 0 : i32
      %get3A_3271 = arith.constant 0 : i32
      %get3A_3272 = tpu.memref_slice %arg9[%and3A_15, %get3A_3270, %get3A_3271] : memref<8x80x128xbf16, #tpu.memory_space<vmem>> -> memref<1x80x128xbf16, #tpu.memory_space<vmem>>
      %get3A_3273 = tpu.memref_squeeze %get3A_3272 : memref<1x80x128xbf16, #tpu.memory_space<vmem>> -> memref<80x128xbf16, #tpu.memory_space<vmem>>
      %get3A_3274 = arith.index_cast %get3A_3269 : i32 to index
      %get3A_3275 = arith.constant 0 : index
      %get3A_3276 = tpu.vector_load %get3A_3273[%get3A_3274, %get3A_3275] {strides = array<i32>} : memref<80x128xbf16, #tpu.memory_space<vmem>>, vector<32xbf16>,
      %mul3A_3277 = arith.mulf %get3A_3276, %get3A_3276 : vector<32xbf16>
      %get3A_3278 = arith.constant 65 : i32
      %get3A_3279 = arith.constant 0 : i32
      %get3A_3280 = arith.constant 0 : i32
      %get3A_3281 = tpu.memref_slice %arg9[%and3A_15, %get3A_3279, %get3A_3280] : memref<8x80x128xbf16, #tpu.memory_space<vmem>> -> memref<1x80x128xbf16, #tpu.memory_space<vmem>>
      %get3A_3282 = tpu.memref_squeeze %get3A_3281 : memref<1x80x128xbf16, #tpu.memory_space<vmem>> -> memref<80x128xbf16, #tpu.memory_space<vmem>>
      %get3A_3283 = arith.index_cast %get3A_3278 : i32 to index
      %get3A_3284 = arith.constant 32 : index
      %get3A_3285 = tpu.vector_load %get3A_3282[%get3A_3283, %get3A_3284] {strides = array<i32>} : memref<80x128xbf16, #tpu.memory_space<vmem>>, vector<32xbf16>,
      %mul3A_3286 = arith.mulf %get3A_3285, %get3A_3285 : vector<32xbf16>
      %add3A_3287 = arith.addf %mul3A_3277, %mul3A_3286 : vector<32xbf16>
      %get3A_3288 = arith.constant 65 : i32
      %get3A_3289 = arith.constant 0 : i32
      %get3A_3290 = arith.constant 0 : i32
      %get3A_3291 = tpu.memref_slice %arg9[%and3A_15, %get3A_3289, %get3A_3290] : memref<8x80x128xbf16, #tpu.memory_space<vmem>> -> memref<1x80x128xbf16, #tpu.memory_space<vmem>>
      %get3A_3292 = tpu.memref_squeeze %get3A_3291 : memref<1x80x128xbf16, #tpu.memory_space<vmem>> -> memref<80x128xbf16, #tpu.memory_space<vmem>>
      %get3A_3293 = arith.index_cast %get3A_3288 : i32 to index
      %get3A_3294 = arith.constant 64 : index
      %get3A_3295 = tpu.vector_load %get3A_3292[%get3A_3293, %get3A_3294] {strides = array<i32>} : memref<80x128xbf16, #tpu.memory_space<vmem>>, vector<32xbf16>,
      %mul3A_3296 = arith.mulf %get3A_3295, %get3A_3295 : vector<32xbf16>
      %add3A_3297 = arith.addf %add3A_3287, %mul3A_3296 : vector<32xbf16>
      %get3A_3298 = arith.constant 65 : i32
      %get3A_3299 = arith.constant 0 : i32
      %get3A_3300 = arith.constant 0 : i32
      %get3A_3301 = tpu.memref_slice %arg9[%and3A_15, %get3A_3299, %get3A_3300] : memref<8x80x128xbf16, #tpu.memory_space<vmem>> -> memref<1x80x128xbf16, #tpu.memory_space<vmem>>
      %get3A_3302 = tpu.memref_squeeze %get3A_3301 : memref<1x80x128xbf16, #tpu.memory_space<vmem>> -> memref<80x128xbf16, #tpu.memory_space<vmem>>
      %get3A_3303 = arith.index_cast %get3A_3298 : i32 to index
      %get3A_3304 = arith.constant 96 : index
      %get3A_3305 = tpu.vector_load %get3A_3302[%get3A_3303, %get3A_3304] {strides = array<i32>} : memref<80x128xbf16, #tpu.memory_space<vmem>>, vector<32xbf16>,
      %mul3A_3306 = arith.mulf %get3A_3305, %get3A_3305 : vector<32xbf16>
      %add3A_3307 = arith.addf %add3A_3297, %mul3A_3306 : vector<32xbf16>
      %unpack3A_3308 = tpu.unpack_subelements %add3A_3307, 0 {pack_format = #tpu.pack_format<interleaved>} : vector<32xbf16> -> vector<16xf32>
      %unpack3A_3309 = tpu.unpack_subelements %add3A_3307, 1 {pack_format = #tpu.pack_format<interleaved>} : vector<32xbf16> -> vector<16xf32>
      %add3A_3310 = arith.addf %unpack3A_3308, %unpack3A_3309 : vector<16xf32>
      %swap3A_3311 = arith.constant 1 : i32
      %swap3A_3312 = arith.index_cast %swap3A_3311 : i32 to index
      %swap3A_3313 = arith.constant 0 : index
      %swap3A_3314 = tpu.vector_load %arg11[%swap3A_3312, %swap3A_3313] {strides = array<i32>} : memref<16x16xf32, #tpu.memory_space<vmem>>, vector<16xf32>,
      tpu.vector_store %arg11[%swap3A_3312, %swap3A_3313], %add3A_3310 {strides = array<i32>} : memref<16x16xf32, #tpu.memory_space<vmem>>, vector<16xf32>,
      %get3A_3315 = arith.constant 66 : i32
      %get3A_3316 = arith.constant 0 : i32
      %get3A_3317 = arith.constant 0 : i32
      %get3A_3318 = tpu.memref_slice %arg9[%and3A_15, %get3A_3316, %get3A_3317] : memref<8x80x128xbf16, #tpu.memory_space<vmem>> -> memref<1x80x128xbf16, #tpu.memory_space<vmem>>
      %get3A_3319 = tpu.memref_squeeze %get3A_3318 : memref<1x80x128xbf16, #tpu.memory_space<vmem>> -> memref<80x128xbf16, #tpu.memory_space<vmem>>
      %get3A_3320 = arith.index_cast %get3A_3315 : i32 to index
      %get3A_3321 = arith.constant 0 : index
      %get3A_3322 = tpu.vector_load %get3A_3319[%get3A_3320, %get3A_3321] {strides = array<i32>} : memref<80x128xbf16, #tpu.memory_space<vmem>>, vector<32xbf16>,
      %mul3A_3323 = arith.mulf %get3A_3322, %get3A_3322 : vector<32xbf16>
      %get3A_3324 = arith.constant 66 : i32
      %get3A_3325 = arith.constant 0 : i32
      %get3A_3326 = arith.constant 0 : i32
      %get3A_3327 = tpu.memref_slice %arg9[%and3A_15, %get3A_3325, %get3A_3326] : memref<8x80x128xbf16, #tpu.memory_space<vmem>> -> memref<1x80x128xbf16, #tpu.memory_space<vmem>>
      %get3A_3328 = tpu.memref_squeeze %get3A_3327 : memref<1x80x128xbf16, #tpu.memory_space<vmem>> -> memref<80x128xbf16, #tpu.memory_space<vmem>>
      %get3A_3329 = arith.index_cast %get3A_3324 : i32 to index
      %get3A_3330 = arith.constant 32 : index
      %get3A_3331 = tpu.vector_load %get3A_3328[%get3A_3329, %get3A_3330] {strides = array<i32>} : memref<80x128xbf16, #tpu.memory_space<vmem>>, vector<32xbf16>,
      %mul3A_3332 = arith.mulf %get3A_3331, %get3A_3331 : vector<32xbf16>
      %add3A_3333 = arith.addf %mul3A_3323, %mul3A_3332 : vector<32xbf16>
      %get3A_3334 = arith.constant 66 : i32
      %get3A_3335 = arith.constant 0 : i32
      %get3A_3336 = arith.constant 0 : i32
      %get3A_3337 = tpu.memref_slice %arg9[%and3A_15, %get3A_3335, %get3A_3336] : memref<8x80x128xbf16, #tpu.memory_space<vmem>> -> memref<1x80x128xbf16, #tpu.memory_space<vmem>>
      %get3A_3338 = tpu.memref_squeeze %get3A_3337 : memref<1x80x128xbf16, #tpu.memory_space<vmem>> -> memref<80x128xbf16, #tpu.memory_space<vmem>>
      %get3A_3339 = arith.index_cast %get3A_3334 : i32 to index
      %get3A_3340 = arith.constant 64 : index
      %get3A_3341 = tpu.vector_load %get3A_3338[%get3A_3339, %get3A_3340] {strides = array<i32>} : memref<80x128xbf16, #tpu.memory_space<vmem>>, vector<32xbf16>,
      %mul3A_3342 = arith.mulf %get3A_3341, %get3A_3341 : vector<32xbf16>
      %add3A_3343 = arith.addf %add3A_3333, %mul3A_3342 : vector<32xbf16>
      %get3A_3344 = arith.constant 66 : i32
      %get3A_3345 = arith.constant 0 : i32
      %get3A_3346 = arith.constant 0 : i32
      %get3A_3347 = tpu.memref_slice %arg9[%and3A_15, %get3A_3345, %get3A_3346] : memref<8x80x128xbf16, #tpu.memory_space<vmem>> -> memref<1x80x128xbf16, #tpu.memory_space<vmem>>
      %get3A_3348 = tpu.memref_squeeze %get3A_3347 : memref<1x80x128xbf16, #tpu.memory_space<vmem>> -> memref<80x128xbf16, #tpu.memory_space<vmem>>
      %get3A_3349 = arith.index_cast %get3A_3344 : i32 to index
      %get3A_3350 = arith.constant 96 : index
      %get3A_3351 = tpu.vector_load %get3A_3348[%get3A_3349, %get3A_3350] {strides = array<i32>} : memref<80x128xbf16, #tpu.memory_space<vmem>>, vector<32xbf16>,
      %mul3A_3352 = arith.mulf %get3A_3351, %get3A_3351 : vector<32xbf16>
      %add3A_3353 = arith.addf %add3A_3343, %mul3A_3352 : vector<32xbf16>
      %unpack3A_3354 = tpu.unpack_subelements %add3A_3353, 0 {pack_format = #tpu.pack_format<interleaved>} : vector<32xbf16> -> vector<16xf32>
      %unpack3A_3355 = tpu.unpack_subelements %add3A_3353, 1 {pack_format = #tpu.pack_format<interleaved>} : vector<32xbf16> -> vector<16xf32>
      %add3A_3356 = arith.addf %unpack3A_3354, %unpack3A_3355 : vector<16xf32>
      %swap3A_3357 = arith.constant 2 : i32
      %swap3A_3358 = arith.index_cast %swap3A_3357 : i32 to index
      %swap3A_3359 = arith.constant 0 : index
      %swap3A_3360 = tpu.vector_load %arg11[%swap3A_3358, %swap3A_3359] {strides = array<i32>} : memref<16x16xf32, #tpu.memory_space<vmem>>, vector<16xf32>,
      tpu.vector_store %arg11[%swap3A_3358, %swap3A_3359], %add3A_3356 {strides = array<i32>} : memref<16x16xf32, #tpu.memory_space<vmem>>, vector<16xf32>,
      %get3A_3361 = arith.constant 67 : i32
      %get3A_3362 = arith.constant 0 : i32
      %get3A_3363 = arith.constant 0 : i32
      %get3A_3364 = tpu.memref_slice %arg9[%and3A_15, %get3A_3362, %get3A_3363] : memref<8x80x128xbf16, #tpu.memory_space<vmem>> -> memref<1x80x128xbf16, #tpu.memory_space<vmem>>
      %get3A_3365 = tpu.memref_squeeze %get3A_3364 : memref<1x80x128xbf16, #tpu.memory_space<vmem>> -> memref<80x128xbf16, #tpu.memory_space<vmem>>
      %get3A_3366 = arith.index_cast %get3A_3361 : i32 to index
      %get3A_3367 = arith.constant 0 : index
      %get3A_3368 = tpu.vector_load %get3A_3365[%get3A_3366, %get3A_3367] {strides = array<i32>} : memref<80x128xbf16, #tpu.memory_space<vmem>>, vector<32xbf16>,
      %mul3A_3369 = arith.mulf %get3A_3368, %get3A_3368 : vector<32xbf16>
      %get3A_3370 = arith.constant 67 : i32
      %get3A_3371 = arith.constant 0 : i32
      %get3A_3372 = arith.constant 0 : i32
      %get3A_3373 = tpu.memref_slice %arg9[%and3A_15, %get3A_3371, %get3A_3372] : memref<8x80x128xbf16, #tpu.memory_space<vmem>> -> memref<1x80x128xbf16, #tpu.memory_space<vmem>>
      %get3A_3374 = tpu.memref_squeeze %get3A_3373 : memref<1x80x128xbf16, #tpu.memory_space<vmem>> -> memref<80x128xbf16, #tpu.memory_space<vmem>>
      %get3A_3375 = arith.index_cast %get3A_3370 : i32 to index
      %get3A_3376 = arith.constant 32 : index
      %get3A_3377 = tpu.vector_load %get3A_3374[%get3A_3375, %get3A_3376] {strides = array<i32>} : memref<80x128xbf16, #tpu.memory_space<vmem>>, vector<32xbf16>,
      %mul3A_3378 = arith.mulf %get3A_3377, %get3A_3377 : vector<32xbf16>
      %add3A_3379 = arith.addf %mul3A_3369, %mul3A_3378 : vector<32xbf16>
      %get3A_3380 = arith.constant 67 : i32
      %get3A_3381 = arith.constant 0 : i32
      %get3A_3382 = arith.constant 0 : i32
      %get3A_3383 = tpu.memref_slice %arg9[%and3A_15, %get3A_3381, %get3A_3382] : memref<8x80x128xbf16, #tpu.memory_space<vmem>> -> memref<1x80x128xbf16, #tpu.memory_space<vmem>>
      %get3A_3384 = tpu.memref_squeeze %get3A_3383 : memref<1x80x128xbf16, #tpu.memory_space<vmem>> -> memref<80x128xbf16, #tpu.memory_space<vmem>>
      %get3A_3385 = arith.index_cast %get3A_3380 : i32 to index
      %get3A_3386 = arith.constant 64 : index
      %get3A_3387 = tpu.vector_load %get3A_3384[%get3A_3385, %get3A_3386] {strides = array<i32>} : memref<80x128xbf16, #tpu.memory_space<vmem>>, vector<32xbf16>,
      %mul3A_3388 = arith.mulf %get3A_3387, %get3A_3387 : vector<32xbf16>
      %add3A_3389 = arith.addf %add3A_3379, %mul3A_3388 : vector<32xbf16>
      %get3A_3390 = arith.constant 67 : i32
      %get3A_3391 = arith.constant 0 : i32
      %get3A_3392 = arith.constant 0 : i32
      %get3A_3393 = tpu.memref_slice %arg9[%and3A_15, %get3A_3391, %get3A_3392] : memref<8x80x128xbf16, #tpu.memory_space<vmem>> -> memref<1x80x128xbf16, #tpu.memory_space<vmem>>
      %get3A_3394 = tpu.memref_squeeze %get3A_3393 : memref<1x80x128xbf16, #tpu.memory_space<vmem>> -> memref<80x128xbf16, #tpu.memory_space<vmem>>
      %get3A_3395 = arith.index_cast %get3A_3390 : i32 to index
      %get3A_3396 = arith.constant 96 : index
      %get3A_3397 = tpu.vector_load %get3A_3394[%get3A_3395, %get3A_3396] {strides = array<i32>} : memref<80x128xbf16, #tpu.memory_space<vmem>>, vector<32xbf16>,
      %mul3A_3398 = arith.mulf %get3A_3397, %get3A_3397 : vector<32xbf16>
      %add3A_3399 = arith.addf %add3A_3389, %mul3A_3398 : vector<32xbf16>
      %unpack3A_3400 = tpu.unpack_subelements %add3A_3399, 0 {pack_format = #tpu.pack_format<interleaved>} : vector<32xbf16> -> vector<16xf32>
      %unpack3A_3401 = tpu.unpack_subelements %add3A_3399, 1 {pack_format = #tpu.pack_format<interleaved>} : vector<32xbf16> -> vector<16xf32>
      %add3A_3402 = arith.addf %unpack3A_3400, %unpack3A_3401 : vector<16xf32>
      %swap3A_3403 = arith.constant 3 : i32
      %swap3A_3404 = arith.index_cast %swap3A_3403 : i32 to index
      %swap3A_3405 = arith.constant 0 : index
      %swap3A_3406 = tpu.vector_load %arg11[%swap3A_3404, %swap3A_3405] {strides = array<i32>} : memref<16x16xf32, #tpu.memory_space<vmem>>, vector<16xf32>,
      tpu.vector_store %arg11[%swap3A_3404, %swap3A_3405], %add3A_3402 {strides = array<i32>} : memref<16x16xf32, #tpu.memory_space<vmem>>, vector<16xf32>,
      %get3A_3407 = arith.constant 68 : i32
      %get3A_3408 = arith.constant 0 : i32
      %get3A_3409 = arith.constant 0 : i32
      %get3A_3410 = tpu.memref_slice %arg9[%and3A_15, %get3A_3408, %get3A_3409] : memref<8x80x128xbf16, #tpu.memory_space<vmem>> -> memref<1x80x128xbf16, #tpu.memory_space<vmem>>
      %get3A_3411 = tpu.memref_squeeze %get3A_3410 : memref<1x80x128xbf16, #tpu.memory_space<vmem>> -> memref<80x128xbf16, #tpu.memory_space<vmem>>
      %get3A_3412 = arith.index_cast %get3A_3407 : i32 to index
      %get3A_3413 = arith.constant 0 : index
      %get3A_3414 = tpu.vector_load %get3A_3411[%get3A_3412, %get3A_3413] {strides = array<i32>} : memref<80x128xbf16, #tpu.memory_space<vmem>>, vector<32xbf16>,
      %mul3A_3415 = arith.mulf %get3A_3414, %get3A_3414 : vector<32xbf16>
      %get3A_3416 = arith.constant 68 : i32
      %get3A_3417 = arith.constant 0 : i32
      %get3A_3418 = arith.constant 0 : i32
      %get3A_3419 = tpu.memref_slice %arg9[%and3A_15, %get3A_3417, %get3A_3418] : memref<8x80x128xbf16, #tpu.memory_space<vmem>> -> memref<1x80x128xbf16, #tpu.memory_space<vmem>>
      %get3A_3420 = tpu.memref_squeeze %get3A_3419 : memref<1x80x128xbf16, #tpu.memory_space<vmem>> -> memref<80x128xbf16, #tpu.memory_space<vmem>>
      %get3A_3421 = arith.index_cast %get3A_3416 : i32 to index
      %get3A_3422 = arith.constant 32 : index
      %get3A_3423 = tpu.vector_load %get3A_3420[%get3A_3421, %get3A_3422] {strides = array<i32>} : memref<80x128xbf16, #tpu.memory_space<vmem>>, vector<32xbf16>,
      %mul3A_3424 = arith.mulf %get3A_3423, %get3A_3423 : vector<32xbf16>
      %add3A_3425 = arith.addf %mul3A_3415, %mul3A_3424 : vector<32xbf16>
      %get3A_3426 = arith.constant 68 : i32
      %get3A_3427 = arith.constant 0 : i32
      %get3A_3428 = arith.constant 0 : i32
      %get3A_3429 = tpu.memref_slice %arg9[%and3A_15, %get3A_3427, %get3A_3428] : memref<8x80x128xbf16, #tpu.memory_space<vmem>> -> memref<1x80x128xbf16, #tpu.memory_space<vmem>>
      %get3A_3430 = tpu.memref_squeeze %get3A_3429 : memref<1x80x128xbf16, #tpu.memory_space<vmem>> -> memref<80x128xbf16, #tpu.memory_space<vmem>>
      %get3A_3431 = arith.index_cast %get3A_3426 : i32 to index
      %get3A_3432 = arith.constant 64 : index
      %get3A_3433 = tpu.vector_load %get3A_3430[%get3A_3431, %get3A_3432] {strides = array<i32>} : memref<80x128xbf16, #tpu.memory_space<vmem>>, vector<32xbf16>,
      %mul3A_3434 = arith.mulf %get3A_3433, %get3A_3433 : vector<32xbf16>
      %add3A_3435 = arith.addf %add3A_3425, %mul3A_3434 : vector<32xbf16>
      %get3A_3436 = arith.constant 68 : i32
      %get3A_3437 = arith.constant 0 : i32
      %get3A_3438 = arith.constant 0 : i32
      %get3A_3439 = tpu.memref_slice %arg9[%and3A_15, %get3A_3437, %get3A_3438] : memref<8x80x128xbf16, #tpu.memory_space<vmem>> -> memref<1x80x128xbf16, #tpu.memory_space<vmem>>
      %get3A_3440 = tpu.memref_squeeze %get3A_3439 : memref<1x80x128xbf16, #tpu.memory_space<vmem>> -> memref<80x128xbf16, #tpu.memory_space<vmem>>
      %get3A_3441 = arith.index_cast %get3A_3436 : i32 to index
      %get3A_3442 = arith.constant 96 : index
      %get3A_3443 = tpu.vector_load %get3A_3440[%get3A_3441, %get3A_3442] {strides = array<i32>} : memref<80x128xbf16, #tpu.memory_space<vmem>>, vector<32xbf16>,
      %mul3A_3444 = arith.mulf %get3A_3443, %get3A_3443 : vector<32xbf16>
      %add3A_3445 = arith.addf %add3A_3435, %mul3A_3444 : vector<32xbf16>
      %unpack3A_3446 = tpu.unpack_subelements %add3A_3445, 0 {pack_format = #tpu.pack_format<interleaved>} : vector<32xbf16> -> vector<16xf32>
      %unpack3A_3447 = tpu.unpack_subelements %add3A_3445, 1 {pack_format = #tpu.pack_format<interleaved>} : vector<32xbf16> -> vector<16xf32>
      %add3A_3448 = arith.addf %unpack3A_3446, %unpack3A_3447 : vector<16xf32>
      %swap3A_3449 = arith.constant 4 : i32
      %swap3A_3450 = arith.index_cast %swap3A_3449 : i32 to index
      %swap3A_3451 = arith.constant 0 : index
      %swap3A_3452 = tpu.vector_load %arg11[%swap3A_3450, %swap3A_3451] {strides = array<i32>} : memref<16x16xf32, #tpu.memory_space<vmem>>, vector<16xf32>,
      tpu.vector_store %arg11[%swap3A_3450, %swap3A_3451], %add3A_3448 {strides = array<i32>} : memref<16x16xf32, #tpu.memory_space<vmem>>, vector<16xf32>,
      %get3A_3453 = arith.constant 69 : i32
      %get3A_3454 = arith.constant 0 : i32
      %get3A_3455 = arith.constant 0 : i32
      %get3A_3456 = tpu.memref_slice %arg9[%and3A_15, %get3A_3454, %get3A_3455] : memref<8x80x128xbf16, #tpu.memory_space<vmem>> -> memref<1x80x128xbf16, #tpu.memory_space<vmem>>
      %get3A_3457 = tpu.memref_squeeze %get3A_3456 : memref<1x80x128xbf16, #tpu.memory_space<vmem>> -> memref<80x128xbf16, #tpu.memory_space<vmem>>
      %get3A_3458 = arith.index_cast %get3A_3453 : i32 to index
      %get3A_3459 = arith.constant 0 : index
      %get3A_3460 = tpu.vector_load %get3A_3457[%get3A_3458, %get3A_3459] {strides = array<i32>} : memref<80x128xbf16, #tpu.memory_space<vmem>>, vector<32xbf16>,
      %mul3A_3461 = arith.mulf %get3A_3460, %get3A_3460 : vector<32xbf16>
      %get3A_3462 = arith.constant 69 : i32
      %get3A_3463 = arith.constant 0 : i32
      %get3A_3464 = arith.constant 0 : i32
      %get3A_3465 = tpu.memref_slice %arg9[%and3A_15, %get3A_3463, %get3A_3464] : memref<8x80x128xbf16, #tpu.memory_space<vmem>> -> memref<1x80x128xbf16, #tpu.memory_space<vmem>>
      %get3A_3466 = tpu.memref_squeeze %get3A_3465 : memref<1x80x128xbf16, #tpu.memory_space<vmem>> -> memref<80x128xbf16, #tpu.memory_space<vmem>>
      %get3A_3467 = arith.index_cast %get3A_3462 : i32 to index
      %get3A_3468 = arith.constant 32 : index
      %get3A_3469 = tpu.vector_load %get3A_3466[%get3A_3467, %get3A_3468] {strides = array<i32>} : memref<80x128xbf16, #tpu.memory_space<vmem>>, vector<32xbf16>,
      %mul3A_3470 = arith.mulf %get3A_3469, %get3A_3469 : vector<32xbf16>
      %add3A_3471 = arith.addf %mul3A_3461, %mul3A_3470 : vector<32xbf16>
      %get3A_3472 = arith.constant 69 : i32
      %get3A_3473 = arith.constant 0 : i32
      %get3A_3474 = arith.constant 0 : i32
      %get3A_3475 = tpu.memref_slice %arg9[%and3A_15, %get3A_3473, %get3A_3474] : memref<8x80x128xbf16, #tpu.memory_space<vmem>> -> memref<1x80x128xbf16, #tpu.memory_space<vmem>>
      %get3A_3476 = tpu.memref_squeeze %get3A_3475 : memref<1x80x128xbf16, #tpu.memory_space<vmem>> -> memref<80x128xbf16, #tpu.memory_space<vmem>>
      %get3A_3477 = arith.index_cast %get3A_3472 : i32 to index
      %get3A_3478 = arith.constant 64 : index
      %get3A_3479 = tpu.vector_load %get3A_3476[%get3A_3477, %get3A_3478] {strides = array<i32>} : memref<80x128xbf16, #tpu.memory_space<vmem>>, vector<32xbf16>,
      %mul3A_3480 = arith.mulf %get3A_3479, %get3A_3479 : vector<32xbf16>
      %add3A_3481 = arith.addf %add3A_3471, %mul3A_3480 : vector<32xbf16>
      %get3A_3482 = arith.constant 69 : i32
      %get3A_3483 = arith.constant 0 : i32
      %get3A_3484 = arith.constant 0 : i32
      %get3A_3485 = tpu.memref_slice %arg9[%and3A_15, %get3A_3483, %get3A_3484] : memref<8x80x128xbf16, #tpu.memory_space<vmem>> -> memref<1x80x128xbf16, #tpu.memory_space<vmem>>
      %get3A_3486 = tpu.memref_squeeze %get3A_3485 : memref<1x80x128xbf16, #tpu.memory_space<vmem>> -> memref<80x128xbf16, #tpu.memory_space<vmem>>
      %get3A_3487 = arith.index_cast %get3A_3482 : i32 to index
      %get3A_3488 = arith.constant 96 : index
      %get3A_3489 = tpu.vector_load %get3A_3486[%get3A_3487, %get3A_3488] {strides = array<i32>} : memref<80x128xbf16, #tpu.memory_space<vmem>>, vector<32xbf16>,
      %mul3A_3490 = arith.mulf %get3A_3489, %get3A_3489 : vector<32xbf16>
      %add3A_3491 = arith.addf %add3A_3481, %mul3A_3490 : vector<32xbf16>
      %unpack3A_3492 = tpu.unpack_subelements %add3A_3491, 0 {pack_format = #tpu.pack_format<interleaved>} : vector<32xbf16> -> vector<16xf32>
      %unpack3A_3493 = tpu.unpack_subelements %add3A_3491, 1 {pack_format = #tpu.pack_format<interleaved>} : vector<32xbf16> -> vector<16xf32>
      %add3A_3494 = arith.addf %unpack3A_3492, %unpack3A_3493 : vector<16xf32>
      %swap3A_3495 = arith.constant 5 : i32
      %swap3A_3496 = arith.index_cast %swap3A_3495 : i32 to index
      %swap3A_3497 = arith.constant 0 : index
      %swap3A_3498 = tpu.vector_load %arg11[%swap3A_3496, %swap3A_3497] {strides = array<i32>} : memref<16x16xf32, #tpu.memory_space<vmem>>, vector<16xf32>,
      tpu.vector_store %arg11[%swap3A_3496, %swap3A_3497], %add3A_3494 {strides = array<i32>} : memref<16x16xf32, #tpu.memory_space<vmem>>, vector<16xf32>,
      %get3A_3499 = arith.constant 70 : i32
      %get3A_3500 = arith.constant 0 : i32
      %get3A_3501 = arith.constant 0 : i32
      %get3A_3502 = tpu.memref_slice %arg9[%and3A_15, %get3A_3500, %get3A_3501] : memref<8x80x128xbf16, #tpu.memory_space<vmem>> -> memref<1x80x128xbf16, #tpu.memory_space<vmem>>
      %get3A_3503 = tpu.memref_squeeze %get3A_3502 : memref<1x80x128xbf16, #tpu.memory_space<vmem>> -> memref<80x128xbf16, #tpu.memory_space<vmem>>
      %get3A_3504 = arith.index_cast %get3A_3499 : i32 to index
      %get3A_3505 = arith.constant 0 : index
      %get3A_3506 = tpu.vector_load %get3A_3503[%get3A_3504, %get3A_3505] {strides = array<i32>} : memref<80x128xbf16, #tpu.memory_space<vmem>>, vector<32xbf16>,
      %mul3A_3507 = arith.mulf %get3A_3506, %get3A_3506 : vector<32xbf16>
      %get3A_3508 = arith.constant 70 : i32
      %get3A_3509 = arith.constant 0 : i32
      %get3A_3510 = arith.constant 0 : i32
      %get3A_3511 = tpu.memref_slice %arg9[%and3A_15, %get3A_3509, %get3A_3510] : memref<8x80x128xbf16, #tpu.memory_space<vmem>> -> memref<1x80x128xbf16, #tpu.memory_space<vmem>>
      %get3A_3512 = tpu.memref_squeeze %get3A_3511 : memref<1x80x128xbf16, #tpu.memory_space<vmem>> -> memref<80x128xbf16, #tpu.memory_space<vmem>>
      %get3A_3513 = arith.index_cast %get3A_3508 : i32 to index
      %get3A_3514 = arith.constant 32 : index
      %get3A_3515 = tpu.vector_load %get3A_3512[%get3A_3513, %get3A_3514] {strides = array<i32>} : memref<80x128xbf16, #tpu.memory_space<vmem>>, vector<32xbf16>,
      %mul3A_3516 = arith.mulf %get3A_3515, %get3A_3515 : vector<32xbf16>
      %add3A_3517 = arith.addf %mul3A_3507, %mul3A_3516 : vector<32xbf16>
      %get3A_3518 = arith.constant 70 : i32
      %get3A_3519 = arith.constant 0 : i32
      %get3A_3520 = arith.constant 0 : i32
      %get3A_3521 = tpu.memref_slice %arg9[%and3A_15, %get3A_3519, %get3A_3520] : memref<8x80x128xbf16, #tpu.memory_space<vmem>> -> memref<1x80x128xbf16, #tpu.memory_space<vmem>>
      %get3A_3522 = tpu.memref_squeeze %get3A_3521 : memref<1x80x128xbf16, #tpu.memory_space<vmem>> -> memref<80x128xbf16, #tpu.memory_space<vmem>>
      %get3A_3523 = arith.index_cast %get3A_3518 : i32 to index
      %get3A_3524 = arith.constant 64 : index
      %get3A_3525 = tpu.vector_load %get3A_3522[%get3A_3523, %get3A_3524] {strides = array<i32>} : memref<80x128xbf16, #tpu.memory_space<vmem>>, vector<32xbf16>,
      %mul3A_3526 = arith.mulf %get3A_3525, %get3A_3525 : vector<32xbf16>
      %add3A_3527 = arith.addf %add3A_3517, %mul3A_3526 : vector<32xbf16>
      %get3A_3528 = arith.constant 70 : i32
      %get3A_3529 = arith.constant 0 : i32
      %get3A_3530 = arith.constant 0 : i32
      %get3A_3531 = tpu.memref_slice %arg9[%and3A_15, %get3A_3529, %get3A_3530] : memref<8x80x128xbf16, #tpu.memory_space<vmem>> -> memref<1x80x128xbf16, #tpu.memory_space<vmem>>
      %get3A_3532 = tpu.memref_squeeze %get3A_3531 : memref<1x80x128xbf16, #tpu.memory_space<vmem>> -> memref<80x128xbf16, #tpu.memory_space<vmem>>
      %get3A_3533 = arith.index_cast %get3A_3528 : i32 to index
      %get3A_3534 = arith.constant 96 : index
      %get3A_3535 = tpu.vector_load %get3A_3532[%get3A_3533, %get3A_3534] {strides = array<i32>} : memref<80x128xbf16, #tpu.memory_space<vmem>>, vector<32xbf16>,
      %mul3A_3536 = arith.mulf %get3A_3535, %get3A_3535 : vector<32xbf16>
      %add3A_3537 = arith.addf %add3A_3527, %mul3A_3536 : vector<32xbf16>
      %unpack3A_3538 = tpu.unpack_subelements %add3A_3537, 0 {pack_format = #tpu.pack_format<interleaved>} : vector<32xbf16> -> vector<16xf32>
      %unpack3A_3539 = tpu.unpack_subelements %add3A_3537, 1 {pack_format = #tpu.pack_format<interleaved>} : vector<32xbf16> -> vector<16xf32>
      %add3A_3540 = arith.addf %unpack3A_3538, %unpack3A_3539 : vector<16xf32>
      %swap3A_3541 = arith.constant 6 : i32
      %swap3A_3542 = arith.index_cast %swap3A_3541 : i32 to index
      %swap3A_3543 = arith.constant 0 : index
      %swap3A_3544 = tpu.vector_load %arg11[%swap3A_3542, %swap3A_3543] {strides = array<i32>} : memref<16x16xf32, #tpu.memory_space<vmem>>, vector<16xf32>,
      tpu.vector_store %arg11[%swap3A_3542, %swap3A_3543], %add3A_3540 {strides = array<i32>} : memref<16x16xf32, #tpu.memory_space<vmem>>, vector<16xf32>,
      %get3A_3545 = arith.constant 71 : i32
      %get3A_3546 = arith.constant 0 : i32
      %get3A_3547 = arith.constant 0 : i32
      %get3A_3548 = tpu.memref_slice %arg9[%and3A_15, %get3A_3546, %get3A_3547] : memref<8x80x128xbf16, #tpu.memory_space<vmem>> -> memref<1x80x128xbf16, #tpu.memory_space<vmem>>
      %get3A_3549 = tpu.memref_squeeze %get3A_3548 : memref<1x80x128xbf16, #tpu.memory_space<vmem>> -> memref<80x128xbf16, #tpu.memory_space<vmem>>
      %get3A_3550 = arith.index_cast %get3A_3545 : i32 to index
      %get3A_3551 = arith.constant 0 : index
      %get3A_3552 = tpu.vector_load %get3A_3549[%get3A_3550, %get3A_3551] {strides = array<i32>} : memref<80x128xbf16, #tpu.memory_space<vmem>>, vector<32xbf16>,
      %mul3A_3553 = arith.mulf %get3A_3552, %get3A_3552 : vector<32xbf16>
      %get3A_3554 = arith.constant 71 : i32
      %get3A_3555 = arith.constant 0 : i32
      %get3A_3556 = arith.constant 0 : i32
      %get3A_3557 = tpu.memref_slice %arg9[%and3A_15, %get3A_3555, %get3A_3556] : memref<8x80x128xbf16, #tpu.memory_space<vmem>> -> memref<1x80x128xbf16, #tpu.memory_space<vmem>>
      %get3A_3558 = tpu.memref_squeeze %get3A_3557 : memref<1x80x128xbf16, #tpu.memory_space<vmem>> -> memref<80x128xbf16, #tpu.memory_space<vmem>>
      %get3A_3559 = arith.index_cast %get3A_3554 : i32 to index
      %get3A_3560 = arith.constant 32 : index
      %get3A_3561 = tpu.vector_load %get3A_3558[%get3A_3559, %get3A_3560] {strides = array<i32>} : memref<80x128xbf16, #tpu.memory_space<vmem>>, vector<32xbf16>,
      %mul3A_3562 = arith.mulf %get3A_3561, %get3A_3561 : vector<32xbf16>
      %add3A_3563 = arith.addf %mul3A_3553, %mul3A_3562 : vector<32xbf16>
      %get3A_3564 = arith.constant 71 : i32
      %get3A_3565 = arith.constant 0 : i32
      %get3A_3566 = arith.constant 0 : i32
      %get3A_3567 = tpu.memref_slice %arg9[%and3A_15, %get3A_3565, %get3A_3566] : memref<8x80x128xbf16, #tpu.memory_space<vmem>> -> memref<1x80x128xbf16, #tpu.memory_space<vmem>>
      %get3A_3568 = tpu.memref_squeeze %get3A_3567 : memref<1x80x128xbf16, #tpu.memory_space<vmem>> -> memref<80x128xbf16, #tpu.memory_space<vmem>>
      %get3A_3569 = arith.index_cast %get3A_3564 : i32 to index
      %get3A_3570 = arith.constant 64 : index
      %get3A_3571 = tpu.vector_load %get3A_3568[%get3A_3569, %get3A_3570] {strides = array<i32>} : memref<80x128xbf16, #tpu.memory_space<vmem>>, vector<32xbf16>,
      %mul3A_3572 = arith.mulf %get3A_3571, %get3A_3571 : vector<32xbf16>
      %add3A_3573 = arith.addf %add3A_3563, %mul3A_3572 : vector<32xbf16>
      %get3A_3574 = arith.constant 71 : i32
      %get3A_3575 = arith.constant 0 : i32
      %get3A_3576 = arith.constant 0 : i32
      %get3A_3577 = tpu.memref_slice %arg9[%and3A_15, %get3A_3575, %get3A_3576] : memref<8x80x128xbf16, #tpu.memory_space<vmem>> -> memref<1x80x128xbf16, #tpu.memory_space<vmem>>
      %get3A_3578 = tpu.memref_squeeze %get3A_3577 : memref<1x80x128xbf16, #tpu.memory_space<vmem>> -> memref<80x128xbf16, #tpu.memory_space<vmem>>
      %get3A_3579 = arith.index_cast %get3A_3574 : i32 to index
      %get3A_3580 = arith.constant 96 : index
      %get3A_3581 = tpu.vector_load %get3A_3578[%get3A_3579, %get3A_3580] {strides = array<i32>} : memref<80x128xbf16, #tpu.memory_space<vmem>>, vector<32xbf16>,
      %mul3A_3582 = arith.mulf %get3A_3581, %get3A_3581 : vector<32xbf16>
      %add3A_3583 = arith.addf %add3A_3573, %mul3A_3582 : vector<32xbf16>
      %unpack3A_3584 = tpu.unpack_subelements %add3A_3583, 0 {pack_format = #tpu.pack_format<interleaved>} : vector<32xbf16> -> vector<16xf32>
      %unpack3A_3585 = tpu.unpack_subelements %add3A_3583, 1 {pack_format = #tpu.pack_format<interleaved>} : vector<32xbf16> -> vector<16xf32>
      %add3A_3586 = arith.addf %unpack3A_3584, %unpack3A_3585 : vector<16xf32>
      %swap3A_3587 = arith.constant 7 : i32
      %swap3A_3588 = arith.index_cast %swap3A_3587 : i32 to index
      %swap3A_3589 = arith.constant 0 : index
      %swap3A_3590 = tpu.vector_load %arg11[%swap3A_3588, %swap3A_3589] {strides = array<i32>} : memref<16x16xf32, #tpu.memory_space<vmem>>, vector<16xf32>,
      tpu.vector_store %arg11[%swap3A_3588, %swap3A_3589], %add3A_3586 {strides = array<i32>} : memref<16x16xf32, #tpu.memory_space<vmem>>, vector<16xf32>,
      %get3A_3591 = arith.constant 72 : i32
      %get3A_3592 = arith.constant 0 : i32
      %get3A_3593 = arith.constant 0 : i32
      %get3A_3594 = tpu.memref_slice %arg9[%and3A_15, %get3A_3592, %get3A_3593] : memref<8x80x128xbf16, #tpu.memory_space<vmem>> -> memref<1x80x128xbf16, #tpu.memory_space<vmem>>
      %get3A_3595 = tpu.memref_squeeze %get3A_3594 : memref<1x80x128xbf16, #tpu.memory_space<vmem>> -> memref<80x128xbf16, #tpu.memory_space<vmem>>
      %get3A_3596 = arith.index_cast %get3A_3591 : i32 to index
      %get3A_3597 = arith.constant 0 : index
      %get3A_3598 = tpu.vector_load %get3A_3595[%get3A_3596, %get3A_3597] {strides = array<i32>} : memref<80x128xbf16, #tpu.memory_space<vmem>>, vector<32xbf16>,
      %mul3A_3599 = arith.mulf %get3A_3598, %get3A_3598 : vector<32xbf16>
      %get3A_3600 = arith.constant 72 : i32
      %get3A_3601 = arith.constant 0 : i32
      %get3A_3602 = arith.constant 0 : i32
      %get3A_3603 = tpu.memref_slice %arg9[%and3A_15, %get3A_3601, %get3A_3602] : memref<8x80x128xbf16, #tpu.memory_space<vmem>> -> memref<1x80x128xbf16, #tpu.memory_space<vmem>>
      %get3A_3604 = tpu.memref_squeeze %get3A_3603 : memref<1x80x128xbf16, #tpu.memory_space<vmem>> -> memref<80x128xbf16, #tpu.memory_space<vmem>>
      %get3A_3605 = arith.index_cast %get3A_3600 : i32 to index
      %get3A_3606 = arith.constant 32 : index
      %get3A_3607 = tpu.vector_load %get3A_3604[%get3A_3605, %get3A_3606] {strides = array<i32>} : memref<80x128xbf16, #tpu.memory_space<vmem>>, vector<32xbf16>,
      %mul3A_3608 = arith.mulf %get3A_3607, %get3A_3607 : vector<32xbf16>
      %add3A_3609 = arith.addf %mul3A_3599, %mul3A_3608 : vector<32xbf16>
      %get3A_3610 = arith.constant 72 : i32
      %get3A_3611 = arith.constant 0 : i32
      %get3A_3612 = arith.constant 0 : i32
      %get3A_3613 = tpu.memref_slice %arg9[%and3A_15, %get3A_3611, %get3A_3612] : memref<8x80x128xbf16, #tpu.memory_space<vmem>> -> memref<1x80x128xbf16, #tpu.memory_space<vmem>>
      %get3A_3614 = tpu.memref_squeeze %get3A_3613 : memref<1x80x128xbf16, #tpu.memory_space<vmem>> -> memref<80x128xbf16, #tpu.memory_space<vmem>>
      %get3A_3615 = arith.index_cast %get3A_3610 : i32 to index
      %get3A_3616 = arith.constant 64 : index
      %get3A_3617 = tpu.vector_load %get3A_3614[%get3A_3615, %get3A_3616] {strides = array<i32>} : memref<80x128xbf16, #tpu.memory_space<vmem>>, vector<32xbf16>,
      %mul3A_3618 = arith.mulf %get3A_3617, %get3A_3617 : vector<32xbf16>
      %add3A_3619 = arith.addf %add3A_3609, %mul3A_3618 : vector<32xbf16>
      %get3A_3620 = arith.constant 72 : i32
      %get3A_3621 = arith.constant 0 : i32
      %get3A_3622 = arith.constant 0 : i32
      %get3A_3623 = tpu.memref_slice %arg9[%and3A_15, %get3A_3621, %get3A_3622] : memref<8x80x128xbf16, #tpu.memory_space<vmem>> -> memref<1x80x128xbf16, #tpu.memory_space<vmem>>
      %get3A_3624 = tpu.memref_squeeze %get3A_3623 : memref<1x80x128xbf16, #tpu.memory_space<vmem>> -> memref<80x128xbf16, #tpu.memory_space<vmem>>
      %get3A_3625 = arith.index_cast %get3A_3620 : i32 to index
      %get3A_3626 = arith.constant 96 : index
      %get3A_3627 = tpu.vector_load %get3A_3624[%get3A_3625, %get3A_3626] {strides = array<i32>} : memref<80x128xbf16, #tpu.memory_space<vmem>>, vector<32xbf16>,
      %mul3A_3628 = arith.mulf %get3A_3627, %get3A_3627 : vector<32xbf16>
      %add3A_3629 = arith.addf %add3A_3619, %mul3A_3628 : vector<32xbf16>
      %unpack3A_3630 = tpu.unpack_subelements %add3A_3629, 0 {pack_format = #tpu.pack_format<interleaved>} : vector<32xbf16> -> vector<16xf32>
      %unpack3A_3631 = tpu.unpack_subelements %add3A_3629, 1 {pack_format = #tpu.pack_format<interleaved>} : vector<32xbf16> -> vector<16xf32>
      %add3A_3632 = arith.addf %unpack3A_3630, %unpack3A_3631 : vector<16xf32>
      %swap3A_3633 = arith.constant 8 : i32
      %swap3A_3634 = arith.index_cast %swap3A_3633 : i32 to index
      %swap3A_3635 = arith.constant 0 : index
      %swap3A_3636 = tpu.vector_load %arg11[%swap3A_3634, %swap3A_3635] {strides = array<i32>} : memref<16x16xf32, #tpu.memory_space<vmem>>, vector<16xf32>,
      tpu.vector_store %arg11[%swap3A_3634, %swap3A_3635], %add3A_3632 {strides = array<i32>} : memref<16x16xf32, #tpu.memory_space<vmem>>, vector<16xf32>,
      %get3A_3637 = arith.constant 73 : i32
      %get3A_3638 = arith.constant 0 : i32
      %get3A_3639 = arith.constant 0 : i32
      %get3A_3640 = tpu.memref_slice %arg9[%and3A_15, %get3A_3638, %get3A_3639] : memref<8x80x128xbf16, #tpu.memory_space<vmem>> -> memref<1x80x128xbf16, #tpu.memory_space<vmem>>
      %get3A_3641 = tpu.memref_squeeze %get3A_3640 : memref<1x80x128xbf16, #tpu.memory_space<vmem>> -> memref<80x128xbf16, #tpu.memory_space<vmem>>
      %get3A_3642 = arith.index_cast %get3A_3637 : i32 to index
      %get3A_3643 = arith.constant 0 : index
      %get3A_3644 = tpu.vector_load %get3A_3641[%get3A_3642, %get3A_3643] {strides = array<i32>} : memref<80x128xbf16, #tpu.memory_space<vmem>>, vector<32xbf16>,
      %mul3A_3645 = arith.mulf %get3A_3644, %get3A_3644 : vector<32xbf16>
      %get3A_3646 = arith.constant 73 : i32
      %get3A_3647 = arith.constant 0 : i32
      %get3A_3648 = arith.constant 0 : i32
      %get3A_3649 = tpu.memref_slice %arg9[%and3A_15, %get3A_3647, %get3A_3648] : memref<8x80x128xbf16, #tpu.memory_space<vmem>> -> memref<1x80x128xbf16, #tpu.memory_space<vmem>>
      %get3A_3650 = tpu.memref_squeeze %get3A_3649 : memref<1x80x128xbf16, #tpu.memory_space<vmem>> -> memref<80x128xbf16, #tpu.memory_space<vmem>>
      %get3A_3651 = arith.index_cast %get3A_3646 : i32 to index
      %get3A_3652 = arith.constant 32 : index
      %get3A_3653 = tpu.vector_load %get3A_3650[%get3A_3651, %get3A_3652] {strides = array<i32>} : memref<80x128xbf16, #tpu.memory_space<vmem>>, vector<32xbf16>,
      %mul3A_3654 = arith.mulf %get3A_3653, %get3A_3653 : vector<32xbf16>
      %add3A_3655 = arith.addf %mul3A_3645, %mul3A_3654 : vector<32xbf16>
      %get3A_3656 = arith.constant 73 : i32
      %get3A_3657 = arith.constant 0 : i32
      %get3A_3658 = arith.constant 0 : i32
      %get3A_3659 = tpu.memref_slice %arg9[%and3A_15, %get3A_3657, %get3A_3658] : memref<8x80x128xbf16, #tpu.memory_space<vmem>> -> memref<1x80x128xbf16, #tpu.memory_space<vmem>>
      %get3A_3660 = tpu.memref_squeeze %get3A_3659 : memref<1x80x128xbf16, #tpu.memory_space<vmem>> -> memref<80x128xbf16, #tpu.memory_space<vmem>>
      %get3A_3661 = arith.index_cast %get3A_3656 : i32 to index
      %get3A_3662 = arith.constant 64 : index
      %get3A_3663 = tpu.vector_load %get3A_3660[%get3A_3661, %get3A_3662] {strides = array<i32>} : memref<80x128xbf16, #tpu.memory_space<vmem>>, vector<32xbf16>,
      %mul3A_3664 = arith.mulf %get3A_3663, %get3A_3663 : vector<32xbf16>
      %add3A_3665 = arith.addf %add3A_3655, %mul3A_3664 : vector<32xbf16>
      %get3A_3666 = arith.constant 73 : i32
      %get3A_3667 = arith.constant 0 : i32
      %get3A_3668 = arith.constant 0 : i32
      %get3A_3669 = tpu.memref_slice %arg9[%and3A_15, %get3A_3667, %get3A_3668] : memref<8x80x128xbf16, #tpu.memory_space<vmem>> -> memref<1x80x128xbf16, #tpu.memory_space<vmem>>
      %get3A_3670 = tpu.memref_squeeze %get3A_3669 : memref<1x80x128xbf16, #tpu.memory_space<vmem>> -> memref<80x128xbf16, #tpu.memory_space<vmem>>
      %get3A_3671 = arith.index_cast %get3A_3666 : i32 to index
      %get3A_3672 = arith.constant 96 : index
      %get3A_3673 = tpu.vector_load %get3A_3670[%get3A_3671, %get3A_3672] {strides = array<i32>} : memref<80x128xbf16, #tpu.memory_space<vmem>>, vector<32xbf16>,
      %mul3A_3674 = arith.mulf %get3A_3673, %get3A_3673 : vector<32xbf16>
      %add3A_3675 = arith.addf %add3A_3665, %mul3A_3674 : vector<32xbf16>
      %unpack3A_3676 = tpu.unpack_subelements %add3A_3675, 0 {pack_format = #tpu.pack_format<interleaved>} : vector<32xbf16> -> vector<16xf32>
      %unpack3A_3677 = tpu.unpack_subelements %add3A_3675, 1 {pack_format = #tpu.pack_format<interleaved>} : vector<32xbf16> -> vector<16xf32>
      %add3A_3678 = arith.addf %unpack3A_3676, %unpack3A_3677 : vector<16xf32>
      %swap3A_3679 = arith.constant 9 : i32
      %swap3A_3680 = arith.index_cast %swap3A_3679 : i32 to index
      %swap3A_3681 = arith.constant 0 : index
      %swap3A_3682 = tpu.vector_load %arg11[%swap3A_3680, %swap3A_3681] {strides = array<i32>} : memref<16x16xf32, #tpu.memory_space<vmem>>, vector<16xf32>,
      tpu.vector_store %arg11[%swap3A_3680, %swap3A_3681], %add3A_3678 {strides = array<i32>} : memref<16x16xf32, #tpu.memory_space<vmem>>, vector<16xf32>,
      %get3A_3683 = arith.constant 74 : i32
      %get3A_3684 = arith.constant 0 : i32
      %get3A_3685 = arith.constant 0 : i32
      %get3A_3686 = tpu.memref_slice %arg9[%and3A_15, %get3A_3684, %get3A_3685] : memref<8x80x128xbf16, #tpu.memory_space<vmem>> -> memref<1x80x128xbf16, #tpu.memory_space<vmem>>
      %get3A_3687 = tpu.memref_squeeze %get3A_3686 : memref<1x80x128xbf16, #tpu.memory_space<vmem>> -> memref<80x128xbf16, #tpu.memory_space<vmem>>
      %get3A_3688 = arith.index_cast %get3A_3683 : i32 to index
      %get3A_3689 = arith.constant 0 : index
      %get3A_3690 = tpu.vector_load %get3A_3687[%get3A_3688, %get3A_3689] {strides = array<i32>} : memref<80x128xbf16, #tpu.memory_space<vmem>>, vector<32xbf16>,
      %mul3A_3691 = arith.mulf %get3A_3690, %get3A_3690 : vector<32xbf16>
      %get3A_3692 = arith.constant 74 : i32
      %get3A_3693 = arith.constant 0 : i32
      %get3A_3694 = arith.constant 0 : i32
      %get3A_3695 = tpu.memref_slice %arg9[%and3A_15, %get3A_3693, %get3A_3694] : memref<8x80x128xbf16, #tpu.memory_space<vmem>> -> memref<1x80x128xbf16, #tpu.memory_space<vmem>>
      %get3A_3696 = tpu.memref_squeeze %get3A_3695 : memref<1x80x128xbf16, #tpu.memory_space<vmem>> -> memref<80x128xbf16, #tpu.memory_space<vmem>>
      %get3A_3697 = arith.index_cast %get3A_3692 : i32 to index
      %get3A_3698 = arith.constant 32 : index
      %get3A_3699 = tpu.vector_load %get3A_3696[%get3A_3697, %get3A_3698] {strides = array<i32>} : memref<80x128xbf16, #tpu.memory_space<vmem>>, vector<32xbf16>,
      %mul3A_3700 = arith.mulf %get3A_3699, %get3A_3699 : vector<32xbf16>
      %add3A_3701 = arith.addf %mul3A_3691, %mul3A_3700 : vector<32xbf16>
      %get3A_3702 = arith.constant 74 : i32
      %get3A_3703 = arith.constant 0 : i32
      %get3A_3704 = arith.constant 0 : i32
      %get3A_3705 = tpu.memref_slice %arg9[%and3A_15, %get3A_3703, %get3A_3704] : memref<8x80x128xbf16, #tpu.memory_space<vmem>> -> memref<1x80x128xbf16, #tpu.memory_space<vmem>>
      %get3A_3706 = tpu.memref_squeeze %get3A_3705 : memref<1x80x128xbf16, #tpu.memory_space<vmem>> -> memref<80x128xbf16, #tpu.memory_space<vmem>>
      %get3A_3707 = arith.index_cast %get3A_3702 : i32 to index
      %get3A_3708 = arith.constant 64 : index
      %get3A_3709 = tpu.vector_load %get3A_3706[%get3A_3707, %get3A_3708] {strides = array<i32>} : memref<80x128xbf16, #tpu.memory_space<vmem>>, vector<32xbf16>,
      %mul3A_3710 = arith.mulf %get3A_3709, %get3A_3709 : vector<32xbf16>
      %add3A_3711 = arith.addf %add3A_3701, %mul3A_3710 : vector<32xbf16>
      %get3A_3712 = arith.constant 74 : i32
      %get3A_3713 = arith.constant 0 : i32
      %get3A_3714 = arith.constant 0 : i32
      %get3A_3715 = tpu.memref_slice %arg9[%and3A_15, %get3A_3713, %get3A_3714] : memref<8x80x128xbf16, #tpu.memory_space<vmem>> -> memref<1x80x128xbf16, #tpu.memory_space<vmem>>
      %get3A_3716 = tpu.memref_squeeze %get3A_3715 : memref<1x80x128xbf16, #tpu.memory_space<vmem>> -> memref<80x128xbf16, #tpu.memory_space<vmem>>
      %get3A_3717 = arith.index_cast %get3A_3712 : i32 to index
      %get3A_3718 = arith.constant 96 : index
      %get3A_3719 = tpu.vector_load %get3A_3716[%get3A_3717, %get3A_3718] {strides = array<i32>} : memref<80x128xbf16, #tpu.memory_space<vmem>>, vector<32xbf16>,
      %mul3A_3720 = arith.mulf %get3A_3719, %get3A_3719 : vector<32xbf16>
      %add3A_3721 = arith.addf %add3A_3711, %mul3A_3720 : vector<32xbf16>
      %unpack3A_3722 = tpu.unpack_subelements %add3A_3721, 0 {pack_format = #tpu.pack_format<interleaved>} : vector<32xbf16> -> vector<16xf32>
      %unpack3A_3723 = tpu.unpack_subelements %add3A_3721, 1 {pack_format = #tpu.pack_format<interleaved>} : vector<32xbf16> -> vector<16xf32>
      %add3A_3724 = arith.addf %unpack3A_3722, %unpack3A_3723 : vector<16xf32>
      %swap3A_3725 = arith.constant 10 : i32
      %swap3A_3726 = arith.index_cast %swap3A_3725 : i32 to index
      %swap3A_3727 = arith.constant 0 : index
      %swap3A_3728 = tpu.vector_load %arg11[%swap3A_3726, %swap3A_3727] {strides = array<i32>} : memref<16x16xf32, #tpu.memory_space<vmem>>, vector<16xf32>,
      tpu.vector_store %arg11[%swap3A_3726, %swap3A_3727], %add3A_3724 {strides = array<i32>} : memref<16x16xf32, #tpu.memory_space<vmem>>, vector<16xf32>,
      %get3A_3729 = arith.constant 75 : i32
      %get3A_3730 = arith.constant 0 : i32
      %get3A_3731 = arith.constant 0 : i32
      %get3A_3732 = tpu.memref_slice %arg9[%and3A_15, %get3A_3730, %get3A_3731] : memref<8x80x128xbf16, #tpu.memory_space<vmem>> -> memref<1x80x128xbf16, #tpu.memory_space<vmem>>
      %get3A_3733 = tpu.memref_squeeze %get3A_3732 : memref<1x80x128xbf16, #tpu.memory_space<vmem>> -> memref<80x128xbf16, #tpu.memory_space<vmem>>
      %get3A_3734 = arith.index_cast %get3A_3729 : i32 to index
      %get3A_3735 = arith.constant 0 : index
      %get3A_3736 = tpu.vector_load %get3A_3733[%get3A_3734, %get3A_3735] {strides = array<i32>} : memref<80x128xbf16, #tpu.memory_space<vmem>>, vector<32xbf16>,
      %mul3A_3737 = arith.mulf %get3A_3736, %get3A_3736 : vector<32xbf16>
      %get3A_3738 = arith.constant 75 : i32
      %get3A_3739 = arith.constant 0 : i32
      %get3A_3740 = arith.constant 0 : i32
      %get3A_3741 = tpu.memref_slice %arg9[%and3A_15, %get3A_3739, %get3A_3740] : memref<8x80x128xbf16, #tpu.memory_space<vmem>> -> memref<1x80x128xbf16, #tpu.memory_space<vmem>>
      %get3A_3742 = tpu.memref_squeeze %get3A_3741 : memref<1x80x128xbf16, #tpu.memory_space<vmem>> -> memref<80x128xbf16, #tpu.memory_space<vmem>>
      %get3A_3743 = arith.index_cast %get3A_3738 : i32 to index
      %get3A_3744 = arith.constant 32 : index
      %get3A_3745 = tpu.vector_load %get3A_3742[%get3A_3743, %get3A_3744] {strides = array<i32>} : memref<80x128xbf16, #tpu.memory_space<vmem>>, vector<32xbf16>,
      %mul3A_3746 = arith.mulf %get3A_3745, %get3A_3745 : vector<32xbf16>
      %add3A_3747 = arith.addf %mul3A_3737, %mul3A_3746 : vector<32xbf16>
      %get3A_3748 = arith.constant 75 : i32
      %get3A_3749 = arith.constant 0 : i32
      %get3A_3750 = arith.constant 0 : i32
      %get3A_3751 = tpu.memref_slice %arg9[%and3A_15, %get3A_3749, %get3A_3750] : memref<8x80x128xbf16, #tpu.memory_space<vmem>> -> memref<1x80x128xbf16, #tpu.memory_space<vmem>>
      %get3A_3752 = tpu.memref_squeeze %get3A_3751 : memref<1x80x128xbf16, #tpu.memory_space<vmem>> -> memref<80x128xbf16, #tpu.memory_space<vmem>>
      %get3A_3753 = arith.index_cast %get3A_3748 : i32 to index
      %get3A_3754 = arith.constant 64 : index
      %get3A_3755 = tpu.vector_load %get3A_3752[%get3A_3753, %get3A_3754] {strides = array<i32>} : memref<80x128xbf16, #tpu.memory_space<vmem>>, vector<32xbf16>,
      %mul3A_3756 = arith.mulf %get3A_3755, %get3A_3755 : vector<32xbf16>
      %add3A_3757 = arith.addf %add3A_3747, %mul3A_3756 : vector<32xbf16>
      %get3A_3758 = arith.constant 75 : i32
      %get3A_3759 = arith.constant 0 : i32
      %get3A_3760 = arith.constant 0 : i32
      %get3A_3761 = tpu.memref_slice %arg9[%and3A_15, %get3A_3759, %get3A_3760] : memref<8x80x128xbf16, #tpu.memory_space<vmem>> -> memref<1x80x128xbf16, #tpu.memory_space<vmem>>
      %get3A_3762 = tpu.memref_squeeze %get3A_3761 : memref<1x80x128xbf16, #tpu.memory_space<vmem>> -> memref<80x128xbf16, #tpu.memory_space<vmem>>
      %get3A_3763 = arith.index_cast %get3A_3758 : i32 to index
      %get3A_3764 = arith.constant 96 : index
      %get3A_3765 = tpu.vector_load %get3A_3762[%get3A_3763, %get3A_3764] {strides = array<i32>} : memref<80x128xbf16, #tpu.memory_space<vmem>>, vector<32xbf16>,
      %mul3A_3766 = arith.mulf %get3A_3765, %get3A_3765 : vector<32xbf16>
      %add3A_3767 = arith.addf %add3A_3757, %mul3A_3766 : vector<32xbf16>
      %unpack3A_3768 = tpu.unpack_subelements %add3A_3767, 0 {pack_format = #tpu.pack_format<interleaved>} : vector<32xbf16> -> vector<16xf32>
      %unpack3A_3769 = tpu.unpack_subelements %add3A_3767, 1 {pack_format = #tpu.pack_format<interleaved>} : vector<32xbf16> -> vector<16xf32>
      %add3A_3770 = arith.addf %unpack3A_3768, %unpack3A_3769 : vector<16xf32>
      %swap3A_3771 = arith.constant 11 : i32
      %swap3A_3772 = arith.index_cast %swap3A_3771 : i32 to index
      %swap3A_3773 = arith.constant 0 : index
      %swap3A_3774 = tpu.vector_load %arg11[%swap3A_3772, %swap3A_3773] {strides = array<i32>} : memref<16x16xf32, #tpu.memory_space<vmem>>, vector<16xf32>,
      tpu.vector_store %arg11[%swap3A_3772, %swap3A_3773], %add3A_3770 {strides = array<i32>} : memref<16x16xf32, #tpu.memory_space<vmem>>, vector<16xf32>,
      %get3A_3775 = arith.constant 76 : i32
      %get3A_3776 = arith.constant 0 : i32
      %get3A_3777 = arith.constant 0 : i32
      %get3A_3778 = tpu.memref_slice %arg9[%and3A_15, %get3A_3776, %get3A_3777] : memref<8x80x128xbf16, #tpu.memory_space<vmem>> -> memref<1x80x128xbf16, #tpu.memory_space<vmem>>
      %get3A_3779 = tpu.memref_squeeze %get3A_3778 : memref<1x80x128xbf16, #tpu.memory_space<vmem>> -> memref<80x128xbf16, #tpu.memory_space<vmem>>
      %get3A_3780 = arith.index_cast %get3A_3775 : i32 to index
      %get3A_3781 = arith.constant 0 : index
      %get3A_3782 = tpu.vector_load %get3A_3779[%get3A_3780, %get3A_3781] {strides = array<i32>} : memref<80x128xbf16, #tpu.memory_space<vmem>>, vector<32xbf16>,
      %mul3A_3783 = arith.mulf %get3A_3782, %get3A_3782 : vector<32xbf16>
      %get3A_3784 = arith.constant 76 : i32
      %get3A_3785 = arith.constant 0 : i32
      %get3A_3786 = arith.constant 0 : i32
      %get3A_3787 = tpu.memref_slice %arg9[%and3A_15, %get3A_3785, %get3A_3786] : memref<8x80x128xbf16, #tpu.memory_space<vmem>> -> memref<1x80x128xbf16, #tpu.memory_space<vmem>>
      %get3A_3788 = tpu.memref_squeeze %get3A_3787 : memref<1x80x128xbf16, #tpu.memory_space<vmem>> -> memref<80x128xbf16, #tpu.memory_space<vmem>>
      %get3A_3789 = arith.index_cast %get3A_3784 : i32 to index
      %get3A_3790 = arith.constant 32 : index
      %get3A_3791 = tpu.vector_load %get3A_3788[%get3A_3789, %get3A_3790] {strides = array<i32>} : memref<80x128xbf16, #tpu.memory_space<vmem>>, vector<32xbf16>,
      %mul3A_3792 = arith.mulf %get3A_3791, %get3A_3791 : vector<32xbf16>
      %add3A_3793 = arith.addf %mul3A_3783, %mul3A_3792 : vector<32xbf16>
      %get3A_3794 = arith.constant 76 : i32
      %get3A_3795 = arith.constant 0 : i32
      %get3A_3796 = arith.constant 0 : i32
      %get3A_3797 = tpu.memref_slice %arg9[%and3A_15, %get3A_3795, %get3A_3796] : memref<8x80x128xbf16, #tpu.memory_space<vmem>> -> memref<1x80x128xbf16, #tpu.memory_space<vmem>>
      %get3A_3798 = tpu.memref_squeeze %get3A_3797 : memref<1x80x128xbf16, #tpu.memory_space<vmem>> -> memref<80x128xbf16, #tpu.memory_space<vmem>>
      %get3A_3799 = arith.index_cast %get3A_3794 : i32 to index
      %get3A_3800 = arith.constant 64 : index
      %get3A_3801 = tpu.vector_load %get3A_3798[%get3A_3799, %get3A_3800] {strides = array<i32>} : memref<80x128xbf16, #tpu.memory_space<vmem>>, vector<32xbf16>,
      %mul3A_3802 = arith.mulf %get3A_3801, %get3A_3801 : vector<32xbf16>
      %add3A_3803 = arith.addf %add3A_3793, %mul3A_3802 : vector<32xbf16>
      %get3A_3804 = arith.constant 76 : i32
      %get3A_3805 = arith.constant 0 : i32
      %get3A_3806 = arith.constant 0 : i32
      %get3A_3807 = tpu.memref_slice %arg9[%and3A_15, %get3A_3805, %get3A_3806] : memref<8x80x128xbf16, #tpu.memory_space<vmem>> -> memref<1x80x128xbf16, #tpu.memory_space<vmem>>
      %get3A_3808 = tpu.memref_squeeze %get3A_3807 : memref<1x80x128xbf16, #tpu.memory_space<vmem>> -> memref<80x128xbf16, #tpu.memory_space<vmem>>
      %get3A_3809 = arith.index_cast %get3A_3804 : i32 to index
      %get3A_3810 = arith.constant 96 : index
      %get3A_3811 = tpu.vector_load %get3A_3808[%get3A_3809, %get3A_3810] {strides = array<i32>} : memref<80x128xbf16, #tpu.memory_space<vmem>>, vector<32xbf16>,
      %mul3A_3812 = arith.mulf %get3A_3811, %get3A_3811 : vector<32xbf16>
      %add3A_3813 = arith.addf %add3A_3803, %mul3A_3812 : vector<32xbf16>
      %unpack3A_3814 = tpu.unpack_subelements %add3A_3813, 0 {pack_format = #tpu.pack_format<interleaved>} : vector<32xbf16> -> vector<16xf32>
      %unpack3A_3815 = tpu.unpack_subelements %add3A_3813, 1 {pack_format = #tpu.pack_format<interleaved>} : vector<32xbf16> -> vector<16xf32>
      %add3A_3816 = arith.addf %unpack3A_3814, %unpack3A_3815 : vector<16xf32>
      %swap3A_3817 = arith.constant 12 : i32
      %swap3A_3818 = arith.index_cast %swap3A_3817 : i32 to index
      %swap3A_3819 = arith.constant 0 : index
      %swap3A_3820 = tpu.vector_load %arg11[%swap3A_3818, %swap3A_3819] {strides = array<i32>} : memref<16x16xf32, #tpu.memory_space<vmem>>, vector<16xf32>,
      tpu.vector_store %arg11[%swap3A_3818, %swap3A_3819], %add3A_3816 {strides = array<i32>} : memref<16x16xf32, #tpu.memory_space<vmem>>, vector<16xf32>,
      %get3A_3821 = arith.constant 77 : i32
      %get3A_3822 = arith.constant 0 : i32
      %get3A_3823 = arith.constant 0 : i32
      %get3A_3824 = tpu.memref_slice %arg9[%and3A_15, %get3A_3822, %get3A_3823] : memref<8x80x128xbf16, #tpu.memory_space<vmem>> -> memref<1x80x128xbf16, #tpu.memory_space<vmem>>
      %get3A_3825 = tpu.memref_squeeze %get3A_3824 : memref<1x80x128xbf16, #tpu.memory_space<vmem>> -> memref<80x128xbf16, #tpu.memory_space<vmem>>
      %get3A_3826 = arith.index_cast %get3A_3821 : i32 to index
      %get3A_3827 = arith.constant 0 : index
      %get3A_3828 = tpu.vector_load %get3A_3825[%get3A_3826, %get3A_3827] {strides = array<i32>} : memref<80x128xbf16, #tpu.memory_space<vmem>>, vector<32xbf16>,
      %mul3A_3829 = arith.mulf %get3A_3828, %get3A_3828 : vector<32xbf16>
      %get3A_3830 = arith.constant 77 : i32
      %get3A_3831 = arith.constant 0 : i32
      %get3A_3832 = arith.constant 0 : i32
      %get3A_3833 = tpu.memref_slice %arg9[%and3A_15, %get3A_3831, %get3A_3832] : memref<8x80x128xbf16, #tpu.memory_space<vmem>> -> memref<1x80x128xbf16, #tpu.memory_space<vmem>>
      %get3A_3834 = tpu.memref_squeeze %get3A_3833 : memref<1x80x128xbf16, #tpu.memory_space<vmem>> -> memref<80x128xbf16, #tpu.memory_space<vmem>>
      %get3A_3835 = arith.index_cast %get3A_3830 : i32 to index
      %get3A_3836 = arith.constant 32 : index
      %get3A_3837 = tpu.vector_load %get3A_3834[%get3A_3835, %get3A_3836] {strides = array<i32>} : memref<80x128xbf16, #tpu.memory_space<vmem>>, vector<32xbf16>,
      %mul3A_3838 = arith.mulf %get3A_3837, %get3A_3837 : vector<32xbf16>
      %add3A_3839 = arith.addf %mul3A_3829, %mul3A_3838 : vector<32xbf16>
      %get3A_3840 = arith.constant 77 : i32
      %get3A_3841 = arith.constant 0 : i32
      %get3A_3842 = arith.constant 0 : i32
      %get3A_3843 = tpu.memref_slice %arg9[%and3A_15, %get3A_3841, %get3A_3842] : memref<8x80x128xbf16, #tpu.memory_space<vmem>> -> memref<1x80x128xbf16, #tpu.memory_space<vmem>>
      %get3A_3844 = tpu.memref_squeeze %get3A_3843 : memref<1x80x128xbf16, #tpu.memory_space<vmem>> -> memref<80x128xbf16, #tpu.memory_space<vmem>>
      %get3A_3845 = arith.index_cast %get3A_3840 : i32 to index
      %get3A_3846 = arith.constant 64 : index
      %get3A_3847 = tpu.vector_load %get3A_3844[%get3A_3845, %get3A_3846] {strides = array<i32>} : memref<80x128xbf16, #tpu.memory_space<vmem>>, vector<32xbf16>,
      %mul3A_3848 = arith.mulf %get3A_3847, %get3A_3847 : vector<32xbf16>
      %add3A_3849 = arith.addf %add3A_3839, %mul3A_3848 : vector<32xbf16>
      %get3A_3850 = arith.constant 77 : i32
      %get3A_3851 = arith.constant 0 : i32
      %get3A_3852 = arith.constant 0 : i32
      %get3A_3853 = tpu.memref_slice %arg9[%and3A_15, %get3A_3851, %get3A_3852] : memref<8x80x128xbf16, #tpu.memory_space<vmem>> -> memref<1x80x128xbf16, #tpu.memory_space<vmem>>
      %get3A_3854 = tpu.memref_squeeze %get3A_3853 : memref<1x80x128xbf16, #tpu.memory_space<vmem>> -> memref<80x128xbf16, #tpu.memory_space<vmem>>
      %get3A_3855 = arith.index_cast %get3A_3850 : i32 to index
      %get3A_3856 = arith.constant 96 : index
      %get3A_3857 = tpu.vector_load %get3A_3854[%get3A_3855, %get3A_3856] {strides = array<i32>} : memref<80x128xbf16, #tpu.memory_space<vmem>>, vector<32xbf16>,
      %mul3A_3858 = arith.mulf %get3A_3857, %get3A_3857 : vector<32xbf16>
      %add3A_3859 = arith.addf %add3A_3849, %mul3A_3858 : vector<32xbf16>
      %unpack3A_3860 = tpu.unpack_subelements %add3A_3859, 0 {pack_format = #tpu.pack_format<interleaved>} : vector<32xbf16> -> vector<16xf32>
      %unpack3A_3861 = tpu.unpack_subelements %add3A_3859, 1 {pack_format = #tpu.pack_format<interleaved>} : vector<32xbf16> -> vector<16xf32>
      %add3A_3862 = arith.addf %unpack3A_3860, %unpack3A_3861 : vector<16xf32>
      %swap3A_3863 = arith.constant 13 : i32
      %swap3A_3864 = arith.index_cast %swap3A_3863 : i32 to index
      %swap3A_3865 = arith.constant 0 : index
      %swap3A_3866 = tpu.vector_load %arg11[%swap3A_3864, %swap3A_3865] {strides = array<i32>} : memref<16x16xf32, #tpu.memory_space<vmem>>, vector<16xf32>,
      tpu.vector_store %arg11[%swap3A_3864, %swap3A_3865], %add3A_3862 {strides = array<i32>} : memref<16x16xf32, #tpu.memory_space<vmem>>, vector<16xf32>,
      %get3A_3867 = arith.constant 78 : i32
      %get3A_3868 = arith.constant 0 : i32
      %get3A_3869 = arith.constant 0 : i32
      %get3A_3870 = tpu.memref_slice %arg9[%and3A_15, %get3A_3868, %get3A_3869] : memref<8x80x128xbf16, #tpu.memory_space<vmem>> -> memref<1x80x128xbf16, #tpu.memory_space<vmem>>
      %get3A_3871 = tpu.memref_squeeze %get3A_3870 : memref<1x80x128xbf16, #tpu.memory_space<vmem>> -> memref<80x128xbf16, #tpu.memory_space<vmem>>
      %get3A_3872 = arith.index_cast %get3A_3867 : i32 to index
      %get3A_3873 = arith.constant 0 : index
      %get3A_3874 = tpu.vector_load %get3A_3871[%get3A_3872, %get3A_3873] {strides = array<i32>} : memref<80x128xbf16, #tpu.memory_space<vmem>>, vector<32xbf16>,
      %mul3A_3875 = arith.mulf %get3A_3874, %get3A_3874 : vector<32xbf16>
      %get3A_3876 = arith.constant 78 : i32
      %get3A_3877 = arith.constant 0 : i32
      %get3A_3878 = arith.constant 0 : i32
      %get3A_3879 = tpu.memref_slice %arg9[%and3A_15, %get3A_3877, %get3A_3878] : memref<8x80x128xbf16, #tpu.memory_space<vmem>> -> memref<1x80x128xbf16, #tpu.memory_space<vmem>>
      %get3A_3880 = tpu.memref_squeeze %get3A_3879 : memref<1x80x128xbf16, #tpu.memory_space<vmem>> -> memref<80x128xbf16, #tpu.memory_space<vmem>>
      %get3A_3881 = arith.index_cast %get3A_3876 : i32 to index
      %get3A_3882 = arith.constant 32 : index
      %get3A_3883 = tpu.vector_load %get3A_3880[%get3A_3881, %get3A_3882] {strides = array<i32>} : memref<80x128xbf16, #tpu.memory_space<vmem>>, vector<32xbf16>,
      %mul3A_3884 = arith.mulf %get3A_3883, %get3A_3883 : vector<32xbf16>
      %add3A_3885 = arith.addf %mul3A_3875, %mul3A_3884 : vector<32xbf16>
      %get3A_3886 = arith.constant 78 : i32
      %get3A_3887 = arith.constant 0 : i32
      %get3A_3888 = arith.constant 0 : i32
      %get3A_3889 = tpu.memref_slice %arg9[%and3A_15, %get3A_3887, %get3A_3888] : memref<8x80x128xbf16, #tpu.memory_space<vmem>> -> memref<1x80x128xbf16, #tpu.memory_space<vmem>>
      %get3A_3890 = tpu.memref_squeeze %get3A_3889 : memref<1x80x128xbf16, #tpu.memory_space<vmem>> -> memref<80x128xbf16, #tpu.memory_space<vmem>>
      %get3A_3891 = arith.index_cast %get3A_3886 : i32 to index
      %get3A_3892 = arith.constant 64 : index
      %get3A_3893 = tpu.vector_load %get3A_3890[%get3A_3891, %get3A_3892] {strides = array<i32>} : memref<80x128xbf16, #tpu.memory_space<vmem>>, vector<32xbf16>,
      %mul3A_3894 = arith.mulf %get3A_3893, %get3A_3893 : vector<32xbf16>
      %add3A_3895 = arith.addf %add3A_3885, %mul3A_3894 : vector<32xbf16>
      %get3A_3896 = arith.constant 78 : i32
      %get3A_3897 = arith.constant 0 : i32
      %get3A_3898 = arith.constant 0 : i32
      %get3A_3899 = tpu.memref_slice %arg9[%and3A_15, %get3A_3897, %get3A_3898] : memref<8x80x128xbf16, #tpu.memory_space<vmem>> -> memref<1x80x128xbf16, #tpu.memory_space<vmem>>
      %get3A_3900 = tpu.memref_squeeze %get3A_3899 : memref<1x80x128xbf16, #tpu.memory_space<vmem>> -> memref<80x128xbf16, #tpu.memory_space<vmem>>
      %get3A_3901 = arith.index_cast %get3A_3896 : i32 to index
      %get3A_3902 = arith.constant 96 : index
      %get3A_3903 = tpu.vector_load %get3A_3900[%get3A_3901, %get3A_3902] {strides = array<i32>} : memref<80x128xbf16, #tpu.memory_space<vmem>>, vector<32xbf16>,
      %mul3A_3904 = arith.mulf %get3A_3903, %get3A_3903 : vector<32xbf16>
      %add3A_3905 = arith.addf %add3A_3895, %mul3A_3904 : vector<32xbf16>
      %unpack3A_3906 = tpu.unpack_subelements %add3A_3905, 0 {pack_format = #tpu.pack_format<interleaved>} : vector<32xbf16> -> vector<16xf32>
      %unpack3A_3907 = tpu.unpack_subelements %add3A_3905, 1 {pack_format = #tpu.pack_format<interleaved>} : vector<32xbf16> -> vector<16xf32>
      %add3A_3908 = arith.addf %unpack3A_3906, %unpack3A_3907 : vector<16xf32>
      %swap3A_3909 = arith.constant 14 : i32
      %swap3A_3910 = arith.index_cast %swap3A_3909 : i32 to index
      %swap3A_3911 = arith.constant 0 : index
      %swap3A_3912 = tpu.vector_load %arg11[%swap3A_3910, %swap3A_3911] {strides = array<i32>} : memref<16x16xf32, #tpu.memory_space<vmem>>, vector<16xf32>,
      tpu.vector_store %arg11[%swap3A_3910, %swap3A_3911], %add3A_3908 {strides = array<i32>} : memref<16x16xf32, #tpu.memory_space<vmem>>, vector<16xf32>,
      %get3A_3913 = arith.constant 79 : i32
      %get3A_3914 = arith.constant 0 : i32
      %get3A_3915 = arith.constant 0 : i32
      %get3A_3916 = tpu.memref_slice %arg9[%and3A_15, %get3A_3914, %get3A_3915] : memref<8x80x128xbf16, #tpu.memory_space<vmem>> -> memref<1x80x128xbf16, #tpu.memory_space<vmem>>
      %get3A_3917 = tpu.memref_squeeze %get3A_3916 : memref<1x80x128xbf16, #tpu.memory_space<vmem>> -> memref<80x128xbf16, #tpu.memory_space<vmem>>
      %get3A_3918 = arith.index_cast %get3A_3913 : i32 to index
      %get3A_3919 = arith.constant 0 : index
      %get3A_3920 = tpu.vector_load %get3A_3917[%get3A_3918, %get3A_3919] {strides = array<i32>} : memref<80x128xbf16, #tpu.memory_space<vmem>>, vector<32xbf16>,
      %mul3A_3921 = arith.mulf %get3A_3920, %get3A_3920 : vector<32xbf16>
      %get3A_3922 = arith.constant 79 : i32
      %get3A_3923 = arith.constant 0 : i32
      %get3A_3924 = arith.constant 0 : i32
      %get3A_3925 = tpu.memref_slice %arg9[%and3A_15, %get3A_3923, %get3A_3924] : memref<8x80x128xbf16, #tpu.memory_space<vmem>> -> memref<1x80x128xbf16, #tpu.memory_space<vmem>>
      %get3A_3926 = tpu.memref_squeeze %get3A_3925 : memref<1x80x128xbf16, #tpu.memory_space<vmem>> -> memref<80x128xbf16, #tpu.memory_space<vmem>>
      %get3A_3927 = arith.index_cast %get3A_3922 : i32 to index
      %get3A_3928 = arith.constant 32 : index
      %get3A_3929 = tpu.vector_load %get3A_3926[%get3A_3927, %get3A_3928] {strides = array<i32>} : memref<80x128xbf16, #tpu.memory_space<vmem>>, vector<32xbf16>,
      %mul3A_3930 = arith.mulf %get3A_3929, %get3A_3929 : vector<32xbf16>
      %add3A_3931 = arith.addf %mul3A_3921, %mul3A_3930 : vector<32xbf16>
      %get3A_3932 = arith.constant 79 : i32
      %get3A_3933 = arith.constant 0 : i32
      %get3A_3934 = arith.constant 0 : i32
      %get3A_3935 = tpu.memref_slice %arg9[%and3A_15, %get3A_3933, %get3A_3934] : memref<8x80x128xbf16, #tpu.memory_space<vmem>> -> memref<1x80x128xbf16, #tpu.memory_space<vmem>>
      %get3A_3936 = tpu.memref_squeeze %get3A_3935 : memref<1x80x128xbf16, #tpu.memory_space<vmem>> -> memref<80x128xbf16, #tpu.memory_space<vmem>>
      %get3A_3937 = arith.index_cast %get3A_3932 : i32 to index
      %get3A_3938 = arith.constant 64 : index
      %get3A_3939 = tpu.vector_load %get3A_3936[%get3A_3937, %get3A_3938] {strides = array<i32>} : memref<80x128xbf16, #tpu.memory_space<vmem>>, vector<32xbf16>,
      %mul3A_3940 = arith.mulf %get3A_3939, %get3A_3939 : vector<32xbf16>
      %add3A_3941 = arith.addf %add3A_3931, %mul3A_3940 : vector<32xbf16>
      %get3A_3942 = arith.constant 79 : i32
      %get3A_3943 = arith.constant 0 : i32
      %get3A_3944 = arith.constant 0 : i32
      %get3A_3945 = tpu.memref_slice %arg9[%and3A_15, %get3A_3943, %get3A_3944] : memref<8x80x128xbf16, #tpu.memory_space<vmem>> -> memref<1x80x128xbf16, #tpu.memory_space<vmem>>
      %get3A_3946 = tpu.memref_squeeze %get3A_3945 : memref<1x80x128xbf16, #tpu.memory_space<vmem>> -> memref<80x128xbf16, #tpu.memory_space<vmem>>
      %get3A_3947 = arith.index_cast %get3A_3942 : i32 to index
      %get3A_3948 = arith.constant 96 : index
      %get3A_3949 = tpu.vector_load %get3A_3946[%get3A_3947, %get3A_3948] {strides = array<i32>} : memref<80x128xbf16, #tpu.memory_space<vmem>>, vector<32xbf16>,
      %mul3A_3950 = arith.mulf %get3A_3949, %get3A_3949 : vector<32xbf16>
      %add3A_3951 = arith.addf %add3A_3941, %mul3A_3950 : vector<32xbf16>
      %unpack3A_3952 = tpu.unpack_subelements %add3A_3951, 0 {pack_format = #tpu.pack_format<interleaved>} : vector<32xbf16> -> vector<16xf32>
      %unpack3A_3953 = tpu.unpack_subelements %add3A_3951, 1 {pack_format = #tpu.pack_format<interleaved>} : vector<32xbf16> -> vector<16xf32>
      %add3A_3954 = arith.addf %unpack3A_3952, %unpack3A_3953 : vector<16xf32>
      %swap3A_3955 = arith.constant 15 : i32
      %swap3A_3956 = arith.index_cast %swap3A_3955 : i32 to index
      %swap3A_3957 = arith.constant 0 : index
      %swap3A_3958 = tpu.vector_load %arg11[%swap3A_3956, %swap3A_3957] {strides = array<i32>} : memref<16x16xf32, #tpu.memory_space<vmem>>, vector<16xf32>,
      tpu.vector_store %arg11[%swap3A_3956, %swap3A_3957], %add3A_3954 {strides = array<i32>} : memref<16x16xf32, #tpu.memory_space<vmem>>, vector<16xf32>,
      %broadcast_in_dim3A_3959 = arith.constant 0 : i32
      %broadcast_in_dim3A_3960 = vector.broadcast %broadcast_in_dim3A_3959 : i32 to vector<16xi32>
      %gather3A_3961 = tpu.vector_load_idx %arg11[%iota3A, %broadcast_in_dim3A_3960] : memref<16x16xf32, #tpu.memory_space<vmem>>[vector<16xi32>, vector<16xi32>], vector<16xf32>,
      %broadcast_in_dim3A_3962 = arith.constant 1 : i32
      %broadcast_in_dim3A_3963 = vector.broadcast %broadcast_in_dim3A_3962 : i32 to vector<16xi32>
      %gather3A_3964 = tpu.vector_load_idx %arg11[%iota3A, %broadcast_in_dim3A_3963] : memref<16x16xf32, #tpu.memory_space<vmem>>[vector<16xi32>, vector<16xi32>], vector<16xf32>,
      %broadcast_in_dim3A_3965 = arith.constant 2 : i32
      %broadcast_in_dim3A_3966 = vector.broadcast %broadcast_in_dim3A_3965 : i32 to vector<16xi32>
      %gather3A_3967 = tpu.vector_load_idx %arg11[%iota3A, %broadcast_in_dim3A_3966] : memref<16x16xf32, #tpu.memory_space<vmem>>[vector<16xi32>, vector<16xi32>], vector<16xf32>,
      %broadcast_in_dim3A_3968 = arith.constant 3 : i32
      %broadcast_in_dim3A_3969 = vector.broadcast %broadcast_in_dim3A_3968 : i32 to vector<16xi32>
      %gather3A_3970 = tpu.vector_load_idx %arg11[%iota3A, %broadcast_in_dim3A_3969] : memref<16x16xf32, #tpu.memory_space<vmem>>[vector<16xi32>, vector<16xi32>], vector<16xf32>,
      %broadcast_in_dim3A_3971 = arith.constant 4 : i32
      %broadcast_in_dim3A_3972 = vector.broadcast %broadcast_in_dim3A_3971 : i32 to vector<16xi32>
      %gather3A_3973 = tpu.vector_load_idx %arg11[%iota3A, %broadcast_in_dim3A_3972] : memref<16x16xf32, #tpu.memory_space<vmem>>[vector<16xi32>, vector<16xi32>], vector<16xf32>,
      %broadcast_in_dim3A_3974 = arith.constant 5 : i32
      %broadcast_in_dim3A_3975 = vector.broadcast %broadcast_in_dim3A_3974 : i32 to vector<16xi32>
      %gather3A_3976 = tpu.vector_load_idx %arg11[%iota3A, %broadcast_in_dim3A_3975] : memref<16x16xf32, #tpu.memory_space<vmem>>[vector<16xi32>, vector<16xi32>], vector<16xf32>,
      %broadcast_in_dim3A_3977 = arith.constant 6 : i32
      %broadcast_in_dim3A_3978 = vector.broadcast %broadcast_in_dim3A_3977 : i32 to vector<16xi32>
      %gather3A_3979 = tpu.vector_load_idx %arg11[%iota3A, %broadcast_in_dim3A_3978] : memref<16x16xf32, #tpu.memory_space<vmem>>[vector<16xi32>, vector<16xi32>], vector<16xf32>,
      %broadcast_in_dim3A_3980 = arith.constant 7 : i32
      %broadcast_in_dim3A_3981 = vector.broadcast %broadcast_in_dim3A_3980 : i32 to vector<16xi32>
      %gather3A_3982 = tpu.vector_load_idx %arg11[%iota3A, %broadcast_in_dim3A_3981] : memref<16x16xf32, #tpu.memory_space<vmem>>[vector<16xi32>, vector<16xi32>], vector<16xf32>,
      %broadcast_in_dim3A_3983 = arith.constant 8 : i32
      %broadcast_in_dim3A_3984 = vector.broadcast %broadcast_in_dim3A_3983 : i32 to vector<16xi32>
      %gather3A_3985 = tpu.vector_load_idx %arg11[%iota3A, %broadcast_in_dim3A_3984] : memref<16x16xf32, #tpu.memory_space<vmem>>[vector<16xi32>, vector<16xi32>], vector<16xf32>,
      %broadcast_in_dim3A_3986 = arith.constant 9 : i32
      %broadcast_in_dim3A_3987 = vector.broadcast %broadcast_in_dim3A_3986 : i32 to vector<16xi32>
      %gather3A_3988 = tpu.vector_load_idx %arg11[%iota3A, %broadcast_in_dim3A_3987] : memref<16x16xf32, #tpu.memory_space<vmem>>[vector<16xi32>, vector<16xi32>], vector<16xf32>,
      %broadcast_in_dim3A_3989 = arith.constant 10 : i32
      %broadcast_in_dim3A_3990 = vector.broadcast %broadcast_in_dim3A_3989 : i32 to vector<16xi32>
      %gather3A_3991 = tpu.vector_load_idx %arg11[%iota3A, %broadcast_in_dim3A_3990] : memref<16x16xf32, #tpu.memory_space<vmem>>[vector<16xi32>, vector<16xi32>], vector<16xf32>,
      %broadcast_in_dim3A_3992 = arith.constant 11 : i32
      %broadcast_in_dim3A_3993 = vector.broadcast %broadcast_in_dim3A_3992 : i32 to vector<16xi32>
      %gather3A_3994 = tpu.vector_load_idx %arg11[%iota3A, %broadcast_in_dim3A_3993] : memref<16x16xf32, #tpu.memory_space<vmem>>[vector<16xi32>, vector<16xi32>], vector<16xf32>,
      %broadcast_in_dim3A_3995 = arith.constant 12 : i32
      %broadcast_in_dim3A_3996 = vector.broadcast %broadcast_in_dim3A_3995 : i32 to vector<16xi32>
      %gather3A_3997 = tpu.vector_load_idx %arg11[%iota3A, %broadcast_in_dim3A_3996] : memref<16x16xf32, #tpu.memory_space<vmem>>[vector<16xi32>, vector<16xi32>], vector<16xf32>,
      %broadcast_in_dim3A_3998 = arith.constant 13 : i32
      %broadcast_in_dim3A_3999 = vector.broadcast %broadcast_in_dim3A_3998 : i32 to vector<16xi32>
      %gather3A_4000 = tpu.vector_load_idx %arg11[%iota3A, %broadcast_in_dim3A_3999] : memref<16x16xf32, #tpu.memory_space<vmem>>[vector<16xi32>, vector<16xi32>], vector<16xf32>,
      %broadcast_in_dim3A_4001 = arith.constant 14 : i32
      %broadcast_in_dim3A_4002 = vector.broadcast %broadcast_in_dim3A_4001 : i32 to vector<16xi32>
      %gather3A_4003 = tpu.vector_load_idx %arg11[%iota3A, %broadcast_in_dim3A_4002] : memref<16x16xf32, #tpu.memory_space<vmem>>[vector<16xi32>, vector<16xi32>], vector<16xf32>,
      %broadcast_in_dim3A_4004 = arith.constant 15 : i32
      %broadcast_in_dim3A_4005 = vector.broadcast %broadcast_in_dim3A_4004 : i32 to vector<16xi32>
      %gather3A_4006 = tpu.vector_load_idx %arg11[%iota3A, %broadcast_in_dim3A_4005] : memref<16x16xf32, #tpu.memory_space<vmem>>[vector<16xi32>, vector<16xi32>], vector<16xf32>,
      %add3A_4007 = arith.addf %gather3A_3961, %gather3A_3964 : vector<16xf32>
      %add3A_4008 = arith.addf %gather3A_3967, %gather3A_3970 : vector<16xf32>
      %add3A_4009 = arith.addf %gather3A_3973, %gather3A_3976 : vector<16xf32>
      %add3A_4010 = arith.addf %gather3A_3979, %gather3A_3982 : vector<16xf32>
      %add3A_4011 = arith.addf %gather3A_3985, %gather3A_3988 : vector<16xf32>
      %add3A_4012 = arith.addf %gather3A_3991, %gather3A_3994 : vector<16xf32>
      %add3A_4013 = arith.addf %gather3A_3997, %gather3A_4000 : vector<16xf32>
      %add3A_4014 = arith.addf %gather3A_4003, %gather3A_4006 : vector<16xf32>
      %add3A_4015 = arith.addf %add3A_4007, %add3A_4008 : vector<16xf32>
      %add3A_4016 = arith.addf %add3A_4009, %add3A_4010 : vector<16xf32>
      %add3A_4017 = arith.addf %add3A_4011, %add3A_4012 : vector<16xf32>
      %add3A_4018 = arith.addf %add3A_4013, %add3A_4014 : vector<16xf32>
      %add3A_4019 = arith.addf %add3A_4015, %add3A_4016 : vector<16xf32>
      %add3A_4020 = arith.addf %add3A_4017, %add3A_4018 : vector<16xf32>
      %add3A_4021 = arith.addf %add3A_4019, %add3A_4020 : vector<16xf32>
      %add3A_4022 = arith.constant 64 : i32
      %add3A_4023 = vector.broadcast %add3A_4022 : i32 to vector<16xi32>
      %add3A_4024 = arith.addi %add3A_18, %add3A_4023 : vector<16xi32>
      tpu.vector_store_idx %arg10[%add3A_4024], %add3A_4021 : memref<10000xf32, #tpu.memory_space<vmem>>[vector<16xi32>], vector<16xf32>,
    }
    %scan3A_7 = arith.constant 125 : i32
    %scan3A_8 = arith.constant 0 : i32
    %scan3A_9 = arith.constant 0 : i32
    %scan3A_10 = arith.constant 625 : i32
    %scan3A_11 = arith.addi %scan3A_9, %scan3A_10 : i32
    %scan3A_12 = arith.constant 1 : i32
    scf.for %scan3A_14 = %scan3A_9 to %scan3A_11 step %scan3A_12  : i32 {
      %mul3A_15 = arith.constant 16 : i32
      %mul3A_16 = arith.muli %scan3A_14, %mul3A_15 : i32
      %get3A = arith.index_cast %mul3A_16 : i32 to index
      %get3A_17 = tpu.vector_load %arg10[%get3A] {strides = array<i32>} : memref<10000xf32, #tpu.memory_space<vmem>>, vector<16xf32>,
      %sub3A = arith.constant 2.000000e+00 : f32
      %sub3A_18 = vector.broadcast %sub3A : f32 to vector<16xf32>
      %sub3A_19 = arith.subf %get3A_17, %sub3A_18 : vector<16xf32>
      %mul3A_20 = arith.constant 1.000000e+00 : f32
      %mul3A_21 = vector.broadcast %mul3A_20 : f32 to vector<16xf32>
      %mul3A_22 = arith.mulf %sub3A_19, %mul3A_21 : vector<16xf32>
      %exp3A = math.exp %mul3A_22 : vector<16xf32>
      %add3A_23 = arith.constant 1.000000e+00 : f32
      %add3A_24 = vector.broadcast %add3A_23 : f32 to vector<16xf32>
      %add3A_25 = arith.addf %exp3A, %add3A_24 : vector<16xf32>
      %div3A = arith.constant 1.000000e+00 : f32
      %div3A_26 = vector.broadcast %div3A : f32 to vector<16xf32>
      %div3A_27 = arith.divf %div3A_26, %add3A_25 : vector<16xf32>
      %mul3A_28 = arith.constant 16 : i32
      %mul3A_29 = arith.muli %scan3A_14, %mul3A_28 : i32
      %swap3A = arith.index_cast %mul3A_29 : i32 to index
      %swap3A_30 = tpu.vector_load %arg10[%swap3A] {strides = array<i32>} : memref<10000xf32, #tpu.memory_space<vmem>>, vector<16xf32>,
      tpu.vector_store %arg10[%swap3A], %div3A_27 {strides = array<i32>} : memref<10000xf32, #tpu.memory_space<vmem>>, vector<16xf32>,
    }
    %scan3A_13 = arith.constant 625 : i32
    "tpu.region"() ({
      %run_scoped3A = tpu.sem_alloc : memref<!tpu.dma_semaphore, #tpu.memory_space<semaphore_mem>>
      %dma_start3A = tpu.memref_slice %arg6[%mul3A_2] : memref<320000xf32, #tpu.memory_space<hbm>> -> memref<10000xf32, #tpu.memory_space<hbm>>
      %dma_start3A_14 = tpu.memref_slice %arg6[%mul3A_2] : memref<320000xf32, #tpu.memory_space<hbm>> -> memref<10000xf32, #tpu.memory_space<hbm>>
      tpu.enqueue_dma source(%arg10 : memref<10000xf32, #tpu.memory_space<vmem>>) target(%dma_start3A_14 : memref<10000xf32, #tpu.memory_space<hbm>>) target_semaphore(%run_scoped3A : memref<!tpu.dma_semaphore, #tpu.memory_space<semaphore_mem>>)
      %dma_wait3A = tpu.memref_slice %arg6[%mul3A_2] : memref<320000xf32, #tpu.memory_space<hbm>> -> memref<10000xf32, #tpu.memory_space<hbm>>
      %dma_wait3A_15 = tpu.memref_slice %arg6[%mul3A_2] : memref<320000xf32, #tpu.memory_space<hbm>> -> memref<10000xf32, #tpu.memory_space<hbm>>
      tpu.wait_dma2 semaphore(%run_scoped3A : memref<!tpu.dma_semaphore, #tpu.memory_space<semaphore_mem>>) src(%arg10 : memref<10000xf32, #tpu.memory_space<vmem>>) dst(%dma_wait3A_15 : memref<10000xf32, #tpu.memory_space<hbm>>)
      tpu.yield
    }) : () -> ()
    return
  }
}

</mosaic_0001>

<sc_bundles>
// kernel: _lp_call.3.cloned.1.call-start
scs
__scs_entry_jumppad:
0x0: {  	(pc) =	sbr.rel $0x88, $3  }
0x1: {  	(tag) =	ssettag $0x0;
	lr =	simm.s32 $0x1  }
0x2: {  	[smem:$0x3F9D] =	sst lr;
	_ =	strace $0xD0000000  }
0x3: {  	_ = 	snop  }
0x4: {  	_ = 	snop  }
0x5: {  	_ = 	snop  }
0x6: {  	_ = 	snop  }
0x7: {  	_ = 	snop  }
__scs_overlays_trampoline_lowered:
0x8: {  	[smem:$0x3FAC] =	sst s0  }
0x9: {  	[smem:$0x3FAD] =	sst s1  }
0xa: {  	[smem:$0x3FAE] =	sst s2  }
0xb: {  	[smem:$0x3FAF] =	sst s3  }
0xc: {  	[smem:$0x3FB0] =	sst s4  }
0xd: {  	[smem:$0x3FB1] =	sst s5  }
0xe: {  	[smem:$0x3FB2] =	sst s6  }
0xf: {  	[smem:$0x3FB3] =	sst s7  }
0x10: {  	[smem:$0x3FB4] =	sst s8  }
0x11: {  	[smem:$0x3FB5] =	sst s9;
	s0 =	simm.s32 @!p0 $0x0  }
0x12: {  	s1 =	sld [smem:$0x3F9B];
	s0 =	simm.s32 @p0 $0x1  }
0x13: {  	[smem:$0x3FB6] =	sst s0;
	s0 =	simm.s32 @!p1 $0x0  }
0x14: {  	s2 =	sld [smem:$0x3F9A];
	s0 =	simm.s32 @p1 $0x1  }
0x15: {  	[smem:$0x3FB7] =	sst s0;
	s0 =	simm.s32 @!p2 $0x0  }
0x16: {  	s3 =	sld [smem:$0x3FDB];
	s0 =	simm.s32 @p2 $0x1  }
0x17: {  	s4 =	simm.s32 $0x1BF5;
	[smem:$0x3FB9] =	sst s0  }
0x18: {  	s0 =	sld [smem:$0x3F9C];
	_ =	swait.ge [sflag:s4], $0x0  }
0x19: {  	s7 =	sld [smem:$0x3F9D]  }
0x1a: {  	s8 =	sadd.s32 $0xFFFFE003, lr  }
0x1b: {  	s9 =	sadd.s32 $0xFFFFFEF7, lr;
	s5 =	simm.s32 $0xFFFFFFFF;
	p2 =	slt.u32 s8, $0xFFFFF086  }
0x1c: {  	p1 =	slt.u32 s9, $0xF7A;
	s5 =	simm.s32 @!p2 $0x0  }
0x1d: {  	s5 =	simm.s32 @p1 $0x1;
	p0 =	seq.s32 s7, s2  }
0x1e: {  	s7 =	smul.u32 @!p0 $0xF7A, s2;
	p2 =	seq.s32 @!p0 s5, $0x0  }
0x1f: {  	s9 =	smul.u32 $0xF7A, s1;
	s8 =	simm.s32 @!p0 $0x1BF5;
	p2 =	por !p2, p0  }
0x20: {  	[sflag:s8] =	ssyncset.s32 @!p0 $0xFFFFF086;
	s6 =	sadd.s32 @!p0 s3, s7;
	s7 =	simm.s32 @!p0 $0x108  }
0x21: {  	s3 =	sadd.s32 s3, s9;
	s6 =	sadd.s32 @!p0 $0x88, s6;
	s7 =	simm.s32 @p2 $0x1082  }
0x22: {  	[simem:s7], [sflag:s8] =	dma.local @!p0 [hbm:s6], $0xF7A  }
0x23: {  	s9 =	sor.u32 $0xD0000000, s2;
	s6 =	simm.s32 $0x108;
	_ =	swait.ge @!p0 [sflag:s8], $0x0  }
0x24: {  	s3 =	sadd.s32 $0x88, s3;
	s6 =	simm.s32 @!p1 $0x1082;
	[sflag:s4] =	ssyncset.s32 $0xFFFFF086  }
0x25: {  	[simem:s6], [sflag:s4] =	dma.local [hbm:s3], $0xF7A  }
0x26: {  	[smem:$0x3F9D] =	sst s1;
	(tag) =	ssettag s2;
	_ =	strace s9  }
0x27: {  	s1 =	sld [smem:$0x3FAD]  }
0x28: {  	s2 =	sld [smem:$0x3FAE]  }
0x29: {  	s4 =	sld [smem:$0x3FB0]  }
0x2a: {  	p0 =	seq.s32 s5, $0x0;
	s5 =	sld [smem:$0x3FB1]  }
0x2b: {  	s6 =	sld [smem:$0x3FB2]  }
0x2c: {  	s7 =	sld [smem:$0x3FB3]  }
0x2d: {  	s3 =	simm.s32 $0x108;
	s8 =	sld [smem:$0x3FB4]  }
0x2e: {  	s3 =	simm.s32 @!p0 $0x1082;
	s9 =	sld [smem:$0x3FB5]  }
0x2f: {  	lr =	sadd.s32 s0, s3;
	s0 =	sld [smem:$0x3FAC]  }
0x30: {  	s3 =	sld [smem:$0x3FAF]  }
0x31: {  	[smem:$0x3FB8] =	sst s10  }
0x32: {  	s10 =	sld [smem:$0x3FB6];
	_ =	sdelay $0x3  }
0x33: {  	p0 =	seq.s32 s10, $0x1;
	s10 =	sld [smem:$0x3FB8];
	_ =	sdelay $0x3  }
0x34: {  	[smem:$0x3FB8] =	sst s10  }
0x35: {  	s10 =	sld [smem:$0x3FB7];
	_ =	sdelay $0x3  }
0x36: {  	p1 =	seq.s32 s10, $0x1;
	s10 =	sld [smem:$0x3FB8];
	_ =	sdelay $0x3  }
0x37: {  	[smem:$0x3FB8] =	sst s10  }
0x38: {  	s10 =	sld [smem:$0x3FB9]  }
0x39: {  	_ = 	snop;
	(pc) =	sbr.ind lr, $3  }
0x3a: {  	_ = 	snop  }
0x3b: {  	_ = 	snop  }
0x3c: {  	p2 =	seq.s32 s10, $0x1;
	s10 =	sld [smem:$0x3FB8]  }
0x3d: {  	_ =	shalt  }
0x3e: {  	_ =	shalt  }
0x3f: {  	_ =	shalt  }
0x40: {  	_ =	shalt  }
0x41: {  	_ =	shalt  }
0x42: {  	_ =	shalt  }
0x43: {  	_ =	shalt  }
0x44: {  	_ =	shalt  }
0x45: {  	_ =	shalt  }
0x46: {  	_ =	shalt  }
0x47: {  	_ =	shalt  }
0x48: {  	_ =	shalt  }
0x49: {  	_ =	shalt  }
0x4a: {  	_ =	shalt  }
0x4b: {  	_ =	shalt  }
0x4c: {  	_ =	shalt  }
0x4d: {  	_ =	shalt  }
0x4e: {  	_ =	shalt  }
0x4f: {  	_ =	shalt  }
0x50: {  	_ =	shalt  }
0x51: {  	_ =	shalt  }
0x52: {  	_ =	shalt  }
0x53: {  	_ =	shalt  }
0x54: {  	_ =	shalt  }
0x55: {  	_ =	shalt  }
0x56: {  	_ =	shalt  }
0x57: {  	_ =	shalt  }
0x58: {  	_ =	shalt  }
0x59: {  	_ =	shalt  }
0x5a: {  	_ =	shalt  }
0x5b: {  	_ =	shalt  }
0x5c: {  	_ =	shalt  }
0x5d: {  	_ =	shalt  }
0x5e: {  	_ =	shalt  }
0x5f: {  	_ =	shalt  }
0x60: {  	_ =	shalt  }
0x61: {  	_ =	shalt  }
0x62: {  	_ =	shalt  }
0x63: {  	_ =	shalt  }
0x64: {  	_ =	shalt  }
0x65: {  	_ =	shalt  }
0x66: {  	_ =	shalt  }
0x67: {  	_ =	shalt  }
0x68: {  	_ =	shalt  }
0x69: {  	_ =	shalt  }
0x6a: {  	_ =	shalt  }
0x6b: {  	_ =	shalt  }
0x6c: {  	_ =	shalt  }
0x6d: {  	_ =	shalt  }
0x6e: {  	_ =	shalt  }
0x6f: {  	_ =	shalt  }
0x70: {  	_ =	shalt  }
0x71: {  	_ =	shalt  }
0x72: {  	_ =	shalt  }
0x73: {  	_ =	shalt  }
0x74: {  	_ =	shalt  }
0x75: {  	_ =	shalt  }
0x76: {  	_ =	shalt  }
0x77: {  	_ =	shalt  }
0x78: {  	_ =	shalt  }
0x79: {  	_ =	shalt  }
0x7a: {  	_ =	shalt  }
0x7b: {  	_ =	shalt  }
0x7c: {  	_ =	shalt  }
0x7d: {  	_ =	shalt  }
0x7e: {  	_ =	shalt  }
0x7f: {  	_ =	shalt  }
0x80: {  	_ =	shalt  }
0x81: {  	_ =	shalt  }
0x82: {  	_ =	shalt  }
0x83: {  	_ =	shalt  }
0x84: {  	_ =	shalt  }
0x85: {  	_ =	shalt  }
0x86: {  	_ =	shalt  }
0x87: {  	_ =	shalt  }
.Lfunc_end0:
.L_simem_size_0:
called_computation_lowered:
.L_overlay_start_0:
0x88: {  	s2 =	sld [smem:$0x3FD9]  }
0x89: {  	s3 =	sld [smem:$0x3FFE];
	_ =	sdelay $0x1  }
0x8a: {  	s1 =	srdreg.scid  }
0x8b: {  	s0 =	sand.u32 $0x1, s1  }
0x8c: {  	s17 =	sshll.u32 s0, $0xA;
	s2 =	sadd.s32 s3, s2  }
0x8d: {  	s2 =	sadd.s32 s2, s17  }
0x8e: {  	[smem:$0x3FC4] =	sst s2  }
0x8f: {  	_ = 	snop  }
0x90: {  	s2 =	sld [smem:$0x3FD0];
	(tm) =	ssettm $0x1  }
0x91: {  	s18 =	sld [smem:$0x3FFB];
	_ =	sdelay $0x3  }
0x92: {  	_ =	strace s18  }
0x93: {  	s3 =	sld [smem:$0x3FFC];
	_ =	sdelay $0x3  }
0x94: {  	_ =	strace s3  }
0x95: {  	s3 =	sld [smem:$0x3FFD];
	_ =	sdelay $0x3  }
0x96: {  	_ =	strace s3  }
0x97: {  	_ =	strace $0x8FFFFFFF  }
0x98: {  	s19 =	sld [smem:$0x3FDB];
	_ =	sdelay $0x1  }
0x99: {  	s4 =	simm.s32 $_scs_section_size  }
0x9a: {  	s5 =	simm.s32 $_size__tile_overlayer_lowered;
	s6 =	simm.s32 $_tile_overlayer_lowered  }
0x9b: {  	s22 =	simm.s32 $0x1BFF;
	s21 =	sshll.u32 s6, $0x1;
	s3 =	sadd.s32 s4, s19  }
0x9c: {  	s7 =	simm.s32 $0x0;
	s20 =	sshll.u32 s5, $0x1;
	s5 =	sadd.s32 s21, s3  }
0x9d: {  	[timem:s7], [sflag:s22] =	dma.local [hbm:s5], s20  }
0x9e: {  	_ =	swait.ge [sflag:s22], s20  }
0x9f: {  	s4 =	ssub.s32 $0x0, s20;
	[sflag:s22] =	ssyncset.done $0x0  }
0xa0: {  	[sflag:s22] =	ssyncadd.s32 s4;
	_ =	sdelay $0x1  }
0xa1: {  	s23 =	simm.s32 $0x1B8B  }
0xa2: {  	_ =	swait.ge [sflag:s23], $0x1  }
0xa3: {  	[sflag:s23] =	ssyncset.done $0x0  }
0xa4: {  	s25 =	simm.s32 $0x1B8E;
	s24 =	sld [smem:$0x3FFE];
	[sflag:s23] =	ssyncadd.s32 $0xFFFFFFFF  }
0xa5: {  	s26 =	simm.s32 $execute0_lowered;
	[smem:$0x3FD2] =	sst s25  }
0xa6: {  	s5 =	sshll.u32 s26, $0x1;
	_ =	strace $0x80000046;
	[dreg:$0x1] =	wrdreg $0xFFFFFFFF  }
0xa7: {  	s28 =	simm.s32 $_size_execute0_lowered;
	s3 =	sadd.s32 s3, s5;
	[dreg:$0x0] =	wrdreg $0x0  }
0xa8: {  	s5 =	sshll.u32 s28, $0x1;
	[dreg:$0x2] =	wrdreg s3  }
0xa9: {  	[dreg:$0x3] =	wrdreg s5  }
0xaa: {  	[dreg:$0x4] =	wrdreg $0xC0  }
0xab: {  	_ =	task [dreg:s7], $0x5FFFF  }
0xac: {  	[dreg:$0x1] =	wrdreg $0xFFFFFFFF  }
0xad: {  	[dreg:$0x0] =	wrdreg $0x60  }
0xae: {  	[dreg:$0x2] =	wrdreg s24  }
0xaf: {  	[dreg:$0x3] =	wrdreg s2  }
0xb0: {  	[dreg:$0x4] =	wrdreg $0x9  }
0xb1: {  	_ =	task.clear_ibuf [dreg:s7], $0x5FFFF;
	_ =	strace $0x90000046  }
0xb2: {  	s29 =	simm.s32 $0x9;
	_ =	strace $0x80000048  }
0xb3: {  	_ =	swait.ge [sflag:s29], $0x1  }
0xb4: {  	[sflag:s29] =	ssyncadd.s32 $0xFFFFFFFF  }
0xb5: {  	_ =	strace $0x90000048  }
0xb6: {  	_ =	sfence  }
0xb7: {  	s30 =	sld [smem:$0x0];
	_ =	sdelay $0x2  }
0xb8: {  	s31 =	sshll.u32 s1, $0xD;
	s1 =	sshrl.u32 s1, $0x2  }
0xb9: {  	s3 =	sand.u32 $0x4000, s31;
	s1 =	sadd.s32 s1, s30  }
0xba: {  	s0 =	sor.u32 s3, s0;
	s1 =	sshll.u32 s1, $0x11  }
0xbb: {  	s0 =	sor.u32 s1, s0  }
0xbc: {  	s0 =	sadd.s32 $0x8F2B, s0  }
0xbd: {  	[sflag:s0] =	ssyncadd.remote.s32 $0x1  }
0xbe: {  	_ =	sfence.sel $0xFFFF  }
0xbf: {  	[dreg:$0x0] =	wrdreg $0xFFFFFFFF;
	(pc) =	sbr.abs _section_cstart, $3  }
0xc0: {  	[dreg:$0x1] =	wrdreg $0xFFFFFFFF  }
0xc1: {  	_ =	task.clear_ibuf [dreg:s7], $0x2FFFF;
	_ =	strace $0x9FFFFFFF  }
0xc2: {  	(tm) =	ssettm $0x7FFFFFFF  }
0xc3: {  	_ =	shalt  }
tec
execute0_lowered:
.L_overlay_start_1:
0x0: {  	(tag) =	ssettag $0x1  }
0x1: {  	s3 =	rddreg [dreg:$0x0];
	v0 =	vlaneseq.u32;
	s1 =	srdreg.scid  }
0x2: {  	s0 =	stileid.u32;
	s5 =	rddreg [dreg:$0x1];
	v1 =	vmul.u32 $0x10, v0  }
0x3: {  	s9 =	simm.s32 $0x11530;
	s4 =	sand.u32 $0x1, s1;
	s2 =	sshll.u32 s0, $0x1;
	v16 =	vand.u32 $0x7, v0;
	v19 =	vor.u32 $0x10, v0;
	v20 =	vor.u32 $0x20, v0  }
0x4: {  	s10 =	simm.s32 $0xEE20;
	s1 =	rddreg [dreg:$0x2];
	v21 =	vor.u32 $0x30, v0;
	v22 =	vor.u32 $0x40, v0;
	s6 =	sor.u32 s4, s2;
	v18 =	vor.u32 $0xFFFFFFF8, v16  }
0x5: {  	s2 =	simm.s32 $0x0;
	s4 =	ssub.s32 $0x2, s4;
	v2 =	vor.u32 $0x1, v1;
	v3 =	vor.u32 $0x2, v1;
	v4 =	vor.u32 $0x3, v1;
	s6 =	smul.u32 $0x4E2, s6  }
0x6: {  	s11 =	simm.s32 $0x0;
	v5 =	vor.u32 $0x4, v1;
	v6 =	vor.u32 $0x5, v1;
	v7 =	vor.u32 $0x6, v1;
	[smem:$0x7FF] =	sst s2;
	s7 =	sshrl.u32 s4, $0x1  }
0x7: {  	v8 =	vor.u32 $0x7, v1;
	v9 =	vor.u32 $0x8, v1;
	v10 =	vor.u32 $0x9, v1;
	_ =	strace $0x80000047;
	s7 =	ssub.s32 s4, s7;
	s8 =	sadd.s32 s6, s3  }
0x8: {  	v11 =	vor.u32 $0xA, v1;
	v12 =	vor.u32 $0xB, v1;
	v13 =	vor.u32 $0xC, v1;
	s5 =	sadd.s32 s5, s6;
	s6 =	smax.u32 s7, $0x1;
	s7 =	simm.s32 $0x1  }
0x9: {  	v14 =	vor.u32 $0xD, v1;
	v15 =	vor.u32 $0xE, v1;
	v17 =	vor.u32 $0xF, v1;
	s3 =	sadd.s32 $0x31C00, s8;
	s4 =	sadd.s32 $0x27E00, s8;
	s8 =	simm.s32 $0x2710  }
.LBB2_1:
0xa: {  	[tilespmem:s2], [sflag:$0x1] =	stream.linear.gather [hbm4b:s3+s2], $0x2710, $0x38;
	[tilespmem:$0x11630] =	vst v63  }
0xb: {  	_ =	swait.ge [sflag:s7], $0x2710  }
0xc: {  	[sflag:s7] =	ssyncset.done $0x0  }
0xd: {  	[sflag:s7] =	ssyncadd.s32 $0xFFFFD8F0  }
0xe: {  	[tilespmem:s8], [sflag:$0x1] =	stream.linear.gather [hbm4b:s4+s2], $0x2710, $0x38;
	[tilespmem:$0x11630] =	vst v63  }
0xf: {  	_ =	swait.ge [sflag:s7], $0x2710  }
0x10: {  	[sflag:s7] =	ssyncset.done $0x0  }
0x11: {  	s12 =	simm.s32 $0x0;
	s13 =	simm.s32 $0x0;
	[sflag:s7] =	ssyncadd.s32 $0xFFFFD8F0  }
.LBB2_2:
0x12: {  	s14 =	sand.u32 $0x7, s13  }
0x13: {  	s14 =	smul.u32 $0x5000, s14;
	_ =	sdelay $0x1  }
0x14: {  	s14 =	sshrl.u32 s14, $0x2  }
0x15: {  	v23 =	vld [tilespmem:s14+$0x4E20]  }
0x16: {  	v24 =	vld [tilespmem:s14+$0x4E30];
	_ =	sdelay $0x1  }
0x17: {  	v25 =	vld [tilespmem:s14+$0x4E40];
	_ =	sdelay $0x1  }
0x18: {  	v26 =	vld [tilespmem:s14+$0x4E50]  }
0x19: {  	v23 =	vmul.bf16 v23, v23;
	v24 =	vmul.bf16 v24, v24;
	_ =	sdelay $0x1  }
0x1a: {  	v48 =	vmul.bf16 v25, v25;
	v23 =	vadd.bf16 v24, v23;
	_ =	sdelay $0x1  }
0x1b: {  	v49 =	vmul.bf16 v26, v26;
	v23 =	vadd.bf16 v48, v23;
	_ =	sdelay $0x1  }
0x1c: {  	v23 =	vadd.bf16 v49, v23;
	_ =	sdelay $0x1  }
0x1d: {  	v24 =	vunpack.i.u.bf16.f32 v23;
	v23 =	vunpack.i.l.bf16.f32 v23  }
0x1e: {  	v23 =	vadd.f32 v23, v24;
	_ =	sdelay $0x1  }
0x1f: {  	[tilespmem:$0x11530] =	vst v23  }
0x20: {  	v23 =	vld [tilespmem:s14+$0x4E60]  }
0x21: {  	v50 =	vld [tilespmem:s14+$0x4E70];
	_ =	sdelay $0x1  }
0x22: {  	v51 =	vld [tilespmem:s14+$0x4E80];
	_ =	sdelay $0x1  }
0x23: {  	v52 =	vld [tilespmem:s14+$0x4E90]  }
0x24: {  	v23 =	vmul.bf16 v23, v23;
	v24 =	vmul.bf16 v50, v50;
	_ =	sdelay $0x1  }
0x25: {  	v53 =	vmul.bf16 v51, v51;
	v23 =	vadd.bf16 v24, v23;
	_ =	sdelay $0x1  }
0x26: {  	v54 =	vmul.bf16 v52, v52;
	v23 =	vadd.bf16 v53, v23;
	_ =	sdelay $0x1  }
0x27: {  	v23 =	vadd.bf16 v54, v23;
	_ =	sdelay $0x1  }
0x28: {  	v24 =	vunpack.i.u.bf16.f32 v23;
	v23 =	vunpack.i.l.bf16.f32 v23  }
0x29: {  	v23 =	vadd.f32 v23, v24;
	_ =	sdelay $0x1  }
0x2a: {  	[tilespmem:$0x11540] =	vst v23  }
0x2b: {  	v23 =	vld [tilespmem:s14+$0x4EA0]  }
0x2c: {  	v55 =	vld [tilespmem:s14+$0x4EB0];
	_ =	sdelay $0x1  }
0x2d: {  	v56 =	vld [tilespmem:s14+$0x4EC0];
	_ =	sdelay $0x1  }
0x2e: {  	v57 =	vld [tilespmem:s14+$0x4ED0]  }
0x2f: {  	v23 =	vmul.bf16 v23, v23;
	v24 =	vmul.bf16 v55, v55;
	_ =	sdelay $0x1  }
0x30: {  	v58 =	vmul.bf16 v56, v56;
	v23 =	vadd.bf16 v24, v23;
	_ =	sdelay $0x1  }
0x31: {  	v59 =	vmul.bf16 v57, v57;
	v23 =	vadd.bf16 v58, v23;
	_ =	sdelay $0x1  }
0x32: {  	v23 =	vadd.bf16 v59, v23;
	_ =	sdelay $0x1  }
0x33: {  	v24 =	vunpack.i.u.bf16.f32 v23;
	v23 =	vunpack.i.l.bf16.f32 v23  }
0x34: {  	v23 =	vadd.f32 v23, v24;
	_ =	sdelay $0x1  }
0x35: {  	[tilespmem:$0x11550] =	vst v23  }
0x36: {  	v23 =	vld [tilespmem:s14+$0x4EE0]  }
0x37: {  	v60 =	vld [tilespmem:s14+$0x4EF0];
	_ =	sdelay $0x1  }
0x38: {  	v61 =	vld [tilespmem:s14+$0x4F00];
	_ =	sdelay $0x1  }
0x39: {  	v62 =	vld [tilespmem:s14+$0x4F10]  }
0x3a: {  	v23 =	vmul.bf16 v23, v23;
	v24 =	vmul.bf16 v60, v60;
	_ =	sdelay $0x1  }
0x3b: {  	v63 =	vmul.bf16 v61, v61;
	v23 =	vadd.bf16 v24, v23;
	_ =	sdelay $0x1  }
0x3c: {  	v28 =	vmul.bf16 v62, v62;
	v23 =	vadd.bf16 v63, v23;
	_ =	sdelay $0x1  }
0x3d: {  	v23 =	vadd.bf16 v28, v23;
	_ =	sdelay $0x1  }
0x3e: {  	v24 =	vunpack.i.u.bf16.f32 v23;
	v23 =	vunpack.i.l.bf16.f32 v23  }
0x3f: {  	v23 =	vadd.f32 v23, v24;
	_ =	sdelay $0x1  }
0x40: {  	[tilespmem:$0x11560] =	vst v23  }
0x41: {  	v23 =	vld [tilespmem:s14+$0x4F20]  }
0x42: {  	v29 =	vld [tilespmem:s14+$0x4F30];
	_ =	sdelay $0x1  }
0x43: {  	v30 =	vld [tilespmem:s14+$0x4F40];
	_ =	sdelay $0x1  }
0x44: {  	v31 =	vld [tilespmem:s14+$0x4F50]  }
0x45: {  	v23 =	vmul.bf16 v23, v23;
	v24 =	vmul.bf16 v29, v29;
	_ =	sdelay $0x1  }
0x46: {  	v32 =	vmul.bf16 v30, v30;
	v23 =	vadd.bf16 v24, v23;
	_ =	sdelay $0x1  }
0x47: {  	v33 =	vmul.bf16 v31, v31;
	v23 =	vadd.bf16 v32, v23;
	_ =	sdelay $0x1  }
0x48: {  	v23 =	vadd.bf16 v33, v23;
	_ =	sdelay $0x1  }
0x49: {  	v24 =	vunpack.i.u.bf16.f32 v23;
	v23 =	vunpack.i.l.bf16.f32 v23  }
0x4a: {  	v23 =	vadd.f32 v23, v24;
	_ =	sdelay $0x1  }
0x4b: {  	[tilespmem:$0x11570] =	vst v23  }
0x4c: {  	v23 =	vld [tilespmem:s14+$0x4F60]  }
0x4d: {  	v34 =	vld [tilespmem:s14+$0x4F70];
	_ =	sdelay $0x1  }
0x4e: {  	v35 =	vld [tilespmem:s14+$0x4F80];
	_ =	sdelay $0x1  }
0x4f: {  	v36 =	vld [tilespmem:s14+$0x4F90]  }
0x50: {  	v23 =	vmul.bf16 v23, v23;
	v24 =	vmul.bf16 v34, v34;
	_ =	sdelay $0x1  }
0x51: {  	v37 =	vmul.bf16 v35, v35;
	v23 =	vadd.bf16 v24, v23;
	_ =	sdelay $0x1  }
0x52: {  	v38 =	vmul.bf16 v36, v36;
	v23 =	vadd.bf16 v37, v23;
	_ =	sdelay $0x1  }
0x53: {  	v23 =	vadd.bf16 v38, v23;
	_ =	sdelay $0x1  }
0x54: {  	v24 =	vunpack.i.u.bf16.f32 v23;
	v23 =	vunpack.i.l.bf16.f32 v23  }
0x55: {  	v23 =	vadd.f32 v23, v24;
	_ =	sdelay $0x1  }
0x56: {  	[tilespmem:$0x11580] =	vst v23  }
0x57: {  	v23 =	vld [tilespmem:s14+$0x4FA0]  }
0x58: {  	v39 =	vld [tilespmem:s14+$0x4FB0];
	_ =	sdelay $0x1  }
0x59: {  	v40 =	vld [tilespmem:s14+$0x4FC0];
	_ =	sdelay $0x1  }
0x5a: {  	v41 =	vld [tilespmem:s14+$0x4FD0]  }
0x5b: {  	v23 =	vmul.bf16 v23, v23;
	v24 =	vmul.bf16 v39, v39;
	_ =	sdelay $0x1  }
0x5c: {  	v42 =	vmul.bf16 v40, v40;
	v23 =	vadd.bf16 v24, v23;
	_ =	sdelay $0x1  }
0x5d: {  	v43 =	vmul.bf16 v41, v41;
	v23 =	vadd.bf16 v42, v23;
	_ =	sdelay $0x1  }
0x5e: {  	v23 =	vadd.bf16 v43, v23;
	_ =	sdelay $0x1  }
0x5f: {  	v24 =	vunpack.i.u.bf16.f32 v23;
	v23 =	vunpack.i.l.bf16.f32 v23  }
0x60: {  	v23 =	vadd.f32 v23, v24;
	_ =	sdelay $0x1  }
0x61: {  	[tilespmem:$0x11590] =	vst v23  }
0x62: {  	v23 =	vld [tilespmem:s14+$0x4FE0]  }
0x63: {  	v44 =	vld [tilespmem:s14+$0x4FF0];
	_ =	sdelay $0x1  }
0x64: {  	v45 =	vld [tilespmem:s14+$0x5000];
	_ =	sdelay $0x1  }
0x65: {  	v46 =	vld [tilespmem:s14+$0x5010]  }
0x66: {  	v23 =	vmul.bf16 v23, v23;
	v24 =	vmul.bf16 v44, v44;
	_ =	sdelay $0x1  }
0x67: {  	v47 =	vmul.bf16 v45, v45;
	v23 =	vadd.bf16 v24, v23;
	_ =	sdelay $0x1  }
0x68: {  	v48 =	vmul.bf16 v46, v46;
	v23 =	vadd.bf16 v47, v23;
	_ =	sdelay $0x1  }
0x69: {  	v23 =	vadd.bf16 v48, v23;
	_ =	sdelay $0x1  }
0x6a: {  	v24 =	vunpack.i.u.bf16.f32 v23;
	v23 =	vunpack.i.l.bf16.f32 v23  }
0x6b: {  	v23 =	vadd.f32 v23, v24;
	_ =	sdelay $0x1  }
0x6c: {  	[tilespmem:$0x115A0] =	vst v23  }
0x6d: {  	v23 =	vld [tilespmem:s14+$0x5020]  }
0x6e: {  	v49 =	vld [tilespmem:s14+$0x5030];
	_ =	sdelay $0x1  }
0x6f: {  	v50 =	vld [tilespmem:s14+$0x5040];
	_ =	sdelay $0x1  }
0x70: {  	v51 =	vld [tilespmem:s14+$0x5050]  }
0x71: {  	v23 =	vmul.bf16 v23, v23;
	v24 =	vmul.bf16 v49, v49;
	_ =	sdelay $0x1  }
0x72: {  	v52 =	vmul.bf16 v50, v50;
	v23 =	vadd.bf16 v24, v23;
	_ =	sdelay $0x1  }
0x73: {  	v53 =	vmul.bf16 v51, v51;
	v23 =	vadd.bf16 v52, v23;
	_ =	sdelay $0x1  }
0x74: {  	v23 =	vadd.bf16 v53, v23;
	_ =	sdelay $0x1  }
0x75: {  	v24 =	vunpack.i.u.bf16.f32 v23;
	v23 =	vunpack.i.l.bf16.f32 v23  }
0x76: {  	v23 =	vadd.f32 v23, v24;
	_ =	sdelay $0x1  }
0x77: {  	[tilespmem:$0x115B0] =	vst v23  }
0x78: {  	v23 =	vld [tilespmem:s14+$0x5060]  }
0x79: {  	v54 =	vld [tilespmem:s14+$0x5070];
	_ =	sdelay $0x1  }
0x7a: {  	v55 =	vld [tilespmem:s14+$0x5080];
	_ =	sdelay $0x1  }
0x7b: {  	v56 =	vld [tilespmem:s14+$0x5090]  }
0x7c: {  	v23 =	vmul.bf16 v23, v23;
	v24 =	vmul.bf16 v54, v54;
	_ =	sdelay $0x1  }
0x7d: {  	v57 =	vmul.bf16 v55, v55;
	v23 =	vadd.bf16 v24, v23;
	_ =	sdelay $0x1  }
0x7e: {  	v58 =	vmul.bf16 v56, v56;
	v23 =	vadd.bf16 v57, v23;
	_ =	sdelay $0x1  }
0x7f: {  	v23 =	vadd.bf16 v58, v23;
	_ =	sdelay $0x1  }
0x80: {  	v24 =	vunpack.i.u.bf16.f32 v23;
	v23 =	vunpack.i.l.bf16.f32 v23  }
0x81: {  	v23 =	vadd.f32 v23, v24;
	_ =	sdelay $0x1  }
0x82: {  	[tilespmem:$0x115C0] =	vst v23  }
0x83: {  	v23 =	vld [tilespmem:s14+$0x50A0]  }
0x84: {  	v59 =	vld [tilespmem:s14+$0x50B0];
	_ =	sdelay $0x1  }
0x85: {  	v60 =	vld [tilespmem:s14+$0x50C0];
	_ =	sdelay $0x1  }
0x86: {  	v61 =	vld [tilespmem:s14+$0x50D0]  }
0x87: {  	v23 =	vmul.bf16 v23, v23;
	v24 =	vmul.bf16 v59, v59;
	_ =	sdelay $0x1  }
0x88: {  	v62 =	vmul.bf16 v60, v60;
	v23 =	vadd.bf16 v24, v23;
	_ =	sdelay $0x1  }
0x89: {  	v63 =	vmul.bf16 v61, v61;
	v23 =	vadd.bf16 v62, v23;
	_ =	sdelay $0x1  }
0x8a: {  	v23 =	vadd.bf16 v63, v23;
	_ =	sdelay $0x1  }
0x8b: {  	v24 =	vunpack.i.u.bf16.f32 v23;
	v23 =	vunpack.i.l.bf16.f32 v23  }
0x8c: {  	v23 =	vadd.f32 v23, v24;
	_ =	sdelay $0x1  }
0x8d: {  	[tilespmem:$0x115D0] =	vst v23  }
0x8e: {  	v23 =	vld [tilespmem:s14+$0x50E0]  }
0x8f: {  	v28 =	vld [tilespmem:s14+$0x50F0];
	_ =	sdelay $0x1  }
0x90: {  	v29 =	vld [tilespmem:s14+$0x5100];
	_ =	sdelay $0x1  }
0x91: {  	v30 =	vld [tilespmem:s14+$0x5110]  }
0x92: {  	v23 =	vmul.bf16 v23, v23;
	v24 =	vmul.bf16 v28, v28;
	_ =	sdelay $0x1  }
0x93: {  	v31 =	vmul.bf16 v29, v29;
	v23 =	vadd.bf16 v24, v23;
	_ =	sdelay $0x1  }
0x94: {  	v32 =	vmul.bf16 v30, v30;
	v23 =	vadd.bf16 v31, v23;
	_ =	sdelay $0x1  }
0x95: {  	v23 =	vadd.bf16 v32, v23;
	_ =	sdelay $0x1  }
0x96: {  	v24 =	vunpack.i.u.bf16.f32 v23;
	v23 =	vunpack.i.l.bf16.f32 v23  }
0x97: {  	v23 =	vadd.f32 v23, v24;
	_ =	sdelay $0x1  }
0x98: {  	[tilespmem:$0x115E0] =	vst v23  }
0x99: {  	v23 =	vld [tilespmem:s14+$0x5120]  }
0x9a: {  	v33 =	vld [tilespmem:s14+$0x5130];
	_ =	sdelay $0x1  }
0x9b: {  	v34 =	vld [tilespmem:s14+$0x5140];
	_ =	sdelay $0x1  }
0x9c: {  	v35 =	vld [tilespmem:s14+$0x5150]  }
0x9d: {  	v23 =	vmul.bf16 v23, v23;
	v24 =	vmul.bf16 v33, v33;
	_ =	sdelay $0x1  }
0x9e: {  	v36 =	vmul.bf16 v34, v34;
	v23 =	vadd.bf16 v24, v23;
	_ =	sdelay $0x1  }
0x9f: {  	v37 =	vmul.bf16 v35, v35;
	v23 =	vadd.bf16 v36, v23;
	_ =	sdelay $0x1  }
0xa0: {  	v23 =	vadd.bf16 v37, v23;
	_ =	sdelay $0x1  }
0xa1: {  	v24 =	vunpack.i.u.bf16.f32 v23;
	v23 =	vunpack.i.l.bf16.f32 v23  }
0xa2: {  	v23 =	vadd.f32 v23, v24;
	_ =	sdelay $0x1  }
0xa3: {  	[tilespmem:$0x115F0] =	vst v23  }
0xa4: {  	v23 =	vld [tilespmem:s14+$0x5160]  }
0xa5: {  	v38 =	vld [tilespmem:s14+$0x5170];
	_ =	sdelay $0x1  }
0xa6: {  	v39 =	vld [tilespmem:s14+$0x5180];
	_ =	sdelay $0x1  }
0xa7: {  	v40 =	vld [tilespmem:s14+$0x5190]  }
0xa8: {  	v23 =	vmul.bf16 v23, v23;
	v24 =	vmul.bf16 v38, v38;
	_ =	sdelay $0x1  }
0xa9: {  	v41 =	vmul.bf16 v39, v39;
	v23 =	vadd.bf16 v24, v23;
	_ =	sdelay $0x1  }
0xaa: {  	v42 =	vmul.bf16 v40, v40;
	v23 =	vadd.bf16 v41, v23;
	_ =	sdelay $0x1  }
0xab: {  	v23 =	vadd.bf16 v42, v23;
	_ =	sdelay $0x1  }
0xac: {  	v24 =	vunpack.i.u.bf16.f32 v23;
	v23 =	vunpack.i.l.bf16.f32 v23  }
0xad: {  	v23 =	vadd.f32 v23, v24;
	_ =	sdelay $0x1  }
0xae: {  	[tilespmem:$0x11600] =	vst v23  }
0xaf: {  	v23 =	vld [tilespmem:s14+$0x51A0]  }
0xb0: {  	v43 =	vld [tilespmem:s14+$0x51B0];
	_ =	sdelay $0x1  }
0xb1: {  	v44 =	vld [tilespmem:s14+$0x51C0];
	_ =	sdelay $0x1  }
0xb2: {  	v45 =	vld [tilespmem:s14+$0x51D0]  }
0xb3: {  	v23 =	vmul.bf16 v23, v23;
	v24 =	vmul.bf16 v43, v43;
	_ =	sdelay $0x1  }
0xb4: {  	v46 =	vmul.bf16 v44, v44;
	v23 =	vadd.bf16 v24, v23;
	_ =	sdelay $0x1  }
0xb5: {  	v47 =	vmul.bf16 v45, v45;
	v23 =	vadd.bf16 v46, v23;
	_ =	sdelay $0x1  }
0xb6: {  	v23 =	vadd.bf16 v47, v23;
	_ =	sdelay $0x1  }
0xb7: {  	v24 =	vunpack.i.u.bf16.f32 v23;
	v23 =	vunpack.i.l.bf16.f32 v23  }
0xb8: {  	v23 =	vadd.f32 v23, v24;
	_ =	sdelay $0x1  }
0xb9: {  	[tilespmem:$0x11610] =	vst v23  }
0xba: {  	v23 =	vld [tilespmem:s14+$0x51E0]  }
0xbb: {  	v48 =	vld [tilespmem:s14+$0x51F0];
	_ =	sdelay $0x1  }
0xbc: {  	v49 =	vld [tilespmem:s14+$0x5200];
	_ =	sdelay $0x1  }
0xbd: {  	v50 =	vld [tilespmem:s14+$0x5210]  }
0xbe: {  	v23 =	vmul.bf16 v23, v23;
	v24 =	vmul.bf16 v48, v48;
	_ =	sdelay $0x1  }
0xbf: {  	v51 =	vmul.bf16 v49, v49;
	v23 =	vadd.bf16 v24, v23;
	_ =	sdelay $0x1  }
0xc0: {  	v52 =	vmul.bf16 v50, v50;
	v23 =	vadd.bf16 v51, v23;
	_ =	sdelay $0x1  }
0xc1: {  	v23 =	vadd.bf16 v52, v23;
	_ =	sdelay $0x1  }
0xc2: {  	v24 =	vunpack.i.u.bf16.f32 v23;
	v23 =	vunpack.i.l.bf16.f32 v23  }
0xc3: {  	v23 =	vadd.f32 v23, v24;
	_ =	sdelay $0x1  }
0xc4: {  	[tilespmem:$0x11620] =	vst v23  }
0xc5: {  	v23 =	vld.idx.msk [tilespmem:v1+s9+$0x0], $0xffff  }
0xc6: {  	v53 =	vld.idx.msk [tilespmem:v2+s9+$0x0], $0xffff  }
0xc7: {  	v54 =	vld.idx.msk [tilespmem:v3+s9+$0x0], $0xffff  }
0xc8: {  	v55 =	vld.idx.msk [tilespmem:v4+s9+$0x0], $0xffff  }
0xc9: {  	v27 =	vld.idx.msk [tilespmem:v5+s9+$0x0], $0xffff  }
0xca: {  	v28 =	vld.idx.msk [tilespmem:v6+s9+$0x0], $0xffff  }
0xcb: {  	v29 =	vld.idx.msk [tilespmem:v7+s9+$0x0], $0xffff  }
0xcc: {  	v30 =	vld.idx.msk [tilespmem:v8+s9+$0x0], $0xffff  }
0xcd: {  	v31 =	vld.idx.msk [tilespmem:v9+s9+$0x0], $0xffff  }
0xce: {  	v32 =	vld.idx.msk [tilespmem:v10+s9+$0x0], $0xffff  }
0xcf: {  	v33 =	vld.idx.msk [tilespmem:v11+s9+$0x0], $0xffff  }
0xd0: {  	v34 =	vld.idx.msk [tilespmem:v12+s9+$0x0], $0xffff  }
0xd1: {  	v35 =	vld.idx.msk [tilespmem:v13+s9+$0x0], $0xffff  }
0xd2: {  	v36 =	vld.idx.msk [tilespmem:v14+s9+$0x0], $0xffff  }
0xd3: {  	v37 =	vld.idx.msk [tilespmem:v15+s9+$0x0], $0xffff  }
0xd4: {  	v38 =	vld.idx.msk [tilespmem:v17+s9+$0x0], $0xffff;
	_ =	sdelay $0x1  }
0xd5: {  	v23 =	vadd.f32 v53, v23;
	v56 =	vadd.f32 v55, v54  }
0xd6: {  	v57 =	vadd.f32 v28, v27;
	v58 =	vadd.f32 v30, v29  }
0xd7: {  	v59 =	vadd.f32 v32, v31;
	v60 =	vadd.f32 v34, v33  }
0xd8: {  	v61 =	vadd.f32 v36, v35;
	v62 =	vadd.f32 v38, v37  }
0xd9: {  	v23 =	vadd.f32 v56, v23;
	v63 =	vadd.f32 v58, v57  }
0xda: {  	v31 =	vor.u32 s12, v0;
	v32 =	vadd.f32 v60, v59;
	v33 =	vadd.f32 v62, v61  }
0xdb: {  	v25 =	vand.u32 v18, v31  }
0xdc: {  	v23 =	vadd.f32 v63, v23;
	v34 =	vadd.f32 v33, v32;
	_ =	sdelay $0x1  }
0xdd: {  	v23 =	vadd.f32 v34, v23;
	_ =	sdelay $0x1  }
0xde: {  	[tilespmem:v25+s10+$0x0] =	vst.idx.msk $0xffff, v23  }
0xdf: {  	v23 =	vld [tilespmem:s14+$0x5220]  }
0xe0: {  	v35 =	vld [tilespmem:s14+$0x5230];
	_ =	sdelay $0x1  }
0xe1: {  	v25 =	vld [tilespmem:s14+$0x5240];
	_ =	sdelay $0x1  }
0xe2: {  	v36 =	vld [tilespmem:s14+$0x5250]  }
0xe3: {  	v23 =	vmul.bf16 v23, v23;
	v24 =	vmul.bf16 v35, v35;
	_ =	sdelay $0x1  }
0xe4: {  	v37 =	vmul.bf16 v25, v25;
	v23 =	vadd.bf16 v24, v23;
	_ =	sdelay $0x1  }
0xe5: {  	v38 =	vmul.bf16 v36, v36;
	v23 =	vadd.bf16 v37, v23;
	_ =	sdelay $0x1  }
0xe6: {  	v23 =	vadd.bf16 v38, v23;
	_ =	sdelay $0x1  }
0xe7: {  	v24 =	vunpack.i.u.bf16.f32 v23;
	v23 =	vunpack.i.l.bf16.f32 v23  }
0xe8: {  	v23 =	vadd.f32 v23, v24;
	_ =	sdelay $0x1  }
0xe9: {  	[tilespmem:$0x11530] =	vst v23  }
0xea: {  	v23 =	vld [tilespmem:s14+$0x5260]  }
0xeb: {  	v39 =	vld [tilespmem:s14+$0x5270];
	_ =	sdelay $0x1  }
0xec: {  	v40 =	vld [tilespmem:s14+$0x5280];
	_ =	sdelay $0x1  }
0xed: {  	v41 =	vld [tilespmem:s14+$0x5290]  }
0xee: {  	v23 =	vmul.bf16 v23, v23;
	v24 =	vmul.bf16 v39, v39;
	_ =	sdelay $0x1  }
0xef: {  	v42 =	vmul.bf16 v40, v40;
	v23 =	vadd.bf16 v24, v23;
	_ =	sdelay $0x1  }
0xf0: {  	v43 =	vmul.bf16 v41, v41;
	v23 =	vadd.bf16 v42, v23;
	_ =	sdelay $0x1  }
0xf1: {  	v23 =	vadd.bf16 v43, v23;
	_ =	sdelay $0x1  }
0xf2: {  	v24 =	vunpack.i.u.bf16.f32 v23;
	v23 =	vunpack.i.l.bf16.f32 v23  }
0xf3: {  	v23 =	vadd.f32 v23, v24;
	_ =	sdelay $0x1  }
0xf4: {  	[tilespmem:$0x11540] =	vst v23  }
0xf5: {  	v23 =	vld [tilespmem:s14+$0x52A0]  }
0xf6: {  	v44 =	vld [tilespmem:s14+$0x52B0];
	_ =	sdelay $0x1  }
0xf7: {  	v45 =	vld [tilespmem:s14+$0x52C0];
	_ =	sdelay $0x1  }
0xf8: {  	v46 =	vld [tilespmem:s14+$0x52D0]  }
0xf9: {  	v23 =	vmul.bf16 v23, v23;
	v24 =	vmul.bf16 v44, v44;
	_ =	sdelay $0x1  }
0xfa: {  	v47 =	vmul.bf16 v45, v45;
	v23 =	vadd.bf16 v24, v23;
	_ =	sdelay $0x1  }
0xfb: {  	v48 =	vmul.bf16 v46, v46;
	v23 =	vadd.bf16 v47, v23;
	_ =	sdelay $0x1  }
0xfc: {  	v23 =	vadd.bf16 v48, v23;
	_ =	sdelay $0x1  }
0xfd: {  	v24 =	vunpack.i.u.bf16.f32 v23;
	v23 =	vunpack.i.l.bf16.f32 v23  }
0xfe: {  	v23 =	vadd.f32 v23, v24;
	_ =	sdelay $0x1  }
0xff: {  	[tilespmem:$0x11550] =	vst v23  }
0x100: {  	v23 =	vld [tilespmem:s14+$0x52E0]  }
0x101: {  	v49 =	vld [tilespmem:s14+$0x52F0];
	_ =	sdelay $0x1  }
0x102: {  	v50 =	vld [tilespmem:s14+$0x5300];
	_ =	sdelay $0x1  }
0x103: {  	v51 =	vld [tilespmem:s14+$0x5310]  }
0x104: {  	v23 =	vmul.bf16 v23, v23;
	v24 =	vmul.bf16 v49, v49;
	_ =	sdelay $0x1  }
0x105: {  	v52 =	vmul.bf16 v50, v50;
	v23 =	vadd.bf16 v24, v23;
	_ =	sdelay $0x1  }
0x106: {  	v53 =	vmul.bf16 v51, v51;
	v23 =	vadd.bf16 v52, v23;
	_ =	sdelay $0x1  }
0x107: {  	v23 =	vadd.bf16 v53, v23;
	_ =	sdelay $0x1  }
0x108: {  	v24 =	vunpack.i.u.bf16.f32 v23;
	v23 =	vunpack.i.l.bf16.f32 v23  }
0x109: {  	v23 =	vadd.f32 v23, v24;
	_ =	sdelay $0x1  }
0x10a: {  	[tilespmem:$0x11560] =	vst v23  }
0x10b: {  	v23 =	vld [tilespmem:s14+$0x5320]  }
0x10c: {  	v54 =	vld [tilespmem:s14+$0x5330];
	_ =	sdelay $0x1  }
0x10d: {  	v55 =	vld [tilespmem:s14+$0x5340];
	_ =	sdelay $0x1  }
0x10e: {  	v56 =	vld [tilespmem:s14+$0x5350]  }
0x10f: {  	v23 =	vmul.bf16 v23, v23;
	v24 =	vmul.bf16 v54, v54;
	_ =	sdelay $0x1  }
0x110: {  	v57 =	vmul.bf16 v55, v55;
	v23 =	vadd.bf16 v24, v23;
	_ =	sdelay $0x1  }
0x111: {  	v58 =	vmul.bf16 v56, v56;
	v23 =	vadd.bf16 v57, v23;
	_ =	sdelay $0x1  }
0x112: {  	v23 =	vadd.bf16 v58, v23;
	_ =	sdelay $0x1  }
0x113: {  	v24 =	vunpack.i.u.bf16.f32 v23;
	v23 =	vunpack.i.l.bf16.f32 v23  }
0x114: {  	v23 =	vadd.f32 v23, v24;
	_ =	sdelay $0x1  }
0x115: {  	[tilespmem:$0x11570] =	vst v23  }
0x116: {  	v23 =	vld [tilespmem:s14+$0x5360]  }
0x117: {  	v59 =	vld [tilespmem:s14+$0x5370];
	_ =	sdelay $0x1  }
0x118: {  	v60 =	vld [tilespmem:s14+$0x5380];
	_ =	sdelay $0x1  }
0x119: {  	v61 =	vld [tilespmem:s14+$0x5390]  }
0x11a: {  	v23 =	vmul.bf16 v23, v23;
	v24 =	vmul.bf16 v59, v59;
	_ =	sdelay $0x1  }
0x11b: {  	v62 =	vmul.bf16 v60, v60;
	v23 =	vadd.bf16 v24, v23;
	_ =	sdelay $0x1  }
0x11c: {  	v63 =	vmul.bf16 v61, v61;
	v23 =	vadd.bf16 v62, v23;
	_ =	sdelay $0x1  }
0x11d: {  	v23 =	vadd.bf16 v63, v23;
	_ =	sdelay $0x1  }
0x11e: {  	v24 =	vunpack.i.u.bf16.f32 v23;
	v23 =	vunpack.i.l.bf16.f32 v23  }
0x11f: {  	v23 =	vadd.f32 v23, v24;
	_ =	sdelay $0x1  }
0x120: {  	[tilespmem:$0x11580] =	vst v23  }
0x121: {  	v23 =	vld [tilespmem:s14+$0x53A0]  }
0x122: {  	v28 =	vld [tilespmem:s14+$0x53B0];
	_ =	sdelay $0x1  }
0x123: {  	v29 =	vld [tilespmem:s14+$0x53C0];
	_ =	sdelay $0x1  }
0x124: {  	v30 =	vld [tilespmem:s14+$0x53D0]  }
0x125: {  	v23 =	vmul.bf16 v23, v23;
	v24 =	vmul.bf16 v28, v28;
	_ =	sdelay $0x1  }
0x126: {  	v31 =	vmul.bf16 v29, v29;
	v23 =	vadd.bf16 v24, v23;
	_ =	sdelay $0x1  }
0x127: {  	v32 =	vmul.bf16 v30, v30;
	v23 =	vadd.bf16 v31, v23;
	_ =	sdelay $0x1  }
0x128: {  	v23 =	vadd.bf16 v32, v23;
	_ =	sdelay $0x1  }
0x129: {  	v24 =	vunpack.i.u.bf16.f32 v23;
	v23 =	vunpack.i.l.bf16.f32 v23  }
0x12a: {  	v23 =	vadd.f32 v23, v24;
	_ =	sdelay $0x1  }
0x12b: {  	[tilespmem:$0x11590] =	vst v23  }
0x12c: {  	v23 =	vld [tilespmem:s14+$0x53E0]  }
0x12d: {  	v33 =	vld [tilespmem:s14+$0x53F0];
	_ =	sdelay $0x1  }
0x12e: {  	v34 =	vld [tilespmem:s14+$0x5400];
	_ =	sdelay $0x1  }
0x12f: {  	v35 =	vld [tilespmem:s14+$0x5410]  }
0x130: {  	v23 =	vmul.bf16 v23, v23;
	v24 =	vmul.bf16 v33, v33;
	_ =	sdelay $0x1  }
0x131: {  	v36 =	vmul.bf16 v34, v34;
	v23 =	vadd.bf16 v24, v23;
	_ =	sdelay $0x1  }
0x132: {  	v37 =	vmul.bf16 v35, v35;
	v23 =	vadd.bf16 v36, v23;
	_ =	sdelay $0x1  }
0x133: {  	v23 =	vadd.bf16 v37, v23;
	_ =	sdelay $0x1  }
0x134: {  	v24 =	vunpack.i.u.bf16.f32 v23;
	v23 =	vunpack.i.l.bf16.f32 v23  }
0x135: {  	v23 =	vadd.f32 v23, v24;
	_ =	sdelay $0x1  }
0x136: {  	[tilespmem:$0x115A0] =	vst v23  }
0x137: {  	v23 =	vld [tilespmem:s14+$0x5420]  }
0x138: {  	v38 =	vld [tilespmem:s14+$0x5430];
	_ =	sdelay $0x1  }
0x139: {  	v39 =	vld [tilespmem:s14+$0x5440];
	_ =	sdelay $0x1  }
0x13a: {  	v40 =	vld [tilespmem:s14+$0x5450]  }
0x13b: {  	v23 =	vmul.bf16 v23, v23;
	v24 =	vmul.bf16 v38, v38;
	_ =	sdelay $0x1  }
0x13c: {  	v41 =	vmul.bf16 v39, v39;
	v23 =	vadd.bf16 v24, v23;
	_ =	sdelay $0x1  }
0x13d: {  	v42 =	vmul.bf16 v40, v40;
	v23 =	vadd.bf16 v41, v23;
	_ =	sdelay $0x1  }
0x13e: {  	v23 =	vadd.bf16 v42, v23;
	_ =	sdelay $0x1  }
0x13f: {  	v24 =	vunpack.i.u.bf16.f32 v23;
	v23 =	vunpack.i.l.bf16.f32 v23  }
0x140: {  	v23 =	vadd.f32 v23, v24;
	_ =	sdelay $0x1  }
0x141: {  	[tilespmem:$0x115B0] =	vst v23  }
0x142: {  	v23 =	vld [tilespmem:s14+$0x5460]  }
0x143: {  	v43 =	vld [tilespmem:s14+$0x5470];
	_ =	sdelay $0x1  }
0x144: {  	v44 =	vld [tilespmem:s14+$0x5480];
	_ =	sdelay $0x1  }
0x145: {  	v45 =	vld [tilespmem:s14+$0x5490]  }
0x146: {  	v23 =	vmul.bf16 v23, v23;
	v24 =	vmul.bf16 v43, v43;
	_ =	sdelay $0x1  }
0x147: {  	v46 =	vmul.bf16 v44, v44;
	v23 =	vadd.bf16 v24, v23;
	_ =	sdelay $0x1  }
0x148: {  	v47 =	vmul.bf16 v45, v45;
	v23 =	vadd.bf16 v46, v23;
	_ =	sdelay $0x1  }
0x149: {  	v23 =	vadd.bf16 v47, v23;
	_ =	sdelay $0x1  }
0x14a: {  	v24 =	vunpack.i.u.bf16.f32 v23;
	v23 =	vunpack.i.l.bf16.f32 v23  }
0x14b: {  	v23 =	vadd.f32 v23, v24;
	_ =	sdelay $0x1  }
0x14c: {  	[tilespmem:$0x115C0] =	vst v23  }
0x14d: {  	v23 =	vld [tilespmem:s14+$0x54A0]  }
0x14e: {  	v48 =	vld [tilespmem:s14+$0x54B0];
	_ =	sdelay $0x1  }
0x14f: {  	v49 =	vld [tilespmem:s14+$0x54C0];
	_ =	sdelay $0x1  }
0x150: {  	v50 =	vld [tilespmem:s14+$0x54D0]  }
0x151: {  	v23 =	vmul.bf16 v23, v23;
	v24 =	vmul.bf16 v48, v48;
	_ =	sdelay $0x1  }
0x152: {  	v51 =	vmul.bf16 v49, v49;
	v23 =	vadd.bf16 v24, v23;
	_ =	sdelay $0x1  }
0x153: {  	v52 =	vmul.bf16 v50, v50;
	v23 =	vadd.bf16 v51, v23;
	_ =	sdelay $0x1  }
0x154: {  	v23 =	vadd.bf16 v52, v23;
	_ =	sdelay $0x1  }
0x155: {  	v24 =	vunpack.i.u.bf16.f32 v23;
	v23 =	vunpack.i.l.bf16.f32 v23  }
0x156: {  	v23 =	vadd.f32 v23, v24;
	_ =	sdelay $0x1  }
0x157: {  	[tilespmem:$0x115D0] =	vst v23  }
0x158: {  	v23 =	vld [tilespmem:s14+$0x54E0]  }
0x159: {  	v53 =	vld [tilespmem:s14+$0x54F0];
	_ =	sdelay $0x1  }
0x15a: {  	v54 =	vld [tilespmem:s14+$0x5500];
	_ =	sdelay $0x1  }
0x15b: {  	v55 =	vld [tilespmem:s14+$0x5510]  }
0x15c: {  	v23 =	vmul.bf16 v23, v23;
	v24 =	vmul.bf16 v53, v53;
	_ =	sdelay $0x1  }
0x15d: {  	v56 =	vmul.bf16 v54, v54;
	v23 =	vadd.bf16 v24, v23;
	_ =	sdelay $0x1  }
0x15e: {  	v57 =	vmul.bf16 v55, v55;
	v23 =	vadd.bf16 v56, v23;
	_ =	sdelay $0x1  }
0x15f: {  	v23 =	vadd.bf16 v57, v23;
	_ =	sdelay $0x1  }
0x160: {  	v24 =	vunpack.i.u.bf16.f32 v23;
	v23 =	vunpack.i.l.bf16.f32 v23  }
0x161: {  	v23 =	vadd.f32 v23, v24;
	_ =	sdelay $0x1  }
0x162: {  	[tilespmem:$0x115E0] =	vst v23  }
0x163: {  	v23 =	vld [tilespmem:s14+$0x5520]  }
0x164: {  	v58 =	vld [tilespmem:s14+$0x5530];
	_ =	sdelay $0x1  }
0x165: {  	v59 =	vld [tilespmem:s14+$0x5540];
	_ =	sdelay $0x1  }
0x166: {  	v60 =	vld [tilespmem:s14+$0x5550]  }
0x167: {  	v23 =	vmul.bf16 v23, v23;
	v24 =	vmul.bf16 v58, v58;
	_ =	sdelay $0x1  }
0x168: {  	v61 =	vmul.bf16 v59, v59;
	v23 =	vadd.bf16 v24, v23;
	_ =	sdelay $0x1  }
0x169: {  	v62 =	vmul.bf16 v60, v60;
	v23 =	vadd.bf16 v61, v23;
	_ =	sdelay $0x1  }
0x16a: {  	v23 =	vadd.bf16 v62, v23;
	_ =	sdelay $0x1  }
0x16b: {  	v24 =	vunpack.i.u.bf16.f32 v23;
	v23 =	vunpack.i.l.bf16.f32 v23  }
0x16c: {  	v23 =	vadd.f32 v23, v24;
	_ =	sdelay $0x1  }
0x16d: {  	[tilespmem:$0x115F0] =	vst v23  }
0x16e: {  	v23 =	vld [tilespmem:s14+$0x5560]  }
0x16f: {  	v63 =	vld [tilespmem:s14+$0x5570];
	_ =	sdelay $0x1  }
0x170: {  	v28 =	vld [tilespmem:s14+$0x5580];
	_ =	sdelay $0x1  }
0x171: {  	v29 =	vld [tilespmem:s14+$0x5590]  }
0x172: {  	v23 =	vmul.bf16 v23, v23;
	v24 =	vmul.bf16 v63, v63;
	_ =	sdelay $0x1  }
0x173: {  	v30 =	vmul.bf16 v28, v28;
	v23 =	vadd.bf16 v24, v23;
	_ =	sdelay $0x1  }
0x174: {  	v31 =	vmul.bf16 v29, v29;
	v23 =	vadd.bf16 v30, v23;
	_ =	sdelay $0x1  }
0x175: {  	v23 =	vadd.bf16 v31, v23;
	_ =	sdelay $0x1  }
0x176: {  	v24 =	vunpack.i.u.bf16.f32 v23;
	v23 =	vunpack.i.l.bf16.f32 v23  }
0x177: {  	v23 =	vadd.f32 v23, v24;
	_ =	sdelay $0x1  }
0x178: {  	[tilespmem:$0x11600] =	vst v23  }
0x179: {  	v23 =	vld [tilespmem:s14+$0x55A0]  }
0x17a: {  	v32 =	vld [tilespmem:s14+$0x55B0];
	_ =	sdelay $0x1  }
0x17b: {  	v33 =	vld [tilespmem:s14+$0x55C0];
	_ =	sdelay $0x1  }
0x17c: {  	v34 =	vld [tilespmem:s14+$0x55D0]  }
0x17d: {  	v23 =	vmul.bf16 v23, v23;
	v24 =	vmul.bf16 v32, v32;
	_ =	sdelay $0x1  }
0x17e: {  	v35 =	vmul.bf16 v33, v33;
	v23 =	vadd.bf16 v24, v23;
	_ =	sdelay $0x1  }
0x17f: {  	v36 =	vmul.bf16 v34, v34;
	v23 =	vadd.bf16 v35, v23;
	_ =	sdelay $0x1  }
0x180: {  	v23 =	vadd.bf16 v36, v23;
	_ =	sdelay $0x1  }
0x181: {  	v24 =	vunpack.i.u.bf16.f32 v23;
	v23 =	vunpack.i.l.bf16.f32 v23  }
0x182: {  	v23 =	vadd.f32 v23, v24;
	_ =	sdelay $0x1  }
0x183: {  	[tilespmem:$0x11610] =	vst v23  }
0x184: {  	v23 =	vld [tilespmem:s14+$0x55E0]  }
0x185: {  	v37 =	vld [tilespmem:s14+$0x55F0];
	_ =	sdelay $0x1  }
0x186: {  	v38 =	vld [tilespmem:s14+$0x5600];
	_ =	sdelay $0x1  }
0x187: {  	v39 =	vld [tilespmem:s14+$0x5610]  }
0x188: {  	v23 =	vmul.bf16 v23, v23;
	v24 =	vmul.bf16 v37, v37;
	_ =	sdelay $0x1  }
0x189: {  	v40 =	vmul.bf16 v38, v38;
	v23 =	vadd.bf16 v24, v23;
	_ =	sdelay $0x1  }
0x18a: {  	v41 =	vmul.bf16 v39, v39;
	v23 =	vadd.bf16 v40, v23;
	_ =	sdelay $0x1  }
0x18b: {  	v23 =	vadd.bf16 v41, v23;
	_ =	sdelay $0x1  }
0x18c: {  	v24 =	vunpack.i.u.bf16.f32 v23;
	v23 =	vunpack.i.l.bf16.f32 v23  }
0x18d: {  	v23 =	vadd.f32 v23, v24;
	_ =	sdelay $0x1  }
0x18e: {  	[tilespmem:$0x11620] =	vst v23  }
0x18f: {  	v23 =	vld.idx.msk [tilespmem:v1+s9+$0x0], $0xffff  }
0x190: {  	v42 =	vld.idx.msk [tilespmem:v2+s9+$0x0], $0xffff  }
0x191: {  	v43 =	vld.idx.msk [tilespmem:v3+s9+$0x0], $0xffff  }
0x192: {  	v44 =	vld.idx.msk [tilespmem:v4+s9+$0x0], $0xffff  }
0x193: {  	v45 =	vld.idx.msk [tilespmem:v5+s9+$0x0], $0xffff  }
0x194: {  	v46 =	vld.idx.msk [tilespmem:v6+s9+$0x0], $0xffff  }
0x195: {  	v47 =	vld.idx.msk [tilespmem:v7+s9+$0x0], $0xffff  }
0x196: {  	v48 =	vld.idx.msk [tilespmem:v8+s9+$0x0], $0xffff  }
0x197: {  	v49 =	vld.idx.msk [tilespmem:v9+s9+$0x0], $0xffff  }
0x198: {  	v50 =	vld.idx.msk [tilespmem:v10+s9+$0x0], $0xffff  }
0x199: {  	v51 =	vld.idx.msk [tilespmem:v11+s9+$0x0], $0xffff  }
0x19a: {  	v52 =	vld.idx.msk [tilespmem:v12+s9+$0x0], $0xffff  }
0x19b: {  	v53 =	vld.idx.msk [tilespmem:v13+s9+$0x0], $0xffff  }
0x19c: {  	v54 =	vld.idx.msk [tilespmem:v14+s9+$0x0], $0xffff  }
0x19d: {  	v55 =	vld.idx.msk [tilespmem:v15+s9+$0x0], $0xffff  }
0x19e: {  	v56 =	vld.idx.msk [tilespmem:v17+s9+$0x0], $0xffff;
	_ =	sdelay $0x1  }
0x19f: {  	v23 =	vadd.f32 v42, v23;
	v57 =	vadd.f32 v44, v43  }
0x1a0: {  	v58 =	vadd.f32 v46, v45;
	v59 =	vadd.f32 v48, v47  }
0x1a1: {  	v60 =	vadd.f32 v50, v49;
	v61 =	vadd.f32 v52, v51  }
0x1a2: {  	v62 =	vadd.f32 v54, v53;
	v63 =	vadd.f32 v56, v55  }
0x1a3: {  	v34 =	vadd.s32 s12, v19;
	v23 =	vadd.f32 v57, v23;
	v33 =	vadd.f32 v59, v58  }
0x1a4: {  	v25 =	vand.u32 $0x7FF8, v34;
	v35 =	vadd.f32 v61, v60;
	v36 =	vadd.f32 v63, v62  }
0x1a5: {  	v25 =	vor.u32 v16, v25  }
0x1a6: {  	v23 =	vadd.f32 v33, v23;
	v37 =	vadd.f32 v36, v35;
	_ =	sdelay $0x1  }
0x1a7: {  	v23 =	vadd.f32 v37, v23;
	_ =	sdelay $0x1  }
0x1a8: {  	[tilespmem:v25+s10+$0x0] =	vst.idx.msk $0xffff, v23  }
0x1a9: {  	v23 =	vld [tilespmem:s14+$0x5620]  }
0x1aa: {  	v38 =	vld [tilespmem:s14+$0x5630];
	_ =	sdelay $0x1  }
0x1ab: {  	v25 =	vld [tilespmem:s14+$0x5640];
	_ =	sdelay $0x1  }
0x1ac: {  	v39 =	vld [tilespmem:s14+$0x5650]  }
0x1ad: {  	v23 =	vmul.bf16 v23, v23;
	v24 =	vmul.bf16 v38, v38;
	_ =	sdelay $0x1  }
0x1ae: {  	v40 =	vmul.bf16 v25, v25;
	v23 =	vadd.bf16 v24, v23;
	_ =	sdelay $0x1  }
0x1af: {  	v41 =	vmul.bf16 v39, v39;
	v23 =	vadd.bf16 v40, v23;
	_ =	sdelay $0x1  }
0x1b0: {  	v23 =	vadd.bf16 v41, v23;
	_ =	sdelay $0x1  }
0x1b1: {  	v24 =	vunpack.i.u.bf16.f32 v23;
	v23 =	vunpack.i.l.bf16.f32 v23  }
0x1b2: {  	v23 =	vadd.f32 v23, v24;
	_ =	sdelay $0x1  }
0x1b3: {  	[tilespmem:$0x11530] =	vst v23  }
0x1b4: {  	v23 =	vld [tilespmem:s14+$0x5660]  }
0x1b5: {  	v42 =	vld [tilespmem:s14+$0x5670];
	_ =	sdelay $0x1  }
0x1b6: {  	v43 =	vld [tilespmem:s14+$0x5680];
	_ =	sdelay $0x1  }
0x1b7: {  	v44 =	vld [tilespmem:s14+$0x5690]  }
0x1b8: {  	v23 =	vmul.bf16 v23, v23;
	v24 =	vmul.bf16 v42, v42;
	_ =	sdelay $0x1  }
0x1b9: {  	v45 =	vmul.bf16 v43, v43;
	v23 =	vadd.bf16 v24, v23;
	_ =	sdelay $0x1  }
0x1ba: {  	v46 =	vmul.bf16 v44, v44;
	v23 =	vadd.bf16 v45, v23;
	_ =	sdelay $0x1  }
0x1bb: {  	v23 =	vadd.bf16 v46, v23;
	_ =	sdelay $0x1  }
0x1bc: {  	v24 =	vunpack.i.u.bf16.f32 v23;
	v23 =	vunpack.i.l.bf16.f32 v23  }
0x1bd: {  	v23 =	vadd.f32 v23, v24;
	_ =	sdelay $0x1  }
0x1be: {  	[tilespmem:$0x11540] =	vst v23  }
0x1bf: {  	v23 =	vld [tilespmem:s14+$0x56A0]  }
0x1c0: {  	v47 =	vld [tilespmem:s14+$0x56B0];
	_ =	sdelay $0x1  }
0x1c1: {  	v48 =	vld [tilespmem:s14+$0x56C0];
	_ =	sdelay $0x1  }
0x1c2: {  	v49 =	vld [tilespmem:s14+$0x56D0]  }
0x1c3: {  	v23 =	vmul.bf16 v23, v23;
	v24 =	vmul.bf16 v47, v47;
	_ =	sdelay $0x1  }
0x1c4: {  	v50 =	vmul.bf16 v48, v48;
	v23 =	vadd.bf16 v24, v23;
	_ =	sdelay $0x1  }
0x1c5: {  	v51 =	vmul.bf16 v49, v49;
	v23 =	vadd.bf16 v50, v23;
	_ =	sdelay $0x1  }
0x1c6: {  	v23 =	vadd.bf16 v51, v23;
	_ =	sdelay $0x1  }
0x1c7: {  	v24 =	vunpack.i.u.bf16.f32 v23;
	v23 =	vunpack.i.l.bf16.f32 v23  }
0x1c8: {  	v23 =	vadd.f32 v23, v24;
	_ =	sdelay $0x1  }
0x1c9: {  	[tilespmem:$0x11550] =	vst v23  }
0x1ca: {  	v23 =	vld [tilespmem:s14+$0x56E0]  }
0x1cb: {  	v52 =	vld [tilespmem:s14+$0x56F0];
	_ =	sdelay $0x1  }
0x1cc: {  	v53 =	vld [tilespmem:s14+$0x5700];
	_ =	sdelay $0x1  }
0x1cd: {  	v54 =	vld [tilespmem:s14+$0x5710]  }
0x1ce: {  	v23 =	vmul.bf16 v23, v23;
	v24 =	vmul.bf16 v52, v52;
	_ =	sdelay $0x1  }
0x1cf: {  	v55 =	vmul.bf16 v53, v53;
	v23 =	vadd.bf16 v24, v23;
	_ =	sdelay $0x1  }
0x1d0: {  	v56 =	vmul.bf16 v54, v54;
	v23 =	vadd.bf16 v55, v23;
	_ =	sdelay $0x1  }
0x1d1: {  	v23 =	vadd.bf16 v56, v23;
	_ =	sdelay $0x1  }
0x1d2: {  	v24 =	vunpack.i.u.bf16.f32 v23;
	v23 =	vunpack.i.l.bf16.f32 v23  }
0x1d3: {  	v23 =	vadd.f32 v23, v24;
	_ =	sdelay $0x1  }
0x1d4: {  	[tilespmem:$0x11560] =	vst v23  }
0x1d5: {  	v23 =	vld [tilespmem:s14+$0x5720]  }
0x1d6: {  	v57 =	vld [tilespmem:s14+$0x5730];
	_ =	sdelay $0x1  }
0x1d7: {  	v58 =	vld [tilespmem:s14+$0x5740];
	_ =	sdelay $0x1  }
0x1d8: {  	v59 =	vld [tilespmem:s14+$0x5750]  }
0x1d9: {  	v23 =	vmul.bf16 v23, v23;
	v24 =	vmul.bf16 v57, v57;
	_ =	sdelay $0x1  }
0x1da: {  	v60 =	vmul.bf16 v58, v58;
	v23 =	vadd.bf16 v24, v23;
	_ =	sdelay $0x1  }
0x1db: {  	v61 =	vmul.bf16 v59, v59;
	v23 =	vadd.bf16 v60, v23;
	_ =	sdelay $0x1  }
0x1dc: {  	v23 =	vadd.bf16 v61, v23;
	_ =	sdelay $0x1  }
0x1dd: {  	v24 =	vunpack.i.u.bf16.f32 v23;
	v23 =	vunpack.i.l.bf16.f32 v23  }
0x1de: {  	v23 =	vadd.f32 v23, v24;
	_ =	sdelay $0x1  }
0x1df: {  	[tilespmem:$0x11570] =	vst v23  }
0x1e0: {  	v23 =	vld [tilespmem:s14+$0x5760]  }
0x1e1: {  	v62 =	vld [tilespmem:s14+$0x5770];
	_ =	sdelay $0x1  }
0x1e2: {  	v63 =	vld [tilespmem:s14+$0x5780];
	_ =	sdelay $0x1  }
0x1e3: {  	v28 =	vld [tilespmem:s14+$0x5790]  }
0x1e4: {  	v23 =	vmul.bf16 v23, v23;
	v24 =	vmul.bf16 v62, v62;
	_ =	sdelay $0x1  }
0x1e5: {  	v29 =	vmul.bf16 v63, v63;
	v23 =	vadd.bf16 v24, v23;
	_ =	sdelay $0x1  }
0x1e6: {  	v30 =	vmul.bf16 v28, v28;
	v23 =	vadd.bf16 v29, v23;
	_ =	sdelay $0x1  }
0x1e7: {  	v23 =	vadd.bf16 v30, v23;
	_ =	sdelay $0x1  }
0x1e8: {  	v24 =	vunpack.i.u.bf16.f32 v23;
	v23 =	vunpack.i.l.bf16.f32 v23  }
0x1e9: {  	v23 =	vadd.f32 v23, v24;
	_ =	sdelay $0x1  }
0x1ea: {  	[tilespmem:$0x11580] =	vst v23  }
0x1eb: {  	v23 =	vld [tilespmem:s14+$0x57A0]  }
0x1ec: {  	v31 =	vld [tilespmem:s14+$0x57B0];
	_ =	sdelay $0x1  }
0x1ed: {  	v32 =	vld [tilespmem:s14+$0x57C0];
	_ =	sdelay $0x1  }
0x1ee: {  	v33 =	vld [tilespmem:s14+$0x57D0]  }
0x1ef: {  	v23 =	vmul.bf16 v23, v23;
	v24 =	vmul.bf16 v31, v31;
	_ =	sdelay $0x1  }
0x1f0: {  	v34 =	vmul.bf16 v32, v32;
	v23 =	vadd.bf16 v24, v23;
	_ =	sdelay $0x1  }
0x1f1: {  	v35 =	vmul.bf16 v33, v33;
	v23 =	vadd.bf16 v34, v23;
	_ =	sdelay $0x1  }
0x1f2: {  	v23 =	vadd.bf16 v35, v23;
	_ =	sdelay $0x1  }
0x1f3: {  	v24 =	vunpack.i.u.bf16.f32 v23;
	v23 =	vunpack.i.l.bf16.f32 v23  }
0x1f4: {  	v23 =	vadd.f32 v23, v24;
	_ =	sdelay $0x1  }
0x1f5: {  	[tilespmem:$0x11590] =	vst v23  }
0x1f6: {  	v23 =	vld [tilespmem:s14+$0x57E0]  }
0x1f7: {  	v36 =	vld [tilespmem:s14+$0x57F0];
	_ =	sdelay $0x1  }
0x1f8: {  	v37 =	vld [tilespmem:s14+$0x5800];
	_ =	sdelay $0x1  }
0x1f9: {  	v38 =	vld [tilespmem:s14+$0x5810]  }
0x1fa: {  	v23 =	vmul.bf16 v23, v23;
	v24 =	vmul.bf16 v36, v36;
	_ =	sdelay $0x1  }
0x1fb: {  	v39 =	vmul.bf16 v37, v37;
	v23 =	vadd.bf16 v24, v23;
	_ =	sdelay $0x1  }
0x1fc: {  	v40 =	vmul.bf16 v38, v38;
	v23 =	vadd.bf16 v39, v23;
	_ =	sdelay $0x1  }
0x1fd: {  	v23 =	vadd.bf16 v40, v23;
	_ =	sdelay $0x1  }
0x1fe: {  	v24 =	vunpack.i.u.bf16.f32 v23;
	v23 =	vunpack.i.l.bf16.f32 v23  }
0x1ff: {  	v23 =	vadd.f32 v23, v24;
	_ =	sdelay $0x1  }
0x200: {  	[tilespmem:$0x115A0] =	vst v23  }
0x201: {  	v23 =	vld [tilespmem:s14+$0x5820]  }
0x202: {  	v41 =	vld [tilespmem:s14+$0x5830];
	_ =	sdelay $0x1  }
0x203: {  	v42 =	vld [tilespmem:s14+$0x5840];
	_ =	sdelay $0x1  }
0x204: {  	v43 =	vld [tilespmem:s14+$0x5850]  }
0x205: {  	v23 =	vmul.bf16 v23, v23;
	v24 =	vmul.bf16 v41, v41;
	_ =	sdelay $0x1  }
0x206: {  	v44 =	vmul.bf16 v42, v42;
	v23 =	vadd.bf16 v24, v23;
	_ =	sdelay $0x1  }
0x207: {  	v45 =	vmul.bf16 v43, v43;
	v23 =	vadd.bf16 v44, v23;
	_ =	sdelay $0x1  }
0x208: {  	v23 =	vadd.bf16 v45, v23;
	_ =	sdelay $0x1  }
0x209: {  	v24 =	vunpack.i.u.bf16.f32 v23;
	v23 =	vunpack.i.l.bf16.f32 v23  }
0x20a: {  	v23 =	vadd.f32 v23, v24;
	_ =	sdelay $0x1  }
0x20b: {  	[tilespmem:$0x115B0] =	vst v23  }
0x20c: {  	v23 =	vld [tilespmem:s14+$0x5860]  }
0x20d: {  	v46 =	vld [tilespmem:s14+$0x5870];
	_ =	sdelay $0x1  }
0x20e: {  	v47 =	vld [tilespmem:s14+$0x5880];
	_ =	sdelay $0x1  }
0x20f: {  	v48 =	vld [tilespmem:s14+$0x5890]  }
0x210: {  	v23 =	vmul.bf16 v23, v23;
	v24 =	vmul.bf16 v46, v46;
	_ =	sdelay $0x1  }
0x211: {  	v49 =	vmul.bf16 v47, v47;
	v23 =	vadd.bf16 v24, v23;
	_ =	sdelay $0x1  }
0x212: {  	v50 =	vmul.bf16 v48, v48;
	v23 =	vadd.bf16 v49, v23;
	_ =	sdelay $0x1  }
0x213: {  	v23 =	vadd.bf16 v50, v23;
	_ =	sdelay $0x1  }
0x214: {  	v24 =	vunpack.i.u.bf16.f32 v23;
	v23 =	vunpack.i.l.bf16.f32 v23  }
0x215: {  	v23 =	vadd.f32 v23, v24;
	_ =	sdelay $0x1  }
0x216: {  	[tilespmem:$0x115C0] =	vst v23  }
0x217: {  	v23 =	vld [tilespmem:s14+$0x58A0]  }
0x218: {  	v51 =	vld [tilespmem:s14+$0x58B0];
	_ =	sdelay $0x1  }
0x219: {  	v52 =	vld [tilespmem:s14+$0x58C0];
	_ =	sdelay $0x1  }
0x21a: {  	v53 =	vld [tilespmem:s14+$0x58D0]  }
0x21b: {  	v23 =	vmul.bf16 v23, v23;
	v24 =	vmul.bf16 v51, v51;
	_ =	sdelay $0x1  }
0x21c: {  	v54 =	vmul.bf16 v52, v52;
	v23 =	vadd.bf16 v24, v23;
	_ =	sdelay $0x1  }
0x21d: {  	v55 =	vmul.bf16 v53, v53;
	v23 =	vadd.bf16 v54, v23;
	_ =	sdelay $0x1  }
0x21e: {  	v23 =	vadd.bf16 v55, v23;
	_ =	sdelay $0x1  }
0x21f: {  	v24 =	vunpack.i.u.bf16.f32 v23;
	v23 =	vunpack.i.l.bf16.f32 v23  }
0x220: {  	v23 =	vadd.f32 v23, v24;
	_ =	sdelay $0x1  }
0x221: {  	[tilespmem:$0x115D0] =	vst v23  }
0x222: {  	v23 =	vld [tilespmem:s14+$0x58E0]  }
0x223: {  	v56 =	vld [tilespmem:s14+$0x58F0];
	_ =	sdelay $0x1  }
0x224: {  	v57 =	vld [tilespmem:s14+$0x5900];
	_ =	sdelay $0x1  }
0x225: {  	v58 =	vld [tilespmem:s14+$0x5910]  }
0x226: {  	v23 =	vmul.bf16 v23, v23;
	v24 =	vmul.bf16 v56, v56;
	_ =	sdelay $0x1  }
0x227: {  	v59 =	vmul.bf16 v57, v57;
	v23 =	vadd.bf16 v24, v23;
	_ =	sdelay $0x1  }
0x228: {  	v60 =	vmul.bf16 v58, v58;
	v23 =	vadd.bf16 v59, v23;
	_ =	sdelay $0x1  }
0x229: {  	v23 =	vadd.bf16 v60, v23;
	_ =	sdelay $0x1  }
0x22a: {  	v24 =	vunpack.i.u.bf16.f32 v23;
	v23 =	vunpack.i.l.bf16.f32 v23  }
0x22b: {  	v23 =	vadd.f32 v23, v24;
	_ =	sdelay $0x1  }
0x22c: {  	[tilespmem:$0x115E0] =	vst v23  }
0x22d: {  	v23 =	vld [tilespmem:s14+$0x5920]  }
0x22e: {  	v61 =	vld [tilespmem:s14+$0x5930];
	_ =	sdelay $0x1  }
0x22f: {  	v62 =	vld [tilespmem:s14+$0x5940];
	_ =	sdelay $0x1  }
0x230: {  	v63 =	vld [tilespmem:s14+$0x5950]  }
0x231: {  	v23 =	vmul.bf16 v23, v23;
	v24 =	vmul.bf16 v61, v61;
	_ =	sdelay $0x1  }
0x232: {  	v28 =	vmul.bf16 v62, v62;
	v23 =	vadd.bf16 v24, v23;
	_ =	sdelay $0x1  }
0x233: {  	v29 =	vmul.bf16 v63, v63;
	v23 =	vadd.bf16 v28, v23;
	_ =	sdelay $0x1  }
0x234: {  	v23 =	vadd.bf16 v29, v23;
	_ =	sdelay $0x1  }
0x235: {  	v24 =	vunpack.i.u.bf16.f32 v23;
	v23 =	vunpack.i.l.bf16.f32 v23  }
0x236: {  	v23 =	vadd.f32 v23, v24;
	_ =	sdelay $0x1  }
0x237: {  	[tilespmem:$0x115F0] =	vst v23  }
0x238: {  	v23 =	vld [tilespmem:s14+$0x5960]  }
0x239: {  	v30 =	vld [tilespmem:s14+$0x5970];
	_ =	sdelay $0x1  }
0x23a: {  	v31 =	vld [tilespmem:s14+$0x5980];
	_ =	sdelay $0x1  }
0x23b: {  	v32 =	vld [tilespmem:s14+$0x5990]  }
0x23c: {  	v23 =	vmul.bf16 v23, v23;
	v24 =	vmul.bf16 v30, v30;
	_ =	sdelay $0x1  }
0x23d: {  	v33 =	vmul.bf16 v31, v31;
	v23 =	vadd.bf16 v24, v23;
	_ =	sdelay $0x1  }
0x23e: {  	v34 =	vmul.bf16 v32, v32;
	v23 =	vadd.bf16 v33, v23;
	_ =	sdelay $0x1  }
0x23f: {  	v23 =	vadd.bf16 v34, v23;
	_ =	sdelay $0x1  }
0x240: {  	v24 =	vunpack.i.u.bf16.f32 v23;
	v23 =	vunpack.i.l.bf16.f32 v23  }
0x241: {  	v23 =	vadd.f32 v23, v24;
	_ =	sdelay $0x1  }
0x242: {  	[tilespmem:$0x11600] =	vst v23  }
0x243: {  	v23 =	vld [tilespmem:s14+$0x59A0]  }
0x244: {  	v35 =	vld [tilespmem:s14+$0x59B0];
	_ =	sdelay $0x1  }
0x245: {  	v36 =	vld [tilespmem:s14+$0x59C0];
	_ =	sdelay $0x1  }
0x246: {  	v37 =	vld [tilespmem:s14+$0x59D0]  }
0x247: {  	v23 =	vmul.bf16 v23, v23;
	v24 =	vmul.bf16 v35, v35;
	_ =	sdelay $0x1  }
0x248: {  	v38 =	vmul.bf16 v36, v36;
	v23 =	vadd.bf16 v24, v23;
	_ =	sdelay $0x1  }
0x249: {  	v39 =	vmul.bf16 v37, v37;
	v23 =	vadd.bf16 v38, v23;
	_ =	sdelay $0x1  }
0x24a: {  	v23 =	vadd.bf16 v39, v23;
	_ =	sdelay $0x1  }
0x24b: {  	v24 =	vunpack.i.u.bf16.f32 v23;
	v23 =	vunpack.i.l.bf16.f32 v23  }
0x24c: {  	v23 =	vadd.f32 v23, v24;
	_ =	sdelay $0x1  }
0x24d: {  	[tilespmem:$0x11610] =	vst v23  }
0x24e: {  	v23 =	vld [tilespmem:s14+$0x59E0]  }
0x24f: {  	v40 =	vld [tilespmem:s14+$0x59F0];
	_ =	sdelay $0x1  }
0x250: {  	v41 =	vld [tilespmem:s14+$0x5A00];
	_ =	sdelay $0x1  }
0x251: {  	v42 =	vld [tilespmem:s14+$0x5A10]  }
0x252: {  	v23 =	vmul.bf16 v23, v23;
	v24 =	vmul.bf16 v40, v40;
	_ =	sdelay $0x1  }
0x253: {  	v43 =	vmul.bf16 v41, v41;
	v23 =	vadd.bf16 v24, v23;
	_ =	sdelay $0x1  }
0x254: {  	v44 =	vmul.bf16 v42, v42;
	v23 =	vadd.bf16 v43, v23;
	_ =	sdelay $0x1  }
0x255: {  	v23 =	vadd.bf16 v44, v23;
	_ =	sdelay $0x1  }
0x256: {  	v24 =	vunpack.i.u.bf16.f32 v23;
	v23 =	vunpack.i.l.bf16.f32 v23  }
0x257: {  	v23 =	vadd.f32 v23, v24;
	_ =	sdelay $0x1  }
0x258: {  	[tilespmem:$0x11620] =	vst v23  }
0x259: {  	v23 =	vld.idx.msk [tilespmem:v1+s9+$0x0], $0xffff  }
0x25a: {  	v45 =	vld.idx.msk [tilespmem:v2+s9+$0x0], $0xffff  }
0x25b: {  	v46 =	vld.idx.msk [tilespmem:v3+s9+$0x0], $0xffff  }
0x25c: {  	v47 =	vld.idx.msk [tilespmem:v4+s9+$0x0], $0xffff  }
0x25d: {  	v48 =	vld.idx.msk [tilespmem:v5+s9+$0x0], $0xffff  }
0x25e: {  	v49 =	vld.idx.msk [tilespmem:v6+s9+$0x0], $0xffff  }
0x25f: {  	v50 =	vld.idx.msk [tilespmem:v7+s9+$0x0], $0xffff  }
0x260: {  	v51 =	vld.idx.msk [tilespmem:v8+s9+$0x0], $0xffff  }
0x261: {  	v52 =	vld.idx.msk [tilespmem:v9+s9+$0x0], $0xffff  }
0x262: {  	v53 =	vld.idx.msk [tilespmem:v10+s9+$0x0], $0xffff  }
0x263: {  	v54 =	vld.idx.msk [tilespmem:v11+s9+$0x0], $0xffff  }
0x264: {  	v55 =	vld.idx.msk [tilespmem:v12+s9+$0x0], $0xffff  }
0x265: {  	v56 =	vld.idx.msk [tilespmem:v13+s9+$0x0], $0xffff  }
0x266: {  	v57 =	vld.idx.msk [tilespmem:v14+s9+$0x0], $0xffff  }
0x267: {  	v58 =	vld.idx.msk [tilespmem:v15+s9+$0x0], $0xffff  }
0x268: {  	v59 =	vld.idx.msk [tilespmem:v17+s9+$0x0], $0xffff;
	_ =	sdelay $0x1  }
0x269: {  	v23 =	vadd.f32 v45, v23;
	v60 =	vadd.f32 v47, v46  }
0x26a: {  	v61 =	vadd.f32 v49, v48;
	v62 =	vadd.f32 v51, v50  }
0x26b: {  	v63 =	vadd.f32 v53, v52;
	v34 =	vadd.f32 v55, v54  }
0x26c: {  	v36 =	vadd.f32 v57, v56;
	v38 =	vadd.f32 v59, v58  }
0x26d: {  	v40 =	vadd.s32 s12, v20;
	v23 =	vadd.f32 v60, v23;
	v39 =	vadd.f32 v62, v61  }
0x26e: {  	v25 =	vand.u32 $0x7FF8, v40;
	v41 =	vadd.f32 v34, v63;
	v42 =	vadd.f32 v38, v36  }
0x26f: {  	v25 =	vor.u32 v16, v25  }
0x270: {  	v23 =	vadd.f32 v39, v23;
	v43 =	vadd.f32 v42, v41;
	_ =	sdelay $0x1  }
0x271: {  	v23 =	vadd.f32 v43, v23;
	_ =	sdelay $0x1  }
0x272: {  	[tilespmem:v25+s10+$0x0] =	vst.idx.msk $0xffff, v23  }
0x273: {  	v23 =	vld [tilespmem:s14+$0x5A20]  }
0x274: {  	v44 =	vld [tilespmem:s14+$0x5A30];
	_ =	sdelay $0x1  }
0x275: {  	v25 =	vld [tilespmem:s14+$0x5A40];
	_ =	sdelay $0x1  }
0x276: {  	v45 =	vld [tilespmem:s14+$0x5A50]  }
0x277: {  	v23 =	vmul.bf16 v23, v23;
	v24 =	vmul.bf16 v44, v44;
	_ =	sdelay $0x1  }
0x278: {  	v46 =	vmul.bf16 v25, v25;
	v23 =	vadd.bf16 v24, v23;
	_ =	sdelay $0x1  }
0x279: {  	v47 =	vmul.bf16 v45, v45;
	v23 =	vadd.bf16 v46, v23;
	_ =	sdelay $0x1  }
0x27a: {  	v23 =	vadd.bf16 v47, v23;
	_ =	sdelay $0x1  }
0x27b: {  	v24 =	vunpack.i.u.bf16.f32 v23;
	v23 =	vunpack.i.l.bf16.f32 v23  }
0x27c: {  	v23 =	vadd.f32 v23, v24;
	_ =	sdelay $0x1  }
0x27d: {  	[tilespmem:$0x11530] =	vst v23  }
0x27e: {  	v23 =	vld [tilespmem:s14+$0x5A60]  }
0x27f: {  	v48 =	vld [tilespmem:s14+$0x5A70];
	_ =	sdelay $0x1  }
0x280: {  	v49 =	vld [tilespmem:s14+$0x5A80];
	_ =	sdelay $0x1  }
0x281: {  	v50 =	vld [tilespmem:s14+$0x5A90]  }
0x282: {  	v23 =	vmul.bf16 v23, v23;
	v24 =	vmul.bf16 v48, v48;
	_ =	sdelay $0x1  }
0x283: {  	v51 =	vmul.bf16 v49, v49;
	v23 =	vadd.bf16 v24, v23;
	_ =	sdelay $0x1  }
0x284: {  	v52 =	vmul.bf16 v50, v50;
	v23 =	vadd.bf16 v51, v23;
	_ =	sdelay $0x1  }
0x285: {  	v23 =	vadd.bf16 v52, v23;
	_ =	sdelay $0x1  }
0x286: {  	v24 =	vunpack.i.u.bf16.f32 v23;
	v23 =	vunpack.i.l.bf16.f32 v23  }
0x287: {  	v23 =	vadd.f32 v23, v24;
	_ =	sdelay $0x1  }
0x288: {  	[tilespmem:$0x11540] =	vst v23  }
0x289: {  	v23 =	vld [tilespmem:s14+$0x5AA0]  }
0x28a: {  	v53 =	vld [tilespmem:s14+$0x5AB0];
	_ =	sdelay $0x1  }
0x28b: {  	v54 =	vld [tilespmem:s14+$0x5AC0];
	_ =	sdelay $0x1  }
0x28c: {  	v55 =	vld [tilespmem:s14+$0x5AD0]  }
0x28d: {  	v23 =	vmul.bf16 v23, v23;
	v24 =	vmul.bf16 v53, v53;
	_ =	sdelay $0x1  }
0x28e: {  	v56 =	vmul.bf16 v54, v54;
	v23 =	vadd.bf16 v24, v23;
	_ =	sdelay $0x1  }
0x28f: {  	v57 =	vmul.bf16 v55, v55;
	v23 =	vadd.bf16 v56, v23;
	_ =	sdelay $0x1  }
0x290: {  	v23 =	vadd.bf16 v57, v23;
	_ =	sdelay $0x1  }
0x291: {  	v24 =	vunpack.i.u.bf16.f32 v23;
	v23 =	vunpack.i.l.bf16.f32 v23  }
0x292: {  	v23 =	vadd.f32 v23, v24;
	_ =	sdelay $0x1  }
0x293: {  	[tilespmem:$0x11550] =	vst v23  }
0x294: {  	v23 =	vld [tilespmem:s14+$0x5AE0]  }
0x295: {  	v58 =	vld [tilespmem:s14+$0x5AF0];
	_ =	sdelay $0x1  }
0x296: {  	v59 =	vld [tilespmem:s14+$0x5B00];
	_ =	sdelay $0x1  }
0x297: {  	v60 =	vld [tilespmem:s14+$0x5B10]  }
0x298: {  	v23 =	vmul.bf16 v23, v23;
	v24 =	vmul.bf16 v58, v58;
	_ =	sdelay $0x1  }
0x299: {  	v61 =	vmul.bf16 v59, v59;
	v23 =	vadd.bf16 v24, v23;
	_ =	sdelay $0x1  }
0x29a: {  	v62 =	vmul.bf16 v60, v60;
	v23 =	vadd.bf16 v61, v23;
	_ =	sdelay $0x1  }
0x29b: {  	v23 =	vadd.bf16 v62, v23;
	_ =	sdelay $0x1  }
0x29c: {  	v24 =	vunpack.i.u.bf16.f32 v23;
	v23 =	vunpack.i.l.bf16.f32 v23  }
0x29d: {  	v23 =	vadd.f32 v23, v24;
	_ =	sdelay $0x1  }
0x29e: {  	[tilespmem:$0x11560] =	vst v23  }
0x29f: {  	v23 =	vld [tilespmem:s14+$0x5B20]  }
0x2a0: {  	v63 =	vld [tilespmem:s14+$0x5B30];
	_ =	sdelay $0x1  }
0x2a1: {  	v28 =	vld [tilespmem:s14+$0x5B40];
	_ =	sdelay $0x1  }
0x2a2: {  	v29 =	vld [tilespmem:s14+$0x5B50]  }
0x2a3: {  	v23 =	vmul.bf16 v23, v23;
	v24 =	vmul.bf16 v63, v63;
	_ =	sdelay $0x1  }
0x2a4: {  	v30 =	vmul.bf16 v28, v28;
	v23 =	vadd.bf16 v24, v23;
	_ =	sdelay $0x1  }
0x2a5: {  	v31 =	vmul.bf16 v29, v29;
	v23 =	vadd.bf16 v30, v23;
	_ =	sdelay $0x1  }
0x2a6: {  	v23 =	vadd.bf16 v31, v23;
	_ =	sdelay $0x1  }
0x2a7: {  	v24 =	vunpack.i.u.bf16.f32 v23;
	v23 =	vunpack.i.l.bf16.f32 v23  }
0x2a8: {  	v23 =	vadd.f32 v23, v24;
	_ =	sdelay $0x1  }
0x2a9: {  	[tilespmem:$0x11570] =	vst v23  }
0x2aa: {  	v23 =	vld [tilespmem:s14+$0x5B60]  }
0x2ab: {  	v32 =	vld [tilespmem:s14+$0x5B70];
	_ =	sdelay $0x1  }
0x2ac: {  	v33 =	vld [tilespmem:s14+$0x5B80];
	_ =	sdelay $0x1  }
0x2ad: {  	v34 =	vld [tilespmem:s14+$0x5B90]  }
0x2ae: {  	v23 =	vmul.bf16 v23, v23;
	v24 =	vmul.bf16 v32, v32;
	_ =	sdelay $0x1  }
0x2af: {  	v35 =	vmul.bf16 v33, v33;
	v23 =	vadd.bf16 v24, v23;
	_ =	sdelay $0x1  }
0x2b0: {  	v36 =	vmul.bf16 v34, v34;
	v23 =	vadd.bf16 v35, v23;
	_ =	sdelay $0x1  }
0x2b1: {  	v23 =	vadd.bf16 v36, v23;
	_ =	sdelay $0x1  }
0x2b2: {  	v24 =	vunpack.i.u.bf16.f32 v23;
	v23 =	vunpack.i.l.bf16.f32 v23  }
0x2b3: {  	v23 =	vadd.f32 v23, v24;
	_ =	sdelay $0x1  }
0x2b4: {  	[tilespmem:$0x11580] =	vst v23  }
0x2b5: {  	v23 =	vld [tilespmem:s14+$0x5BA0]  }
0x2b6: {  	v37 =	vld [tilespmem:s14+$0x5BB0];
	_ =	sdelay $0x1  }
0x2b7: {  	v38 =	vld [tilespmem:s14+$0x5BC0];
	_ =	sdelay $0x1  }
0x2b8: {  	v39 =	vld [tilespmem:s14+$0x5BD0]  }
0x2b9: {  	v23 =	vmul.bf16 v23, v23;
	v24 =	vmul.bf16 v37, v37;
	_ =	sdelay $0x1  }
0x2ba: {  	v40 =	vmul.bf16 v38, v38;
	v23 =	vadd.bf16 v24, v23;
	_ =	sdelay $0x1  }
0x2bb: {  	v41 =	vmul.bf16 v39, v39;
	v23 =	vadd.bf16 v40, v23;
	_ =	sdelay $0x1  }
0x2bc: {  	v23 =	vadd.bf16 v41, v23;
	_ =	sdelay $0x1  }
0x2bd: {  	v24 =	vunpack.i.u.bf16.f32 v23;
	v23 =	vunpack.i.l.bf16.f32 v23  }
0x2be: {  	v23 =	vadd.f32 v23, v24;
	_ =	sdelay $0x1  }
0x2bf: {  	[tilespmem:$0x11590] =	vst v23  }
0x2c0: {  	v23 =	vld [tilespmem:s14+$0x5BE0]  }
0x2c1: {  	v42 =	vld [tilespmem:s14+$0x5BF0];
	_ =	sdelay $0x1  }
0x2c2: {  	v43 =	vld [tilespmem:s14+$0x5C00];
	_ =	sdelay $0x1  }
0x2c3: {  	v44 =	vld [tilespmem:s14+$0x5C10]  }
0x2c4: {  	v23 =	vmul.bf16 v23, v23;
	v24 =	vmul.bf16 v42, v42;
	_ =	sdelay $0x1  }
0x2c5: {  	v45 =	vmul.bf16 v43, v43;
	v23 =	vadd.bf16 v24, v23;
	_ =	sdelay $0x1  }
0x2c6: {  	v46 =	vmul.bf16 v44, v44;
	v23 =	vadd.bf16 v45, v23;
	_ =	sdelay $0x1  }
0x2c7: {  	v23 =	vadd.bf16 v46, v23;
	_ =	sdelay $0x1  }
0x2c8: {  	v24 =	vunpack.i.u.bf16.f32 v23;
	v23 =	vunpack.i.l.bf16.f32 v23  }
0x2c9: {  	v23 =	vadd.f32 v23, v24;
	_ =	sdelay $0x1  }
0x2ca: {  	[tilespmem:$0x115A0] =	vst v23  }
0x2cb: {  	v23 =	vld [tilespmem:s14+$0x5C20]  }
0x2cc: {  	v47 =	vld [tilespmem:s14+$0x5C30];
	_ =	sdelay $0x1  }
0x2cd: {  	v48 =	vld [tilespmem:s14+$0x5C40];
	_ =	sdelay $0x1  }
0x2ce: {  	v49 =	vld [tilespmem:s14+$0x5C50]  }
0x2cf: {  	v23 =	vmul.bf16 v23, v23;
	v24 =	vmul.bf16 v47, v47;
	_ =	sdelay $0x1  }
0x2d0: {  	v50 =	vmul.bf16 v48, v48;
	v23 =	vadd.bf16 v24, v23;
	_ =	sdelay $0x1  }
0x2d1: {  	v51 =	vmul.bf16 v49, v49;
	v23 =	vadd.bf16 v50, v23;
	_ =	sdelay $0x1  }
0x2d2: {  	v23 =	vadd.bf16 v51, v23;
	_ =	sdelay $0x1  }
0x2d3: {  	v24 =	vunpack.i.u.bf16.f32 v23;
	v23 =	vunpack.i.l.bf16.f32 v23  }
0x2d4: {  	v23 =	vadd.f32 v23, v24;
	_ =	sdelay $0x1  }
0x2d5: {  	[tilespmem:$0x115B0] =	vst v23  }
0x2d6: {  	v23 =	vld [tilespmem:s14+$0x5C60]  }
0x2d7: {  	v52 =	vld [tilespmem:s14+$0x5C70];
	_ =	sdelay $0x1  }
0x2d8: {  	v53 =	vld [tilespmem:s14+$0x5C80];
	_ =	sdelay $0x1  }
0x2d9: {  	v54 =	vld [tilespmem:s14+$0x5C90]  }
0x2da: {  	v23 =	vmul.bf16 v23, v23;
	v24 =	vmul.bf16 v52, v52;
	_ =	sdelay $0x1  }
0x2db: {  	v55 =	vmul.bf16 v53, v53;
	v23 =	vadd.bf16 v24, v23;
	_ =	sdelay $0x1  }
0x2dc: {  	v56 =	vmul.bf16 v54, v54;
	v23 =	vadd.bf16 v55, v23;
	_ =	sdelay $0x1  }
0x2dd: {  	v23 =	vadd.bf16 v56, v23;
	_ =	sdelay $0x1  }
0x2de: {  	v24 =	vunpack.i.u.bf16.f32 v23;
	v23 =	vunpack.i.l.bf16.f32 v23  }
0x2df: {  	v23 =	vadd.f32 v23, v24;
	_ =	sdelay $0x1  }
0x2e0: {  	[tilespmem:$0x115C0] =	vst v23  }
0x2e1: {  	v23 =	vld [tilespmem:s14+$0x5CA0]  }
0x2e2: {  	v57 =	vld [tilespmem:s14+$0x5CB0];
	_ =	sdelay $0x1  }
0x2e3: {  	v58 =	vld [tilespmem:s14+$0x5CC0];
	_ =	sdelay $0x1  }
0x2e4: {  	v59 =	vld [tilespmem:s14+$0x5CD0]  }
0x2e5: {  	v23 =	vmul.bf16 v23, v23;
	v24 =	vmul.bf16 v57, v57;
	_ =	sdelay $0x1  }
0x2e6: {  	v60 =	vmul.bf16 v58, v58;
	v23 =	vadd.bf16 v24, v23;
	_ =	sdelay $0x1  }
0x2e7: {  	v61 =	vmul.bf16 v59, v59;
	v23 =	vadd.bf16 v60, v23;
	_ =	sdelay $0x1  }
0x2e8: {  	v23 =	vadd.bf16 v61, v23;
	_ =	sdelay $0x1  }
0x2e9: {  	v24 =	vunpack.i.u.bf16.f32 v23;
	v23 =	vunpack.i.l.bf16.f32 v23  }
0x2ea: {  	v23 =	vadd.f32 v23, v24;
	_ =	sdelay $0x1  }
0x2eb: {  	[tilespmem:$0x115D0] =	vst v23  }
0x2ec: {  	v23 =	vld [tilespmem:s14+$0x5CE0]  }
0x2ed: {  	v62 =	vld [tilespmem:s14+$0x5CF0];
	_ =	sdelay $0x1  }
0x2ee: {  	v63 =	vld [tilespmem:s14+$0x5D00];
	_ =	sdelay $0x1  }
0x2ef: {  	v28 =	vld [tilespmem:s14+$0x5D10]  }
0x2f0: {  	v23 =	vmul.bf16 v23, v23;
	v24 =	vmul.bf16 v62, v62;
	_ =	sdelay $0x1  }
0x2f1: {  	v29 =	vmul.bf16 v63, v63;
	v23 =	vadd.bf16 v24, v23;
	_ =	sdelay $0x1  }
0x2f2: {  	v30 =	vmul.bf16 v28, v28;
	v23 =	vadd.bf16 v29, v23;
	_ =	sdelay $0x1  }
0x2f3: {  	v23 =	vadd.bf16 v30, v23;
	_ =	sdelay $0x1  }
0x2f4: {  	v24 =	vunpack.i.u.bf16.f32 v23;
	v23 =	vunpack.i.l.bf16.f32 v23  }
0x2f5: {  	v23 =	vadd.f32 v23, v24;
	_ =	sdelay $0x1  }
0x2f6: {  	[tilespmem:$0x115E0] =	vst v23  }
0x2f7: {  	v23 =	vld [tilespmem:s14+$0x5D20]  }
0x2f8: {  	v31 =	vld [tilespmem:s14+$0x5D30];
	_ =	sdelay $0x1  }
0x2f9: {  	v32 =	vld [tilespmem:s14+$0x5D40];
	_ =	sdelay $0x1  }
0x2fa: {  	v33 =	vld [tilespmem:s14+$0x5D50]  }
0x2fb: {  	v23 =	vmul.bf16 v23, v23;
	v24 =	vmul.bf16 v31, v31;
	_ =	sdelay $0x1  }
0x2fc: {  	v34 =	vmul.bf16 v32, v32;
	v23 =	vadd.bf16 v24, v23;
	_ =	sdelay $0x1  }
0x2fd: {  	v35 =	vmul.bf16 v33, v33;
	v23 =	vadd.bf16 v34, v23;
	_ =	sdelay $0x1  }
0x2fe: {  	v23 =	vadd.bf16 v35, v23;
	_ =	sdelay $0x1  }
0x2ff: {  	v24 =	vunpack.i.u.bf16.f32 v23;
	v23 =	vunpack.i.l.bf16.f32 v23  }
0x300: {  	v23 =	vadd.f32 v23, v24;
	_ =	sdelay $0x1  }
0x301: {  	[tilespmem:$0x115F0] =	vst v23  }
0x302: {  	v23 =	vld [tilespmem:s14+$0x5D60]  }
0x303: {  	v36 =	vld [tilespmem:s14+$0x5D70];
	_ =	sdelay $0x1  }
0x304: {  	v37 =	vld [tilespmem:s14+$0x5D80];
	_ =	sdelay $0x1  }
0x305: {  	v38 =	vld [tilespmem:s14+$0x5D90]  }
0x306: {  	v23 =	vmul.bf16 v23, v23;
	v24 =	vmul.bf16 v36, v36;
	_ =	sdelay $0x1  }
0x307: {  	v39 =	vmul.bf16 v37, v37;
	v23 =	vadd.bf16 v24, v23;
	_ =	sdelay $0x1  }
0x308: {  	v40 =	vmul.bf16 v38, v38;
	v23 =	vadd.bf16 v39, v23;
	_ =	sdelay $0x1  }
0x309: {  	v23 =	vadd.bf16 v40, v23;
	_ =	sdelay $0x1  }
0x30a: {  	v24 =	vunpack.i.u.bf16.f32 v23;
	v23 =	vunpack.i.l.bf16.f32 v23  }
0x30b: {  	v23 =	vadd.f32 v23, v24;
	_ =	sdelay $0x1  }
0x30c: {  	[tilespmem:$0x11600] =	vst v23  }
0x30d: {  	v23 =	vld [tilespmem:s14+$0x5DA0]  }
0x30e: {  	v41 =	vld [tilespmem:s14+$0x5DB0];
	_ =	sdelay $0x1  }
0x30f: {  	v42 =	vld [tilespmem:s14+$0x5DC0];
	_ =	sdelay $0x1  }
0x310: {  	v43 =	vld [tilespmem:s14+$0x5DD0]  }
0x311: {  	v23 =	vmul.bf16 v23, v23;
	v24 =	vmul.bf16 v41, v41;
	_ =	sdelay $0x1  }
0x312: {  	v44 =	vmul.bf16 v42, v42;
	v23 =	vadd.bf16 v24, v23;
	_ =	sdelay $0x1  }
0x313: {  	v45 =	vmul.bf16 v43, v43;
	v23 =	vadd.bf16 v44, v23;
	_ =	sdelay $0x1  }
0x314: {  	v23 =	vadd.bf16 v45, v23;
	_ =	sdelay $0x1  }
0x315: {  	v24 =	vunpack.i.u.bf16.f32 v23;
	v23 =	vunpack.i.l.bf16.f32 v23  }
0x316: {  	v23 =	vadd.f32 v23, v24;
	_ =	sdelay $0x1  }
0x317: {  	[tilespmem:$0x11610] =	vst v23  }
0x318: {  	v23 =	vld [tilespmem:s14+$0x5DE0]  }
0x319: {  	v46 =	vld [tilespmem:s14+$0x5DF0];
	_ =	sdelay $0x1  }
0x31a: {  	v47 =	vld [tilespmem:s14+$0x5E00];
	_ =	sdelay $0x1  }
0x31b: {  	v48 =	vld [tilespmem:s14+$0x5E10]  }
0x31c: {  	v23 =	vmul.bf16 v23, v23;
	v24 =	vmul.bf16 v46, v46;
	_ =	sdelay $0x1  }
0x31d: {  	v49 =	vmul.bf16 v47, v47;
	v23 =	vadd.bf16 v24, v23;
	_ =	sdelay $0x1  }
0x31e: {  	v50 =	vmul.bf16 v48, v48;
	v23 =	vadd.bf16 v49, v23;
	_ =	sdelay $0x1  }
0x31f: {  	v23 =	vadd.bf16 v50, v23;
	_ =	sdelay $0x1  }
0x320: {  	v24 =	vunpack.i.u.bf16.f32 v23;
	v23 =	vunpack.i.l.bf16.f32 v23  }
0x321: {  	v23 =	vadd.f32 v23, v24;
	_ =	sdelay $0x1  }
0x322: {  	[tilespmem:$0x11620] =	vst v23  }
0x323: {  	v23 =	vld.idx.msk [tilespmem:v1+s9+$0x0], $0xffff  }
0x324: {  	v51 =	vld.idx.msk [tilespmem:v2+s9+$0x0], $0xffff  }
0x325: {  	v52 =	vld.idx.msk [tilespmem:v3+s9+$0x0], $0xffff  }
0x326: {  	v53 =	vld.idx.msk [tilespmem:v4+s9+$0x0], $0xffff  }
0x327: {  	v54 =	vld.idx.msk [tilespmem:v5+s9+$0x0], $0xffff  }
0x328: {  	v55 =	vld.idx.msk [tilespmem:v6+s9+$0x0], $0xffff  }
0x329: {  	v56 =	vld.idx.msk [tilespmem:v7+s9+$0x0], $0xffff  }
0x32a: {  	v57 =	vld.idx.msk [tilespmem:v8+s9+$0x0], $0xffff  }
0x32b: {  	v58 =	vld.idx.msk [tilespmem:v9+s9+$0x0], $0xffff  }
0x32c: {  	v59 =	vld.idx.msk [tilespmem:v10+s9+$0x0], $0xffff  }
0x32d: {  	v60 =	vld.idx.msk [tilespmem:v11+s9+$0x0], $0xffff  }
0x32e: {  	v61 =	vld.idx.msk [tilespmem:v12+s9+$0x0], $0xffff  }
0x32f: {  	v62 =	vld.idx.msk [tilespmem:v13+s9+$0x0], $0xffff  }
0x330: {  	v63 =	vld.idx.msk [tilespmem:v14+s9+$0x0], $0xffff  }
0x331: {  	v40 =	vld.idx.msk [tilespmem:v15+s9+$0x0], $0xffff  }
0x332: {  	v41 =	vld.idx.msk [tilespmem:v17+s9+$0x0], $0xffff;
	_ =	sdelay $0x1  }
0x333: {  	v23 =	vadd.f32 v51, v23;
	v42 =	vadd.f32 v53, v52  }
0x334: {  	v43 =	vadd.f32 v55, v54;
	v44 =	vadd.f32 v57, v56  }
0x335: {  	v45 =	vadd.f32 v59, v58;
	v46 =	vadd.f32 v61, v60  }
0x336: {  	v47 =	vadd.f32 v63, v62;
	v48 =	vadd.f32 v41, v40  }
0x337: {  	v50 =	vadd.s32 s12, v21;
	v23 =	vadd.f32 v42, v23;
	v49 =	vadd.f32 v44, v43  }
0x338: {  	v25 =	vand.u32 $0x7FF8, v50;
	v51 =	vadd.f32 v46, v45;
	v52 =	vadd.f32 v48, v47  }
0x339: {  	v25 =	vor.u32 v16, v25  }
0x33a: {  	v23 =	vadd.f32 v49, v23;
	v53 =	vadd.f32 v52, v51;
	_ =	sdelay $0x1  }
0x33b: {  	v23 =	vadd.f32 v53, v23;
	_ =	sdelay $0x1  }
0x33c: {  	[tilespmem:v25+s10+$0x0] =	vst.idx.msk $0xffff, v23  }
0x33d: {  	v23 =	vld [tilespmem:s14+$0x5E20]  }
0x33e: {  	v54 =	vld [tilespmem:s14+$0x5E30];
	_ =	sdelay $0x1  }
0x33f: {  	v25 =	vld [tilespmem:s14+$0x5E40];
	_ =	sdelay $0x1  }
0x340: {  	v55 =	vld [tilespmem:s14+$0x5E50]  }
0x341: {  	v23 =	vmul.bf16 v23, v23;
	v24 =	vmul.bf16 v54, v54;
	_ =	sdelay $0x1  }
0x342: {  	v56 =	vmul.bf16 v25, v25;
	v23 =	vadd.bf16 v24, v23;
	_ =	sdelay $0x1  }
0x343: {  	v57 =	vmul.bf16 v55, v55;
	v23 =	vadd.bf16 v56, v23;
	_ =	sdelay $0x1  }
0x344: {  	v23 =	vadd.bf16 v57, v23;
	_ =	sdelay $0x1  }
0x345: {  	v24 =	vunpack.i.u.bf16.f32 v23;
	v23 =	vunpack.i.l.bf16.f32 v23  }
0x346: {  	v23 =	vadd.f32 v23, v24;
	_ =	sdelay $0x1  }
0x347: {  	[tilespmem:$0x11530] =	vst v23  }
0x348: {  	v23 =	vld [tilespmem:s14+$0x5E60]  }
0x349: {  	v58 =	vld [tilespmem:s14+$0x5E70];
	_ =	sdelay $0x1  }
0x34a: {  	v59 =	vld [tilespmem:s14+$0x5E80];
	_ =	sdelay $0x1  }
0x34b: {  	v60 =	vld [tilespmem:s14+$0x5E90]  }
0x34c: {  	v23 =	vmul.bf16 v23, v23;
	v24 =	vmul.bf16 v58, v58;
	_ =	sdelay $0x1  }
0x34d: {  	v61 =	vmul.bf16 v59, v59;
	v23 =	vadd.bf16 v24, v23;
	_ =	sdelay $0x1  }
0x34e: {  	v62 =	vmul.bf16 v60, v60;
	v23 =	vadd.bf16 v61, v23;
	_ =	sdelay $0x1  }
0x34f: {  	v23 =	vadd.bf16 v62, v23;
	_ =	sdelay $0x1  }
0x350: {  	v24 =	vunpack.i.u.bf16.f32 v23;
	v23 =	vunpack.i.l.bf16.f32 v23  }
0x351: {  	v23 =	vadd.f32 v23, v24;
	_ =	sdelay $0x1  }
0x352: {  	[tilespmem:$0x11540] =	vst v23  }
0x353: {  	v23 =	vld [tilespmem:s14+$0x5EA0]  }
0x354: {  	v63 =	vld [tilespmem:s14+$0x5EB0];
	_ =	sdelay $0x1  }
0x355: {  	v28 =	vld [tilespmem:s14+$0x5EC0];
	_ =	sdelay $0x1  }
0x356: {  	v29 =	vld [tilespmem:s14+$0x5ED0]  }
0x357: {  	v23 =	vmul.bf16 v23, v23;
	v24 =	vmul.bf16 v63, v63;
	_ =	sdelay $0x1  }
0x358: {  	v30 =	vmul.bf16 v28, v28;
	v23 =	vadd.bf16 v24, v23;
	_ =	sdelay $0x1  }
0x359: {  	v31 =	vmul.bf16 v29, v29;
	v23 =	vadd.bf16 v30, v23;
	_ =	sdelay $0x1  }
0x35a: {  	v23 =	vadd.bf16 v31, v23;
	_ =	sdelay $0x1  }
0x35b: {  	v24 =	vunpack.i.u.bf16.f32 v23;
	v23 =	vunpack.i.l.bf16.f32 v23  }
0x35c: {  	v23 =	vadd.f32 v23, v24;
	_ =	sdelay $0x1  }
0x35d: {  	[tilespmem:$0x11550] =	vst v23  }
0x35e: {  	v23 =	vld [tilespmem:s14+$0x5EE0]  }
0x35f: {  	v32 =	vld [tilespmem:s14+$0x5EF0];
	_ =	sdelay $0x1  }
0x360: {  	v33 =	vld [tilespmem:s14+$0x5F00];
	_ =	sdelay $0x1  }
0x361: {  	v34 =	vld [tilespmem:s14+$0x5F10]  }
0x362: {  	v23 =	vmul.bf16 v23, v23;
	v24 =	vmul.bf16 v32, v32;
	_ =	sdelay $0x1  }
0x363: {  	v35 =	vmul.bf16 v33, v33;
	v23 =	vadd.bf16 v24, v23;
	_ =	sdelay $0x1  }
0x364: {  	v36 =	vmul.bf16 v34, v34;
	v23 =	vadd.bf16 v35, v23;
	_ =	sdelay $0x1  }
0x365: {  	v23 =	vadd.bf16 v36, v23;
	_ =	sdelay $0x1  }
0x366: {  	v24 =	vunpack.i.u.bf16.f32 v23;
	v23 =	vunpack.i.l.bf16.f32 v23  }
0x367: {  	v23 =	vadd.f32 v23, v24;
	_ =	sdelay $0x1  }
0x368: {  	[tilespmem:$0x11560] =	vst v23  }
0x369: {  	v23 =	vld [tilespmem:s14+$0x5F20]  }
0x36a: {  	v37 =	vld [tilespmem:s14+$0x5F30];
	_ =	sdelay $0x1  }
0x36b: {  	v38 =	vld [tilespmem:s14+$0x5F40];
	_ =	sdelay $0x1  }
0x36c: {  	v39 =	vld [tilespmem:s14+$0x5F50]  }
0x36d: {  	v23 =	vmul.bf16 v23, v23;
	v24 =	vmul.bf16 v37, v37;
	_ =	sdelay $0x1  }
0x36e: {  	v40 =	vmul.bf16 v38, v38;
	v23 =	vadd.bf16 v24, v23;
	_ =	sdelay $0x1  }
0x36f: {  	v41 =	vmul.bf16 v39, v39;
	v23 =	vadd.bf16 v40, v23;
	_ =	sdelay $0x1  }
0x370: {  	v23 =	vadd.bf16 v41, v23;
	_ =	sdelay $0x1  }
0x371: {  	v24 =	vunpack.i.u.bf16.f32 v23;
	v23 =	vunpack.i.l.bf16.f32 v23  }
0x372: {  	v23 =	vadd.f32 v23, v24;
	_ =	sdelay $0x1  }
0x373: {  	[tilespmem:$0x11570] =	vst v23  }
0x374: {  	v23 =	vld [tilespmem:s14+$0x5F60]  }
0x375: {  	v42 =	vld [tilespmem:s14+$0x5F70];
	_ =	sdelay $0x1  }
0x376: {  	v43 =	vld [tilespmem:s14+$0x5F80];
	_ =	sdelay $0x1  }
0x377: {  	v44 =	vld [tilespmem:s14+$0x5F90]  }
0x378: {  	v23 =	vmul.bf16 v23, v23;
	v24 =	vmul.bf16 v42, v42;
	_ =	sdelay $0x1  }
0x379: {  	v45 =	vmul.bf16 v43, v43;
	v23 =	vadd.bf16 v24, v23;
	_ =	sdelay $0x1  }
0x37a: {  	v46 =	vmul.bf16 v44, v44;
	v23 =	vadd.bf16 v45, v23;
	_ =	sdelay $0x1  }
0x37b: {  	v23 =	vadd.bf16 v46, v23;
	_ =	sdelay $0x1  }
0x37c: {  	v24 =	vunpack.i.u.bf16.f32 v23;
	v23 =	vunpack.i.l.bf16.f32 v23  }
0x37d: {  	v23 =	vadd.f32 v23, v24;
	_ =	sdelay $0x1  }
0x37e: {  	[tilespmem:$0x11580] =	vst v23  }
0x37f: {  	v23 =	vld [tilespmem:s14+$0x5FA0]  }
0x380: {  	v47 =	vld [tilespmem:s14+$0x5FB0];
	_ =	sdelay $0x1  }
0x381: {  	v48 =	vld [tilespmem:s14+$0x5FC0];
	_ =	sdelay $0x1  }
0x382: {  	v49 =	vld [tilespmem:s14+$0x5FD0]  }
0x383: {  	v23 =	vmul.bf16 v23, v23;
	v24 =	vmul.bf16 v47, v47;
	_ =	sdelay $0x1  }
0x384: {  	v50 =	vmul.bf16 v48, v48;
	v23 =	vadd.bf16 v24, v23;
	_ =	sdelay $0x1  }
0x385: {  	v51 =	vmul.bf16 v49, v49;
	v23 =	vadd.bf16 v50, v23;
	_ =	sdelay $0x1  }
0x386: {  	v23 =	vadd.bf16 v51, v23;
	_ =	sdelay $0x1  }
0x387: {  	v24 =	vunpack.i.u.bf16.f32 v23;
	v23 =	vunpack.i.l.bf16.f32 v23  }
0x388: {  	v23 =	vadd.f32 v23, v24;
	_ =	sdelay $0x1  }
0x389: {  	[tilespmem:$0x11590] =	vst v23  }
0x38a: {  	v23 =	vld [tilespmem:s14+$0x5FE0]  }
0x38b: {  	v52 =	vld [tilespmem:s14+$0x5FF0];
	_ =	sdelay $0x1  }
0x38c: {  	v53 =	vld [tilespmem:s14+$0x6000];
	_ =	sdelay $0x1  }
0x38d: {  	v54 =	vld [tilespmem:s14+$0x6010]  }
0x38e: {  	v23 =	vmul.bf16 v23, v23;
	v24 =	vmul.bf16 v52, v52;
	_ =	sdelay $0x1  }
0x38f: {  	v55 =	vmul.bf16 v53, v53;
	v23 =	vadd.bf16 v24, v23;
	_ =	sdelay $0x1  }
0x390: {  	v56 =	vmul.bf16 v54, v54;
	v23 =	vadd.bf16 v55, v23;
	_ =	sdelay $0x1  }
0x391: {  	v23 =	vadd.bf16 v56, v23;
	_ =	sdelay $0x1  }
0x392: {  	v24 =	vunpack.i.u.bf16.f32 v23;
	v23 =	vunpack.i.l.bf16.f32 v23  }
0x393: {  	v23 =	vadd.f32 v23, v24;
	_ =	sdelay $0x1  }
0x394: {  	[tilespmem:$0x115A0] =	vst v23  }
0x395: {  	v23 =	vld [tilespmem:s14+$0x6020]  }
0x396: {  	v57 =	vld [tilespmem:s14+$0x6030];
	_ =	sdelay $0x1  }
0x397: {  	v58 =	vld [tilespmem:s14+$0x6040];
	_ =	sdelay $0x1  }
0x398: {  	v59 =	vld [tilespmem:s14+$0x6050]  }
0x399: {  	v23 =	vmul.bf16 v23, v23;
	v24 =	vmul.bf16 v57, v57;
	_ =	sdelay $0x1  }
0x39a: {  	v60 =	vmul.bf16 v58, v58;
	v23 =	vadd.bf16 v24, v23;
	_ =	sdelay $0x1  }
0x39b: {  	v61 =	vmul.bf16 v59, v59;
	v23 =	vadd.bf16 v60, v23;
	_ =	sdelay $0x1  }
0x39c: {  	v23 =	vadd.bf16 v61, v23;
	_ =	sdelay $0x1  }
0x39d: {  	v24 =	vunpack.i.u.bf16.f32 v23;
	v23 =	vunpack.i.l.bf16.f32 v23  }
0x39e: {  	v23 =	vadd.f32 v23, v24;
	_ =	sdelay $0x1  }
0x39f: {  	[tilespmem:$0x115B0] =	vst v23  }
0x3a0: {  	v23 =	vld [tilespmem:s14+$0x6060]  }
0x3a1: {  	v62 =	vld [tilespmem:s14+$0x6070];
	_ =	sdelay $0x1  }
0x3a2: {  	v63 =	vld [tilespmem:s14+$0x6080];
	_ =	sdelay $0x1  }
0x3a3: {  	v28 =	vld [tilespmem:s14+$0x6090]  }
0x3a4: {  	v23 =	vmul.bf16 v23, v23;
	v24 =	vmul.bf16 v62, v62;
	_ =	sdelay $0x1  }
0x3a5: {  	v29 =	vmul.bf16 v63, v63;
	v23 =	vadd.bf16 v24, v23;
	_ =	sdelay $0x1  }
0x3a6: {  	v30 =	vmul.bf16 v28, v28;
	v23 =	vadd.bf16 v29, v23;
	_ =	sdelay $0x1  }
0x3a7: {  	v23 =	vadd.bf16 v30, v23;
	_ =	sdelay $0x1  }
0x3a8: {  	v24 =	vunpack.i.u.bf16.f32 v23;
	v23 =	vunpack.i.l.bf16.f32 v23  }
0x3a9: {  	v23 =	vadd.f32 v23, v24;
	_ =	sdelay $0x1  }
0x3aa: {  	[tilespmem:$0x115C0] =	vst v23  }
0x3ab: {  	v23 =	vld [tilespmem:s14+$0x60A0]  }
0x3ac: {  	v31 =	vld [tilespmem:s14+$0x60B0];
	_ =	sdelay $0x1  }
0x3ad: {  	v32 =	vld [tilespmem:s14+$0x60C0];
	_ =	sdelay $0x1  }
0x3ae: {  	v33 =	vld [tilespmem:s14+$0x60D0]  }
0x3af: {  	v23 =	vmul.bf16 v23, v23;
	v24 =	vmul.bf16 v31, v31;
	_ =	sdelay $0x1  }
0x3b0: {  	v34 =	vmul.bf16 v32, v32;
	v23 =	vadd.bf16 v24, v23;
	_ =	sdelay $0x1  }
0x3b1: {  	v35 =	vmul.bf16 v33, v33;
	v23 =	vadd.bf16 v34, v23;
	_ =	sdelay $0x1  }
0x3b2: {  	v23 =	vadd.bf16 v35, v23;
	_ =	sdelay $0x1  }
0x3b3: {  	v24 =	vunpack.i.u.bf16.f32 v23;
	v23 =	vunpack.i.l.bf16.f32 v23  }
0x3b4: {  	v23 =	vadd.f32 v23, v24;
	_ =	sdelay $0x1  }
0x3b5: {  	[tilespmem:$0x115D0] =	vst v23  }
0x3b6: {  	v23 =	vld [tilespmem:s14+$0x60E0]  }
0x3b7: {  	v36 =	vld [tilespmem:s14+$0x60F0];
	_ =	sdelay $0x1  }
0x3b8: {  	v37 =	vld [tilespmem:s14+$0x6100];
	_ =	sdelay $0x1  }
0x3b9: {  	v38 =	vld [tilespmem:s14+$0x6110]  }
0x3ba: {  	v23 =	vmul.bf16 v23, v23;
	v24 =	vmul.bf16 v36, v36;
	_ =	sdelay $0x1  }
0x3bb: {  	v39 =	vmul.bf16 v37, v37;
	v23 =	vadd.bf16 v24, v23;
	_ =	sdelay $0x1  }
0x3bc: {  	v40 =	vmul.bf16 v38, v38;
	v23 =	vadd.bf16 v39, v23;
	_ =	sdelay $0x1  }
0x3bd: {  	v23 =	vadd.bf16 v40, v23;
	_ =	sdelay $0x1  }
0x3be: {  	v24 =	vunpack.i.u.bf16.f32 v23;
	v23 =	vunpack.i.l.bf16.f32 v23  }
0x3bf: {  	v23 =	vadd.f32 v23, v24;
	_ =	sdelay $0x1  }
0x3c0: {  	[tilespmem:$0x115E0] =	vst v23  }
0x3c1: {  	v23 =	vld [tilespmem:s14+$0x6120]  }
0x3c2: {  	v41 =	vld [tilespmem:s14+$0x6130];
	_ =	sdelay $0x1  }
0x3c3: {  	v42 =	vld [tilespmem:s14+$0x6140];
	_ =	sdelay $0x1  }
0x3c4: {  	v43 =	vld [tilespmem:s14+$0x6150]  }
0x3c5: {  	v23 =	vmul.bf16 v23, v23;
	v24 =	vmul.bf16 v41, v41;
	_ =	sdelay $0x1  }
0x3c6: {  	v44 =	vmul.bf16 v42, v42;
	v23 =	vadd.bf16 v24, v23;
	_ =	sdelay $0x1  }
0x3c7: {  	v45 =	vmul.bf16 v43, v43;
	v23 =	vadd.bf16 v44, v23;
	_ =	sdelay $0x1  }
0x3c8: {  	v23 =	vadd.bf16 v45, v23;
	_ =	sdelay $0x1  }
0x3c9: {  	v24 =	vunpack.i.u.bf16.f32 v23;
	v23 =	vunpack.i.l.bf16.f32 v23  }
0x3ca: {  	v23 =	vadd.f32 v23, v24;
	_ =	sdelay $0x1  }
0x3cb: {  	[tilespmem:$0x115F0] =	vst v23  }
0x3cc: {  	v23 =	vld [tilespmem:s14+$0x6160]  }
0x3cd: {  	v46 =	vld [tilespmem:s14+$0x6170];
	_ =	sdelay $0x1  }
0x3ce: {  	v47 =	vld [tilespmem:s14+$0x6180];
	_ =	sdelay $0x1  }
0x3cf: {  	v48 =	vld [tilespmem:s14+$0x6190]  }
0x3d0: {  	v23 =	vmul.bf16 v23, v23;
	v24 =	vmul.bf16 v46, v46;
	_ =	sdelay $0x1  }
0x3d1: {  	v49 =	vmul.bf16 v47, v47;
	v23 =	vadd.bf16 v24, v23;
	_ =	sdelay $0x1  }
0x3d2: {  	v50 =	vmul.bf16 v48, v48;
	v23 =	vadd.bf16 v49, v23;
	_ =	sdelay $0x1  }
0x3d3: {  	v23 =	vadd.bf16 v50, v23;
	_ =	sdelay $0x1  }
0x3d4: {  	v24 =	vunpack.i.u.bf16.f32 v23;
	v23 =	vunpack.i.l.bf16.f32 v23  }
0x3d5: {  	v23 =	vadd.f32 v23, v24;
	_ =	sdelay $0x1  }
0x3d6: {  	[tilespmem:$0x11600] =	vst v23  }
0x3d7: {  	v23 =	vld [tilespmem:s14+$0x61A0]  }
0x3d8: {  	v51 =	vld [tilespmem:s14+$0x61B0];
	_ =	sdelay $0x1  }
0x3d9: {  	v52 =	vld [tilespmem:s14+$0x61C0];
	_ =	sdelay $0x1  }
0x3da: {  	v53 =	vld [tilespmem:s14+$0x61D0]  }
0x3db: {  	v23 =	vmul.bf16 v23, v23;
	v24 =	vmul.bf16 v51, v51;
	_ =	sdelay $0x1  }
0x3dc: {  	v54 =	vmul.bf16 v52, v52;
	v23 =	vadd.bf16 v24, v23;
	_ =	sdelay $0x1  }
0x3dd: {  	v55 =	vmul.bf16 v53, v53;
	v23 =	vadd.bf16 v54, v23;
	_ =	sdelay $0x1  }
0x3de: {  	v23 =	vadd.bf16 v55, v23;
	_ =	sdelay $0x1  }
0x3df: {  	v24 =	vunpack.i.u.bf16.f32 v23;
	v23 =	vunpack.i.l.bf16.f32 v23  }
0x3e0: {  	v23 =	vadd.f32 v23, v24;
	_ =	sdelay $0x1  }
0x3e1: {  	[tilespmem:$0x11610] =	vst v23  }
0x3e2: {  	v23 =	vld [tilespmem:s14+$0x61E0]  }
0x3e3: {  	v56 =	vld [tilespmem:s14+$0x61F0];
	_ =	sdelay $0x1  }
0x3e4: {  	v57 =	vld [tilespmem:s14+$0x6200];
	_ =	sdelay $0x1  }
0x3e5: {  	v58 =	vld [tilespmem:s14+$0x6210]  }
0x3e6: {  	v23 =	vmul.bf16 v23, v23;
	v24 =	vmul.bf16 v56, v56;
	_ =	sdelay $0x1  }
0x3e7: {  	v59 =	vmul.bf16 v57, v57;
	v23 =	vadd.bf16 v24, v23;
	_ =	sdelay $0x1  }
0x3e8: {  	v60 =	vmul.bf16 v58, v58;
	v23 =	vadd.bf16 v59, v23;
	_ =	sdelay $0x1  }
0x3e9: {  	v23 =	vadd.bf16 v60, v23;
	_ =	sdelay $0x1  }
0x3ea: {  	v24 =	vunpack.i.u.bf16.f32 v23;
	v23 =	vunpack.i.l.bf16.f32 v23  }
0x3eb: {  	v23 =	vadd.f32 v23, v24;
	_ =	sdelay $0x1  }
0x3ec: {  	[tilespmem:$0x11620] =	vst v23  }
0x3ed: {  	v23 =	vld.idx.msk [tilespmem:v1+s9+$0x0], $0xffff  }
0x3ee: {  	v61 =	vld.idx.msk [tilespmem:v2+s9+$0x0], $0xffff  }
0x3ef: {  	v62 =	vld.idx.msk [tilespmem:v3+s9+$0x0], $0xffff  }
0x3f0: {  	v63 =	vld.idx.msk [tilespmem:v4+s9+$0x0], $0xffff  }
0x3f1: {  	v40 =	vld.idx.msk [tilespmem:v5+s9+$0x0], $0xffff  }
0x3f2: {  	v41 =	vld.idx.msk [tilespmem:v6+s9+$0x0], $0xffff  }
0x3f3: {  	v42 =	vld.idx.msk [tilespmem:v7+s9+$0x0], $0xffff  }
0x3f4: {  	v43 =	vld.idx.msk [tilespmem:v8+s9+$0x0], $0xffff  }
0x3f5: {  	v44 =	vld.idx.msk [tilespmem:v9+s9+$0x0], $0xffff  }
0x3f6: {  	v45 =	vld.idx.msk [tilespmem:v10+s9+$0x0], $0xffff  }
0x3f7: {  	v46 =	vld.idx.msk [tilespmem:v11+s9+$0x0], $0xffff  }
0x3f8: {  	v47 =	vld.idx.msk [tilespmem:v12+s9+$0x0], $0xffff  }
0x3f9: {  	v48 =	vld.idx.msk [tilespmem:v13+s9+$0x0], $0xffff  }
0x3fa: {  	v49 =	vld.idx.msk [tilespmem:v14+s9+$0x0], $0xffff  }
0x3fb: {  	v50 =	vld.idx.msk [tilespmem:v15+s9+$0x0], $0xffff  }
0x3fc: {  	v51 =	vld.idx.msk [tilespmem:v17+s9+$0x0], $0xffff;
	_ =	sdelay $0x1  }
0x3fd: {  	v23 =	vadd.f32 v61, v23;
	v52 =	vadd.f32 v63, v62  }
0x3fe: {  	v53 =	vadd.f32 v41, v40;
	v54 =	vadd.f32 v43, v42  }
0x3ff: {  	v55 =	vadd.f32 v45, v44;
	v56 =	vadd.f32 v47, v46  }
0x400: {  	v57 =	vadd.f32 v49, v48;
	v58 =	vadd.f32 v51, v50  }
0x401: {  	v60 =	vadd.s32 s12, v22;
	v23 =	vadd.f32 v52, v23;
	v59 =	vadd.f32 v54, v53  }
0x402: {  	v25 =	vand.u32 $0x7FF8, v60;
	v61 =	vadd.f32 v56, v55;
	v62 =	vadd.f32 v58, v57  }
0x403: {  	p0 =	sne.s32 s13, $0x7C;
	v25 =	vor.u32 v16, v25  }
.Ltmp0:
0x404: {  	v23 =	vadd.f32 v59, v23;
	v63 =	vadd.f32 v62, v61;
	(pc) =	sbr.rel @p0 .LBB2_2-.Ltmp0, $3  }
0x405: {  	_ = 	snop  }
0x406: {  	v23 =	vadd.f32 v63, v23;
	_ =	sdelay $0x1  }
0x407: {  	s13 =	sadd.s32 $0x1, s13;
	s12 =	sadd.s32 $0x50, s12;
	[tilespmem:v25+s10+$0x0] =	vst.idx.msk $0xffff, v23  }
0x408: {  	s12 =	simm.s32 $0x0;
	s13 =	simm.s32 $0x40  }
.LBB2_4:
0x409: {  	p0 =	sne.s32 s13, $0x9C00;
	v23 =	vld [tilespmem:s12+$0xEE20];
	_ =	sdelay $0x4  }
0x40a: {  	v23 =	vadd.f32 $-2.000000000e+00, v23;
	_ =	sdelay $0x1  }
0x40b: {  	v23 =	vmul.f32 $1.442695020e+00, v23;
	_ =	sdelay $0x1  }
0x40c: {  	(erf) = vpow2.f32 v23;
	_ =	sdelay $0x8  }
0x40d: {  	v23 =	vpop (erf)  }
0x40e: {  	v23 =	vadd.f32 $1.000000000e+00, v23;
	_ =	sdelay $0x1  }
0x40f: {  	(erf) = vrcp.f32 v23;
	_ =	sdelay $0x5  }
.Ltmp1:
0x410: {  	(pc) =	sbr.rel @p0 .LBB2_4-.Ltmp1, $3  }
0x411: {  	_ =	sdelay $0x1  }
0x412: {  	v23 =	vpop (erf)  }
0x413: {  	[tilespmem:s12+$0xEE20] =	vst v23;
	s12 =	sshra.s32 s13, $0x2;
	s13 =	sadd.s32 $0x40, s13  }
0x414: {  	v23 =	vld [tilespmem:s12+$0xEE20];
	_ =	sdelay $0x4  }
0x415: {  	v23 =	vadd.f32 $-2.000000000e+00, v23;
	_ =	sdelay $0x1  }
0x416: {  	v23 =	vmul.f32 $1.442695020e+00, v23;
	_ =	sdelay $0x1  }
0x417: {  	(erf) = vpow2.f32 v23;
	_ =	sdelay $0x8  }
0x418: {  	v23 =	vpop (erf)  }
0x419: {  	v23 =	vadd.f32 $1.000000000e+00, v23;
	_ =	sdelay $0x1  }
0x41a: {  	(erf) = vrcp.f32 v23;
	_ =	sdelay $0x7  }
0x41b: {  	s11 =	sadd.s32 $0x1, s11  }
0x41c: {  	p0 =	sne.s32 s11, s6;
	v23 =	vpop (erf)  }
.Ltmp2:
0x41d: {  	[tilespmem:s12+$0xEE20] =	vst v23;
	(pc) =	sbr.rel @p0 .LBB2_1-.Ltmp2, $4  }
0x41e: {  	[hbm4b:s5+s2] =	stream.linear.scatter [tilespmem:s10], [sflag:$0x1], $0x2710, $0x38;
	[tilespmem:$0x11630] =	vst v63  }
0x41f: {  	_ =	swait.ge [sflag:s7], $0x2710  }
0x420: {  	[sflag:s7] =	ssyncset.done $0x0  }
0x421: {  	[sflag:s7] =	ssyncadd.s32 $0xFFFFD8F0  }
0x422: {  	_ =	sfence.sel $0x180000  }
0x423: {  	[bflag:$0x0] =	sbarrier.arrive $0xFFFF  }
0x424: {  	p0 =	sne.s32 s0, $0x0;
	_ =	strace $0x90000047  }
0x425: {  	s0 =	sadd.s32 @!p0 $0x100000, s1;
	[bflag:$0x2] =	sbarrier.arrive $0xFFFF  }
0x426: {  	[sflag:s0] =	ssyncadd.tile.s32 @!p0 $0x1;
	_ =	shalt  }
.Lfunc_end2:
_tile_overlayer_lowered:
.L_overlay_start_2:
0x427: {  	(tag) =	ssettag $0x2  }
0x428: {  	s0 =	rddreg [dreg:$0x0];
	s2 =	stileid.u32  }
0x429: {  	s1 =	rddreg [dreg:$0x1];
	p0 =	sne.s32 s2, $0x0  }
0x42a: {  	s3 =	rddreg [dreg:$0x2];
	[bflag:$0x3] =	sbarrier.arrive $0xFFFF;
	s2 =	simm.s32 @!p0 $0x1C01  }
0x42b: {  	[timem:s3], [sflag:s2] =	dma.local @!p0 [hbm:s0], s1  }
0x42c: {  	s0 =	simm.s32 @!p0 $0x1  }
0x42d: {  	_ =	swait.ge @!p0 [sflag:s0], s1  }
0x42e: {  	s1 =	ssub.s32 @!p0 $0x0, s1;
	[sflag:s0] =	ssyncset.done @!p0 $0x0  }
0x42f: {  	[sflag:s0] =	ssyncadd.s32 @!p0 s1  }
0x430: {  	[bflag:$0x3] =	sbarrier.arrive $0xFFFF  }
0x431: {  	_ =	shalt  }

</sc_bundles>
